<compile_context>
chip_gen: v7x
topology: tpu7x:2x2x1
jax: 0.10.2.dev20260603
libtpu: 0.0.44.dev20260713+nightly
codegen_flags: <defaults>
</compile_context>

<pallas_src>
import functools

import jax
import jax.numpy as jnp
from jax import lax
from jax.experimental import pallas as pl
from jax.experimental.pallas import tpu as pltpu
from jax.experimental.pallas import tpu_sc as plsc

N = 10000
E = 320000
D_IN = 128
H = 256
HALF = 128

N_PAD = 10240

_MESH = plsc.VectorSubcoreMesh(core_axis_name="c", subcore_axis_name="s")

DEG_CHUNK = 80
DEG_PER_SUB = E // 32


NBUF = 5
DEG_T = DEG_PER_SUB // DEG_CHUNK
DEG_K = DEG_T // NBUF


@functools.partial(
    pl.kernel,
    out_type=jax.ShapeDtypeStruct((2, N_PAD), jnp.float32),
    mesh=_MESH,
    scratch_types=(
        [pltpu.VMEM((DEG_CHUNK,), jnp.int32) for _ in range(NBUF)]
        + [pltpu.VMEM((DEG_CHUNK,), jnp.float32)]
        + [pltpu.VMEM((640,), jnp.float32)]
        + [pltpu.SemaphoreType.DMA for _ in range(2 * NBUF)]
        + [pltpu.VMEM_SHARED((N_PAD,), jnp.float32)]
    ),
)
def _deg_kernel(dst_hbm, out_hbm, *rest):
    idx_v = rest[:NBUF]
    ones_v = rest[NBUF]
    zeros_v = rest[NBUF + 1]
    semI = rest[NBUF + 2:2 * NBUF + 2]
    semS = rest[2 * NBUF + 2:3 * NBUF + 2]
    acc_sh = rest[3 * NBUF + 2]

    c = lax.axis_index("c")
    s = lax.axis_index("s")
    base = (c * 16 + s) * DEG_PER_SUB

    def fill(i):
        zeros_v[pl.ds(i * 16, 16)] = jnp.zeros((16,), jnp.float32)
    pl.loop(0, 40)(fill)

    def fill1(i):
        ones_v[pl.ds(i * 16, 16)] = jnp.ones((16,), jnp.float32)
    pl.loop(0, DEG_CHUNK // 16)(fill1)

    pltpu.sync_copy(zeros_v, acc_sh.at[pl.ds(s * 640, 640)])
    plsc.subcore_barrier()

    def issue_idx(t, b):
        pltpu.async_copy(
            dst_hbm.at[pl.ds(base + t * DEG_CHUNK, DEG_CHUNK)], idx_v[b], semI[b])

    for b in range(NBUF):
        issue_idx(b, b)

    def outer(k):
        for b in range(NBUF):
            t = k * NBUF + b
            pltpu.make_async_copy(
                dst_hbm.at[pl.ds(base + t * DEG_CHUNK, DEG_CHUNK)], idx_v[b],
                semI[b]).wait()
            pltpu.async_copy(ones_v, acc_sh.at[idx_v[b]], semS[b], add=True)
            b2 = (b - 1) % NBUF

            @pl.when(jnp.logical_and(t >= 1, t + (NBUF - 1) <= DEG_T - 1))
            def _():
                pltpu.make_async_copy(
                    ones_v, acc_sh.at[idx_v[b2]], semS[b2]).wait()
                issue_idx(t + NBUF - 1, b2)
    pl.loop(0, DEG_K)(outer)

    for i in range(NBUF):
        pltpu.make_async_copy(ones_v, acc_sh.at[idx_v[i]], semS[i]).wait()

    plsc.subcore_barrier()
    pltpu.sync_copy(acc_sh.at[pl.ds(s * 640, 640)],
                    out_hbm.at[c].at[pl.ds(s * 640, 640)])


SC_CHUNK = 40
SC_PER_SUB = E // 16


RPS = N_PAD // 16
SC_T = SC_PER_SUB // SC_CHUNK
SC_K = SC_T // NBUF


@functools.partial(
    pl.kernel,
    out_type=jax.ShapeDtypeStruct((2, N_PAD, HALF), jnp.float32),
    mesh=_MESH,
    scratch_types=(
        [pltpu.VMEM((SC_CHUNK, HALF), jnp.float32) for _ in range(NBUF)]
        + [pltpu.VMEM((SC_CHUNK,), jnp.int32) for _ in range(NBUF)]
        + [pltpu.VMEM((SC_PER_SUB,), jnp.int32)]
        + [pltpu.SemaphoreType.DMA for _ in range(3 * NBUF)]
        + [pltpu.VMEM_SHARED((N_PAD, HALF), jnp.float32)]
    ),
)
def _scatter_kernel(g_hbm, src_hbm, dst_hbm, out_hbm, *rest):
    rows_v = rest[:NBUF]
    dst_v = rest[NBUF:2 * NBUF]
    src_all = rest[2 * NBUF]
    semI = rest[2 * NBUF + 1:3 * NBUF + 1]
    semG = rest[3 * NBUF + 1:4 * NBUF + 1]
    semS = rest[4 * NBUF + 1:5 * NBUF + 1]
    acc_sh = rest[5 * NBUF + 1]

    c = lax.axis_index("c")
    s = lax.axis_index("s")
    base = s * SC_PER_SUB

    pltpu.async_copy(src_hbm.at[pl.ds(base, SC_PER_SUB)], src_all, semG[0])

    def zrow(i):
        def zcol(j):
            rows_v[0][i, pl.ds(j * 16, 16)] = jnp.zeros((16,), jnp.float32)
        pl.loop(0, HALF // 16)(zcol)
    pl.loop(0, SC_CHUNK)(zrow)

    r0 = s * RPS

    def zacc(k):
        pltpu.async_copy(rows_v[0], acc_sh.at[pl.ds(r0 + k * SC_CHUNK, SC_CHUNK)],
                         semS[0])
    pl.loop(0, RPS // SC_CHUNK)(zacc)

    def zwait(k):
        pltpu.make_async_copy(
            rows_v[0], acc_sh.at[pl.ds(r0 + k * SC_CHUNK, SC_CHUNK)], semS[0]).wait()
    pl.loop(0, RPS // SC_CHUNK)(zwait)
    pltpu.make_async_copy(src_hbm.at[pl.ds(base, SC_PER_SUB)], src_all,
                          semG[0]).wait()

    plsc.subcore_barrier()

    def issue_chunk(t, b):
        pltpu.async_copy(
            dst_hbm.at[pl.ds(base + t * SC_CHUNK, SC_CHUNK)], dst_v[b], semI[b])
        pltpu.async_copy(
            g_hbm.at[c].at[src_all.at[pl.ds(t * SC_CHUNK, SC_CHUNK)]],
            rows_v[b], semG[b])

    for b in range(NBUF):
        issue_chunk(b, b)

    def outer(k):
        for b in range(NBUF):
            t = k * NBUF + b
            pltpu.make_async_copy(
                dst_hbm.at[pl.ds(base + t * SC_CHUNK, SC_CHUNK)], dst_v[b],
                semI[b]).wait()
            pltpu.make_async_copy(
                g_hbm.at[c].at[src_all.at[pl.ds(t * SC_CHUNK, SC_CHUNK)]],
                rows_v[b], semG[b]).wait()
            pltpu.async_copy(rows_v[b], acc_sh.at[dst_v[b]], semS[b], add=True)
            b2 = (b - 1) % NBUF

            @pl.when(jnp.logical_and(t >= 1, t + (NBUF - 1) <= SC_T - 1))
            def _():
                pltpu.make_async_copy(
                    rows_v[b2], acc_sh.at[dst_v[b2]], semS[b2]).wait()
                issue_chunk(t + NBUF - 1, b2)
    pl.loop(0, SC_K)(outer)

    for i in range(NBUF):
        pltpu.make_async_copy(rows_v[i], acc_sh.at[dst_v[i]], semS[i]).wait()

    plsc.subcore_barrier()
    pltpu.sync_copy(acc_sh.at[pl.ds(r0, RPS)],
                    out_hbm.at[c].at[pl.ds(r0, RPS)])


BN = 1000


def _tc1_body(x_ref, w_ref, deg_ref, g_ref, norm_ref):
    nb = lax.rsqrt(deg_ref[0] + deg_ref[1] + 1.0)
    norm_ref[...] = nb
    g = jnp.dot(x_ref[...], w_ref[...], preferred_element_type=jnp.float32) * nb
    g_ref[0] = g[:, :HALF]
    g_ref[1] = g[:, HALF:]


def _tc_mid_body(s_ref, g_ref, norm_ref, b_ref, w_ref, go_ref):
    nb = norm_ref[...]
    h = jnp.concatenate([s_ref[0] + g_ref[0], s_ref[1] + g_ref[1]], axis=-1)
    h = jnp.maximum(h * nb + b_ref[...], 0.0)
    g = jnp.dot(h, w_ref[...], preferred_element_type=jnp.float32) * nb
    go_ref[0] = g[:, :HALF]
    go_ref[1] = g[:, HALF:]


def _tc_final_body(s_ref, g_ref, norm_ref, b_ref, o_ref):
    h = jnp.concatenate([s_ref[0] + g_ref[0], s_ref[1] + g_ref[1]], axis=-1)
    o_ref[...] = h * norm_ref[...] + b_ref[...]


def _tc1(x, w1, deg):
    return pl.pallas_call(
        _tc1_body,
        grid=(N // BN,),
        in_specs=[
            pl.BlockSpec((BN, D_IN), lambda i: (i, 0)),
            pl.BlockSpec((D_IN, H), lambda i: (0, 0)),
            pl.BlockSpec((2, BN, 1), lambda i: (0, i, 0)),
        ],
        out_specs=[
            pl.BlockSpec((2, BN, HALF), lambda i: (0, i, 0)),
            pl.BlockSpec((BN, 1), lambda i: (i, 0)),
        ],
        out_shape=[
            jax.ShapeDtypeStruct((2, N, HALF), jnp.float32),
            jax.ShapeDtypeStruct((N, 1), jnp.float32),
        ],
    )(x, w1, deg)


def _tc_mid(sh, gh, norm, b, w):
    return pl.pallas_call(
        _tc_mid_body,
        grid=(N // BN,),
        in_specs=[
            pl.BlockSpec((2, BN, HALF), lambda i: (0, i, 0)),
            pl.BlockSpec((2, BN, HALF), lambda i: (0, i, 0)),
            pl.BlockSpec((BN, 1), lambda i: (i, 0)),
            pl.BlockSpec((1, H), lambda i: (0, 0)),
            pl.BlockSpec((H, H), lambda i: (0, 0)),
        ],
        out_specs=pl.BlockSpec((2, BN, HALF), lambda i: (0, i, 0)),
        out_shape=jax.ShapeDtypeStruct((2, N, HALF), jnp.float32),
    )(sh, gh, norm, b, w)


def _tc_final(sh, gh, norm, b):
    return pl.pallas_call(
        _tc_final_body,
        grid=(N // BN,),
        in_specs=[
            pl.BlockSpec((2, BN, HALF), lambda i: (0, i, 0)),
            pl.BlockSpec((2, BN, HALF), lambda i: (0, i, 0)),
            pl.BlockSpec((BN, 1), lambda i: (i, 0)),
            pl.BlockSpec((1, H), lambda i: (0, 0)),
        ],
        out_specs=pl.BlockSpec((BN, H), lambda i: (i, 0)),
        out_shape=jax.ShapeDtypeStruct((N, H), jnp.float32),
    )(sh, gh, norm, b)


def kernel(x, edge_index, W1, b1, W2, b2, W3, b3):
    src = edge_index[0]
    dst = edge_index[1]
    deg = _deg_kernel(dst).reshape(2, N_PAD, 1)
    g1, norm = _tc1(x, W1, deg)
    s1 = _scatter_kernel(g1, src, dst)
    g2 = _tc_mid(s1, g1, norm, b1.reshape(1, H), W2)
    s2 = _scatter_kernel(g2, src, dst)
    g3 = _tc_mid(s2, g2, norm, b2.reshape(1, H), W3)
    s3 = _scatter_kernel(g3, src, dst)
    return _tc_final(s3, g3, norm, b3.reshape(1, H))

# --- scband reference (transcript-rebuilt; emitter-appended) ---
"""Pipeline reference for scband-gcn-extract-part-18176301596817 (READ-ONLY COPY).

The authoritative reference and input builder live on the scoring server;
editing this copy changes nothing except your own understanding.
"""

import jax, jax.numpy as jnp
import numpy as np

N = 10000
E = 320000
D_IN = 128
H = 256
D_OUT = 256


def setup_inputs(seed: int = 0) -> dict:
    key = jax.random.key(seed)
    ks = jax.random.split(key, 9)
    x = jax.random.normal(ks[0], (N, D_IN), dtype=jnp.float32)
    edge_index = jax.random.randint(ks[1], (2, E), 0, N, dtype=jnp.int32)
    W1 = jax.random.normal(ks[2], (D_IN, H), dtype=jnp.float32) * (1.0 / np.sqrt(D_IN))
    b1 = jnp.zeros((H,), dtype=jnp.float32)
    W2 = jax.random.normal(ks[3], (H, H), dtype=jnp.float32) * (1.0 / np.sqrt(H))
    b2 = jnp.zeros((H,), dtype=jnp.float32)
    W3 = jax.random.normal(ks[4], (H, D_OUT), dtype=jnp.float32) * (1.0 / np.sqrt(H))
    b3 = jnp.zeros((D_OUT,), dtype=jnp.float32)
    return {"x": x, "edge_index": edge_index, "W1": W1, "b1": b1, "W2": W2, "b2": b2, "W3": W3, "b3": b3}


def _gcn_conv(h_in, src, dst, W, b):
    # GCNConv: out = D^{-1/2} (A + I) D^{-1/2} (h_in @ W) + b
    h = h_in @ W
    deg = jnp.zeros((N,), dtype=jnp.float32).at[dst].add(1.0)
    norm = jax.lax.rsqrt(jnp.maximum(deg, 1.0))
    coeff = (norm[src] * norm[dst])[:, None]
    msg = jnp.take(h, src, axis=0) * coeff
    out = jnp.zeros((N, W.shape[1]), dtype=jnp.float32).at[dst].add(msg)
    return out + b


def reference(x, edge_index, W1, b1, W2, b2, W3, b3):
    loops = jnp.arange(N, dtype=edge_index.dtype)
    src = jnp.concatenate([edge_index[0], loops])
    dst = jnp.concatenate([edge_index[1], loops])
    h = _gcn_conv(x, src, dst, W1, b1)
    h = jax.nn.relu(h)
    # dropout (p=0.2) is identity in eval mode
    h = _gcn_conv(h, src, dst, W2, b2)
    h = jax.nn.relu(h)
    h = _gcn_conv(h, src, dst, W3, b3)
    return h

if __name__ == "__main__":
    import jax
    _d = setup_inputs()
    print(jax.jit(kernel)(*tuple(_d.values())))

</pallas_src>

<mosaic_0001>
#map = affine_map<(d0, d1) -> (0, 0, 0)>
#map1 = affine_map<(d0, d1) -> (0)>
module attributes {stable_mosaic.version = 14 : i64} {
  func.func @_scatter_kernel(%arg0: i32, %arg1: i32, %arg2: memref<2x10000x128xf32, #tpu.memory_space<hbm>>, %arg3: memref<320000xi32, #tpu.memory_space<hbm>>, %arg4: memref<320000xi32, #tpu.memory_space<hbm>>, %arg5: memref<2x10240x128xf32, #tpu.memory_space<hbm>>, %arg6: memref<40x128xf32, #tpu.memory_space<vmem>>, %arg7: memref<40x128xf32, #tpu.memory_space<vmem>>, %arg8: memref<40x128xf32, #tpu.memory_space<vmem>>, %arg9: memref<40x128xf32, #tpu.memory_space<vmem>>, %arg10: memref<40x128xf32, #tpu.memory_space<vmem>>, %arg11: memref<40xi32, #tpu.memory_space<vmem>>, %arg12: memref<40xi32, #tpu.memory_space<vmem>>, %arg13: memref<40xi32, #tpu.memory_space<vmem>>, %arg14: memref<40xi32, #tpu.memory_space<vmem>>, %arg15: memref<40xi32, #tpu.memory_space<vmem>>, %arg16: memref<20000xi32, #tpu.memory_space<vmem>>, %arg17: memref<!tpu.dma_semaphore, #tpu.memory_space<semaphore_mem>>, %arg18: memref<!tpu.dma_semaphore, #tpu.memory_space<semaphore_mem>>, %arg19: memref<!tpu.dma_semaphore, #tpu.memory_space<semaphore_mem>>, %arg20: memref<!tpu.dma_semaphore, #tpu.memory_space<semaphore_mem>>, %arg21: memref<!tpu.dma_semaphore, #tpu.memory_space<semaphore_mem>>, %arg22: memref<!tpu.dma_semaphore, #tpu.memory_space<semaphore_mem>>, %arg23: memref<!tpu.dma_semaphore, #tpu.memory_space<semaphore_mem>>, %arg24: memref<!tpu.dma_semaphore, #tpu.memory_space<semaphore_mem>>, %arg25: memref<!tpu.dma_semaphore, #tpu.memory_space<semaphore_mem>>, %arg26: memref<!tpu.dma_semaphore, #tpu.memory_space<semaphore_mem>>, %arg27: memref<!tpu.dma_semaphore, #tpu.memory_space<semaphore_mem>>, %arg28: memref<!tpu.dma_semaphore, #tpu.memory_space<semaphore_mem>>, %arg29: memref<!tpu.dma_semaphore, #tpu.memory_space<semaphore_mem>>, %arg30: memref<!tpu.dma_semaphore, #tpu.memory_space<semaphore_mem>>, %arg31: memref<!tpu.dma_semaphore, #tpu.memory_space<semaphore_mem>>, %arg32: memref<10240x128xf32, #tpu.memory_space<vmem_shared>>) attributes {dimension_semantics = [#tpu.dimension_semantics<core_parallel>, #tpu.dimension_semantics<subcore_parallel>], iteration_bounds = array<i64: 2, 16>, scalar_prefetch = 0 : i64, scratch_operands = 27 : i64, tpu.core_type = #tpu.core_type<sc_vector_subcore>, window_params = [{transform_indices = #map}, {transform_indices = #map1}, {transform_indices = #map1}, {transform_indices = #map}]} {
    %mul3A = arith.constant 20000 : i32
    %mul3A_0 = arith.muli %arg1, %mul3A : i32
    %dma_start3A = tpu.memref_slice %arg3[%mul3A_0] : memref<320000xi32, #tpu.memory_space<hbm>> -> memref<20000xi32, #tpu.memory_space<hbm>>
    %dma_start3A_1 = tpu.memref_slice %arg3[%mul3A_0] : memref<320000xi32, #tpu.memory_space<hbm>> -> memref<20000xi32, #tpu.memory_space<hbm>>
    tpu.enqueue_dma source(%dma_start3A_1 : memref<20000xi32, #tpu.memory_space<hbm>>) target(%arg16 : memref<20000xi32, #tpu.memory_space<vmem>>) target_semaphore(%arg22 : memref<!tpu.dma_semaphore, #tpu.memory_space<semaphore_mem>>)
    %scan3A = arith.constant 0 : i32
    %scan3A_2 = arith.constant 40 : i32
    %scan3A_3 = arith.addi %scan3A, %scan3A_2 : i32
    %scan3A_4 = arith.constant 1 : i32
    scf.for %scan3A_104 = %scan3A to %scan3A_3 step %scan3A_4  : i32 {
      %mul3A_105 = arith.constant 1 : i32
      %mul3A_106 = arith.muli %scan3A_104, %mul3A_105 : i32
      %add3A_107 = arith.constant 0 : i32
      %add3A_108 = arith.addi %add3A_107, %mul3A_106 : i32
      %scan3A_109 = arith.constant 0 : i32
      %scan3A_110 = arith.constant 8 : i32
      %scan3A_111 = arith.addi %scan3A_109, %scan3A_110 : i32
      %scan3A_112 = arith.constant 1 : i32
      scf.for %scan3A_114 = %scan3A_109 to %scan3A_111 step %scan3A_112  : i32 {
        %mul3A_115 = arith.constant 1 : i32
        %mul3A_116 = arith.muli %scan3A_114, %mul3A_115 : i32
        %add3A_117 = arith.constant 0 : i32
        %add3A_118 = arith.addi %add3A_117, %mul3A_116 : i32
        %broadcast_in_dim3A = arith.constant 0.000000e+00 : f32
        %broadcast_in_dim3A_119 = vector.broadcast %broadcast_in_dim3A : f32 to vector<16xf32>
        %mul3A_120 = arith.constant 16 : i32
        %mul3A_121 = arith.muli %add3A_118, %mul3A_120 : i32
        %swap3A = arith.index_cast %add3A_108 : i32 to index
        %swap3A_122 = arith.index_cast %mul3A_121 : i32 to index
        %swap3A_123 = tpu.vector_load %arg6[%swap3A, %swap3A_122] {strides = array<i32>} : memref<40x128xf32, #tpu.memory_space<vmem>>, vector<1x16xf32>,
        %swap3A_124 = vector.shape_cast %swap3A_123 : vector<1x16xf32> to vector<16xf32>
        %swap3A_125 = vector.shape_cast %broadcast_in_dim3A_119 : vector<16xf32> to vector<1x16xf32>
        tpu.vector_store %arg6[%swap3A, %swap3A_122], %swap3A_125 {strides = array<i32>} : memref<40x128xf32, #tpu.memory_space<vmem>>, vector<1x16xf32>,
      }
      %scan3A_113 = arith.constant 8 : i32
    }
    %scan3A_5 = arith.constant 40 : i32
    %mul3A_6 = arith.constant 640 : i32
    %mul3A_7 = arith.muli %arg1, %mul3A_6 : i32
    %scan3A_8 = arith.constant 0 : i32
    %scan3A_9 = arith.constant 16 : i32
    %scan3A_10 = arith.addi %scan3A_8, %scan3A_9 : i32
    %scan3A_11 = arith.constant 1 : i32
    scf.for %scan3A_104 = %scan3A_8 to %scan3A_10 step %scan3A_11  : i32 {
      %mul3A_105 = arith.constant 1 : i32
      %mul3A_106 = arith.muli %scan3A_104, %mul3A_105 : i32
      %add3A_107 = arith.constant 0 : i32
      %add3A_108 = arith.addi %add3A_107, %mul3A_106 : i32
      %mul3A_109 = arith.constant 40 : i32
      %mul3A_110 = arith.muli %add3A_108, %mul3A_109 : i32
      %add3A_111 = arith.addi %mul3A_7, %mul3A_110 : i32
      %dma_start3A_112 = arith.constant 0 : i32
      %dma_start3A_113 = tpu.memref_slice %arg32[%add3A_111, %dma_start3A_112] : memref<10240x128xf32, #tpu.memory_space<vmem_shared>> -> memref<40x128xf32, #tpu.memory_space<vmem_shared>>
      %dma_start3A_114 = arith.constant 0 : i32
      %dma_start3A_115 = tpu.memref_slice %arg32[%add3A_111, %dma_start3A_114] : memref<10240x128xf32, #tpu.memory_space<vmem_shared>> -> memref<40x128xf32, #tpu.memory_space<vmem_shared>>
      tpu.enqueue_dma source(%arg6 : memref<40x128xf32, #tpu.memory_space<vmem>>) target(%dma_start3A_115 : memref<40x128xf32, #tpu.memory_space<vmem_shared>>) target_semaphore(%arg27 : memref<!tpu.dma_semaphore, #tpu.memory_space<semaphore_mem>>)
    }
    %scan3A_12 = arith.constant 16 : i32
    %scan3A_13 = arith.constant 0 : i32
    %scan3A_14 = arith.constant 16 : i32
    %scan3A_15 = arith.addi %scan3A_13, %scan3A_14 : i32
    %scan3A_16 = arith.constant 1 : i32
    scf.for %scan3A_104 = %scan3A_13 to %scan3A_15 step %scan3A_16  : i32 {
      %mul3A_105 = arith.constant 1 : i32
      %mul3A_106 = arith.muli %scan3A_104, %mul3A_105 : i32
      %add3A_107 = arith.constant 0 : i32
      %add3A_108 = arith.addi %add3A_107, %mul3A_106 : i32
      %mul3A_109 = arith.constant 40 : i32
      %mul3A_110 = arith.muli %add3A_108, %mul3A_109 : i32
      %add3A_111 = arith.addi %mul3A_7, %mul3A_110 : i32
      %dma_wait3A_112 = arith.constant 0 : i32
      %dma_wait3A_113 = tpu.memref_slice %arg32[%add3A_111, %dma_wait3A_112] : memref<10240x128xf32, #tpu.memory_space<vmem_shared>> -> memref<40x128xf32, #tpu.memory_space<vmem_shared>>
      %dma_wait3A_114 = arith.constant 0 : i32
      %dma_wait3A_115 = tpu.memref_slice %arg32[%add3A_111, %dma_wait3A_114] : memref<10240x128xf32, #tpu.memory_space<vmem_shared>> -> memref<40x128xf32, #tpu.memory_space<vmem_shared>>
      tpu.wait_dma2 semaphore(%arg27 : memref<!tpu.dma_semaphore, #tpu.memory_space<semaphore_mem>>) src(%arg6 : memref<40x128xf32, #tpu.memory_space<vmem>>) dst(%dma_wait3A_115 : memref<40x128xf32, #tpu.memory_space<vmem_shared>>)
    }
    %scan3A_17 = arith.constant 16 : i32
    %dma_wait3A = tpu.memref_slice %arg3[%mul3A_0] : memref<320000xi32, #tpu.memory_space<hbm>> -> memref<20000xi32, #tpu.memory_space<hbm>>
    %dma_wait3A_18 = tpu.memref_slice %arg3[%mul3A_0] : memref<320000xi32, #tpu.memory_space<hbm>> -> memref<20000xi32, #tpu.memory_space<hbm>>
    tpu.wait_dma2 semaphore(%arg22 : memref<!tpu.dma_semaphore, #tpu.memory_space<semaphore_mem>>) src(%dma_wait3A_18 : memref<20000xi32, #tpu.memory_space<hbm>>) dst(%arg16 : memref<20000xi32, #tpu.memory_space<vmem>>)
    %barrier3A = arith.constant 0 : index
    tpu.barrier barrier_id(%barrier3A)
    %add3A = arith.constant 0 : i32
    %add3A_19 = arith.addi %mul3A_0, %add3A : i32
    %dma_start3A_20 = tpu.memref_slice %arg4[%add3A_19] : memref<320000xi32, #tpu.memory_space<hbm>> -> memref<40xi32, #tpu.memory_space<hbm>>
    %dma_start3A_21 = tpu.memref_slice %arg4[%add3A_19] : memref<320000xi32, #tpu.memory_space<hbm>> -> memref<40xi32, #tpu.memory_space<hbm>>
    tpu.enqueue_dma source(%dma_start3A_21 : memref<40xi32, #tpu.memory_space<hbm>>) target(%arg11 : memref<40xi32, #tpu.memory_space<vmem>>) target_semaphore(%arg17 : memref<!tpu.dma_semaphore, #tpu.memory_space<semaphore_mem>>)
    %dma_start3A_22 = arith.constant 0 : i32
    %dma_start3A_23 = tpu.memref_slice %arg16[%dma_start3A_22] : memref<20000xi32, #tpu.memory_space<vmem>> -> memref<40xi32, #tpu.memory_space<vmem>>
    %dma_start3A_24 = arith.constant 0 : i32
    %dma_start3A_25 = arith.constant 0 : i32
    %dma_start3A_26 = tpu.memref_slice %arg2[%arg0, %dma_start3A_24, %dma_start3A_25] : memref<2x10000x128xf32, #tpu.memory_space<hbm>> -> memref<1x10000x128xf32, #tpu.memory_space<hbm>>
    %dma_start3A_27 = tpu.memref_squeeze %dma_start3A_26 : memref<1x10000x128xf32, #tpu.memory_space<hbm>> -> memref<10000x128xf32, #tpu.memory_space<hbm>>
    %dma_start3A_28 = arith.constant 0 : i32
    %dma_start3A_29 = arith.constant 0 : i32
    %dma_start3A_30 = tpu.memref_slice %dma_start3A_27[%dma_start3A_28, %dma_start3A_29] : memref<10000x128xf32, #tpu.memory_space<hbm>> -> memref<10000x128xf32, #tpu.memory_space<hbm>>
    tpu.enqueue_indirect_dma source(%dma_start3A_30 : memref<10000x128xf32, #tpu.memory_space<hbm>>) target(%arg6 : memref<40x128xf32, #tpu.memory_space<vmem>>) offsets(%dma_start3A_23 : memref<40xi32, #tpu.memory_space<vmem>>) semaphore(%arg22 : memref<!tpu.dma_semaphore, #tpu.memory_space<semaphore_mem>>)
    %add3A_31 = arith.constant 40 : i32
    %add3A_32 = arith.addi %mul3A_0, %add3A_31 : i32
    %dma_start3A_33 = tpu.memref_slice %arg4[%add3A_32] : memref<320000xi32, #tpu.memory_space<hbm>> -> memref<40xi32, #tpu.memory_space<hbm>>
    %dma_start3A_34 = tpu.memref_slice %arg4[%add3A_32] : memref<320000xi32, #tpu.memory_space<hbm>> -> memref<40xi32, #tpu.memory_space<hbm>>
    tpu.enqueue_dma source(%dma_start3A_34 : memref<40xi32, #tpu.memory_space<hbm>>) target(%arg12 : memref<40xi32, #tpu.memory_space<vmem>>) target_semaphore(%arg18 : memref<!tpu.dma_semaphore, #tpu.memory_space<semaphore_mem>>)
    %dma_start3A_35 = arith.constant 40 : i32
    %dma_start3A_36 = tpu.memref_slice %arg16[%dma_start3A_35] : memref<20000xi32, #tpu.memory_space<vmem>> -> memref<40xi32, #tpu.memory_space<vmem>>
    %dma_start3A_37 = arith.constant 0 : i32
    %dma_start3A_38 = arith.constant 0 : i32
    %dma_start3A_39 = tpu.memref_slice %arg2[%arg0, %dma_start3A_37, %dma_start3A_38] : memref<2x10000x128xf32, #tpu.memory_space<hbm>> -> memref<1x10000x128xf32, #tpu.memory_space<hbm>>
    %dma_start3A_40 = tpu.memref_squeeze %dma_start3A_39 : memref<1x10000x128xf32, #tpu.memory_space<hbm>> -> memref<10000x128xf32, #tpu.memory_space<hbm>>
    %dma_start3A_41 = arith.constant 0 : i32
    %dma_start3A_42 = arith.constant 0 : i32
    %dma_start3A_43 = tpu.memref_slice %dma_start3A_40[%dma_start3A_41, %dma_start3A_42] : memref<10000x128xf32, #tpu.memory_space<hbm>> -> memref<10000x128xf32, #tpu.memory_space<hbm>>
    tpu.enqueue_indirect_dma source(%dma_start3A_43 : memref<10000x128xf32, #tpu.memory_space<hbm>>) target(%arg7 : memref<40x128xf32, #tpu.memory_space<vmem>>) offsets(%dma_start3A_36 : memref<40xi32, #tpu.memory_space<vmem>>) semaphore(%arg23 : memref<!tpu.dma_semaphore, #tpu.memory_space<semaphore_mem>>)
    %add3A_44 = arith.constant 80 : i32
    %add3A_45 = arith.addi %mul3A_0, %add3A_44 : i32
    %dma_start3A_46 = tpu.memref_slice %arg4[%add3A_45] : memref<320000xi32, #tpu.memory_space<hbm>> -> memref<40xi32, #tpu.memory_space<hbm>>
    %dma_start3A_47 = tpu.memref_slice %arg4[%add3A_45] : memref<320000xi32, #tpu.memory_space<hbm>> -> memref<40xi32, #tpu.memory_space<hbm>>
    tpu.enqueue_dma source(%dma_start3A_47 : memref<40xi32, #tpu.memory_space<hbm>>) target(%arg13 : memref<40xi32, #tpu.memory_space<vmem>>) target_semaphore(%arg19 : memref<!tpu.dma_semaphore, #tpu.memory_space<semaphore_mem>>)
    %dma_start3A_48 = arith.constant 80 : i32
    %dma_start3A_49 = tpu.memref_slice %arg16[%dma_start3A_48] : memref<20000xi32, #tpu.memory_space<vmem>> -> memref<40xi32, #tpu.memory_space<vmem>>
    %dma_start3A_50 = arith.constant 0 : i32
    %dma_start3A_51 = arith.constant 0 : i32
    %dma_start3A_52 = tpu.memref_slice %arg2[%arg0, %dma_start3A_50, %dma_start3A_51] : memref<2x10000x128xf32, #tpu.memory_space<hbm>> -> memref<1x10000x128xf32, #tpu.memory_space<hbm>>
    %dma_start3A_53 = tpu.memref_squeeze %dma_start3A_52 : memref<1x10000x128xf32, #tpu.memory_space<hbm>> -> memref<10000x128xf32, #tpu.memory_space<hbm>>
    %dma_start3A_54 = arith.constant 0 : i32
    %dma_start3A_55 = arith.constant 0 : i32
    %dma_start3A_56 = tpu.memref_slice %dma_start3A_53[%dma_start3A_54, %dma_start3A_55] : memref<10000x128xf32, #tpu.memory_space<hbm>> -> memref<10000x128xf32, #tpu.memory_space<hbm>>
    tpu.enqueue_indirect_dma source(%dma_start3A_56 : memref<10000x128xf32, #tpu.memory_space<hbm>>) target(%arg8 : memref<40x128xf32, #tpu.memory_space<vmem>>) offsets(%dma_start3A_49 : memref<40xi32, #tpu.memory_space<vmem>>) semaphore(%arg24 : memref<!tpu.dma_semaphore, #tpu.memory_space<semaphore_mem>>)
    %add3A_57 = arith.constant 120 : i32
    %add3A_58 = arith.addi %mul3A_0, %add3A_57 : i32
    %dma_start3A_59 = tpu.memref_slice %arg4[%add3A_58] : memref<320000xi32, #tpu.memory_space<hbm>> -> memref<40xi32, #tpu.memory_space<hbm>>
    %dma_start3A_60 = tpu.memref_slice %arg4[%add3A_58] : memref<320000xi32, #tpu.memory_space<hbm>> -> memref<40xi32, #tpu.memory_space<hbm>>
    tpu.enqueue_dma source(%dma_start3A_60 : memref<40xi32, #tpu.memory_space<hbm>>) target(%arg14 : memref<40xi32, #tpu.memory_space<vmem>>) target_semaphore(%arg20 : memref<!tpu.dma_semaphore, #tpu.memory_space<semaphore_mem>>)
    %dma_start3A_61 = arith.constant 120 : i32
    %dma_start3A_62 = tpu.memref_slice %arg16[%dma_start3A_61] : memref<20000xi32, #tpu.memory_space<vmem>> -> memref<40xi32, #tpu.memory_space<vmem>>
    %dma_start3A_63 = arith.constant 0 : i32
    %dma_start3A_64 = arith.constant 0 : i32
    %dma_start3A_65 = tpu.memref_slice %arg2[%arg0, %dma_start3A_63, %dma_start3A_64] : memref<2x10000x128xf32, #tpu.memory_space<hbm>> -> memref<1x10000x128xf32, #tpu.memory_space<hbm>>
    %dma_start3A_66 = tpu.memref_squeeze %dma_start3A_65 : memref<1x10000x128xf32, #tpu.memory_space<hbm>> -> memref<10000x128xf32, #tpu.memory_space<hbm>>
    %dma_start3A_67 = arith.constant 0 : i32
    %dma_start3A_68 = arith.constant 0 : i32
    %dma_start3A_69 = tpu.memref_slice %dma_start3A_66[%dma_start3A_67, %dma_start3A_68] : memref<10000x128xf32, #tpu.memory_space<hbm>> -> memref<10000x128xf32, #tpu.memory_space<hbm>>
    tpu.enqueue_indirect_dma source(%dma_start3A_69 : memref<10000x128xf32, #tpu.memory_space<hbm>>) target(%arg9 : memref<40x128xf32, #tpu.memory_space<vmem>>) offsets(%dma_start3A_62 : memref<40xi32, #tpu.memory_space<vmem>>) semaphore(%arg25 : memref<!tpu.dma_semaphore, #tpu.memory_space<semaphore_mem>>)
    %add3A_70 = arith.constant 160 : i32
    %add3A_71 = arith.addi %mul3A_0, %add3A_70 : i32
    %dma_start3A_72 = tpu.memref_slice %arg4[%add3A_71] : memref<320000xi32, #tpu.memory_space<hbm>> -> memref<40xi32, #tpu.memory_space<hbm>>
    %dma_start3A_73 = tpu.memref_slice %arg4[%add3A_71] : memref<320000xi32, #tpu.memory_space<hbm>> -> memref<40xi32, #tpu.memory_space<hbm>>
    tpu.enqueue_dma source(%dma_start3A_73 : memref<40xi32, #tpu.memory_space<hbm>>) target(%arg15 : memref<40xi32, #tpu.memory_space<vmem>>) target_semaphore(%arg21 : memref<!tpu.dma_semaphore, #tpu.memory_space<semaphore_mem>>)
    %dma_start3A_74 = arith.constant 160 : i32
    %dma_start3A_75 = tpu.memref_slice %arg16[%dma_start3A_74] : memref<20000xi32, #tpu.memory_space<vmem>> -> memref<40xi32, #tpu.memory_space<vmem>>
    %dma_start3A_76 = arith.constant 0 : i32
    %dma_start3A_77 = arith.constant 0 : i32
    %dma_start3A_78 = tpu.memref_slice %arg2[%arg0, %dma_start3A_76, %dma_start3A_77] : memref<2x10000x128xf32, #tpu.memory_space<hbm>> -> memref<1x10000x128xf32, #tpu.memory_space<hbm>>
    %dma_start3A_79 = tpu.memref_squeeze %dma_start3A_78 : memref<1x10000x128xf32, #tpu.memory_space<hbm>> -> memref<10000x128xf32, #tpu.memory_space<hbm>>
    %dma_start3A_80 = arith.constant 0 : i32
    %dma_start3A_81 = arith.constant 0 : i32
    %dma_start3A_82 = tpu.memref_slice %dma_start3A_79[%dma_start3A_80, %dma_start3A_81] : memref<10000x128xf32, #tpu.memory_space<hbm>> -> memref<10000x128xf32, #tpu.memory_space<hbm>>
    tpu.enqueue_indirect_dma source(%dma_start3A_82 : memref<10000x128xf32, #tpu.memory_space<hbm>>) target(%arg10 : memref<40x128xf32, #tpu.memory_space<vmem>>) offsets(%dma_start3A_75 : memref<40xi32, #tpu.memory_space<vmem>>) semaphore(%arg26 : memref<!tpu.dma_semaphore, #tpu.memory_space<semaphore_mem>>)
    %scan3A_83 = arith.constant 0 : i32
    %scan3A_84 = arith.constant 100 : i32
    %scan3A_85 = arith.addi %scan3A_83, %scan3A_84 : i32
    %scan3A_86 = arith.constant 1 : i32
    scf.for %scan3A_104 = %scan3A_83 to %scan3A_85 step %scan3A_86  : i32 {
      %mul3A_105 = arith.constant 1 : i32
      %mul3A_106 = arith.muli %scan3A_104, %mul3A_105 : i32
      %add3A_107 = arith.constant 0 : i32
      %add3A_108 = arith.addi %add3A_107, %mul3A_106 : i32
      %mul3A_109 = arith.constant 5 : i32
      %mul3A_110 = arith.muli %add3A_108, %mul3A_109 : i32
      %add3A_111 = arith.constant 0 : i32
      %add3A_112 = arith.addi %mul3A_110, %add3A_111 : i32
      %mul3A_113 = arith.constant 40 : i32
      %mul3A_114 = arith.muli %add3A_112, %mul3A_113 : i32
      %add3A_115 = arith.addi %mul3A_0, %mul3A_114 : i32
      %dma_wait3A_116 = tpu.memref_slice %arg4[%add3A_115] : memref<320000xi32, #tpu.memory_space<hbm>> -> memref<40xi32, #tpu.memory_space<hbm>>
      %dma_wait3A_117 = tpu.memref_slice %arg4[%add3A_115] : memref<320000xi32, #tpu.memory_space<hbm>> -> memref<40xi32, #tpu.memory_space<hbm>>
      tpu.wait_dma2 semaphore(%arg17 : memref<!tpu.dma_semaphore, #tpu.memory_space<semaphore_mem>>) src(%dma_wait3A_117 : memref<40xi32, #tpu.memory_space<hbm>>) dst(%arg11 : memref<40xi32, #tpu.memory_space<vmem>>)
      %mul3A_118 = arith.constant 40 : i32
      %mul3A_119 = arith.muli %add3A_112, %mul3A_118 : i32
      %dma_wait3A_120 = tpu.memref_slice %arg16[%mul3A_119] : memref<20000xi32, #tpu.memory_space<vmem>> -> memref<40xi32, #tpu.memory_space<vmem>>
      %dma_wait3A_121 = arith.constant 0 : i32
      %dma_wait3A_122 = arith.constant 0 : i32
      %dma_wait3A_123 = tpu.memref_slice %arg2[%arg0, %dma_wait3A_121, %dma_wait3A_122] : memref<2x10000x128xf32, #tpu.memory_space<hbm>> -> memref<1x10000x128xf32, #tpu.memory_space<hbm>>
      %dma_wait3A_124 = tpu.memref_squeeze %dma_wait3A_123 : memref<1x10000x128xf32, #tpu.memory_space<hbm>> -> memref<10000x128xf32, #tpu.memory_space<hbm>>
      %dma_wait3A_125 = arith.constant 0 : i32
      %dma_wait3A_126 = arith.constant 0 : i32
      %dma_wait3A_127 = tpu.memref_slice %dma_wait3A_124[%dma_wait3A_125, %dma_wait3A_126] : memref<10000x128xf32, #tpu.memory_space<hbm>> -> memref<10000x128xf32, #tpu.memory_space<hbm>>
      tpu.wait_indirect_dma semaphore(%arg22 : memref<!tpu.dma_semaphore, #tpu.memory_space<semaphore_mem>>) src(%dma_wait3A_127 : memref<10000x128xf32, #tpu.memory_space<hbm>>) dst(%arg6 : memref<40x128xf32, #tpu.memory_space<vmem>>)
      %dma_start3A_128 = arith.constant 0 : i32
      %dma_start3A_129 = arith.constant 0 : i32
      %dma_start3A_130 = tpu.memref_slice %arg32[%dma_start3A_128, %dma_start3A_129] : memref<10240x128xf32, #tpu.memory_space<vmem_shared>> -> memref<10240x128xf32, #tpu.memory_space<vmem_shared>>
      tpu.enqueue_indirect_dma source(%arg6 : memref<40x128xf32, #tpu.memory_space<vmem>>) target(%dma_start3A_130 : memref<10240x128xf32, #tpu.memory_space<vmem_shared>>) offsets(%arg11 : memref<40xi32, #tpu.memory_space<vmem>>) semaphore(%arg27 : memref<!tpu.dma_semaphore, #tpu.memory_space<semaphore_mem>>) {add = true}
      %ge3A = arith.constant 1 : i32
      %ge3A_131 = arith.cmpi sge, %add3A_112, %ge3A : i32
      %add3A_132 = arith.constant 4 : i32
      %add3A_133 = arith.addi %add3A_112, %add3A_132 : i32
      %le3A = arith.constant 499 : i32
      %le3A_134 = arith.cmpi sle, %add3A_133, %le3A : i32
      %and3A = arith.andi %ge3A_131, %le3A_134 : i1
      %convert_element_type3A = arith.extui %and3A : i1 to i32
      %cond3A = arith.constant 0 : i32
      %cond3A_135 = arith.cmpi ne, %convert_element_type3A, %cond3A : i32
      scf.if %cond3A_135 {
        %dma_wait3A_264 = arith.constant 0 : i32
        %dma_wait3A_265 = arith.constant 0 : i32
        %dma_wait3A_266 = tpu.memref_slice %arg32[%dma_wait3A_264, %dma_wait3A_265] : memref<10240x128xf32, #tpu.memory_space<vmem_shared>> -> memref<10240x128xf32, #tpu.memory_space<vmem_shared>>
        tpu.wait_indirect_dma semaphore(%arg31 : memref<!tpu.dma_semaphore, #tpu.memory_space<semaphore_mem>>) src(%arg10 : memref<40x128xf32, #tpu.memory_space<vmem>>) dst(%dma_wait3A_266 : memref<10240x128xf32, #tpu.memory_space<vmem_shared>>)
        %add3A_267 = arith.constant 5 : i32
        %add3A_268 = arith.addi %add3A_112, %add3A_267 : i32
        %sub3A = arith.constant 1 : i32
        %sub3A_269 = arith.subi %add3A_268, %sub3A : i32
        %mul3A_270 = arith.constant 40 : i32
        %mul3A_271 = arith.muli %sub3A_269, %mul3A_270 : i32
        %add3A_272 = arith.addi %mul3A_0, %mul3A_271 : i32
        %dma_start3A_273 = tpu.memref_slice %arg4[%add3A_272] : memref<320000xi32, #tpu.memory_space<hbm>> -> memref<40xi32, #tpu.memory_space<hbm>>
        %dma_start3A_274 = tpu.memref_slice %arg4[%add3A_272] : memref<320000xi32, #tpu.memory_space<hbm>> -> memref<40xi32, #tpu.memory_space<hbm>>
        tpu.enqueue_dma source(%dma_start3A_274 : memref<40xi32, #tpu.memory_space<hbm>>) target(%arg15 : memref<40xi32, #tpu.memory_space<vmem>>) target_semaphore(%arg21 : memref<!tpu.dma_semaphore, #tpu.memory_space<semaphore_mem>>)
        %mul3A_275 = arith.constant 40 : i32
        %mul3A_276 = arith.muli %sub3A_269, %mul3A_275 : i32
        %dma_start3A_277 = tpu.memref_slice %arg16[%mul3A_276] : memref<20000xi32, #tpu.memory_space<vmem>> -> memref<40xi32, #tpu.memory_space<vmem>>
        %dma_start3A_278 = arith.constant 0 : i32
        %dma_start3A_279 = arith.constant 0 : i32
        %dma_start3A_280 = tpu.memref_slice %arg2[%arg0, %dma_start3A_278, %dma_start3A_279] : memref<2x10000x128xf32, #tpu.memory_space<hbm>> -> memref<1x10000x128xf32, #tpu.memory_space<hbm>>
        %dma_start3A_281 = tpu.memref_squeeze %dma_start3A_280 : memref<1x10000x128xf32, #tpu.memory_space<hbm>> -> memref<10000x128xf32, #tpu.memory_space<hbm>>
        %dma_start3A_282 = arith.constant 0 : i32
        %dma_start3A_283 = arith.constant 0 : i32
        %dma_start3A_284 = tpu.memref_slice %dma_start3A_281[%dma_start3A_282, %dma_start3A_283] : memref<10000x128xf32, #tpu.memory_space<hbm>> -> memref<10000x128xf32, #tpu.memory_space<hbm>>
        tpu.enqueue_indirect_dma source(%dma_start3A_284 : memref<10000x128xf32, #tpu.memory_space<hbm>>) target(%arg10 : memref<40x128xf32, #tpu.memory_space<vmem>>) offsets(%dma_start3A_277 : memref<40xi32, #tpu.memory_space<vmem>>) semaphore(%arg26 : memref<!tpu.dma_semaphore, #tpu.memory_space<semaphore_mem>>)
      } else {
      }
      %mul3A_136 = arith.constant 5 : i32
      %mul3A_137 = arith.muli %add3A_108, %mul3A_136 : i32
      %add3A_138 = arith.constant 1 : i32
      %add3A_139 = arith.addi %mul3A_137, %add3A_138 : i32
      %mul3A_140 = arith.constant 40 : i32
      %mul3A_141 = arith.muli %add3A_139, %mul3A_140 : i32
      %add3A_142 = arith.addi %mul3A_0, %mul3A_141 : i32
      %dma_wait3A_143 = tpu.memref_slice %arg4[%add3A_142] : memref<320000xi32, #tpu.memory_space<hbm>> -> memref<40xi32, #tpu.memory_space<hbm>>
      %dma_wait3A_144 = tpu.memref_slice %arg4[%add3A_142] : memref<320000xi32, #tpu.memory_space<hbm>> -> memref<40xi32, #tpu.memory_space<hbm>>
      tpu.wait_dma2 semaphore(%arg18 : memref<!tpu.dma_semaphore, #tpu.memory_space<semaphore_mem>>) src(%dma_wait3A_144 : memref<40xi32, #tpu.memory_space<hbm>>) dst(%arg12 : memref<40xi32, #tpu.memory_space<vmem>>)
      %mul3A_145 = arith.constant 40 : i32
      %mul3A_146 = arith.muli %add3A_139, %mul3A_145 : i32
      %dma_wait3A_147 = tpu.memref_slice %arg16[%mul3A_146] : memref<20000xi32, #tpu.memory_space<vmem>> -> memref<40xi32, #tpu.memory_space<vmem>>
      %dma_wait3A_148 = arith.constant 0 : i32
      %dma_wait3A_149 = arith.constant 0 : i32
      %dma_wait3A_150 = tpu.memref_slice %arg2[%arg0, %dma_wait3A_148, %dma_wait3A_149] : memref<2x10000x128xf32, #tpu.memory_space<hbm>> -> memref<1x10000x128xf32, #tpu.memory_space<hbm>>
      %dma_wait3A_151 = tpu.memref_squeeze %dma_wait3A_150 : memref<1x10000x128xf32, #tpu.memory_space<hbm>> -> memref<10000x128xf32, #tpu.memory_space<hbm>>
      %dma_wait3A_152 = arith.constant 0 : i32
      %dma_wait3A_153 = arith.constant 0 : i32
      %dma_wait3A_154 = tpu.memref_slice %dma_wait3A_151[%dma_wait3A_152, %dma_wait3A_153] : memref<10000x128xf32, #tpu.memory_space<hbm>> -> memref<10000x128xf32, #tpu.memory_space<hbm>>
      tpu.wait_indirect_dma semaphore(%arg23 : memref<!tpu.dma_semaphore, #tpu.memory_space<semaphore_mem>>) src(%dma_wait3A_154 : memref<10000x128xf32, #tpu.memory_space<hbm>>) dst(%arg7 : memref<40x128xf32, #tpu.memory_space<vmem>>)
      %dma_start3A_155 = arith.constant 0 : i32
      %dma_start3A_156 = arith.constant 0 : i32
      %dma_start3A_157 = tpu.memref_slice %arg32[%dma_start3A_155, %dma_start3A_156] : memref<10240x128xf32, #tpu.memory_space<vmem_shared>> -> memref<10240x128xf32, #tpu.memory_space<vmem_shared>>
      tpu.enqueue_indirect_dma source(%arg7 : memref<40x128xf32, #tpu.memory_space<vmem>>) target(%dma_start3A_157 : memref<10240x128xf32, #tpu.memory_space<vmem_shared>>) offsets(%arg12 : memref<40xi32, #tpu.memory_space<vmem>>) semaphore(%arg28 : memref<!tpu.dma_semaphore, #tpu.memory_space<semaphore_mem>>) {add = true}
      %ge3A_158 = arith.constant 1 : i32
      %ge3A_159 = arith.cmpi sge, %add3A_139, %ge3A_158 : i32
      %add3A_160 = arith.constant 4 : i32
      %add3A_161 = arith.addi %add3A_139, %add3A_160 : i32
      %le3A_162 = arith.constant 499 : i32
      %le3A_163 = arith.cmpi sle, %add3A_161, %le3A_162 : i32
      %and3A_164 = arith.andi %ge3A_159, %le3A_163 : i1
      %convert_element_type3A_165 = arith.extui %and3A_164 : i1 to i32
      %cond3A_166 = arith.constant 0 : i32
      %cond3A_167 = arith.cmpi ne, %convert_element_type3A_165, %cond3A_166 : i32
      scf.if %cond3A_167 {
        %dma_wait3A_264 = arith.constant 0 : i32
        %dma_wait3A_265 = arith.constant 0 : i32
        %dma_wait3A_266 = tpu.memref_slice %arg32[%dma_wait3A_264, %dma_wait3A_265] : memref<10240x128xf32, #tpu.memory_space<vmem_shared>> -> memref<10240x128xf32, #tpu.memory_space<vmem_shared>>
        tpu.wait_indirect_dma semaphore(%arg27 : memref<!tpu.dma_semaphore, #tpu.memory_space<semaphore_mem>>) src(%arg6 : memref<40x128xf32, #tpu.memory_space<vmem>>) dst(%dma_wait3A_266 : memref<10240x128xf32, #tpu.memory_space<vmem_shared>>)
        %add3A_267 = arith.constant 5 : i32
        %add3A_268 = arith.addi %add3A_139, %add3A_267 : i32
        %sub3A = arith.constant 1 : i32
        %sub3A_269 = arith.subi %add3A_268, %sub3A : i32
        %mul3A_270 = arith.constant 40 : i32
        %mul3A_271 = arith.muli %sub3A_269, %mul3A_270 : i32
        %add3A_272 = arith.addi %mul3A_0, %mul3A_271 : i32
        %dma_start3A_273 = tpu.memref_slice %arg4[%add3A_272] : memref<320000xi32, #tpu.memory_space<hbm>> -> memref<40xi32, #tpu.memory_space<hbm>>
        %dma_start3A_274 = tpu.memref_slice %arg4[%add3A_272] : memref<320000xi32, #tpu.memory_space<hbm>> -> memref<40xi32, #tpu.memory_space<hbm>>
        tpu.enqueue_dma source(%dma_start3A_274 : memref<40xi32, #tpu.memory_space<hbm>>) target(%arg11 : memref<40xi32, #tpu.memory_space<vmem>>) target_semaphore(%arg17 : memref<!tpu.dma_semaphore, #tpu.memory_space<semaphore_mem>>)
        %mul3A_275 = arith.constant 40 : i32
        %mul3A_276 = arith.muli %sub3A_269, %mul3A_275 : i32
        %dma_start3A_277 = tpu.memref_slice %arg16[%mul3A_276] : memref<20000xi32, #tpu.memory_space<vmem>> -> memref<40xi32, #tpu.memory_space<vmem>>
        %dma_start3A_278 = arith.constant 0 : i32
        %dma_start3A_279 = arith.constant 0 : i32
        %dma_start3A_280 = tpu.memref_slice %arg2[%arg0, %dma_start3A_278, %dma_start3A_279] : memref<2x10000x128xf32, #tpu.memory_space<hbm>> -> memref<1x10000x128xf32, #tpu.memory_space<hbm>>
        %dma_start3A_281 = tpu.memref_squeeze %dma_start3A_280 : memref<1x10000x128xf32, #tpu.memory_space<hbm>> -> memref<10000x128xf32, #tpu.memory_space<hbm>>
        %dma_start3A_282 = arith.constant 0 : i32
        %dma_start3A_283 = arith.constant 0 : i32
        %dma_start3A_284 = tpu.memref_slice %dma_start3A_281[%dma_start3A_282, %dma_start3A_283] : memref<10000x128xf32, #tpu.memory_space<hbm>> -> memref<10000x128xf32, #tpu.memory_space<hbm>>
        tpu.enqueue_indirect_dma source(%dma_start3A_284 : memref<10000x128xf32, #tpu.memory_space<hbm>>) target(%arg6 : memref<40x128xf32, #tpu.memory_space<vmem>>) offsets(%dma_start3A_277 : memref<40xi32, #tpu.memory_space<vmem>>) semaphore(%arg22 : memref<!tpu.dma_semaphore, #tpu.memory_space<semaphore_mem>>)
      } else {
      }
      %mul3A_168 = arith.constant 5 : i32
      %mul3A_169 = arith.muli %add3A_108, %mul3A_168 : i32
      %add3A_170 = arith.constant 2 : i32
      %add3A_171 = arith.addi %mul3A_169, %add3A_170 : i32
      %mul3A_172 = arith.constant 40 : i32
      %mul3A_173 = arith.muli %add3A_171, %mul3A_172 : i32
      %add3A_174 = arith.addi %mul3A_0, %mul3A_173 : i32
      %dma_wait3A_175 = tpu.memref_slice %arg4[%add3A_174] : memref<320000xi32, #tpu.memory_space<hbm>> -> memref<40xi32, #tpu.memory_space<hbm>>
      %dma_wait3A_176 = tpu.memref_slice %arg4[%add3A_174] : memref<320000xi32, #tpu.memory_space<hbm>> -> memref<40xi32, #tpu.memory_space<hbm>>
      tpu.wait_dma2 semaphore(%arg19 : memref<!tpu.dma_semaphore, #tpu.memory_space<semaphore_mem>>) src(%dma_wait3A_176 : memref<40xi32, #tpu.memory_space<hbm>>) dst(%arg13 : memref<40xi32, #tpu.memory_space<vmem>>)
      %mul3A_177 = arith.constant 40 : i32
      %mul3A_178 = arith.muli %add3A_171, %mul3A_177 : i32
      %dma_wait3A_179 = tpu.memref_slice %arg16[%mul3A_178] : memref<20000xi32, #tpu.memory_space<vmem>> -> memref<40xi32, #tpu.memory_space<vmem>>
      %dma_wait3A_180 = arith.constant 0 : i32
      %dma_wait3A_181 = arith.constant 0 : i32
      %dma_wait3A_182 = tpu.memref_slice %arg2[%arg0, %dma_wait3A_180, %dma_wait3A_181] : memref<2x10000x128xf32, #tpu.memory_space<hbm>> -> memref<1x10000x128xf32, #tpu.memory_space<hbm>>
      %dma_wait3A_183 = tpu.memref_squeeze %dma_wait3A_182 : memref<1x10000x128xf32, #tpu.memory_space<hbm>> -> memref<10000x128xf32, #tpu.memory_space<hbm>>
      %dma_wait3A_184 = arith.constant 0 : i32
      %dma_wait3A_185 = arith.constant 0 : i32
      %dma_wait3A_186 = tpu.memref_slice %dma_wait3A_183[%dma_wait3A_184, %dma_wait3A_185] : memref<10000x128xf32, #tpu.memory_space<hbm>> -> memref<10000x128xf32, #tpu.memory_space<hbm>>
      tpu.wait_indirect_dma semaphore(%arg24 : memref<!tpu.dma_semaphore, #tpu.memory_space<semaphore_mem>>) src(%dma_wait3A_186 : memref<10000x128xf32, #tpu.memory_space<hbm>>) dst(%arg8 : memref<40x128xf32, #tpu.memory_space<vmem>>)
      %dma_start3A_187 = arith.constant 0 : i32
      %dma_start3A_188 = arith.constant 0 : i32
      %dma_start3A_189 = tpu.memref_slice %arg32[%dma_start3A_187, %dma_start3A_188] : memref<10240x128xf32, #tpu.memory_space<vmem_shared>> -> memref<10240x128xf32, #tpu.memory_space<vmem_shared>>
      tpu.enqueue_indirect_dma source(%arg8 : memref<40x128xf32, #tpu.memory_space<vmem>>) target(%dma_start3A_189 : memref<10240x128xf32, #tpu.memory_space<vmem_shared>>) offsets(%arg13 : memref<40xi32, #tpu.memory_space<vmem>>) semaphore(%arg29 : memref<!tpu.dma_semaphore, #tpu.memory_space<semaphore_mem>>) {add = true}
      %ge3A_190 = arith.constant 1 : i32
      %ge3A_191 = arith.cmpi sge, %add3A_171, %ge3A_190 : i32
      %add3A_192 = arith.constant 4 : i32
      %add3A_193 = arith.addi %add3A_171, %add3A_192 : i32
      %le3A_194 = arith.constant 499 : i32
      %le3A_195 = arith.cmpi sle, %add3A_193, %le3A_194 : i32
      %and3A_196 = arith.andi %ge3A_191, %le3A_195 : i1
      %convert_element_type3A_197 = arith.extui %and3A_196 : i1 to i32
      %cond3A_198 = arith.constant 0 : i32
      %cond3A_199 = arith.cmpi ne, %convert_element_type3A_197, %cond3A_198 : i32
      scf.if %cond3A_199 {
        %dma_wait3A_264 = arith.constant 0 : i32
        %dma_wait3A_265 = arith.constant 0 : i32
        %dma_wait3A_266 = tpu.memref_slice %arg32[%dma_wait3A_264, %dma_wait3A_265] : memref<10240x128xf32, #tpu.memory_space<vmem_shared>> -> memref<10240x128xf32, #tpu.memory_space<vmem_shared>>
        tpu.wait_indirect_dma semaphore(%arg28 : memref<!tpu.dma_semaphore, #tpu.memory_space<semaphore_mem>>) src(%arg7 : memref<40x128xf32, #tpu.memory_space<vmem>>) dst(%dma_wait3A_266 : memref<10240x128xf32, #tpu.memory_space<vmem_shared>>)
        %add3A_267 = arith.constant 5 : i32
        %add3A_268 = arith.addi %add3A_171, %add3A_267 : i32
        %sub3A = arith.constant 1 : i32
        %sub3A_269 = arith.subi %add3A_268, %sub3A : i32
        %mul3A_270 = arith.constant 40 : i32
        %mul3A_271 = arith.muli %sub3A_269, %mul3A_270 : i32
        %add3A_272 = arith.addi %mul3A_0, %mul3A_271 : i32
        %dma_start3A_273 = tpu.memref_slice %arg4[%add3A_272] : memref<320000xi32, #tpu.memory_space<hbm>> -> memref<40xi32, #tpu.memory_space<hbm>>
        %dma_start3A_274 = tpu.memref_slice %arg4[%add3A_272] : memref<320000xi32, #tpu.memory_space<hbm>> -> memref<40xi32, #tpu.memory_space<hbm>>
        tpu.enqueue_dma source(%dma_start3A_274 : memref<40xi32, #tpu.memory_space<hbm>>) target(%arg12 : memref<40xi32, #tpu.memory_space<vmem>>) target_semaphore(%arg18 : memref<!tpu.dma_semaphore, #tpu.memory_space<semaphore_mem>>)
        %mul3A_275 = arith.constant 40 : i32
        %mul3A_276 = arith.muli %sub3A_269, %mul3A_275 : i32
        %dma_start3A_277 = tpu.memref_slice %arg16[%mul3A_276] : memref<20000xi32, #tpu.memory_space<vmem>> -> memref<40xi32, #tpu.memory_space<vmem>>
        %dma_start3A_278 = arith.constant 0 : i32
        %dma_start3A_279 = arith.constant 0 : i32
        %dma_start3A_280 = tpu.memref_slice %arg2[%arg0, %dma_start3A_278, %dma_start3A_279] : memref<2x10000x128xf32, #tpu.memory_space<hbm>> -> memref<1x10000x128xf32, #tpu.memory_space<hbm>>
        %dma_start3A_281 = tpu.memref_squeeze %dma_start3A_280 : memref<1x10000x128xf32, #tpu.memory_space<hbm>> -> memref<10000x128xf32, #tpu.memory_space<hbm>>
        %dma_start3A_282 = arith.constant 0 : i32
        %dma_start3A_283 = arith.constant 0 : i32
        %dma_start3A_284 = tpu.memref_slice %dma_start3A_281[%dma_start3A_282, %dma_start3A_283] : memref<10000x128xf32, #tpu.memory_space<hbm>> -> memref<10000x128xf32, #tpu.memory_space<hbm>>
        tpu.enqueue_indirect_dma source(%dma_start3A_284 : memref<10000x128xf32, #tpu.memory_space<hbm>>) target(%arg7 : memref<40x128xf32, #tpu.memory_space<vmem>>) offsets(%dma_start3A_277 : memref<40xi32, #tpu.memory_space<vmem>>) semaphore(%arg23 : memref<!tpu.dma_semaphore, #tpu.memory_space<semaphore_mem>>)
      } else {
      }
      %mul3A_200 = arith.constant 5 : i32
      %mul3A_201 = arith.muli %add3A_108, %mul3A_200 : i32
      %add3A_202 = arith.constant 3 : i32
      %add3A_203 = arith.addi %mul3A_201, %add3A_202 : i32
      %mul3A_204 = arith.constant 40 : i32
      %mul3A_205 = arith.muli %add3A_203, %mul3A_204 : i32
      %add3A_206 = arith.addi %mul3A_0, %mul3A_205 : i32
      %dma_wait3A_207 = tpu.memref_slice %arg4[%add3A_206] : memref<320000xi32, #tpu.memory_space<hbm>> -> memref<40xi32, #tpu.memory_space<hbm>>
      %dma_wait3A_208 = tpu.memref_slice %arg4[%add3A_206] : memref<320000xi32, #tpu.memory_space<hbm>> -> memref<40xi32, #tpu.memory_space<hbm>>
      tpu.wait_dma2 semaphore(%arg20 : memref<!tpu.dma_semaphore, #tpu.memory_space<semaphore_mem>>) src(%dma_wait3A_208 : memref<40xi32, #tpu.memory_space<hbm>>) dst(%arg14 : memref<40xi32, #tpu.memory_space<vmem>>)
      %mul3A_209 = arith.constant 40 : i32
      %mul3A_210 = arith.muli %add3A_203, %mul3A_209 : i32
      %dma_wait3A_211 = tpu.memref_slice %arg16[%mul3A_210] : memref<20000xi32, #tpu.memory_space<vmem>> -> memref<40xi32, #tpu.memory_space<vmem>>
      %dma_wait3A_212 = arith.constant 0 : i32
      %dma_wait3A_213 = arith.constant 0 : i32
      %dma_wait3A_214 = tpu.memref_slice %arg2[%arg0, %dma_wait3A_212, %dma_wait3A_213] : memref<2x10000x128xf32, #tpu.memory_space<hbm>> -> memref<1x10000x128xf32, #tpu.memory_space<hbm>>
      %dma_wait3A_215 = tpu.memref_squeeze %dma_wait3A_214 : memref<1x10000x128xf32, #tpu.memory_space<hbm>> -> memref<10000x128xf32, #tpu.memory_space<hbm>>
      %dma_wait3A_216 = arith.constant 0 : i32
      %dma_wait3A_217 = arith.constant 0 : i32
      %dma_wait3A_218 = tpu.memref_slice %dma_wait3A_215[%dma_wait3A_216, %dma_wait3A_217] : memref<10000x128xf32, #tpu.memory_space<hbm>> -> memref<10000x128xf32, #tpu.memory_space<hbm>>
      tpu.wait_indirect_dma semaphore(%arg25 : memref<!tpu.dma_semaphore, #tpu.memory_space<semaphore_mem>>) src(%dma_wait3A_218 : memref<10000x128xf32, #tpu.memory_space<hbm>>) dst(%arg9 : memref<40x128xf32, #tpu.memory_space<vmem>>)
      %dma_start3A_219 = arith.constant 0 : i32
      %dma_start3A_220 = arith.constant 0 : i32
      %dma_start3A_221 = tpu.memref_slice %arg32[%dma_start3A_219, %dma_start3A_220] : memref<10240x128xf32, #tpu.memory_space<vmem_shared>> -> memref<10240x128xf32, #tpu.memory_space<vmem_shared>>
      tpu.enqueue_indirect_dma source(%arg9 : memref<40x128xf32, #tpu.memory_space<vmem>>) target(%dma_start3A_221 : memref<10240x128xf32, #tpu.memory_space<vmem_shared>>) offsets(%arg14 : memref<40xi32, #tpu.memory_space<vmem>>) semaphore(%arg30 : memref<!tpu.dma_semaphore, #tpu.memory_space<semaphore_mem>>) {add = true}
      %ge3A_222 = arith.constant 1 : i32
      %ge3A_223 = arith.cmpi sge, %add3A_203, %ge3A_222 : i32
      %add3A_224 = arith.constant 4 : i32
      %add3A_225 = arith.addi %add3A_203, %add3A_224 : i32
      %le3A_226 = arith.constant 499 : i32
      %le3A_227 = arith.cmpi sle, %add3A_225, %le3A_226 : i32
      %and3A_228 = arith.andi %ge3A_223, %le3A_227 : i1
      %convert_element_type3A_229 = arith.extui %and3A_228 : i1 to i32
      %cond3A_230 = arith.constant 0 : i32
      %cond3A_231 = arith.cmpi ne, %convert_element_type3A_229, %cond3A_230 : i32
      scf.if %cond3A_231 {
        %dma_wait3A_264 = arith.constant 0 : i32
        %dma_wait3A_265 = arith.constant 0 : i32
        %dma_wait3A_266 = tpu.memref_slice %arg32[%dma_wait3A_264, %dma_wait3A_265] : memref<10240x128xf32, #tpu.memory_space<vmem_shared>> -> memref<10240x128xf32, #tpu.memory_space<vmem_shared>>
        tpu.wait_indirect_dma semaphore(%arg29 : memref<!tpu.dma_semaphore, #tpu.memory_space<semaphore_mem>>) src(%arg8 : memref<40x128xf32, #tpu.memory_space<vmem>>) dst(%dma_wait3A_266 : memref<10240x128xf32, #tpu.memory_space<vmem_shared>>)
        %add3A_267 = arith.constant 5 : i32
        %add3A_268 = arith.addi %add3A_203, %add3A_267 : i32
        %sub3A = arith.constant 1 : i32
        %sub3A_269 = arith.subi %add3A_268, %sub3A : i32
        %mul3A_270 = arith.constant 40 : i32
        %mul3A_271 = arith.muli %sub3A_269, %mul3A_270 : i32
        %add3A_272 = arith.addi %mul3A_0, %mul3A_271 : i32
        %dma_start3A_273 = tpu.memref_slice %arg4[%add3A_272] : memref<320000xi32, #tpu.memory_space<hbm>> -> memref<40xi32, #tpu.memory_space<hbm>>
        %dma_start3A_274 = tpu.memref_slice %arg4[%add3A_272] : memref<320000xi32, #tpu.memory_space<hbm>> -> memref<40xi32, #tpu.memory_space<hbm>>
        tpu.enqueue_dma source(%dma_start3A_274 : memref<40xi32, #tpu.memory_space<hbm>>) target(%arg13 : memref<40xi32, #tpu.memory_space<vmem>>) target_semaphore(%arg19 : memref<!tpu.dma_semaphore, #tpu.memory_space<semaphore_mem>>)
        %mul3A_275 = arith.constant 40 : i32
        %mul3A_276 = arith.muli %sub3A_269, %mul3A_275 : i32
        %dma_start3A_277 = tpu.memref_slice %arg16[%mul3A_276] : memref<20000xi32, #tpu.memory_space<vmem>> -> memref<40xi32, #tpu.memory_space<vmem>>
        %dma_start3A_278 = arith.constant 0 : i32
        %dma_start3A_279 = arith.constant 0 : i32
        %dma_start3A_280 = tpu.memref_slice %arg2[%arg0, %dma_start3A_278, %dma_start3A_279] : memref<2x10000x128xf32, #tpu.memory_space<hbm>> -> memref<1x10000x128xf32, #tpu.memory_space<hbm>>
        %dma_start3A_281 = tpu.memref_squeeze %dma_start3A_280 : memref<1x10000x128xf32, #tpu.memory_space<hbm>> -> memref<10000x128xf32, #tpu.memory_space<hbm>>
        %dma_start3A_282 = arith.constant 0 : i32
        %dma_start3A_283 = arith.constant 0 : i32
        %dma_start3A_284 = tpu.memref_slice %dma_start3A_281[%dma_start3A_282, %dma_start3A_283] : memref<10000x128xf32, #tpu.memory_space<hbm>> -> memref<10000x128xf32, #tpu.memory_space<hbm>>
        tpu.enqueue_indirect_dma source(%dma_start3A_284 : memref<10000x128xf32, #tpu.memory_space<hbm>>) target(%arg8 : memref<40x128xf32, #tpu.memory_space<vmem>>) offsets(%dma_start3A_277 : memref<40xi32, #tpu.memory_space<vmem>>) semaphore(%arg24 : memref<!tpu.dma_semaphore, #tpu.memory_space<semaphore_mem>>)
      } else {
      }
      %mul3A_232 = arith.constant 5 : i32
      %mul3A_233 = arith.muli %add3A_108, %mul3A_232 : i32
      %add3A_234 = arith.constant 4 : i32
      %add3A_235 = arith.addi %mul3A_233, %add3A_234 : i32
      %mul3A_236 = arith.constant 40 : i32
      %mul3A_237 = arith.muli %add3A_235, %mul3A_236 : i32
      %add3A_238 = arith.addi %mul3A_0, %mul3A_237 : i32
      %dma_wait3A_239 = tpu.memref_slice %arg4[%add3A_238] : memref<320000xi32, #tpu.memory_space<hbm>> -> memref<40xi32, #tpu.memory_space<hbm>>
      %dma_wait3A_240 = tpu.memref_slice %arg4[%add3A_238] : memref<320000xi32, #tpu.memory_space<hbm>> -> memref<40xi32, #tpu.memory_space<hbm>>
      tpu.wait_dma2 semaphore(%arg21 : memref<!tpu.dma_semaphore, #tpu.memory_space<semaphore_mem>>) src(%dma_wait3A_240 : memref<40xi32, #tpu.memory_space<hbm>>) dst(%arg15 : memref<40xi32, #tpu.memory_space<vmem>>)
      %mul3A_241 = arith.constant 40 : i32
      %mul3A_242 = arith.muli %add3A_235, %mul3A_241 : i32
      %dma_wait3A_243 = tpu.memref_slice %arg16[%mul3A_242] : memref<20000xi32, #tpu.memory_space<vmem>> -> memref<40xi32, #tpu.memory_space<vmem>>
      %dma_wait3A_244 = arith.constant 0 : i32
      %dma_wait3A_245 = arith.constant 0 : i32
      %dma_wait3A_246 = tpu.memref_slice %arg2[%arg0, %dma_wait3A_244, %dma_wait3A_245] : memref<2x10000x128xf32, #tpu.memory_space<hbm>> -> memref<1x10000x128xf32, #tpu.memory_space<hbm>>
      %dma_wait3A_247 = tpu.memref_squeeze %dma_wait3A_246 : memref<1x10000x128xf32, #tpu.memory_space<hbm>> -> memref<10000x128xf32, #tpu.memory_space<hbm>>
      %dma_wait3A_248 = arith.constant 0 : i32
      %dma_wait3A_249 = arith.constant 0 : i32
      %dma_wait3A_250 = tpu.memref_slice %dma_wait3A_247[%dma_wait3A_248, %dma_wait3A_249] : memref<10000x128xf32, #tpu.memory_space<hbm>> -> memref<10000x128xf32, #tpu.memory_space<hbm>>
      tpu.wait_indirect_dma semaphore(%arg26 : memref<!tpu.dma_semaphore, #tpu.memory_space<semaphore_mem>>) src(%dma_wait3A_250 : memref<10000x128xf32, #tpu.memory_space<hbm>>) dst(%arg10 : memref<40x128xf32, #tpu.memory_space<vmem>>)
      %dma_start3A_251 = arith.constant 0 : i32
      %dma_start3A_252 = arith.constant 0 : i32
      %dma_start3A_253 = tpu.memref_slice %arg32[%dma_start3A_251, %dma_start3A_252] : memref<10240x128xf32, #tpu.memory_space<vmem_shared>> -> memref<10240x128xf32, #tpu.memory_space<vmem_shared>>
      tpu.enqueue_indirect_dma source(%arg10 : memref<40x128xf32, #tpu.memory_space<vmem>>) target(%dma_start3A_253 : memref<10240x128xf32, #tpu.memory_space<vmem_shared>>) offsets(%arg15 : memref<40xi32, #tpu.memory_space<vmem>>) semaphore(%arg31 : memref<!tpu.dma_semaphore, #tpu.memory_space<semaphore_mem>>) {add = true}
      %ge3A_254 = arith.constant 1 : i32
      %ge3A_255 = arith.cmpi sge, %add3A_235, %ge3A_254 : i32
      %add3A_256 = arith.constant 4 : i32
      %add3A_257 = arith.addi %add3A_235, %add3A_256 : i32
      %le3A_258 = arith.constant 499 : i32
      %le3A_259 = arith.cmpi sle, %add3A_257, %le3A_258 : i32
      %and3A_260 = arith.andi %ge3A_255, %le3A_259 : i1
      %convert_element_type3A_261 = arith.extui %and3A_260 : i1 to i32
      %cond3A_262 = arith.constant 0 : i32
      %cond3A_263 = arith.cmpi ne, %convert_element_type3A_261, %cond3A_262 : i32
      scf.if %cond3A_263 {
        %dma_wait3A_264 = arith.constant 0 : i32
        %dma_wait3A_265 = arith.constant 0 : i32
        %dma_wait3A_266 = tpu.memref_slice %arg32[%dma_wait3A_264, %dma_wait3A_265] : memref<10240x128xf32, #tpu.memory_space<vmem_shared>> -> memref<10240x128xf32, #tpu.memory_space<vmem_shared>>
        tpu.wait_indirect_dma semaphore(%arg30 : memref<!tpu.dma_semaphore, #tpu.memory_space<semaphore_mem>>) src(%arg9 : memref<40x128xf32, #tpu.memory_space<vmem>>) dst(%dma_wait3A_266 : memref<10240x128xf32, #tpu.memory_space<vmem_shared>>)
        %add3A_267 = arith.constant 5 : i32
        %add3A_268 = arith.addi %add3A_235, %add3A_267 : i32
        %sub3A = arith.constant 1 : i32
        %sub3A_269 = arith.subi %add3A_268, %sub3A : i32
        %mul3A_270 = arith.constant 40 : i32
        %mul3A_271 = arith.muli %sub3A_269, %mul3A_270 : i32
        %add3A_272 = arith.addi %mul3A_0, %mul3A_271 : i32
        %dma_start3A_273 = tpu.memref_slice %arg4[%add3A_272] : memref<320000xi32, #tpu.memory_space<hbm>> -> memref<40xi32, #tpu.memory_space<hbm>>
        %dma_start3A_274 = tpu.memref_slice %arg4[%add3A_272] : memref<320000xi32, #tpu.memory_space<hbm>> -> memref<40xi32, #tpu.memory_space<hbm>>
        tpu.enqueue_dma source(%dma_start3A_274 : memref<40xi32, #tpu.memory_space<hbm>>) target(%arg14 : memref<40xi32, #tpu.memory_space<vmem>>) target_semaphore(%arg20 : memref<!tpu.dma_semaphore, #tpu.memory_space<semaphore_mem>>)
        %mul3A_275 = arith.constant 40 : i32
        %mul3A_276 = arith.muli %sub3A_269, %mul3A_275 : i32
        %dma_start3A_277 = tpu.memref_slice %arg16[%mul3A_276] : memref<20000xi32, #tpu.memory_space<vmem>> -> memref<40xi32, #tpu.memory_space<vmem>>
        %dma_start3A_278 = arith.constant 0 : i32
        %dma_start3A_279 = arith.constant 0 : i32
        %dma_start3A_280 = tpu.memref_slice %arg2[%arg0, %dma_start3A_278, %dma_start3A_279] : memref<2x10000x128xf32, #tpu.memory_space<hbm>> -> memref<1x10000x128xf32, #tpu.memory_space<hbm>>
        %dma_start3A_281 = tpu.memref_squeeze %dma_start3A_280 : memref<1x10000x128xf32, #tpu.memory_space<hbm>> -> memref<10000x128xf32, #tpu.memory_space<hbm>>
        %dma_start3A_282 = arith.constant 0 : i32
        %dma_start3A_283 = arith.constant 0 : i32
        %dma_start3A_284 = tpu.memref_slice %dma_start3A_281[%dma_start3A_282, %dma_start3A_283] : memref<10000x128xf32, #tpu.memory_space<hbm>> -> memref<10000x128xf32, #tpu.memory_space<hbm>>
        tpu.enqueue_indirect_dma source(%dma_start3A_284 : memref<10000x128xf32, #tpu.memory_space<hbm>>) target(%arg9 : memref<40x128xf32, #tpu.memory_space<vmem>>) offsets(%dma_start3A_277 : memref<40xi32, #tpu.memory_space<vmem>>) semaphore(%arg25 : memref<!tpu.dma_semaphore, #tpu.memory_space<semaphore_mem>>)
      } else {
      }
    }
    %scan3A_87 = arith.constant 100 : i32
    %dma_wait3A_88 = arith.constant 0 : i32
    %dma_wait3A_89 = arith.constant 0 : i32
    %dma_wait3A_90 = tpu.memref_slice %arg32[%dma_wait3A_88, %dma_wait3A_89] : memref<10240x128xf32, #tpu.memory_space<vmem_shared>> -> memref<10240x128xf32, #tpu.memory_space<vmem_shared>>
    tpu.wait_indirect_dma semaphore(%arg27 : memref<!tpu.dma_semaphore, #tpu.memory_space<semaphore_mem>>) src(%arg6 : memref<40x128xf32, #tpu.memory_space<vmem>>) dst(%dma_wait3A_90 : memref<10240x128xf32, #tpu.memory_space<vmem_shared>>)
    %dma_wait3A_91 = arith.constant 0 : i32
    %dma_wait3A_92 = arith.constant 0 : i32
    %dma_wait3A_93 = tpu.memref_slice %arg32[%dma_wait3A_91, %dma_wait3A_92] : memref<10240x128xf32, #tpu.memory_space<vmem_shared>> -> memref<10240x128xf32, #tpu.memory_space<vmem_shared>>
    tpu.wait_indirect_dma semaphore(%arg28 : memref<!tpu.dma_semaphore, #tpu.memory_space<semaphore_mem>>) src(%arg7 : memref<40x128xf32, #tpu.memory_space<vmem>>) dst(%dma_wait3A_93 : memref<10240x128xf32, #tpu.memory_space<vmem_shared>>)
    %dma_wait3A_94 = arith.constant 0 : i32
    %dma_wait3A_95 = arith.constant 0 : i32
    %dma_wait3A_96 = tpu.memref_slice %arg32[%dma_wait3A_94, %dma_wait3A_95] : memref<10240x128xf32, #tpu.memory_space<vmem_shared>> -> memref<10240x128xf32, #tpu.memory_space<vmem_shared>>
    tpu.wait_indirect_dma semaphore(%arg29 : memref<!tpu.dma_semaphore, #tpu.memory_space<semaphore_mem>>) src(%arg8 : memref<40x128xf32, #tpu.memory_space<vmem>>) dst(%dma_wait3A_96 : memref<10240x128xf32, #tpu.memory_space<vmem_shared>>)
    %dma_wait3A_97 = arith.constant 0 : i32
    %dma_wait3A_98 = arith.constant 0 : i32
    %dma_wait3A_99 = tpu.memref_slice %arg32[%dma_wait3A_97, %dma_wait3A_98] : memref<10240x128xf32, #tpu.memory_space<vmem_shared>> -> memref<10240x128xf32, #tpu.memory_space<vmem_shared>>
    tpu.wait_indirect_dma semaphore(%arg30 : memref<!tpu.dma_semaphore, #tpu.memory_space<semaphore_mem>>) src(%arg9 : memref<40x128xf32, #tpu.memory_space<vmem>>) dst(%dma_wait3A_99 : memref<10240x128xf32, #tpu.memory_space<vmem_shared>>)
    %dma_wait3A_100 = arith.constant 0 : i32
    %dma_wait3A_101 = arith.constant 0 : i32
    %dma_wait3A_102 = tpu.memref_slice %arg32[%dma_wait3A_100, %dma_wait3A_101] : memref<10240x128xf32, #tpu.memory_space<vmem_shared>> -> memref<10240x128xf32, #tpu.memory_space<vmem_shared>>
    tpu.wait_indirect_dma semaphore(%arg31 : memref<!tpu.dma_semaphore, #tpu.memory_space<semaphore_mem>>) src(%arg10 : memref<40x128xf32, #tpu.memory_space<vmem>>) dst(%dma_wait3A_102 : memref<10240x128xf32, #tpu.memory_space<vmem_shared>>)
    %barrier3A_103 = arith.constant 0 : index
    tpu.barrier barrier_id(%barrier3A_103)
    "tpu.region"() ({
      %run_scoped3A = tpu.sem_alloc : memref<!tpu.dma_semaphore, #tpu.memory_space<semaphore_mem>>
      %dma_start3A_104 = arith.constant 0 : i32
      %dma_start3A_105 = arith.constant 0 : i32
      %dma_start3A_106 = tpu.memref_slice %arg5[%arg0, %dma_start3A_104, %dma_start3A_105] : memref<2x10240x128xf32, #tpu.memory_space<hbm>> -> memref<1x10240x128xf32, #tpu.memory_space<hbm>>
      %dma_start3A_107 = tpu.memref_squeeze %dma_start3A_106 : memref<1x10240x128xf32, #tpu.memory_space<hbm>> -> memref<10240x128xf32, #tpu.memory_space<hbm>>
      %dma_start3A_108 = arith.constant 0 : i32
      %dma_start3A_109 = tpu.memref_slice %dma_start3A_107[%mul3A_7, %dma_start3A_108] : memref<10240x128xf32, #tpu.memory_space<hbm>> -> memref<640x128xf32, #tpu.memory_space<hbm>>
      %dma_start3A_110 = arith.constant 0 : i32
      %dma_start3A_111 = tpu.memref_slice %arg32[%mul3A_7, %dma_start3A_110] : memref<10240x128xf32, #tpu.memory_space<vmem_shared>> -> memref<640x128xf32, #tpu.memory_space<vmem_shared>>
      tpu.enqueue_dma source(%dma_start3A_111 : memref<640x128xf32, #tpu.memory_space<vmem_shared>>) target(%dma_start3A_109 : memref<640x128xf32, #tpu.memory_space<hbm>>) target_semaphore(%run_scoped3A : memref<!tpu.dma_semaphore, #tpu.memory_space<semaphore_mem>>)
      %dma_wait3A_112 = arith.constant 0 : i32
      %dma_wait3A_113 = arith.constant 0 : i32
      %dma_wait3A_114 = tpu.memref_slice %arg5[%arg0, %dma_wait3A_112, %dma_wait3A_113] : memref<2x10240x128xf32, #tpu.memory_space<hbm>> -> memref<1x10240x128xf32, #tpu.memory_space<hbm>>
      %dma_wait3A_115 = tpu.memref_squeeze %dma_wait3A_114 : memref<1x10240x128xf32, #tpu.memory_space<hbm>> -> memref<10240x128xf32, #tpu.memory_space<hbm>>
      %dma_wait3A_116 = arith.constant 0 : i32
      %dma_wait3A_117 = tpu.memref_slice %dma_wait3A_115[%mul3A_7, %dma_wait3A_116] : memref<10240x128xf32, #tpu.memory_space<hbm>> -> memref<640x128xf32, #tpu.memory_space<hbm>>
      %dma_wait3A_118 = arith.constant 0 : i32
      %dma_wait3A_119 = tpu.memref_slice %arg32[%mul3A_7, %dma_wait3A_118] : memref<10240x128xf32, #tpu.memory_space<vmem_shared>> -> memref<640x128xf32, #tpu.memory_space<vmem_shared>>
      tpu.wait_dma2 semaphore(%run_scoped3A : memref<!tpu.dma_semaphore, #tpu.memory_space<semaphore_mem>>) src(%dma_wait3A_119 : memref<640x128xf32, #tpu.memory_space<vmem_shared>>) dst(%dma_wait3A_117 : memref<640x128xf32, #tpu.memory_space<hbm>>)
      tpu.yield
    }) : () -> ()
    return
  }
}

#map = affine_map<(d0, d1) -> (0)>
#map1 = affine_map<(d0, d1) -> (0, 0)>
module attributes {stable_mosaic.version = 14 : i64} {
  func.func @_deg_kernel(%arg0: i32, %arg1: i32, %arg2: memref<320000xi32, #tpu.memory_space<hbm>>, %arg3: memref<2x10240xf32, #tpu.memory_space<hbm>>, %arg4: memref<80xi32, #tpu.memory_space<vmem>>, %arg5: memref<80xi32, #tpu.memory_space<vmem>>, %arg6: memref<80xi32, #tpu.memory_space<vmem>>, %arg7: memref<80xi32, #tpu.memory_space<vmem>>, %arg8: memref<80xi32, #tpu.memory_space<vmem>>, %arg9: memref<80xf32, #tpu.memory_space<vmem>>, %arg10: memref<640xf32, #tpu.memory_space<vmem>>, %arg11: memref<!tpu.dma_semaphore, #tpu.memory_space<semaphore_mem>>, %arg12: memref<!tpu.dma_semaphore, #tpu.memory_space<semaphore_mem>>, %arg13: memref<!tpu.dma_semaphore, #tpu.memory_space<semaphore_mem>>, %arg14: memref<!tpu.dma_semaphore, #tpu.memory_space<semaphore_mem>>, %arg15: memref<!tpu.dma_semaphore, #tpu.memory_space<semaphore_mem>>, %arg16: memref<!tpu.dma_semaphore, #tpu.memory_space<semaphore_mem>>, %arg17: memref<!tpu.dma_semaphore, #tpu.memory_space<semaphore_mem>>, %arg18: memref<!tpu.dma_semaphore, #tpu.memory_space<semaphore_mem>>, %arg19: memref<!tpu.dma_semaphore, #tpu.memory_space<semaphore_mem>>, %arg20: memref<!tpu.dma_semaphore, #tpu.memory_space<semaphore_mem>>, %arg21: memref<10240xf32, #tpu.memory_space<vmem_shared>>) attributes {dimension_semantics = [#tpu.dimension_semantics<core_parallel>, #tpu.dimension_semantics<subcore_parallel>], iteration_bounds = array<i64: 2, 16>, scalar_prefetch = 0 : i64, scratch_operands = 18 : i64, tpu.core_type = #tpu.core_type<sc_vector_subcore>, window_params = [{transform_indices = #map}, {transform_indices = #map1}]} {
    %mul3A = arith.constant 16 : i32
    %mul3A_0 = arith.muli %arg0, %mul3A : i32
    %add3A = arith.addi %mul3A_0, %arg1 : i32
    %mul3A_1 = arith.constant 10000 : i32
    %mul3A_2 = arith.muli %add3A, %mul3A_1 : i32
    %scan3A = arith.constant 0 : i32
    %scan3A_3 = arith.constant 40 : i32
    %scan3A_4 = arith.addi %scan3A, %scan3A_3 : i32
    %scan3A_5 = arith.constant 1 : i32
    scf.for %scan3A_52 = %scan3A to %scan3A_4 step %scan3A_5  : i32 {
      %mul3A_53 = arith.constant 1 : i32
      %mul3A_54 = arith.muli %scan3A_52, %mul3A_53 : i32
      %add3A_55 = arith.constant 0 : i32
      %add3A_56 = arith.addi %add3A_55, %mul3A_54 : i32
      %broadcast_in_dim3A = arith.constant 0.000000e+00 : f32
      %broadcast_in_dim3A_57 = vector.broadcast %broadcast_in_dim3A : f32 to vector<16xf32>
      %mul3A_58 = arith.constant 16 : i32
      %mul3A_59 = arith.muli %add3A_56, %mul3A_58 : i32
      %swap3A = arith.index_cast %mul3A_59 : i32 to index
      %swap3A_60 = tpu.vector_load %arg10[%swap3A] {strides = array<i32>} : memref<640xf32, #tpu.memory_space<vmem>>, vector<16xf32>,
      %swap3A_61 = vector.shape_cast %swap3A_60 : vector<16xf32> to vector<16xf32>
      %swap3A_62 = vector.shape_cast %broadcast_in_dim3A_57 : vector<16xf32> to vector<16xf32>
      tpu.vector_store %arg10[%swap3A], %swap3A_62 {strides = array<i32>} : memref<640xf32, #tpu.memory_space<vmem>>, vector<16xf32>,
    }
    %scan3A_6 = arith.constant 40 : i32
    %scan3A_7 = arith.constant 0 : i32
    %scan3A_8 = arith.constant 5 : i32
    %scan3A_9 = arith.addi %scan3A_7, %scan3A_8 : i32
    %scan3A_10 = arith.constant 1 : i32
    scf.for %scan3A_52 = %scan3A_7 to %scan3A_9 step %scan3A_10  : i32 {
      %mul3A_53 = arith.constant 1 : i32
      %mul3A_54 = arith.muli %scan3A_52, %mul3A_53 : i32
      %add3A_55 = arith.constant 0 : i32
      %add3A_56 = arith.addi %add3A_55, %mul3A_54 : i32
      %broadcast_in_dim3A = arith.constant 1.000000e+00 : f32
      %broadcast_in_dim3A_57 = vector.broadcast %broadcast_in_dim3A : f32 to vector<16xf32>
      %mul3A_58 = arith.constant 16 : i32
      %mul3A_59 = arith.muli %add3A_56, %mul3A_58 : i32
      %swap3A = arith.index_cast %mul3A_59 : i32 to index
      %swap3A_60 = tpu.vector_load %arg9[%swap3A] {strides = array<i32>} : memref<80xf32, #tpu.memory_space<vmem>>, vector<16xf32>,
      %swap3A_61 = vector.shape_cast %swap3A_60 : vector<16xf32> to vector<16xf32>
      %swap3A_62 = vector.shape_cast %broadcast_in_dim3A_57 : vector<16xf32> to vector<16xf32>
      tpu.vector_store %arg9[%swap3A], %swap3A_62 {strides = array<i32>} : memref<80xf32, #tpu.memory_space<vmem>>, vector<16xf32>,
    }
    %scan3A_11 = arith.constant 5 : i32
    %mul3A_12 = arith.constant 640 : i32
    %mul3A_13 = arith.muli %arg1, %mul3A_12 : i32
    "tpu.region"() ({
      %run_scoped3A = tpu.sem_alloc : memref<!tpu.dma_semaphore, #tpu.memory_space<semaphore_mem>>
      %dma_start3A_52 = tpu.memref_slice %arg21[%mul3A_13] : memref<10240xf32, #tpu.memory_space<vmem_shared>> -> memref<640xf32, #tpu.memory_space<vmem_shared>>
      %dma_start3A_53 = tpu.memref_slice %arg21[%mul3A_13] : memref<10240xf32, #tpu.memory_space<vmem_shared>> -> memref<640xf32, #tpu.memory_space<vmem_shared>>
      tpu.enqueue_dma source(%arg10 : memref<640xf32, #tpu.memory_space<vmem>>) target(%dma_start3A_53 : memref<640xf32, #tpu.memory_space<vmem_shared>>) target_semaphore(%run_scoped3A : memref<!tpu.dma_semaphore, #tpu.memory_space<semaphore_mem>>)
      %dma_wait3A_54 = tpu.memref_slice %arg21[%mul3A_13] : memref<10240xf32, #tpu.memory_space<vmem_shared>> -> memref<640xf32, #tpu.memory_space<vmem_shared>>
      %dma_wait3A_55 = tpu.memref_slice %arg21[%mul3A_13] : memref<10240xf32, #tpu.memory_space<vmem_shared>> -> memref<640xf32, #tpu.memory_space<vmem_shared>>
      tpu.wait_dma2 semaphore(%run_scoped3A : memref<!tpu.dma_semaphore, #tpu.memory_space<semaphore_mem>>) src(%arg10 : memref<640xf32, #tpu.memory_space<vmem>>) dst(%dma_wait3A_55 : memref<640xf32, #tpu.memory_space<vmem_shared>>)
      tpu.yield
    }) : () -> ()
    %barrier3A = arith.constant 0 : index
    tpu.barrier barrier_id(%barrier3A)
    %add3A_14 = arith.constant 0 : i32
    %add3A_15 = arith.addi %mul3A_2, %add3A_14 : i32
    %dma_start3A = tpu.memref_slice %arg2[%add3A_15] : memref<320000xi32, #tpu.memory_space<hbm>> -> memref<80xi32, #tpu.memory_space<hbm>>
    %dma_start3A_16 = tpu.memref_slice %arg2[%add3A_15] : memref<320000xi32, #tpu.memory_space<hbm>> -> memref<80xi32, #tpu.memory_space<hbm>>
    tpu.enqueue_dma source(%dma_start3A_16 : memref<80xi32, #tpu.memory_space<hbm>>) target(%arg4 : memref<80xi32, #tpu.memory_space<vmem>>) target_semaphore(%arg11 : memref<!tpu.dma_semaphore, #tpu.memory_space<semaphore_mem>>)
    %add3A_17 = arith.constant 80 : i32
    %add3A_18 = arith.addi %mul3A_2, %add3A_17 : i32
    %dma_start3A_19 = tpu.memref_slice %arg2[%add3A_18] : memref<320000xi32, #tpu.memory_space<hbm>> -> memref<80xi32, #tpu.memory_space<hbm>>
    %dma_start3A_20 = tpu.memref_slice %arg2[%add3A_18] : memref<320000xi32, #tpu.memory_space<hbm>> -> memref<80xi32, #tpu.memory_space<hbm>>
    tpu.enqueue_dma source(%dma_start3A_20 : memref<80xi32, #tpu.memory_space<hbm>>) target(%arg5 : memref<80xi32, #tpu.memory_space<vmem>>) target_semaphore(%arg12 : memref<!tpu.dma_semaphore, #tpu.memory_space<semaphore_mem>>)
    %add3A_21 = arith.constant 160 : i32
    %add3A_22 = arith.addi %mul3A_2, %add3A_21 : i32
    %dma_start3A_23 = tpu.memref_slice %arg2[%add3A_22] : memref<320000xi32, #tpu.memory_space<hbm>> -> memref<80xi32, #tpu.memory_space<hbm>>
    %dma_start3A_24 = tpu.memref_slice %arg2[%add3A_22] : memref<320000xi32, #tpu.memory_space<hbm>> -> memref<80xi32, #tpu.memory_space<hbm>>
    tpu.enqueue_dma source(%dma_start3A_24 : memref<80xi32, #tpu.memory_space<hbm>>) target(%arg6 : memref<80xi32, #tpu.memory_space<vmem>>) target_semaphore(%arg13 : memref<!tpu.dma_semaphore, #tpu.memory_space<semaphore_mem>>)
    %add3A_25 = arith.constant 240 : i32
    %add3A_26 = arith.addi %mul3A_2, %add3A_25 : i32
    %dma_start3A_27 = tpu.memref_slice %arg2[%add3A_26] : memref<320000xi32, #tpu.memory_space<hbm>> -> memref<80xi32, #tpu.memory_space<hbm>>
    %dma_start3A_28 = tpu.memref_slice %arg2[%add3A_26] : memref<320000xi32, #tpu.memory_space<hbm>> -> memref<80xi32, #tpu.memory_space<hbm>>
    tpu.enqueue_dma source(%dma_start3A_28 : memref<80xi32, #tpu.memory_space<hbm>>) target(%arg7 : memref<80xi32, #tpu.memory_space<vmem>>) target_semaphore(%arg14 : memref<!tpu.dma_semaphore, #tpu.memory_space<semaphore_mem>>)
    %add3A_29 = arith.constant 320 : i32
    %add3A_30 = arith.addi %mul3A_2, %add3A_29 : i32
    %dma_start3A_31 = tpu.memref_slice %arg2[%add3A_30] : memref<320000xi32, #tpu.memory_space<hbm>> -> memref<80xi32, #tpu.memory_space<hbm>>
    %dma_start3A_32 = tpu.memref_slice %arg2[%add3A_30] : memref<320000xi32, #tpu.memory_space<hbm>> -> memref<80xi32, #tpu.memory_space<hbm>>
    tpu.enqueue_dma source(%dma_start3A_32 : memref<80xi32, #tpu.memory_space<hbm>>) target(%arg8 : memref<80xi32, #tpu.memory_space<vmem>>) target_semaphore(%arg15 : memref<!tpu.dma_semaphore, #tpu.memory_space<semaphore_mem>>)
    %scan3A_33 = arith.constant 0 : i32
    %scan3A_34 = arith.constant 25 : i32
    %scan3A_35 = arith.addi %scan3A_33, %scan3A_34 : i32
    %scan3A_36 = arith.constant 1 : i32
    scf.for %scan3A_52 = %scan3A_33 to %scan3A_35 step %scan3A_36  : i32 {
      %mul3A_53 = arith.constant 1 : i32
      %mul3A_54 = arith.muli %scan3A_52, %mul3A_53 : i32
      %add3A_55 = arith.constant 0 : i32
      %add3A_56 = arith.addi %add3A_55, %mul3A_54 : i32
      %mul3A_57 = arith.constant 5 : i32
      %mul3A_58 = arith.muli %add3A_56, %mul3A_57 : i32
      %add3A_59 = arith.constant 0 : i32
      %add3A_60 = arith.addi %mul3A_58, %add3A_59 : i32
      %mul3A_61 = arith.constant 80 : i32
      %mul3A_62 = arith.muli %add3A_60, %mul3A_61 : i32
      %add3A_63 = arith.addi %mul3A_2, %mul3A_62 : i32
      %dma_wait3A_64 = tpu.memref_slice %arg2[%add3A_63] : memref<320000xi32, #tpu.memory_space<hbm>> -> memref<80xi32, #tpu.memory_space<hbm>>
      %dma_wait3A_65 = tpu.memref_slice %arg2[%add3A_63] : memref<320000xi32, #tpu.memory_space<hbm>> -> memref<80xi32, #tpu.memory_space<hbm>>
      tpu.wait_dma2 semaphore(%arg11 : memref<!tpu.dma_semaphore, #tpu.memory_space<semaphore_mem>>) src(%dma_wait3A_65 : memref<80xi32, #tpu.memory_space<hbm>>) dst(%arg4 : memref<80xi32, #tpu.memory_space<vmem>>)
      %dma_start3A_66 = arith.constant 0 : i32
      %dma_start3A_67 = tpu.memref_slice %arg21[%dma_start3A_66] : memref<10240xf32, #tpu.memory_space<vmem_shared>> -> memref<10240xf32, #tpu.memory_space<vmem_shared>>
      tpu.enqueue_indirect_dma source(%arg9 : memref<80xf32, #tpu.memory_space<vmem>>) target(%dma_start3A_67 : memref<10240xf32, #tpu.memory_space<vmem_shared>>) offsets(%arg4 : memref<80xi32, #tpu.memory_space<vmem>>) semaphore(%arg16 : memref<!tpu.dma_semaphore, #tpu.memory_space<semaphore_mem>>) {add = true}
      %ge3A = arith.constant 1 : i32
      %ge3A_68 = arith.cmpi sge, %add3A_60, %ge3A : i32
      %add3A_69 = arith.constant 4 : i32
      %add3A_70 = arith.addi %add3A_60, %add3A_69 : i32
      %le3A = arith.constant 124 : i32
      %le3A_71 = arith.cmpi sle, %add3A_70, %le3A : i32
      %and3A = arith.andi %ge3A_68, %le3A_71 : i1
      %convert_element_type3A = arith.extui %and3A : i1 to i32
      %cond3A = arith.constant 0 : i32
      %cond3A_72 = arith.cmpi ne, %convert_element_type3A, %cond3A : i32
      scf.if %cond3A_72 {
        %dma_wait3A_157 = arith.constant 0 : i32
        %dma_wait3A_158 = tpu.memref_slice %arg21[%dma_wait3A_157] : memref<10240xf32, #tpu.memory_space<vmem_shared>> -> memref<10240xf32, #tpu.memory_space<vmem_shared>>
        tpu.wait_indirect_dma semaphore(%arg20 : memref<!tpu.dma_semaphore, #tpu.memory_space<semaphore_mem>>) src(%arg9 : memref<80xf32, #tpu.memory_space<vmem>>) dst(%dma_wait3A_158 : memref<10240xf32, #tpu.memory_space<vmem_shared>>)
        %add3A_159 = arith.constant 5 : i32
        %add3A_160 = arith.addi %add3A_60, %add3A_159 : i32
        %sub3A = arith.constant 1 : i32
        %sub3A_161 = arith.subi %add3A_160, %sub3A : i32
        %mul3A_162 = arith.constant 80 : i32
        %mul3A_163 = arith.muli %sub3A_161, %mul3A_162 : i32
        %add3A_164 = arith.addi %mul3A_2, %mul3A_163 : i32
        %dma_start3A_165 = tpu.memref_slice %arg2[%add3A_164] : memref<320000xi32, #tpu.memory_space<hbm>> -> memref<80xi32, #tpu.memory_space<hbm>>
        %dma_start3A_166 = tpu.memref_slice %arg2[%add3A_164] : memref<320000xi32, #tpu.memory_space<hbm>> -> memref<80xi32, #tpu.memory_space<hbm>>
        tpu.enqueue_dma source(%dma_start3A_166 : memref<80xi32, #tpu.memory_space<hbm>>) target(%arg8 : memref<80xi32, #tpu.memory_space<vmem>>) target_semaphore(%arg15 : memref<!tpu.dma_semaphore, #tpu.memory_space<semaphore_mem>>)
      } else {
      }
      %mul3A_73 = arith.constant 5 : i32
      %mul3A_74 = arith.muli %add3A_56, %mul3A_73 : i32
      %add3A_75 = arith.constant 1 : i32
      %add3A_76 = arith.addi %mul3A_74, %add3A_75 : i32
      %mul3A_77 = arith.constant 80 : i32
      %mul3A_78 = arith.muli %add3A_76, %mul3A_77 : i32
      %add3A_79 = arith.addi %mul3A_2, %mul3A_78 : i32
      %dma_wait3A_80 = tpu.memref_slice %arg2[%add3A_79] : memref<320000xi32, #tpu.memory_space<hbm>> -> memref<80xi32, #tpu.memory_space<hbm>>
      %dma_wait3A_81 = tpu.memref_slice %arg2[%add3A_79] : memref<320000xi32, #tpu.memory_space<hbm>> -> memref<80xi32, #tpu.memory_space<hbm>>
      tpu.wait_dma2 semaphore(%arg12 : memref<!tpu.dma_semaphore, #tpu.memory_space<semaphore_mem>>) src(%dma_wait3A_81 : memref<80xi32, #tpu.memory_space<hbm>>) dst(%arg5 : memref<80xi32, #tpu.memory_space<vmem>>)
      %dma_start3A_82 = arith.constant 0 : i32
      %dma_start3A_83 = tpu.memref_slice %arg21[%dma_start3A_82] : memref<10240xf32, #tpu.memory_space<vmem_shared>> -> memref<10240xf32, #tpu.memory_space<vmem_shared>>
      tpu.enqueue_indirect_dma source(%arg9 : memref<80xf32, #tpu.memory_space<vmem>>) target(%dma_start3A_83 : memref<10240xf32, #tpu.memory_space<vmem_shared>>) offsets(%arg5 : memref<80xi32, #tpu.memory_space<vmem>>) semaphore(%arg17 : memref<!tpu.dma_semaphore, #tpu.memory_space<semaphore_mem>>) {add = true}
      %ge3A_84 = arith.constant 1 : i32
      %ge3A_85 = arith.cmpi sge, %add3A_76, %ge3A_84 : i32
      %add3A_86 = arith.constant 4 : i32
      %add3A_87 = arith.addi %add3A_76, %add3A_86 : i32
      %le3A_88 = arith.constant 124 : i32
      %le3A_89 = arith.cmpi sle, %add3A_87, %le3A_88 : i32
      %and3A_90 = arith.andi %ge3A_85, %le3A_89 : i1
      %convert_element_type3A_91 = arith.extui %and3A_90 : i1 to i32
      %cond3A_92 = arith.constant 0 : i32
      %cond3A_93 = arith.cmpi ne, %convert_element_type3A_91, %cond3A_92 : i32
      scf.if %cond3A_93 {
        %dma_wait3A_157 = arith.constant 0 : i32
        %dma_wait3A_158 = tpu.memref_slice %arg21[%dma_wait3A_157] : memref<10240xf32, #tpu.memory_space<vmem_shared>> -> memref<10240xf32, #tpu.memory_space<vmem_shared>>
        tpu.wait_indirect_dma semaphore(%arg16 : memref<!tpu.dma_semaphore, #tpu.memory_space<semaphore_mem>>) src(%arg9 : memref<80xf32, #tpu.memory_space<vmem>>) dst(%dma_wait3A_158 : memref<10240xf32, #tpu.memory_space<vmem_shared>>)
        %add3A_159 = arith.constant 5 : i32
        %add3A_160 = arith.addi %add3A_76, %add3A_159 : i32
        %sub3A = arith.constant 1 : i32
        %sub3A_161 = arith.subi %add3A_160, %sub3A : i32
        %mul3A_162 = arith.constant 80 : i32
        %mul3A_163 = arith.muli %sub3A_161, %mul3A_162 : i32
        %add3A_164 = arith.addi %mul3A_2, %mul3A_163 : i32
        %dma_start3A_165 = tpu.memref_slice %arg2[%add3A_164] : memref<320000xi32, #tpu.memory_space<hbm>> -> memref<80xi32, #tpu.memory_space<hbm>>
        %dma_start3A_166 = tpu.memref_slice %arg2[%add3A_164] : memref<320000xi32, #tpu.memory_space<hbm>> -> memref<80xi32, #tpu.memory_space<hbm>>
        tpu.enqueue_dma source(%dma_start3A_166 : memref<80xi32, #tpu.memory_space<hbm>>) target(%arg4 : memref<80xi32, #tpu.memory_space<vmem>>) target_semaphore(%arg11 : memref<!tpu.dma_semaphore, #tpu.memory_space<semaphore_mem>>)
      } else {
      }
      %mul3A_94 = arith.constant 5 : i32
      %mul3A_95 = arith.muli %add3A_56, %mul3A_94 : i32
      %add3A_96 = arith.constant 2 : i32
      %add3A_97 = arith.addi %mul3A_95, %add3A_96 : i32
      %mul3A_98 = arith.constant 80 : i32
      %mul3A_99 = arith.muli %add3A_97, %mul3A_98 : i32
      %add3A_100 = arith.addi %mul3A_2, %mul3A_99 : i32
      %dma_wait3A_101 = tpu.memref_slice %arg2[%add3A_100] : memref<320000xi32, #tpu.memory_space<hbm>> -> memref<80xi32, #tpu.memory_space<hbm>>
      %dma_wait3A_102 = tpu.memref_slice %arg2[%add3A_100] : memref<320000xi32, #tpu.memory_space<hbm>> -> memref<80xi32, #tpu.memory_space<hbm>>
      tpu.wait_dma2 semaphore(%arg13 : memref<!tpu.dma_semaphore, #tpu.memory_space<semaphore_mem>>) src(%dma_wait3A_102 : memref<80xi32, #tpu.memory_space<hbm>>) dst(%arg6 : memref<80xi32, #tpu.memory_space<vmem>>)
      %dma_start3A_103 = arith.constant 0 : i32
      %dma_start3A_104 = tpu.memref_slice %arg21[%dma_start3A_103] : memref<10240xf32, #tpu.memory_space<vmem_shared>> -> memref<10240xf32, #tpu.memory_space<vmem_shared>>
      tpu.enqueue_indirect_dma source(%arg9 : memref<80xf32, #tpu.memory_space<vmem>>) target(%dma_start3A_104 : memref<10240xf32, #tpu.memory_space<vmem_shared>>) offsets(%arg6 : memref<80xi32, #tpu.memory_space<vmem>>) semaphore(%arg18 : memref<!tpu.dma_semaphore, #tpu.memory_space<semaphore_mem>>) {add = true}
      %ge3A_105 = arith.constant 1 : i32
      %ge3A_106 = arith.cmpi sge, %add3A_97, %ge3A_105 : i32
      %add3A_107 = arith.constant 4 : i32
      %add3A_108 = arith.addi %add3A_97, %add3A_107 : i32
      %le3A_109 = arith.constant 124 : i32
      %le3A_110 = arith.cmpi sle, %add3A_108, %le3A_109 : i32
      %and3A_111 = arith.andi %ge3A_106, %le3A_110 : i1
      %convert_element_type3A_112 = arith.extui %and3A_111 : i1 to i32
      %cond3A_113 = arith.constant 0 : i32
      %cond3A_114 = arith.cmpi ne, %convert_element_type3A_112, %cond3A_113 : i32
      scf.if %cond3A_114 {
        %dma_wait3A_157 = arith.constant 0 : i32
        %dma_wait3A_158 = tpu.memref_slice %arg21[%dma_wait3A_157] : memref<10240xf32, #tpu.memory_space<vmem_shared>> -> memref<10240xf32, #tpu.memory_space<vmem_shared>>
        tpu.wait_indirect_dma semaphore(%arg17 : memref<!tpu.dma_semaphore, #tpu.memory_space<semaphore_mem>>) src(%arg9 : memref<80xf32, #tpu.memory_space<vmem>>) dst(%dma_wait3A_158 : memref<10240xf32, #tpu.memory_space<vmem_shared>>)
        %add3A_159 = arith.constant 5 : i32
        %add3A_160 = arith.addi %add3A_97, %add3A_159 : i32
        %sub3A = arith.constant 1 : i32
        %sub3A_161 = arith.subi %add3A_160, %sub3A : i32
        %mul3A_162 = arith.constant 80 : i32
        %mul3A_163 = arith.muli %sub3A_161, %mul3A_162 : i32
        %add3A_164 = arith.addi %mul3A_2, %mul3A_163 : i32
        %dma_start3A_165 = tpu.memref_slice %arg2[%add3A_164] : memref<320000xi32, #tpu.memory_space<hbm>> -> memref<80xi32, #tpu.memory_space<hbm>>
        %dma_start3A_166 = tpu.memref_slice %arg2[%add3A_164] : memref<320000xi32, #tpu.memory_space<hbm>> -> memref<80xi32, #tpu.memory_space<hbm>>
        tpu.enqueue_dma source(%dma_start3A_166 : memref<80xi32, #tpu.memory_space<hbm>>) target(%arg5 : memref<80xi32, #tpu.memory_space<vmem>>) target_semaphore(%arg12 : memref<!tpu.dma_semaphore, #tpu.memory_space<semaphore_mem>>)
      } else {
      }
      %mul3A_115 = arith.constant 5 : i32
      %mul3A_116 = arith.muli %add3A_56, %mul3A_115 : i32
      %add3A_117 = arith.constant 3 : i32
      %add3A_118 = arith.addi %mul3A_116, %add3A_117 : i32
      %mul3A_119 = arith.constant 80 : i32
      %mul3A_120 = arith.muli %add3A_118, %mul3A_119 : i32
      %add3A_121 = arith.addi %mul3A_2, %mul3A_120 : i32
      %dma_wait3A_122 = tpu.memref_slice %arg2[%add3A_121] : memref<320000xi32, #tpu.memory_space<hbm>> -> memref<80xi32, #tpu.memory_space<hbm>>
      %dma_wait3A_123 = tpu.memref_slice %arg2[%add3A_121] : memref<320000xi32, #tpu.memory_space<hbm>> -> memref<80xi32, #tpu.memory_space<hbm>>
      tpu.wait_dma2 semaphore(%arg14 : memref<!tpu.dma_semaphore, #tpu.memory_space<semaphore_mem>>) src(%dma_wait3A_123 : memref<80xi32, #tpu.memory_space<hbm>>) dst(%arg7 : memref<80xi32, #tpu.memory_space<vmem>>)
      %dma_start3A_124 = arith.constant 0 : i32
      %dma_start3A_125 = tpu.memref_slice %arg21[%dma_start3A_124] : memref<10240xf32, #tpu.memory_space<vmem_shared>> -> memref<10240xf32, #tpu.memory_space<vmem_shared>>
      tpu.enqueue_indirect_dma source(%arg9 : memref<80xf32, #tpu.memory_space<vmem>>) target(%dma_start3A_125 : memref<10240xf32, #tpu.memory_space<vmem_shared>>) offsets(%arg7 : memref<80xi32, #tpu.memory_space<vmem>>) semaphore(%arg19 : memref<!tpu.dma_semaphore, #tpu.memory_space<semaphore_mem>>) {add = true}
      %ge3A_126 = arith.constant 1 : i32
      %ge3A_127 = arith.cmpi sge, %add3A_118, %ge3A_126 : i32
      %add3A_128 = arith.constant 4 : i32
      %add3A_129 = arith.addi %add3A_118, %add3A_128 : i32
      %le3A_130 = arith.constant 124 : i32
      %le3A_131 = arith.cmpi sle, %add3A_129, %le3A_130 : i32
      %and3A_132 = arith.andi %ge3A_127, %le3A_131 : i1
      %convert_element_type3A_133 = arith.extui %and3A_132 : i1 to i32
      %cond3A_134 = arith.constant 0 : i32
      %cond3A_135 = arith.cmpi ne, %convert_element_type3A_133, %cond3A_134 : i32
      scf.if %cond3A_135 {
        %dma_wait3A_157 = arith.constant 0 : i32
        %dma_wait3A_158 = tpu.memref_slice %arg21[%dma_wait3A_157] : memref<10240xf32, #tpu.memory_space<vmem_shared>> -> memref<10240xf32, #tpu.memory_space<vmem_shared>>
        tpu.wait_indirect_dma semaphore(%arg18 : memref<!tpu.dma_semaphore, #tpu.memory_space<semaphore_mem>>) src(%arg9 : memref<80xf32, #tpu.memory_space<vmem>>) dst(%dma_wait3A_158 : memref<10240xf32, #tpu.memory_space<vmem_shared>>)
        %add3A_159 = arith.constant 5 : i32
        %add3A_160 = arith.addi %add3A_118, %add3A_159 : i32
        %sub3A = arith.constant 1 : i32
        %sub3A_161 = arith.subi %add3A_160, %sub3A : i32
        %mul3A_162 = arith.constant 80 : i32
        %mul3A_163 = arith.muli %sub3A_161, %mul3A_162 : i32
        %add3A_164 = arith.addi %mul3A_2, %mul3A_163 : i32
        %dma_start3A_165 = tpu.memref_slice %arg2[%add3A_164] : memref<320000xi32, #tpu.memory_space<hbm>> -> memref<80xi32, #tpu.memory_space<hbm>>
        %dma_start3A_166 = tpu.memref_slice %arg2[%add3A_164] : memref<320000xi32, #tpu.memory_space<hbm>> -> memref<80xi32, #tpu.memory_space<hbm>>
        tpu.enqueue_dma source(%dma_start3A_166 : memref<80xi32, #tpu.memory_space<hbm>>) target(%arg6 : memref<80xi32, #tpu.memory_space<vmem>>) target_semaphore(%arg13 : memref<!tpu.dma_semaphore, #tpu.memory_space<semaphore_mem>>)
      } else {
      }
      %mul3A_136 = arith.constant 5 : i32
      %mul3A_137 = arith.muli %add3A_56, %mul3A_136 : i32
      %add3A_138 = arith.constant 4 : i32
      %add3A_139 = arith.addi %mul3A_137, %add3A_138 : i32
      %mul3A_140 = arith.constant 80 : i32
      %mul3A_141 = arith.muli %add3A_139, %mul3A_140 : i32
      %add3A_142 = arith.addi %mul3A_2, %mul3A_141 : i32
      %dma_wait3A_143 = tpu.memref_slice %arg2[%add3A_142] : memref<320000xi32, #tpu.memory_space<hbm>> -> memref<80xi32, #tpu.memory_space<hbm>>
      %dma_wait3A_144 = tpu.memref_slice %arg2[%add3A_142] : memref<320000xi32, #tpu.memory_space<hbm>> -> memref<80xi32, #tpu.memory_space<hbm>>
      tpu.wait_dma2 semaphore(%arg15 : memref<!tpu.dma_semaphore, #tpu.memory_space<semaphore_mem>>) src(%dma_wait3A_144 : memref<80xi32, #tpu.memory_space<hbm>>) dst(%arg8 : memref<80xi32, #tpu.memory_space<vmem>>)
      %dma_start3A_145 = arith.constant 0 : i32
      %dma_start3A_146 = tpu.memref_slice %arg21[%dma_start3A_145] : memref<10240xf32, #tpu.memory_space<vmem_shared>> -> memref<10240xf32, #tpu.memory_space<vmem_shared>>
      tpu.enqueue_indirect_dma source(%arg9 : memref<80xf32, #tpu.memory_space<vmem>>) target(%dma_start3A_146 : memref<10240xf32, #tpu.memory_space<vmem_shared>>) offsets(%arg8 : memref<80xi32, #tpu.memory_space<vmem>>) semaphore(%arg20 : memref<!tpu.dma_semaphore, #tpu.memory_space<semaphore_mem>>) {add = true}
      %ge3A_147 = arith.constant 1 : i32
      %ge3A_148 = arith.cmpi sge, %add3A_139, %ge3A_147 : i32
      %add3A_149 = arith.constant 4 : i32
      %add3A_150 = arith.addi %add3A_139, %add3A_149 : i32
      %le3A_151 = arith.constant 124 : i32
      %le3A_152 = arith.cmpi sle, %add3A_150, %le3A_151 : i32
      %and3A_153 = arith.andi %ge3A_148, %le3A_152 : i1
      %convert_element_type3A_154 = arith.extui %and3A_153 : i1 to i32
      %cond3A_155 = arith.constant 0 : i32
      %cond3A_156 = arith.cmpi ne, %convert_element_type3A_154, %cond3A_155 : i32
      scf.if %cond3A_156 {
        %dma_wait3A_157 = arith.constant 0 : i32
        %dma_wait3A_158 = tpu.memref_slice %arg21[%dma_wait3A_157] : memref<10240xf32, #tpu.memory_space<vmem_shared>> -> memref<10240xf32, #tpu.memory_space<vmem_shared>>
        tpu.wait_indirect_dma semaphore(%arg19 : memref<!tpu.dma_semaphore, #tpu.memory_space<semaphore_mem>>) src(%arg9 : memref<80xf32, #tpu.memory_space<vmem>>) dst(%dma_wait3A_158 : memref<10240xf32, #tpu.memory_space<vmem_shared>>)
        %add3A_159 = arith.constant 5 : i32
        %add3A_160 = arith.addi %add3A_139, %add3A_159 : i32
        %sub3A = arith.constant 1 : i32
        %sub3A_161 = arith.subi %add3A_160, %sub3A : i32
        %mul3A_162 = arith.constant 80 : i32
        %mul3A_163 = arith.muli %sub3A_161, %mul3A_162 : i32
        %add3A_164 = arith.addi %mul3A_2, %mul3A_163 : i32
        %dma_start3A_165 = tpu.memref_slice %arg2[%add3A_164] : memref<320000xi32, #tpu.memory_space<hbm>> -> memref<80xi32, #tpu.memory_space<hbm>>
        %dma_start3A_166 = tpu.memref_slice %arg2[%add3A_164] : memref<320000xi32, #tpu.memory_space<hbm>> -> memref<80xi32, #tpu.memory_space<hbm>>
        tpu.enqueue_dma source(%dma_start3A_166 : memref<80xi32, #tpu.memory_space<hbm>>) target(%arg7 : memref<80xi32, #tpu.memory_space<vmem>>) target_semaphore(%arg14 : memref<!tpu.dma_semaphore, #tpu.memory_space<semaphore_mem>>)
      } else {
      }
    }
    %scan3A_37 = arith.constant 25 : i32
    %dma_wait3A = arith.constant 0 : i32
    %dma_wait3A_38 = tpu.memref_slice %arg21[%dma_wait3A] : memref<10240xf32, #tpu.memory_space<vmem_shared>> -> memref<10240xf32, #tpu.memory_space<vmem_shared>>
    tpu.wait_indirect_dma semaphore(%arg16 : memref<!tpu.dma_semaphore, #tpu.memory_space<semaphore_mem>>) src(%arg9 : memref<80xf32, #tpu.memory_space<vmem>>) dst(%dma_wait3A_38 : memref<10240xf32, #tpu.memory_space<vmem_shared>>)
    %dma_wait3A_39 = arith.constant 0 : i32
    %dma_wait3A_40 = tpu.memref_slice %arg21[%dma_wait3A_39] : memref<10240xf32, #tpu.memory_space<vmem_shared>> -> memref<10240xf32, #tpu.memory_space<vmem_shared>>
    tpu.wait_indirect_dma semaphore(%arg17 : memref<!tpu.dma_semaphore, #tpu.memory_space<semaphore_mem>>) src(%arg9 : memref<80xf32, #tpu.memory_space<vmem>>) dst(%dma_wait3A_40 : memref<10240xf32, #tpu.memory_space<vmem_shared>>)
    %dma_wait3A_41 = arith.constant 0 : i32
    %dma_wait3A_42 = tpu.memref_slice %arg21[%dma_wait3A_41] : memref<10240xf32, #tpu.memory_space<vmem_shared>> -> memref<10240xf32, #tpu.memory_space<vmem_shared>>
    tpu.wait_indirect_dma semaphore(%arg18 : memref<!tpu.dma_semaphore, #tpu.memory_space<semaphore_mem>>) src(%arg9 : memref<80xf32, #tpu.memory_space<vmem>>) dst(%dma_wait3A_42 : memref<10240xf32, #tpu.memory_space<vmem_shared>>)
    %dma_wait3A_43 = arith.constant 0 : i32
    %dma_wait3A_44 = tpu.memref_slice %arg21[%dma_wait3A_43] : memref<10240xf32, #tpu.memory_space<vmem_shared>> -> memref<10240xf32, #tpu.memory_space<vmem_shared>>
    tpu.wait_indirect_dma semaphore(%arg19 : memref<!tpu.dma_semaphore, #tpu.memory_space<semaphore_mem>>) src(%arg9 : memref<80xf32, #tpu.memory_space<vmem>>) dst(%dma_wait3A_44 : memref<10240xf32, #tpu.memory_space<vmem_shared>>)
    %dma_wait3A_45 = arith.constant 0 : i32
    %dma_wait3A_46 = tpu.memref_slice %arg21[%dma_wait3A_45] : memref<10240xf32, #tpu.memory_space<vmem_shared>> -> memref<10240xf32, #tpu.memory_space<vmem_shared>>
    tpu.wait_indirect_dma semaphore(%arg20 : memref<!tpu.dma_semaphore, #tpu.memory_space<semaphore_mem>>) src(%arg9 : memref<80xf32, #tpu.memory_space<vmem>>) dst(%dma_wait3A_46 : memref<10240xf32, #tpu.memory_space<vmem_shared>>)
    %barrier3A_47 = arith.constant 0 : index
    tpu.barrier barrier_id(%barrier3A_47)
    %mul3A_48 = arith.constant 640 : i32
    %mul3A_49 = arith.muli %arg1, %mul3A_48 : i32
    %mul3A_50 = arith.constant 640 : i32
    %mul3A_51 = arith.muli %arg1, %mul3A_50 : i32
    "tpu.region"() ({
      %run_scoped3A = tpu.sem_alloc : memref<!tpu.dma_semaphore, #tpu.memory_space<semaphore_mem>>
      %dma_start3A_52 = arith.constant 0 : i32
      %dma_start3A_53 = tpu.memref_slice %arg3[%arg0, %dma_start3A_52] : memref<2x10240xf32, #tpu.memory_space<hbm>> -> memref<1x10240xf32, #tpu.memory_space<hbm>>
      %dma_start3A_54 = tpu.memref_squeeze %dma_start3A_53 : memref<1x10240xf32, #tpu.memory_space<hbm>> -> memref<10240xf32, #tpu.memory_space<hbm>>
      %dma_start3A_55 = tpu.memref_slice %dma_start3A_54[%mul3A_51] : memref<10240xf32, #tpu.memory_space<hbm>> -> memref<640xf32, #tpu.memory_space<hbm>>
      %dma_start3A_56 = tpu.memref_slice %arg21[%mul3A_49] : memref<10240xf32, #tpu.memory_space<vmem_shared>> -> memref<640xf32, #tpu.memory_space<vmem_shared>>
      tpu.enqueue_dma source(%dma_start3A_56 : memref<640xf32, #tpu.memory_space<vmem_shared>>) target(%dma_start3A_55 : memref<640xf32, #tpu.memory_space<hbm>>) target_semaphore(%run_scoped3A : memref<!tpu.dma_semaphore, #tpu.memory_space<semaphore_mem>>)
      %dma_wait3A_57 = arith.constant 0 : i32
      %dma_wait3A_58 = tpu.memref_slice %arg3[%arg0, %dma_wait3A_57] : memref<2x10240xf32, #tpu.memory_space<hbm>> -> memref<1x10240xf32, #tpu.memory_space<hbm>>
      %dma_wait3A_59 = tpu.memref_squeeze %dma_wait3A_58 : memref<1x10240xf32, #tpu.memory_space<hbm>> -> memref<10240xf32, #tpu.memory_space<hbm>>
      %dma_wait3A_60 = tpu.memref_slice %dma_wait3A_59[%mul3A_51] : memref<10240xf32, #tpu.memory_space<hbm>> -> memref<640xf32, #tpu.memory_space<hbm>>
      %dma_wait3A_61 = tpu.memref_slice %arg21[%mul3A_49] : memref<10240xf32, #tpu.memory_space<vmem_shared>> -> memref<640xf32, #tpu.memory_space<vmem_shared>>
      tpu.wait_dma2 semaphore(%run_scoped3A : memref<!tpu.dma_semaphore, #tpu.memory_space<semaphore_mem>>) src(%dma_wait3A_61 : memref<640xf32, #tpu.memory_space<vmem_shared>>) dst(%dma_wait3A_60 : memref<640xf32, #tpu.memory_space<hbm>>)
      tpu.yield
    }) : () -> ()
    return
  }
}

#map = affine_map<(d0, d1) -> (0, 0, 0)>
#map1 = affine_map<(d0, d1) -> (0)>
module attributes {stable_mosaic.version = 14 : i64} {
  func.func @_scatter_kernel(%arg0: i32, %arg1: i32, %arg2: memref<2x10000x128xf32, #tpu.memory_space<hbm>>, %arg3: memref<320000xi32, #tpu.memory_space<hbm>>, %arg4: memref<320000xi32, #tpu.memory_space<hbm>>, %arg5: memref<2x10240x128xf32, #tpu.memory_space<hbm>>, %arg6: memref<40x128xf32, #tpu.memory_space<vmem>>, %arg7: memref<40x128xf32, #tpu.memory_space<vmem>>, %arg8: memref<40x128xf32, #tpu.memory_space<vmem>>, %arg9: memref<40x128xf32, #tpu.memory_space<vmem>>, %arg10: memref<40x128xf32, #tpu.memory_space<vmem>>, %arg11: memref<40xi32, #tpu.memory_space<vmem>>, %arg12: memref<40xi32, #tpu.memory_space<vmem>>, %arg13: memref<40xi32, #tpu.memory_space<vmem>>, %arg14: memref<40xi32, #tpu.memory_space<vmem>>, %arg15: memref<40xi32, #tpu.memory_space<vmem>>, %arg16: memref<20000xi32, #tpu.memory_space<vmem>>, %arg17: memref<!tpu.dma_semaphore, #tpu.memory_space<semaphore_mem>>, %arg18: memref<!tpu.dma_semaphore, #tpu.memory_space<semaphore_mem>>, %arg19: memref<!tpu.dma_semaphore, #tpu.memory_space<semaphore_mem>>, %arg20: memref<!tpu.dma_semaphore, #tpu.memory_space<semaphore_mem>>, %arg21: memref<!tpu.dma_semaphore, #tpu.memory_space<semaphore_mem>>, %arg22: memref<!tpu.dma_semaphore, #tpu.memory_space<semaphore_mem>>, %arg23: memref<!tpu.dma_semaphore, #tpu.memory_space<semaphore_mem>>, %arg24: memref<!tpu.dma_semaphore, #tpu.memory_space<semaphore_mem>>, %arg25: memref<!tpu.dma_semaphore, #tpu.memory_space<semaphore_mem>>, %arg26: memref<!tpu.dma_semaphore, #tpu.memory_space<semaphore_mem>>, %arg27: memref<!tpu.dma_semaphore, #tpu.memory_space<semaphore_mem>>, %arg28: memref<!tpu.dma_semaphore, #tpu.memory_space<semaphore_mem>>, %arg29: memref<!tpu.dma_semaphore, #tpu.memory_space<semaphore_mem>>, %arg30: memref<!tpu.dma_semaphore, #tpu.memory_space<semaphore_mem>>, %arg31: memref<!tpu.dma_semaphore, #tpu.memory_space<semaphore_mem>>, %arg32: memref<10240x128xf32, #tpu.memory_space<vmem_shared>>) attributes {dimension_semantics = [#tpu.dimension_semantics<core_parallel>, #tpu.dimension_semantics<subcore_parallel>], iteration_bounds = array<i64: 2, 16>, scalar_prefetch = 0 : i64, scratch_operands = 27 : i64, tpu.core_type = #tpu.core_type<sc_vector_subcore>, window_params = [{transform_indices = #map}, {transform_indices = #map1}, {transform_indices = #map1}, {transform_indices = #map}]} {
    %mul3A = arith.constant 20000 : i32
    %mul3A_0 = arith.muli %arg1, %mul3A : i32
    %dma_start3A = tpu.memref_slice %arg3[%mul3A_0] : memref<320000xi32, #tpu.memory_space<hbm>> -> memref<20000xi32, #tpu.memory_space<hbm>>
    %dma_start3A_1 = tpu.memref_slice %arg3[%mul3A_0] : memref<320000xi32, #tpu.memory_space<hbm>> -> memref<20000xi32, #tpu.memory_space<hbm>>
    tpu.enqueue_dma source(%dma_start3A_1 : memref<20000xi32, #tpu.memory_space<hbm>>) target(%arg16 : memref<20000xi32, #tpu.memory_space<vmem>>) target_semaphore(%arg22 : memref<!tpu.dma_semaphore, #tpu.memory_space<semaphore_mem>>)
    %scan3A = arith.constant 0 : i32
    %scan3A_2 = arith.constant 40 : i32
    %scan3A_3 = arith.addi %scan3A, %scan3A_2 : i32
    %scan3A_4 = arith.constant 1 : i32
    scf.for %scan3A_104 = %scan3A to %scan3A_3 step %scan3A_4  : i32 {
      %mul3A_105 = arith.constant 1 : i32
      %mul3A_106 = arith.muli %scan3A_104, %mul3A_105 : i32
      %add3A_107 = arith.constant 0 : i32
      %add3A_108 = arith.addi %add3A_107, %mul3A_106 : i32
      %scan3A_109 = arith.constant 0 : i32
      %scan3A_110 = arith.constant 8 : i32
      %scan3A_111 = arith.addi %scan3A_109, %scan3A_110 : i32
      %scan3A_112 = arith.constant 1 : i32
      scf.for %scan3A_114 = %scan3A_109 to %scan3A_111 step %scan3A_112  : i32 {
        %mul3A_115 = arith.constant 1 : i32
        %mul3A_116 = arith.muli %scan3A_114, %mul3A_115 : i32
        %add3A_117 = arith.constant 0 : i32
        %add3A_118 = arith.addi %add3A_117, %mul3A_116 : i32
        %broadcast_in_dim3A = arith.constant 0.000000e+00 : f32
        %broadcast_in_dim3A_119 = vector.broadcast %broadcast_in_dim3A : f32 to vector<16xf32>
        %mul3A_120 = arith.constant 16 : i32
        %mul3A_121 = arith.muli %add3A_118, %mul3A_120 : i32
        %swap3A = arith.index_cast %add3A_108 : i32 to index
        %swap3A_122 = arith.index_cast %mul3A_121 : i32 to index
        %swap3A_123 = tpu.vector_load %arg6[%swap3A, %swap3A_122] {strides = array<i32>} : memref<40x128xf32, #tpu.memory_space<vmem>>, vector<1x16xf32>,
        %swap3A_124 = vector.shape_cast %swap3A_123 : vector<1x16xf32> to vector<16xf32>
        %swap3A_125 = vector.shape_cast %broadcast_in_dim3A_119 : vector<16xf32> to vector<1x16xf32>
        tpu.vector_store %arg6[%swap3A, %swap3A_122], %swap3A_125 {strides = array<i32>} : memref<40x128xf32, #tpu.memory_space<vmem>>, vector<1x16xf32>,
      }
      %scan3A_113 = arith.constant 8 : i32
    }
    %scan3A_5 = arith.constant 40 : i32
    %mul3A_6 = arith.constant 640 : i32
    %mul3A_7 = arith.muli %arg1, %mul3A_6 : i32
    %scan3A_8 = arith.constant 0 : i32
    %scan3A_9 = arith.constant 16 : i32
    %scan3A_10 = arith.addi %scan3A_8, %scan3A_9 : i32
    %scan3A_11 = arith.constant 1 : i32
    scf.for %scan3A_104 = %scan3A_8 to %scan3A_10 step %scan3A_11  : i32 {
      %mul3A_105 = arith.constant 1 : i32
      %mul3A_106 = arith.muli %scan3A_104, %mul3A_105 : i32
      %add3A_107 = arith.constant 0 : i32
      %add3A_108 = arith.addi %add3A_107, %mul3A_106 : i32
      %mul3A_109 = arith.constant 40 : i32
      %mul3A_110 = arith.muli %add3A_108, %mul3A_109 : i32
      %add3A_111 = arith.addi %mul3A_7, %mul3A_110 : i32
      %dma_start3A_112 = arith.constant 0 : i32
      %dma_start3A_113 = tpu.memref_slice %arg32[%add3A_111, %dma_start3A_112] : memref<10240x128xf32, #tpu.memory_space<vmem_shared>> -> memref<40x128xf32, #tpu.memory_space<vmem_shared>>
      %dma_start3A_114 = arith.constant 0 : i32
      %dma_start3A_115 = tpu.memref_slice %arg32[%add3A_111, %dma_start3A_114] : memref<10240x128xf32, #tpu.memory_space<vmem_shared>> -> memref<40x128xf32, #tpu.memory_space<vmem_shared>>
      tpu.enqueue_dma source(%arg6 : memref<40x128xf32, #tpu.memory_space<vmem>>) target(%dma_start3A_115 : memref<40x128xf32, #tpu.memory_space<vmem_shared>>) target_semaphore(%arg27 : memref<!tpu.dma_semaphore, #tpu.memory_space<semaphore_mem>>)
    }
    %scan3A_12 = arith.constant 16 : i32
    %scan3A_13 = arith.constant 0 : i32
    %scan3A_14 = arith.constant 16 : i32
    %scan3A_15 = arith.addi %scan3A_13, %scan3A_14 : i32
    %scan3A_16 = arith.constant 1 : i32
    scf.for %scan3A_104 = %scan3A_13 to %scan3A_15 step %scan3A_16  : i32 {
      %mul3A_105 = arith.constant 1 : i32
      %mul3A_106 = arith.muli %scan3A_104, %mul3A_105 : i32
      %add3A_107 = arith.constant 0 : i32
      %add3A_108 = arith.addi %add3A_107, %mul3A_106 : i32
      %mul3A_109 = arith.constant 40 : i32
      %mul3A_110 = arith.muli %add3A_108, %mul3A_109 : i32
      %add3A_111 = arith.addi %mul3A_7, %mul3A_110 : i32
      %dma_wait3A_112 = arith.constant 0 : i32
      %dma_wait3A_113 = tpu.memref_slice %arg32[%add3A_111, %dma_wait3A_112] : memref<10240x128xf32, #tpu.memory_space<vmem_shared>> -> memref<40x128xf32, #tpu.memory_space<vmem_shared>>
      %dma_wait3A_114 = arith.constant 0 : i32
      %dma_wait3A_115 = tpu.memref_slice %arg32[%add3A_111, %dma_wait3A_114] : memref<10240x128xf32, #tpu.memory_space<vmem_shared>> -> memref<40x128xf32, #tpu.memory_space<vmem_shared>>
      tpu.wait_dma2 semaphore(%arg27 : memref<!tpu.dma_semaphore, #tpu.memory_space<semaphore_mem>>) src(%arg6 : memref<40x128xf32, #tpu.memory_space<vmem>>) dst(%dma_wait3A_115 : memref<40x128xf32, #tpu.memory_space<vmem_shared>>)
    }
    %scan3A_17 = arith.constant 16 : i32
    %dma_wait3A = tpu.memref_slice %arg3[%mul3A_0] : memref<320000xi32, #tpu.memory_space<hbm>> -> memref<20000xi32, #tpu.memory_space<hbm>>
    %dma_wait3A_18 = tpu.memref_slice %arg3[%mul3A_0] : memref<320000xi32, #tpu.memory_space<hbm>> -> memref<20000xi32, #tpu.memory_space<hbm>>
    tpu.wait_dma2 semaphore(%arg22 : memref<!tpu.dma_semaphore, #tpu.memory_space<semaphore_mem>>) src(%dma_wait3A_18 : memref<20000xi32, #tpu.memory_space<hbm>>) dst(%arg16 : memref<20000xi32, #tpu.memory_space<vmem>>)
    %barrier3A = arith.constant 0 : index
    tpu.barrier barrier_id(%barrier3A)
    %add3A = arith.constant 0 : i32
    %add3A_19 = arith.addi %mul3A_0, %add3A : i32
    %dma_start3A_20 = tpu.memref_slice %arg4[%add3A_19] : memref<320000xi32, #tpu.memory_space<hbm>> -> memref<40xi32, #tpu.memory_space<hbm>>
    %dma_start3A_21 = tpu.memref_slice %arg4[%add3A_19] : memref<320000xi32, #tpu.memory_space<hbm>> -> memref<40xi32, #tpu.memory_space<hbm>>
    tpu.enqueue_dma source(%dma_start3A_21 : memref<40xi32, #tpu.memory_space<hbm>>) target(%arg11 : memref<40xi32, #tpu.memory_space<vmem>>) target_semaphore(%arg17 : memref<!tpu.dma_semaphore, #tpu.memory_space<semaphore_mem>>)
    %dma_start3A_22 = arith.constant 0 : i32
    %dma_start3A_23 = tpu.memref_slice %arg16[%dma_start3A_22] : memref<20000xi32, #tpu.memory_space<vmem>> -> memref<40xi32, #tpu.memory_space<vmem>>
    %dma_start3A_24 = arith.constant 0 : i32
    %dma_start3A_25 = arith.constant 0 : i32
    %dma_start3A_26 = tpu.memref_slice %arg2[%arg0, %dma_start3A_24, %dma_start3A_25] : memref<2x10000x128xf32, #tpu.memory_space<hbm>> -> memref<1x10000x128xf32, #tpu.memory_space<hbm>>
    %dma_start3A_27 = tpu.memref_squeeze %dma_start3A_26 : memref<1x10000x128xf32, #tpu.memory_space<hbm>> -> memref<10000x128xf32, #tpu.memory_space<hbm>>
    %dma_start3A_28 = arith.constant 0 : i32
    %dma_start3A_29 = arith.constant 0 : i32
    %dma_start3A_30 = tpu.memref_slice %dma_start3A_27[%dma_start3A_28, %dma_start3A_29] : memref<10000x128xf32, #tpu.memory_space<hbm>> -> memref<10000x128xf32, #tpu.memory_space<hbm>>
    tpu.enqueue_indirect_dma source(%dma_start3A_30 : memref<10000x128xf32, #tpu.memory_space<hbm>>) target(%arg6 : memref<40x128xf32, #tpu.memory_space<vmem>>) offsets(%dma_start3A_23 : memref<40xi32, #tpu.memory_space<vmem>>) semaphore(%arg22 : memref<!tpu.dma_semaphore, #tpu.memory_space<semaphore_mem>>)
    %add3A_31 = arith.constant 40 : i32
    %add3A_32 = arith.addi %mul3A_0, %add3A_31 : i32
    %dma_start3A_33 = tpu.memref_slice %arg4[%add3A_32] : memref<320000xi32, #tpu.memory_space<hbm>> -> memref<40xi32, #tpu.memory_space<hbm>>
    %dma_start3A_34 = tpu.memref_slice %arg4[%add3A_32] : memref<320000xi32, #tpu.memory_space<hbm>> -> memref<40xi32, #tpu.memory_space<hbm>>
    tpu.enqueue_dma source(%dma_start3A_34 : memref<40xi32, #tpu.memory_space<hbm>>) target(%arg12 : memref<40xi32, #tpu.memory_space<vmem>>) target_semaphore(%arg18 : memref<!tpu.dma_semaphore, #tpu.memory_space<semaphore_mem>>)
    %dma_start3A_35 = arith.constant 40 : i32
    %dma_start3A_36 = tpu.memref_slice %arg16[%dma_start3A_35] : memref<20000xi32, #tpu.memory_space<vmem>> -> memref<40xi32, #tpu.memory_space<vmem>>
    %dma_start3A_37 = arith.constant 0 : i32
    %dma_start3A_38 = arith.constant 0 : i32
    %dma_start3A_39 = tpu.memref_slice %arg2[%arg0, %dma_start3A_37, %dma_start3A_38] : memref<2x10000x128xf32, #tpu.memory_space<hbm>> -> memref<1x10000x128xf32, #tpu.memory_space<hbm>>
    %dma_start3A_40 = tpu.memref_squeeze %dma_start3A_39 : memref<1x10000x128xf32, #tpu.memory_space<hbm>> -> memref<10000x128xf32, #tpu.memory_space<hbm>>
    %dma_start3A_41 = arith.constant 0 : i32
    %dma_start3A_42 = arith.constant 0 : i32
    %dma_start3A_43 = tpu.memref_slice %dma_start3A_40[%dma_start3A_41, %dma_start3A_42] : memref<10000x128xf32, #tpu.memory_space<hbm>> -> memref<10000x128xf32, #tpu.memory_space<hbm>>
    tpu.enqueue_indirect_dma source(%dma_start3A_43 : memref<10000x128xf32, #tpu.memory_space<hbm>>) target(%arg7 : memref<40x128xf32, #tpu.memory_space<vmem>>) offsets(%dma_start3A_36 : memref<40xi32, #tpu.memory_space<vmem>>) semaphore(%arg23 : memref<!tpu.dma_semaphore, #tpu.memory_space<semaphore_mem>>)
    %add3A_44 = arith.constant 80 : i32
    %add3A_45 = arith.addi %mul3A_0, %add3A_44 : i32
    %dma_start3A_46 = tpu.memref_slice %arg4[%add3A_45] : memref<320000xi32, #tpu.memory_space<hbm>> -> memref<40xi32, #tpu.memory_space<hbm>>
    %dma_start3A_47 = tpu.memref_slice %arg4[%add3A_45] : memref<320000xi32, #tpu.memory_space<hbm>> -> memref<40xi32, #tpu.memory_space<hbm>>
    tpu.enqueue_dma source(%dma_start3A_47 : memref<40xi32, #tpu.memory_space<hbm>>) target(%arg13 : memref<40xi32, #tpu.memory_space<vmem>>) target_semaphore(%arg19 : memref<!tpu.dma_semaphore, #tpu.memory_space<semaphore_mem>>)
    %dma_start3A_48 = arith.constant 80 : i32
    %dma_start3A_49 = tpu.memref_slice %arg16[%dma_start3A_48] : memref<20000xi32, #tpu.memory_space<vmem>> -> memref<40xi32, #tpu.memory_space<vmem>>
    %dma_start3A_50 = arith.constant 0 : i32
    %dma_start3A_51 = arith.constant 0 : i32
    %dma_start3A_52 = tpu.memref_slice %arg2[%arg0, %dma_start3A_50, %dma_start3A_51] : memref<2x10000x128xf32, #tpu.memory_space<hbm>> -> memref<1x10000x128xf32, #tpu.memory_space<hbm>>
    %dma_start3A_53 = tpu.memref_squeeze %dma_start3A_52 : memref<1x10000x128xf32, #tpu.memory_space<hbm>> -> memref<10000x128xf32, #tpu.memory_space<hbm>>
    %dma_start3A_54 = arith.constant 0 : i32
    %dma_start3A_55 = arith.constant 0 : i32
    %dma_start3A_56 = tpu.memref_slice %dma_start3A_53[%dma_start3A_54, %dma_start3A_55] : memref<10000x128xf32, #tpu.memory_space<hbm>> -> memref<10000x128xf32, #tpu.memory_space<hbm>>
    tpu.enqueue_indirect_dma source(%dma_start3A_56 : memref<10000x128xf32, #tpu.memory_space<hbm>>) target(%arg8 : memref<40x128xf32, #tpu.memory_space<vmem>>) offsets(%dma_start3A_49 : memref<40xi32, #tpu.memory_space<vmem>>) semaphore(%arg24 : memref<!tpu.dma_semaphore, #tpu.memory_space<semaphore_mem>>)
    %add3A_57 = arith.constant 120 : i32
    %add3A_58 = arith.addi %mul3A_0, %add3A_57 : i32
    %dma_start3A_59 = tpu.memref_slice %arg4[%add3A_58] : memref<320000xi32, #tpu.memory_space<hbm>> -> memref<40xi32, #tpu.memory_space<hbm>>
    %dma_start3A_60 = tpu.memref_slice %arg4[%add3A_58] : memref<320000xi32, #tpu.memory_space<hbm>> -> memref<40xi32, #tpu.memory_space<hbm>>
    tpu.enqueue_dma source(%dma_start3A_60 : memref<40xi32, #tpu.memory_space<hbm>>) target(%arg14 : memref<40xi32, #tpu.memory_space<vmem>>) target_semaphore(%arg20 : memref<!tpu.dma_semaphore, #tpu.memory_space<semaphore_mem>>)
    %dma_start3A_61 = arith.constant 120 : i32
    %dma_start3A_62 = tpu.memref_slice %arg16[%dma_start3A_61] : memref<20000xi32, #tpu.memory_space<vmem>> -> memref<40xi32, #tpu.memory_space<vmem>>
    %dma_start3A_63 = arith.constant 0 : i32
    %dma_start3A_64 = arith.constant 0 : i32
    %dma_start3A_65 = tpu.memref_slice %arg2[%arg0, %dma_start3A_63, %dma_start3A_64] : memref<2x10000x128xf32, #tpu.memory_space<hbm>> -> memref<1x10000x128xf32, #tpu.memory_space<hbm>>
    %dma_start3A_66 = tpu.memref_squeeze %dma_start3A_65 : memref<1x10000x128xf32, #tpu.memory_space<hbm>> -> memref<10000x128xf32, #tpu.memory_space<hbm>>
    %dma_start3A_67 = arith.constant 0 : i32
    %dma_start3A_68 = arith.constant 0 : i32
    %dma_start3A_69 = tpu.memref_slice %dma_start3A_66[%dma_start3A_67, %dma_start3A_68] : memref<10000x128xf32, #tpu.memory_space<hbm>> -> memref<10000x128xf32, #tpu.memory_space<hbm>>
    tpu.enqueue_indirect_dma source(%dma_start3A_69 : memref<10000x128xf32, #tpu.memory_space<hbm>>) target(%arg9 : memref<40x128xf32, #tpu.memory_space<vmem>>) offsets(%dma_start3A_62 : memref<40xi32, #tpu.memory_space<vmem>>) semaphore(%arg25 : memref<!tpu.dma_semaphore, #tpu.memory_space<semaphore_mem>>)
    %add3A_70 = arith.constant 160 : i32
    %add3A_71 = arith.addi %mul3A_0, %add3A_70 : i32
    %dma_start3A_72 = tpu.memref_slice %arg4[%add3A_71] : memref<320000xi32, #tpu.memory_space<hbm>> -> memref<40xi32, #tpu.memory_space<hbm>>
    %dma_start3A_73 = tpu.memref_slice %arg4[%add3A_71] : memref<320000xi32, #tpu.memory_space<hbm>> -> memref<40xi32, #tpu.memory_space<hbm>>
    tpu.enqueue_dma source(%dma_start3A_73 : memref<40xi32, #tpu.memory_space<hbm>>) target(%arg15 : memref<40xi32, #tpu.memory_space<vmem>>) target_semaphore(%arg21 : memref<!tpu.dma_semaphore, #tpu.memory_space<semaphore_mem>>)
    %dma_start3A_74 = arith.constant 160 : i32
    %dma_start3A_75 = tpu.memref_slice %arg16[%dma_start3A_74] : memref<20000xi32, #tpu.memory_space<vmem>> -> memref<40xi32, #tpu.memory_space<vmem>>
    %dma_start3A_76 = arith.constant 0 : i32
    %dma_start3A_77 = arith.constant 0 : i32
    %dma_start3A_78 = tpu.memref_slice %arg2[%arg0, %dma_start3A_76, %dma_start3A_77] : memref<2x10000x128xf32, #tpu.memory_space<hbm>> -> memref<1x10000x128xf32, #tpu.memory_space<hbm>>
    %dma_start3A_79 = tpu.memref_squeeze %dma_start3A_78 : memref<1x10000x128xf32, #tpu.memory_space<hbm>> -> memref<10000x128xf32, #tpu.memory_space<hbm>>
    %dma_start3A_80 = arith.constant 0 : i32
    %dma_start3A_81 = arith.constant 0 : i32
    %dma_start3A_82 = tpu.memref_slice %dma_start3A_79[%dma_start3A_80, %dma_start3A_81] : memref<10000x128xf32, #tpu.memory_space<hbm>> -> memref<10000x128xf32, #tpu.memory_space<hbm>>
    tpu.enqueue_indirect_dma source(%dma_start3A_82 : memref<10000x128xf32, #tpu.memory_space<hbm>>) target(%arg10 : memref<40x128xf32, #tpu.memory_space<vmem>>) offsets(%dma_start3A_75 : memref<40xi32, #tpu.memory_space<vmem>>) semaphore(%arg26 : memref<!tpu.dma_semaphore, #tpu.memory_space<semaphore_mem>>)
    %scan3A_83 = arith.constant 0 : i32
    %scan3A_84 = arith.constant 100 : i32
    %scan3A_85 = arith.addi %scan3A_83, %scan3A_84 : i32
    %scan3A_86 = arith.constant 1 : i32
    scf.for %scan3A_104 = %scan3A_83 to %scan3A_85 step %scan3A_86  : i32 {
      %mul3A_105 = arith.constant 1 : i32
      %mul3A_106 = arith.muli %scan3A_104, %mul3A_105 : i32
      %add3A_107 = arith.constant 0 : i32
      %add3A_108 = arith.addi %add3A_107, %mul3A_106 : i32
      %mul3A_109 = arith.constant 5 : i32
      %mul3A_110 = arith.muli %add3A_108, %mul3A_109 : i32
      %add3A_111 = arith.constant 0 : i32
      %add3A_112 = arith.addi %mul3A_110, %add3A_111 : i32
      %mul3A_113 = arith.constant 40 : i32
      %mul3A_114 = arith.muli %add3A_112, %mul3A_113 : i32
      %add3A_115 = arith.addi %mul3A_0, %mul3A_114 : i32
      %dma_wait3A_116 = tpu.memref_slice %arg4[%add3A_115] : memref<320000xi32, #tpu.memory_space<hbm>> -> memref<40xi32, #tpu.memory_space<hbm>>
      %dma_wait3A_117 = tpu.memref_slice %arg4[%add3A_115] : memref<320000xi32, #tpu.memory_space<hbm>> -> memref<40xi32, #tpu.memory_space<hbm>>
      tpu.wait_dma2 semaphore(%arg17 : memref<!tpu.dma_semaphore, #tpu.memory_space<semaphore_mem>>) src(%dma_wait3A_117 : memref<40xi32, #tpu.memory_space<hbm>>) dst(%arg11 : memref<40xi32, #tpu.memory_space<vmem>>)
      %mul3A_118 = arith.constant 40 : i32
      %mul3A_119 = arith.muli %add3A_112, %mul3A_118 : i32
      %dma_wait3A_120 = tpu.memref_slice %arg16[%mul3A_119] : memref<20000xi32, #tpu.memory_space<vmem>> -> memref<40xi32, #tpu.memory_space<vmem>>
      %dma_wait3A_121 = arith.constant 0 : i32
      %dma_wait3A_122 = arith.constant 0 : i32
      %dma_wait3A_123 = tpu.memref_slice %arg2[%arg0, %dma_wait3A_121, %dma_wait3A_122] : memref<2x10000x128xf32, #tpu.memory_space<hbm>> -> memref<1x10000x128xf32, #tpu.memory_space<hbm>>
      %dma_wait3A_124 = tpu.memref_squeeze %dma_wait3A_123 : memref<1x10000x128xf32, #tpu.memory_space<hbm>> -> memref<10000x128xf32, #tpu.memory_space<hbm>>
      %dma_wait3A_125 = arith.constant 0 : i32
      %dma_wait3A_126 = arith.constant 0 : i32
      %dma_wait3A_127 = tpu.memref_slice %dma_wait3A_124[%dma_wait3A_125, %dma_wait3A_126] : memref<10000x128xf32, #tpu.memory_space<hbm>> -> memref<10000x128xf32, #tpu.memory_space<hbm>>
      tpu.wait_indirect_dma semaphore(%arg22 : memref<!tpu.dma_semaphore, #tpu.memory_space<semaphore_mem>>) src(%dma_wait3A_127 : memref<10000x128xf32, #tpu.memory_space<hbm>>) dst(%arg6 : memref<40x128xf32, #tpu.memory_space<vmem>>)
      %dma_start3A_128 = arith.constant 0 : i32
      %dma_start3A_129 = arith.constant 0 : i32
      %dma_start3A_130 = tpu.memref_slice %arg32[%dma_start3A_128, %dma_start3A_129] : memref<10240x128xf32, #tpu.memory_space<vmem_shared>> -> memref<10240x128xf32, #tpu.memory_space<vmem_shared>>
      tpu.enqueue_indirect_dma source(%arg6 : memref<40x128xf32, #tpu.memory_space<vmem>>) target(%dma_start3A_130 : memref<10240x128xf32, #tpu.memory_space<vmem_shared>>) offsets(%arg11 : memref<40xi32, #tpu.memory_space<vmem>>) semaphore(%arg27 : memref<!tpu.dma_semaphore, #tpu.memory_space<semaphore_mem>>) {add = true}
      %ge3A = arith.constant 1 : i32
      %ge3A_131 = arith.cmpi sge, %add3A_112, %ge3A : i32
      %add3A_132 = arith.constant 4 : i32
      %add3A_133 = arith.addi %add3A_112, %add3A_132 : i32
      %le3A = arith.constant 499 : i32
      %le3A_134 = arith.cmpi sle, %add3A_133, %le3A : i32
      %and3A = arith.andi %ge3A_131, %le3A_134 : i1
      %convert_element_type3A = arith.extui %and3A : i1 to i32
      %cond3A = arith.constant 0 : i32
      %cond3A_135 = arith.cmpi ne, %convert_element_type3A, %cond3A : i32
      scf.if %cond3A_135 {
        %dma_wait3A_264 = arith.constant 0 : i32
        %dma_wait3A_265 = arith.constant 0 : i32
        %dma_wait3A_266 = tpu.memref_slice %arg32[%dma_wait3A_264, %dma_wait3A_265] : memref<10240x128xf32, #tpu.memory_space<vmem_shared>> -> memref<10240x128xf32, #tpu.memory_space<vmem_shared>>
        tpu.wait_indirect_dma semaphore(%arg31 : memref<!tpu.dma_semaphore, #tpu.memory_space<semaphore_mem>>) src(%arg10 : memref<40x128xf32, #tpu.memory_space<vmem>>) dst(%dma_wait3A_266 : memref<10240x128xf32, #tpu.memory_space<vmem_shared>>)
        %add3A_267 = arith.constant 5 : i32
        %add3A_268 = arith.addi %add3A_112, %add3A_267 : i32
        %sub3A = arith.constant 1 : i32
        %sub3A_269 = arith.subi %add3A_268, %sub3A : i32
        %mul3A_270 = arith.constant 40 : i32
        %mul3A_271 = arith.muli %sub3A_269, %mul3A_270 : i32
        %add3A_272 = arith.addi %mul3A_0, %mul3A_271 : i32
        %dma_start3A_273 = tpu.memref_slice %arg4[%add3A_272] : memref<320000xi32, #tpu.memory_space<hbm>> -> memref<40xi32, #tpu.memory_space<hbm>>
        %dma_start3A_274 = tpu.memref_slice %arg4[%add3A_272] : memref<320000xi32, #tpu.memory_space<hbm>> -> memref<40xi32, #tpu.memory_space<hbm>>
        tpu.enqueue_dma source(%dma_start3A_274 : memref<40xi32, #tpu.memory_space<hbm>>) target(%arg15 : memref<40xi32, #tpu.memory_space<vmem>>) target_semaphore(%arg21 : memref<!tpu.dma_semaphore, #tpu.memory_space<semaphore_mem>>)
        %mul3A_275 = arith.constant 40 : i32
        %mul3A_276 = arith.muli %sub3A_269, %mul3A_275 : i32
        %dma_start3A_277 = tpu.memref_slice %arg16[%mul3A_276] : memref<20000xi32, #tpu.memory_space<vmem>> -> memref<40xi32, #tpu.memory_space<vmem>>
        %dma_start3A_278 = arith.constant 0 : i32
        %dma_start3A_279 = arith.constant 0 : i32
        %dma_start3A_280 = tpu.memref_slice %arg2[%arg0, %dma_start3A_278, %dma_start3A_279] : memref<2x10000x128xf32, #tpu.memory_space<hbm>> -> memref<1x10000x128xf32, #tpu.memory_space<hbm>>
        %dma_start3A_281 = tpu.memref_squeeze %dma_start3A_280 : memref<1x10000x128xf32, #tpu.memory_space<hbm>> -> memref<10000x128xf32, #tpu.memory_space<hbm>>
        %dma_start3A_282 = arith.constant 0 : i32
        %dma_start3A_283 = arith.constant 0 : i32
        %dma_start3A_284 = tpu.memref_slice %dma_start3A_281[%dma_start3A_282, %dma_start3A_283] : memref<10000x128xf32, #tpu.memory_space<hbm>> -> memref<10000x128xf32, #tpu.memory_space<hbm>>
        tpu.enqueue_indirect_dma source(%dma_start3A_284 : memref<10000x128xf32, #tpu.memory_space<hbm>>) target(%arg10 : memref<40x128xf32, #tpu.memory_space<vmem>>) offsets(%dma_start3A_277 : memref<40xi32, #tpu.memory_space<vmem>>) semaphore(%arg26 : memref<!tpu.dma_semaphore, #tpu.memory_space<semaphore_mem>>)
      } else {
      }
      %mul3A_136 = arith.constant 5 : i32
      %mul3A_137 = arith.muli %add3A_108, %mul3A_136 : i32
      %add3A_138 = arith.constant 1 : i32
      %add3A_139 = arith.addi %mul3A_137, %add3A_138 : i32
      %mul3A_140 = arith.constant 40 : i32
      %mul3A_141 = arith.muli %add3A_139, %mul3A_140 : i32
      %add3A_142 = arith.addi %mul3A_0, %mul3A_141 : i32
      %dma_wait3A_143 = tpu.memref_slice %arg4[%add3A_142] : memref<320000xi32, #tpu.memory_space<hbm>> -> memref<40xi32, #tpu.memory_space<hbm>>
      %dma_wait3A_144 = tpu.memref_slice %arg4[%add3A_142] : memref<320000xi32, #tpu.memory_space<hbm>> -> memref<40xi32, #tpu.memory_space<hbm>>
      tpu.wait_dma2 semaphore(%arg18 : memref<!tpu.dma_semaphore, #tpu.memory_space<semaphore_mem>>) src(%dma_wait3A_144 : memref<40xi32, #tpu.memory_space<hbm>>) dst(%arg12 : memref<40xi32, #tpu.memory_space<vmem>>)
      %mul3A_145 = arith.constant 40 : i32
      %mul3A_146 = arith.muli %add3A_139, %mul3A_145 : i32
      %dma_wait3A_147 = tpu.memref_slice %arg16[%mul3A_146] : memref<20000xi32, #tpu.memory_space<vmem>> -> memref<40xi32, #tpu.memory_space<vmem>>
      %dma_wait3A_148 = arith.constant 0 : i32
      %dma_wait3A_149 = arith.constant 0 : i32
      %dma_wait3A_150 = tpu.memref_slice %arg2[%arg0, %dma_wait3A_148, %dma_wait3A_149] : memref<2x10000x128xf32, #tpu.memory_space<hbm>> -> memref<1x10000x128xf32, #tpu.memory_space<hbm>>
      %dma_wait3A_151 = tpu.memref_squeeze %dma_wait3A_150 : memref<1x10000x128xf32, #tpu.memory_space<hbm>> -> memref<10000x128xf32, #tpu.memory_space<hbm>>
      %dma_wait3A_152 = arith.constant 0 : i32
      %dma_wait3A_153 = arith.constant 0 : i32
      %dma_wait3A_154 = tpu.memref_slice %dma_wait3A_151[%dma_wait3A_152, %dma_wait3A_153] : memref<10000x128xf32, #tpu.memory_space<hbm>> -> memref<10000x128xf32, #tpu.memory_space<hbm>>
      tpu.wait_indirect_dma semaphore(%arg23 : memref<!tpu.dma_semaphore, #tpu.memory_space<semaphore_mem>>) src(%dma_wait3A_154 : memref<10000x128xf32, #tpu.memory_space<hbm>>) dst(%arg7 : memref<40x128xf32, #tpu.memory_space<vmem>>)
      %dma_start3A_155 = arith.constant 0 : i32
      %dma_start3A_156 = arith.constant 0 : i32
      %dma_start3A_157 = tpu.memref_slice %arg32[%dma_start3A_155, %dma_start3A_156] : memref<10240x128xf32, #tpu.memory_space<vmem_shared>> -> memref<10240x128xf32, #tpu.memory_space<vmem_shared>>
      tpu.enqueue_indirect_dma source(%arg7 : memref<40x128xf32, #tpu.memory_space<vmem>>) target(%dma_start3A_157 : memref<10240x128xf32, #tpu.memory_space<vmem_shared>>) offsets(%arg12 : memref<40xi32, #tpu.memory_space<vmem>>) semaphore(%arg28 : memref<!tpu.dma_semaphore, #tpu.memory_space<semaphore_mem>>) {add = true}
      %ge3A_158 = arith.constant 1 : i32
      %ge3A_159 = arith.cmpi sge, %add3A_139, %ge3A_158 : i32
      %add3A_160 = arith.constant 4 : i32
      %add3A_161 = arith.addi %add3A_139, %add3A_160 : i32
      %le3A_162 = arith.constant 499 : i32
      %le3A_163 = arith.cmpi sle, %add3A_161, %le3A_162 : i32
      %and3A_164 = arith.andi %ge3A_159, %le3A_163 : i1
      %convert_element_type3A_165 = arith.extui %and3A_164 : i1 to i32
      %cond3A_166 = arith.constant 0 : i32
      %cond3A_167 = arith.cmpi ne, %convert_element_type3A_165, %cond3A_166 : i32
      scf.if %cond3A_167 {
        %dma_wait3A_264 = arith.constant 0 : i32
        %dma_wait3A_265 = arith.constant 0 : i32
        %dma_wait3A_266 = tpu.memref_slice %arg32[%dma_wait3A_264, %dma_wait3A_265] : memref<10240x128xf32, #tpu.memory_space<vmem_shared>> -> memref<10240x128xf32, #tpu.memory_space<vmem_shared>>
        tpu.wait_indirect_dma semaphore(%arg27 : memref<!tpu.dma_semaphore, #tpu.memory_space<semaphore_mem>>) src(%arg6 : memref<40x128xf32, #tpu.memory_space<vmem>>) dst(%dma_wait3A_266 : memref<10240x128xf32, #tpu.memory_space<vmem_shared>>)
        %add3A_267 = arith.constant 5 : i32
        %add3A_268 = arith.addi %add3A_139, %add3A_267 : i32
        %sub3A = arith.constant 1 : i32
        %sub3A_269 = arith.subi %add3A_268, %sub3A : i32
        %mul3A_270 = arith.constant 40 : i32
        %mul3A_271 = arith.muli %sub3A_269, %mul3A_270 : i32
        %add3A_272 = arith.addi %mul3A_0, %mul3A_271 : i32
        %dma_start3A_273 = tpu.memref_slice %arg4[%add3A_272] : memref<320000xi32, #tpu.memory_space<hbm>> -> memref<40xi32, #tpu.memory_space<hbm>>
        %dma_start3A_274 = tpu.memref_slice %arg4[%add3A_272] : memref<320000xi32, #tpu.memory_space<hbm>> -> memref<40xi32, #tpu.memory_space<hbm>>
        tpu.enqueue_dma source(%dma_start3A_274 : memref<40xi32, #tpu.memory_space<hbm>>) target(%arg11 : memref<40xi32, #tpu.memory_space<vmem>>) target_semaphore(%arg17 : memref<!tpu.dma_semaphore, #tpu.memory_space<semaphore_mem>>)
        %mul3A_275 = arith.constant 40 : i32
        %mul3A_276 = arith.muli %sub3A_269, %mul3A_275 : i32
        %dma_start3A_277 = tpu.memref_slice %arg16[%mul3A_276] : memref<20000xi32, #tpu.memory_space<vmem>> -> memref<40xi32, #tpu.memory_space<vmem>>
        %dma_start3A_278 = arith.constant 0 : i32
        %dma_start3A_279 = arith.constant 0 : i32
        %dma_start3A_280 = tpu.memref_slice %arg2[%arg0, %dma_start3A_278, %dma_start3A_279] : memref<2x10000x128xf32, #tpu.memory_space<hbm>> -> memref<1x10000x128xf32, #tpu.memory_space<hbm>>
        %dma_start3A_281 = tpu.memref_squeeze %dma_start3A_280 : memref<1x10000x128xf32, #tpu.memory_space<hbm>> -> memref<10000x128xf32, #tpu.memory_space<hbm>>
        %dma_start3A_282 = arith.constant 0 : i32
        %dma_start3A_283 = arith.constant 0 : i32
        %dma_start3A_284 = tpu.memref_slice %dma_start3A_281[%dma_start3A_282, %dma_start3A_283] : memref<10000x128xf32, #tpu.memory_space<hbm>> -> memref<10000x128xf32, #tpu.memory_space<hbm>>
        tpu.enqueue_indirect_dma source(%dma_start3A_284 : memref<10000x128xf32, #tpu.memory_space<hbm>>) target(%arg6 : memref<40x128xf32, #tpu.memory_space<vmem>>) offsets(%dma_start3A_277 : memref<40xi32, #tpu.memory_space<vmem>>) semaphore(%arg22 : memref<!tpu.dma_semaphore, #tpu.memory_space<semaphore_mem>>)
      } else {
      }
      %mul3A_168 = arith.constant 5 : i32
      %mul3A_169 = arith.muli %add3A_108, %mul3A_168 : i32
      %add3A_170 = arith.constant 2 : i32
      %add3A_171 = arith.addi %mul3A_169, %add3A_170 : i32
      %mul3A_172 = arith.constant 40 : i32
      %mul3A_173 = arith.muli %add3A_171, %mul3A_172 : i32
      %add3A_174 = arith.addi %mul3A_0, %mul3A_173 : i32
      %dma_wait3A_175 = tpu.memref_slice %arg4[%add3A_174] : memref<320000xi32, #tpu.memory_space<hbm>> -> memref<40xi32, #tpu.memory_space<hbm>>
      %dma_wait3A_176 = tpu.memref_slice %arg4[%add3A_174] : memref<320000xi32, #tpu.memory_space<hbm>> -> memref<40xi32, #tpu.memory_space<hbm>>
      tpu.wait_dma2 semaphore(%arg19 : memref<!tpu.dma_semaphore, #tpu.memory_space<semaphore_mem>>) src(%dma_wait3A_176 : memref<40xi32, #tpu.memory_space<hbm>>) dst(%arg13 : memref<40xi32, #tpu.memory_space<vmem>>)
      %mul3A_177 = arith.constant 40 : i32
      %mul3A_178 = arith.muli %add3A_171, %mul3A_177 : i32
      %dma_wait3A_179 = tpu.memref_slice %arg16[%mul3A_178] : memref<20000xi32, #tpu.memory_space<vmem>> -> memref<40xi32, #tpu.memory_space<vmem>>
      %dma_wait3A_180 = arith.constant 0 : i32
      %dma_wait3A_181 = arith.constant 0 : i32
      %dma_wait3A_182 = tpu.memref_slice %arg2[%arg0, %dma_wait3A_180, %dma_wait3A_181] : memref<2x10000x128xf32, #tpu.memory_space<hbm>> -> memref<1x10000x128xf32, #tpu.memory_space<hbm>>
      %dma_wait3A_183 = tpu.memref_squeeze %dma_wait3A_182 : memref<1x10000x128xf32, #tpu.memory_space<hbm>> -> memref<10000x128xf32, #tpu.memory_space<hbm>>
      %dma_wait3A_184 = arith.constant 0 : i32
      %dma_wait3A_185 = arith.constant 0 : i32
      %dma_wait3A_186 = tpu.memref_slice %dma_wait3A_183[%dma_wait3A_184, %dma_wait3A_185] : memref<10000x128xf32, #tpu.memory_space<hbm>> -> memref<10000x128xf32, #tpu.memory_space<hbm>>
      tpu.wait_indirect_dma semaphore(%arg24 : memref<!tpu.dma_semaphore, #tpu.memory_space<semaphore_mem>>) src(%dma_wait3A_186 : memref<10000x128xf32, #tpu.memory_space<hbm>>) dst(%arg8 : memref<40x128xf32, #tpu.memory_space<vmem>>)
      %dma_start3A_187 = arith.constant 0 : i32
      %dma_start3A_188 = arith.constant 0 : i32
      %dma_start3A_189 = tpu.memref_slice %arg32[%dma_start3A_187, %dma_start3A_188] : memref<10240x128xf32, #tpu.memory_space<vmem_shared>> -> memref<10240x128xf32, #tpu.memory_space<vmem_shared>>
      tpu.enqueue_indirect_dma source(%arg8 : memref<40x128xf32, #tpu.memory_space<vmem>>) target(%dma_start3A_189 : memref<10240x128xf32, #tpu.memory_space<vmem_shared>>) offsets(%arg13 : memref<40xi32, #tpu.memory_space<vmem>>) semaphore(%arg29 : memref<!tpu.dma_semaphore, #tpu.memory_space<semaphore_mem>>) {add = true}
      %ge3A_190 = arith.constant 1 : i32
      %ge3A_191 = arith.cmpi sge, %add3A_171, %ge3A_190 : i32
      %add3A_192 = arith.constant 4 : i32
      %add3A_193 = arith.addi %add3A_171, %add3A_192 : i32
      %le3A_194 = arith.constant 499 : i32
      %le3A_195 = arith.cmpi sle, %add3A_193, %le3A_194 : i32
      %and3A_196 = arith.andi %ge3A_191, %le3A_195 : i1
      %convert_element_type3A_197 = arith.extui %and3A_196 : i1 to i32
      %cond3A_198 = arith.constant 0 : i32
      %cond3A_199 = arith.cmpi ne, %convert_element_type3A_197, %cond3A_198 : i32
      scf.if %cond3A_199 {
        %dma_wait3A_264 = arith.constant 0 : i32
        %dma_wait3A_265 = arith.constant 0 : i32
        %dma_wait3A_266 = tpu.memref_slice %arg32[%dma_wait3A_264, %dma_wait3A_265] : memref<10240x128xf32, #tpu.memory_space<vmem_shared>> -> memref<10240x128xf32, #tpu.memory_space<vmem_shared>>
        tpu.wait_indirect_dma semaphore(%arg28 : memref<!tpu.dma_semaphore, #tpu.memory_space<semaphore_mem>>) src(%arg7 : memref<40x128xf32, #tpu.memory_space<vmem>>) dst(%dma_wait3A_266 : memref<10240x128xf32, #tpu.memory_space<vmem_shared>>)
        %add3A_267 = arith.constant 5 : i32
        %add3A_268 = arith.addi %add3A_171, %add3A_267 : i32
        %sub3A = arith.constant 1 : i32
        %sub3A_269 = arith.subi %add3A_268, %sub3A : i32
        %mul3A_270 = arith.constant 40 : i32
        %mul3A_271 = arith.muli %sub3A_269, %mul3A_270 : i32
        %add3A_272 = arith.addi %mul3A_0, %mul3A_271 : i32
        %dma_start3A_273 = tpu.memref_slice %arg4[%add3A_272] : memref<320000xi32, #tpu.memory_space<hbm>> -> memref<40xi32, #tpu.memory_space<hbm>>
        %dma_start3A_274 = tpu.memref_slice %arg4[%add3A_272] : memref<320000xi32, #tpu.memory_space<hbm>> -> memref<40xi32, #tpu.memory_space<hbm>>
        tpu.enqueue_dma source(%dma_start3A_274 : memref<40xi32, #tpu.memory_space<hbm>>) target(%arg12 : memref<40xi32, #tpu.memory_space<vmem>>) target_semaphore(%arg18 : memref<!tpu.dma_semaphore, #tpu.memory_space<semaphore_mem>>)
        %mul3A_275 = arith.constant 40 : i32
        %mul3A_276 = arith.muli %sub3A_269, %mul3A_275 : i32
        %dma_start3A_277 = tpu.memref_slice %arg16[%mul3A_276] : memref<20000xi32, #tpu.memory_space<vmem>> -> memref<40xi32, #tpu.memory_space<vmem>>
        %dma_start3A_278 = arith.constant 0 : i32
        %dma_start3A_279 = arith.constant 0 : i32
        %dma_start3A_280 = tpu.memref_slice %arg2[%arg0, %dma_start3A_278, %dma_start3A_279] : memref<2x10000x128xf32, #tpu.memory_space<hbm>> -> memref<1x10000x128xf32, #tpu.memory_space<hbm>>
        %dma_start3A_281 = tpu.memref_squeeze %dma_start3A_280 : memref<1x10000x128xf32, #tpu.memory_space<hbm>> -> memref<10000x128xf32, #tpu.memory_space<hbm>>
        %dma_start3A_282 = arith.constant 0 : i32
        %dma_start3A_283 = arith.constant 0 : i32
        %dma_start3A_284 = tpu.memref_slice %dma_start3A_281[%dma_start3A_282, %dma_start3A_283] : memref<10000x128xf32, #tpu.memory_space<hbm>> -> memref<10000x128xf32, #tpu.memory_space<hbm>>
        tpu.enqueue_indirect_dma source(%dma_start3A_284 : memref<10000x128xf32, #tpu.memory_space<hbm>>) target(%arg7 : memref<40x128xf32, #tpu.memory_space<vmem>>) offsets(%dma_start3A_277 : memref<40xi32, #tpu.memory_space<vmem>>) semaphore(%arg23 : memref<!tpu.dma_semaphore, #tpu.memory_space<semaphore_mem>>)
      } else {
      }
      %mul3A_200 = arith.constant 5 : i32
      %mul3A_201 = arith.muli %add3A_108, %mul3A_200 : i32
      %add3A_202 = arith.constant 3 : i32
      %add3A_203 = arith.addi %mul3A_201, %add3A_202 : i32
      %mul3A_204 = arith.constant 40 : i32
      %mul3A_205 = arith.muli %add3A_203, %mul3A_204 : i32
      %add3A_206 = arith.addi %mul3A_0, %mul3A_205 : i32
      %dma_wait3A_207 = tpu.memref_slice %arg4[%add3A_206] : memref<320000xi32, #tpu.memory_space<hbm>> -> memref<40xi32, #tpu.memory_space<hbm>>
      %dma_wait3A_208 = tpu.memref_slice %arg4[%add3A_206] : memref<320000xi32, #tpu.memory_space<hbm>> -> memref<40xi32, #tpu.memory_space<hbm>>
      tpu.wait_dma2 semaphore(%arg20 : memref<!tpu.dma_semaphore, #tpu.memory_space<semaphore_mem>>) src(%dma_wait3A_208 : memref<40xi32, #tpu.memory_space<hbm>>) dst(%arg14 : memref<40xi32, #tpu.memory_space<vmem>>)
      %mul3A_209 = arith.constant 40 : i32
      %mul3A_210 = arith.muli %add3A_203, %mul3A_209 : i32
      %dma_wait3A_211 = tpu.memref_slice %arg16[%mul3A_210] : memref<20000xi32, #tpu.memory_space<vmem>> -> memref<40xi32, #tpu.memory_space<vmem>>
      %dma_wait3A_212 = arith.constant 0 : i32
      %dma_wait3A_213 = arith.constant 0 : i32
      %dma_wait3A_214 = tpu.memref_slice %arg2[%arg0, %dma_wait3A_212, %dma_wait3A_213] : memref<2x10000x128xf32, #tpu.memory_space<hbm>> -> memref<1x10000x128xf32, #tpu.memory_space<hbm>>
      %dma_wait3A_215 = tpu.memref_squeeze %dma_wait3A_214 : memref<1x10000x128xf32, #tpu.memory_space<hbm>> -> memref<10000x128xf32, #tpu.memory_space<hbm>>
      %dma_wait3A_216 = arith.constant 0 : i32
      %dma_wait3A_217 = arith.constant 0 : i32
      %dma_wait3A_218 = tpu.memref_slice %dma_wait3A_215[%dma_wait3A_216, %dma_wait3A_217] : memref<10000x128xf32, #tpu.memory_space<hbm>> -> memref<10000x128xf32, #tpu.memory_space<hbm>>
      tpu.wait_indirect_dma semaphore(%arg25 : memref<!tpu.dma_semaphore, #tpu.memory_space<semaphore_mem>>) src(%dma_wait3A_218 : memref<10000x128xf32, #tpu.memory_space<hbm>>) dst(%arg9 : memref<40x128xf32, #tpu.memory_space<vmem>>)
      %dma_start3A_219 = arith.constant 0 : i32
      %dma_start3A_220 = arith.constant 0 : i32
      %dma_start3A_221 = tpu.memref_slice %arg32[%dma_start3A_219, %dma_start3A_220] : memref<10240x128xf32, #tpu.memory_space<vmem_shared>> -> memref<10240x128xf32, #tpu.memory_space<vmem_shared>>
      tpu.enqueue_indirect_dma source(%arg9 : memref<40x128xf32, #tpu.memory_space<vmem>>) target(%dma_start3A_221 : memref<10240x128xf32, #tpu.memory_space<vmem_shared>>) offsets(%arg14 : memref<40xi32, #tpu.memory_space<vmem>>) semaphore(%arg30 : memref<!tpu.dma_semaphore, #tpu.memory_space<semaphore_mem>>) {add = true}
      %ge3A_222 = arith.constant 1 : i32
      %ge3A_223 = arith.cmpi sge, %add3A_203, %ge3A_222 : i32
      %add3A_224 = arith.constant 4 : i32
      %add3A_225 = arith.addi %add3A_203, %add3A_224 : i32
      %le3A_226 = arith.constant 499 : i32
      %le3A_227 = arith.cmpi sle, %add3A_225, %le3A_226 : i32
      %and3A_228 = arith.andi %ge3A_223, %le3A_227 : i1
      %convert_element_type3A_229 = arith.extui %and3A_228 : i1 to i32
      %cond3A_230 = arith.constant 0 : i32
      %cond3A_231 = arith.cmpi ne, %convert_element_type3A_229, %cond3A_230 : i32
      scf.if %cond3A_231 {
        %dma_wait3A_264 = arith.constant 0 : i32
        %dma_wait3A_265 = arith.constant 0 : i32
        %dma_wait3A_266 = tpu.memref_slice %arg32[%dma_wait3A_264, %dma_wait3A_265] : memref<10240x128xf32, #tpu.memory_space<vmem_shared>> -> memref<10240x128xf32, #tpu.memory_space<vmem_shared>>
        tpu.wait_indirect_dma semaphore(%arg29 : memref<!tpu.dma_semaphore, #tpu.memory_space<semaphore_mem>>) src(%arg8 : memref<40x128xf32, #tpu.memory_space<vmem>>) dst(%dma_wait3A_266 : memref<10240x128xf32, #tpu.memory_space<vmem_shared>>)
        %add3A_267 = arith.constant 5 : i32
        %add3A_268 = arith.addi %add3A_203, %add3A_267 : i32
        %sub3A = arith.constant 1 : i32
        %sub3A_269 = arith.subi %add3A_268, %sub3A : i32
        %mul3A_270 = arith.constant 40 : i32
        %mul3A_271 = arith.muli %sub3A_269, %mul3A_270 : i32
        %add3A_272 = arith.addi %mul3A_0, %mul3A_271 : i32
        %dma_start3A_273 = tpu.memref_slice %arg4[%add3A_272] : memref<320000xi32, #tpu.memory_space<hbm>> -> memref<40xi32, #tpu.memory_space<hbm>>
        %dma_start3A_274 = tpu.memref_slice %arg4[%add3A_272] : memref<320000xi32, #tpu.memory_space<hbm>> -> memref<40xi32, #tpu.memory_space<hbm>>
        tpu.enqueue_dma source(%dma_start3A_274 : memref<40xi32, #tpu.memory_space<hbm>>) target(%arg13 : memref<40xi32, #tpu.memory_space<vmem>>) target_semaphore(%arg19 : memref<!tpu.dma_semaphore, #tpu.memory_space<semaphore_mem>>)
        %mul3A_275 = arith.constant 40 : i32
        %mul3A_276 = arith.muli %sub3A_269, %mul3A_275 : i32
        %dma_start3A_277 = tpu.memref_slice %arg16[%mul3A_276] : memref<20000xi32, #tpu.memory_space<vmem>> -> memref<40xi32, #tpu.memory_space<vmem>>
        %dma_start3A_278 = arith.constant 0 : i32
        %dma_start3A_279 = arith.constant 0 : i32
        %dma_start3A_280 = tpu.memref_slice %arg2[%arg0, %dma_start3A_278, %dma_start3A_279] : memref<2x10000x128xf32, #tpu.memory_space<hbm>> -> memref<1x10000x128xf32, #tpu.memory_space<hbm>>
        %dma_start3A_281 = tpu.memref_squeeze %dma_start3A_280 : memref<1x10000x128xf32, #tpu.memory_space<hbm>> -> memref<10000x128xf32, #tpu.memory_space<hbm>>
        %dma_start3A_282 = arith.constant 0 : i32
        %dma_start3A_283 = arith.constant 0 : i32
        %dma_start3A_284 = tpu.memref_slice %dma_start3A_281[%dma_start3A_282, %dma_start3A_283] : memref<10000x128xf32, #tpu.memory_space<hbm>> -> memref<10000x128xf32, #tpu.memory_space<hbm>>
        tpu.enqueue_indirect_dma source(%dma_start3A_284 : memref<10000x128xf32, #tpu.memory_space<hbm>>) target(%arg8 : memref<40x128xf32, #tpu.memory_space<vmem>>) offsets(%dma_start3A_277 : memref<40xi32, #tpu.memory_space<vmem>>) semaphore(%arg24 : memref<!tpu.dma_semaphore, #tpu.memory_space<semaphore_mem>>)
      } else {
      }
      %mul3A_232 = arith.constant 5 : i32
      %mul3A_233 = arith.muli %add3A_108, %mul3A_232 : i32
      %add3A_234 = arith.constant 4 : i32
      %add3A_235 = arith.addi %mul3A_233, %add3A_234 : i32
      %mul3A_236 = arith.constant 40 : i32
      %mul3A_237 = arith.muli %add3A_235, %mul3A_236 : i32
      %add3A_238 = arith.addi %mul3A_0, %mul3A_237 : i32
      %dma_wait3A_239 = tpu.memref_slice %arg4[%add3A_238] : memref<320000xi32, #tpu.memory_space<hbm>> -> memref<40xi32, #tpu.memory_space<hbm>>
      %dma_wait3A_240 = tpu.memref_slice %arg4[%add3A_238] : memref<320000xi32, #tpu.memory_space<hbm>> -> memref<40xi32, #tpu.memory_space<hbm>>
      tpu.wait_dma2 semaphore(%arg21 : memref<!tpu.dma_semaphore, #tpu.memory_space<semaphore_mem>>) src(%dma_wait3A_240 : memref<40xi32, #tpu.memory_space<hbm>>) dst(%arg15 : memref<40xi32, #tpu.memory_space<vmem>>)
      %mul3A_241 = arith.constant 40 : i32
      %mul3A_242 = arith.muli %add3A_235, %mul3A_241 : i32
      %dma_wait3A_243 = tpu.memref_slice %arg16[%mul3A_242] : memref<20000xi32, #tpu.memory_space<vmem>> -> memref<40xi32, #tpu.memory_space<vmem>>
      %dma_wait3A_244 = arith.constant 0 : i32
      %dma_wait3A_245 = arith.constant 0 : i32
      %dma_wait3A_246 = tpu.memref_slice %arg2[%arg0, %dma_wait3A_244, %dma_wait3A_245] : memref<2x10000x128xf32, #tpu.memory_space<hbm>> -> memref<1x10000x128xf32, #tpu.memory_space<hbm>>
      %dma_wait3A_247 = tpu.memref_squeeze %dma_wait3A_246 : memref<1x10000x128xf32, #tpu.memory_space<hbm>> -> memref<10000x128xf32, #tpu.memory_space<hbm>>
      %dma_wait3A_248 = arith.constant 0 : i32
      %dma_wait3A_249 = arith.constant 0 : i32
      %dma_wait3A_250 = tpu.memref_slice %dma_wait3A_247[%dma_wait3A_248, %dma_wait3A_249] : memref<10000x128xf32, #tpu.memory_space<hbm>> -> memref<10000x128xf32, #tpu.memory_space<hbm>>
      tpu.wait_indirect_dma semaphore(%arg26 : memref<!tpu.dma_semaphore, #tpu.memory_space<semaphore_mem>>) src(%dma_wait3A_250 : memref<10000x128xf32, #tpu.memory_space<hbm>>) dst(%arg10 : memref<40x128xf32, #tpu.memory_space<vmem>>)
      %dma_start3A_251 = arith.constant 0 : i32
      %dma_start3A_252 = arith.constant 0 : i32
      %dma_start3A_253 = tpu.memref_slice %arg32[%dma_start3A_251, %dma_start3A_252] : memref<10240x128xf32, #tpu.memory_space<vmem_shared>> -> memref<10240x128xf32, #tpu.memory_space<vmem_shared>>
      tpu.enqueue_indirect_dma source(%arg10 : memref<40x128xf32, #tpu.memory_space<vmem>>) target(%dma_start3A_253 : memref<10240x128xf32, #tpu.memory_space<vmem_shared>>) offsets(%arg15 : memref<40xi32, #tpu.memory_space<vmem>>) semaphore(%arg31 : memref<!tpu.dma_semaphore, #tpu.memory_space<semaphore_mem>>) {add = true}
      %ge3A_254 = arith.constant 1 : i32
      %ge3A_255 = arith.cmpi sge, %add3A_235, %ge3A_254 : i32
      %add3A_256 = arith.constant 4 : i32
      %add3A_257 = arith.addi %add3A_235, %add3A_256 : i32
      %le3A_258 = arith.constant 499 : i32
      %le3A_259 = arith.cmpi sle, %add3A_257, %le3A_258 : i32
      %and3A_260 = arith.andi %ge3A_255, %le3A_259 : i1
      %convert_element_type3A_261 = arith.extui %and3A_260 : i1 to i32
      %cond3A_262 = arith.constant 0 : i32
      %cond3A_263 = arith.cmpi ne, %convert_element_type3A_261, %cond3A_262 : i32
      scf.if %cond3A_263 {
        %dma_wait3A_264 = arith.constant 0 : i32
        %dma_wait3A_265 = arith.constant 0 : i32
        %dma_wait3A_266 = tpu.memref_slice %arg32[%dma_wait3A_264, %dma_wait3A_265] : memref<10240x128xf32, #tpu.memory_space<vmem_shared>> -> memref<10240x128xf32, #tpu.memory_space<vmem_shared>>
        tpu.wait_indirect_dma semaphore(%arg30 : memref<!tpu.dma_semaphore, #tpu.memory_space<semaphore_mem>>) src(%arg9 : memref<40x128xf32, #tpu.memory_space<vmem>>) dst(%dma_wait3A_266 : memref<10240x128xf32, #tpu.memory_space<vmem_shared>>)
        %add3A_267 = arith.constant 5 : i32
        %add3A_268 = arith.addi %add3A_235, %add3A_267 : i32
        %sub3A = arith.constant 1 : i32
        %sub3A_269 = arith.subi %add3A_268, %sub3A : i32
        %mul3A_270 = arith.constant 40 : i32
        %mul3A_271 = arith.muli %sub3A_269, %mul3A_270 : i32
        %add3A_272 = arith.addi %mul3A_0, %mul3A_271 : i32
        %dma_start3A_273 = tpu.memref_slice %arg4[%add3A_272] : memref<320000xi32, #tpu.memory_space<hbm>> -> memref<40xi32, #tpu.memory_space<hbm>>
        %dma_start3A_274 = tpu.memref_slice %arg4[%add3A_272] : memref<320000xi32, #tpu.memory_space<hbm>> -> memref<40xi32, #tpu.memory_space<hbm>>
        tpu.enqueue_dma source(%dma_start3A_274 : memref<40xi32, #tpu.memory_space<hbm>>) target(%arg14 : memref<40xi32, #tpu.memory_space<vmem>>) target_semaphore(%arg20 : memref<!tpu.dma_semaphore, #tpu.memory_space<semaphore_mem>>)
        %mul3A_275 = arith.constant 40 : i32
        %mul3A_276 = arith.muli %sub3A_269, %mul3A_275 : i32
        %dma_start3A_277 = tpu.memref_slice %arg16[%mul3A_276] : memref<20000xi32, #tpu.memory_space<vmem>> -> memref<40xi32, #tpu.memory_space<vmem>>
        %dma_start3A_278 = arith.constant 0 : i32
        %dma_start3A_279 = arith.constant 0 : i32
        %dma_start3A_280 = tpu.memref_slice %arg2[%arg0, %dma_start3A_278, %dma_start3A_279] : memref<2x10000x128xf32, #tpu.memory_space<hbm>> -> memref<1x10000x128xf32, #tpu.memory_space<hbm>>
        %dma_start3A_281 = tpu.memref_squeeze %dma_start3A_280 : memref<1x10000x128xf32, #tpu.memory_space<hbm>> -> memref<10000x128xf32, #tpu.memory_space<hbm>>
        %dma_start3A_282 = arith.constant 0 : i32
        %dma_start3A_283 = arith.constant 0 : i32
        %dma_start3A_284 = tpu.memref_slice %dma_start3A_281[%dma_start3A_282, %dma_start3A_283] : memref<10000x128xf32, #tpu.memory_space<hbm>> -> memref<10000x128xf32, #tpu.memory_space<hbm>>
        tpu.enqueue_indirect_dma source(%dma_start3A_284 : memref<10000x128xf32, #tpu.memory_space<hbm>>) target(%arg9 : memref<40x128xf32, #tpu.memory_space<vmem>>) offsets(%dma_start3A_277 : memref<40xi32, #tpu.memory_space<vmem>>) semaphore(%arg25 : memref<!tpu.dma_semaphore, #tpu.memory_space<semaphore_mem>>)
      } else {
      }
    }
    %scan3A_87 = arith.constant 100 : i32
    %dma_wait3A_88 = arith.constant 0 : i32
    %dma_wait3A_89 = arith.constant 0 : i32
    %dma_wait3A_90 = tpu.memref_slice %arg32[%dma_wait3A_88, %dma_wait3A_89] : memref<10240x128xf32, #tpu.memory_space<vmem_shared>> -> memref<10240x128xf32, #tpu.memory_space<vmem_shared>>
    tpu.wait_indirect_dma semaphore(%arg27 : memref<!tpu.dma_semaphore, #tpu.memory_space<semaphore_mem>>) src(%arg6 : memref<40x128xf32, #tpu.memory_space<vmem>>) dst(%dma_wait3A_90 : memref<10240x128xf32, #tpu.memory_space<vmem_shared>>)
    %dma_wait3A_91 = arith.constant 0 : i32
    %dma_wait3A_92 = arith.constant 0 : i32
    %dma_wait3A_93 = tpu.memref_slice %arg32[%dma_wait3A_91, %dma_wait3A_92] : memref<10240x128xf32, #tpu.memory_space<vmem_shared>> -> memref<10240x128xf32, #tpu.memory_space<vmem_shared>>
    tpu.wait_indirect_dma semaphore(%arg28 : memref<!tpu.dma_semaphore, #tpu.memory_space<semaphore_mem>>) src(%arg7 : memref<40x128xf32, #tpu.memory_space<vmem>>) dst(%dma_wait3A_93 : memref<10240x128xf32, #tpu.memory_space<vmem_shared>>)
    %dma_wait3A_94 = arith.constant 0 : i32
    %dma_wait3A_95 = arith.constant 0 : i32
    %dma_wait3A_96 = tpu.memref_slice %arg32[%dma_wait3A_94, %dma_wait3A_95] : memref<10240x128xf32, #tpu.memory_space<vmem_shared>> -> memref<10240x128xf32, #tpu.memory_space<vmem_shared>>
    tpu.wait_indirect_dma semaphore(%arg29 : memref<!tpu.dma_semaphore, #tpu.memory_space<semaphore_mem>>) src(%arg8 : memref<40x128xf32, #tpu.memory_space<vmem>>) dst(%dma_wait3A_96 : memref<10240x128xf32, #tpu.memory_space<vmem_shared>>)
    %dma_wait3A_97 = arith.constant 0 : i32
    %dma_wait3A_98 = arith.constant 0 : i32
    %dma_wait3A_99 = tpu.memref_slice %arg32[%dma_wait3A_97, %dma_wait3A_98] : memref<10240x128xf32, #tpu.memory_space<vmem_shared>> -> memref<10240x128xf32, #tpu.memory_space<vmem_shared>>
    tpu.wait_indirect_dma semaphore(%arg30 : memref<!tpu.dma_semaphore, #tpu.memory_space<semaphore_mem>>) src(%arg9 : memref<40x128xf32, #tpu.memory_space<vmem>>) dst(%dma_wait3A_99 : memref<10240x128xf32, #tpu.memory_space<vmem_shared>>)
    %dma_wait3A_100 = arith.constant 0 : i32
    %dma_wait3A_101 = arith.constant 0 : i32
    %dma_wait3A_102 = tpu.memref_slice %arg32[%dma_wait3A_100, %dma_wait3A_101] : memref<10240x128xf32, #tpu.memory_space<vmem_shared>> -> memref<10240x128xf32, #tpu.memory_space<vmem_shared>>
    tpu.wait_indirect_dma semaphore(%arg31 : memref<!tpu.dma_semaphore, #tpu.memory_space<semaphore_mem>>) src(%arg10 : memref<40x128xf32, #tpu.memory_space<vmem>>) dst(%dma_wait3A_102 : memref<10240x128xf32, #tpu.memory_space<vmem_shared>>)
    %barrier3A_103 = arith.constant 0 : index
    tpu.barrier barrier_id(%barrier3A_103)
    "tpu.region"() ({
      %run_scoped3A = tpu.sem_alloc : memref<!tpu.dma_semaphore, #tpu.memory_space<semaphore_mem>>
      %dma_start3A_104 = arith.constant 0 : i32
      %dma_start3A_105 = arith.constant 0 : i32
      %dma_start3A_106 = tpu.memref_slice %arg5[%arg0, %dma_start3A_104, %dma_start3A_105] : memref<2x10240x128xf32, #tpu.memory_space<hbm>> -> memref<1x10240x128xf32, #tpu.memory_space<hbm>>
      %dma_start3A_107 = tpu.memref_squeeze %dma_start3A_106 : memref<1x10240x128xf32, #tpu.memory_space<hbm>> -> memref<10240x128xf32, #tpu.memory_space<hbm>>
      %dma_start3A_108 = arith.constant 0 : i32
      %dma_start3A_109 = tpu.memref_slice %dma_start3A_107[%mul3A_7, %dma_start3A_108] : memref<10240x128xf32, #tpu.memory_space<hbm>> -> memref<640x128xf32, #tpu.memory_space<hbm>>
      %dma_start3A_110 = arith.constant 0 : i32
      %dma_start3A_111 = tpu.memref_slice %arg32[%mul3A_7, %dma_start3A_110] : memref<10240x128xf32, #tpu.memory_space<vmem_shared>> -> memref<640x128xf32, #tpu.memory_space<vmem_shared>>
      tpu.enqueue_dma source(%dma_start3A_111 : memref<640x128xf32, #tpu.memory_space<vmem_shared>>) target(%dma_start3A_109 : memref<640x128xf32, #tpu.memory_space<hbm>>) target_semaphore(%run_scoped3A : memref<!tpu.dma_semaphore, #tpu.memory_space<semaphore_mem>>)
      %dma_wait3A_112 = arith.constant 0 : i32
      %dma_wait3A_113 = arith.constant 0 : i32
      %dma_wait3A_114 = tpu.memref_slice %arg5[%arg0, %dma_wait3A_112, %dma_wait3A_113] : memref<2x10240x128xf32, #tpu.memory_space<hbm>> -> memref<1x10240x128xf32, #tpu.memory_space<hbm>>
      %dma_wait3A_115 = tpu.memref_squeeze %dma_wait3A_114 : memref<1x10240x128xf32, #tpu.memory_space<hbm>> -> memref<10240x128xf32, #tpu.memory_space<hbm>>
      %dma_wait3A_116 = arith.constant 0 : i32
      %dma_wait3A_117 = tpu.memref_slice %dma_wait3A_115[%mul3A_7, %dma_wait3A_116] : memref<10240x128xf32, #tpu.memory_space<hbm>> -> memref<640x128xf32, #tpu.memory_space<hbm>>
      %dma_wait3A_118 = arith.constant 0 : i32
      %dma_wait3A_119 = tpu.memref_slice %arg32[%mul3A_7, %dma_wait3A_118] : memref<10240x128xf32, #tpu.memory_space<vmem_shared>> -> memref<640x128xf32, #tpu.memory_space<vmem_shared>>
      tpu.wait_dma2 semaphore(%run_scoped3A : memref<!tpu.dma_semaphore, #tpu.memory_space<semaphore_mem>>) src(%dma_wait3A_119 : memref<640x128xf32, #tpu.memory_space<vmem_shared>>) dst(%dma_wait3A_117 : memref<640x128xf32, #tpu.memory_space<hbm>>)
      tpu.yield
    }) : () -> ()
    return
  }
}

#map = affine_map<(d0, d1) -> (0, 0, 0)>
#map1 = affine_map<(d0, d1) -> (0)>
module attributes {stable_mosaic.version = 14 : i64} {
  func.func @_scatter_kernel(%arg0: i32, %arg1: i32, %arg2: memref<2x10000x128xf32, #tpu.memory_space<hbm>>, %arg3: memref<320000xi32, #tpu.memory_space<hbm>>, %arg4: memref<320000xi32, #tpu.memory_space<hbm>>, %arg5: memref<2x10240x128xf32, #tpu.memory_space<hbm>>, %arg6: memref<40x128xf32, #tpu.memory_space<vmem>>, %arg7: memref<40x128xf32, #tpu.memory_space<vmem>>, %arg8: memref<40x128xf32, #tpu.memory_space<vmem>>, %arg9: memref<40x128xf32, #tpu.memory_space<vmem>>, %arg10: memref<40x128xf32, #tpu.memory_space<vmem>>, %arg11: memref<40xi32, #tpu.memory_space<vmem>>, %arg12: memref<40xi32, #tpu.memory_space<vmem>>, %arg13: memref<40xi32, #tpu.memory_space<vmem>>, %arg14: memref<40xi32, #tpu.memory_space<vmem>>, %arg15: memref<40xi32, #tpu.memory_space<vmem>>, %arg16: memref<20000xi32, #tpu.memory_space<vmem>>, %arg17: memref<!tpu.dma_semaphore, #tpu.memory_space<semaphore_mem>>, %arg18: memref<!tpu.dma_semaphore, #tpu.memory_space<semaphore_mem>>, %arg19: memref<!tpu.dma_semaphore, #tpu.memory_space<semaphore_mem>>, %arg20: memref<!tpu.dma_semaphore, #tpu.memory_space<semaphore_mem>>, %arg21: memref<!tpu.dma_semaphore, #tpu.memory_space<semaphore_mem>>, %arg22: memref<!tpu.dma_semaphore, #tpu.memory_space<semaphore_mem>>, %arg23: memref<!tpu.dma_semaphore, #tpu.memory_space<semaphore_mem>>, %arg24: memref<!tpu.dma_semaphore, #tpu.memory_space<semaphore_mem>>, %arg25: memref<!tpu.dma_semaphore, #tpu.memory_space<semaphore_mem>>, %arg26: memref<!tpu.dma_semaphore, #tpu.memory_space<semaphore_mem>>, %arg27: memref<!tpu.dma_semaphore, #tpu.memory_space<semaphore_mem>>, %arg28: memref<!tpu.dma_semaphore, #tpu.memory_space<semaphore_mem>>, %arg29: memref<!tpu.dma_semaphore, #tpu.memory_space<semaphore_mem>>, %arg30: memref<!tpu.dma_semaphore, #tpu.memory_space<semaphore_mem>>, %arg31: memref<!tpu.dma_semaphore, #tpu.memory_space<semaphore_mem>>, %arg32: memref<10240x128xf32, #tpu.memory_space<vmem_shared>>) attributes {dimension_semantics = [#tpu.dimension_semantics<core_parallel>, #tpu.dimension_semantics<subcore_parallel>], iteration_bounds = array<i64: 2, 16>, scalar_prefetch = 0 : i64, scratch_operands = 27 : i64, tpu.core_type = #tpu.core_type<sc_vector_subcore>, window_params = [{transform_indices = #map}, {transform_indices = #map1}, {transform_indices = #map1}, {transform_indices = #map}]} {
    %mul3A = arith.constant 20000 : i32
    %mul3A_0 = arith.muli %arg1, %mul3A : i32
    %dma_start3A = tpu.memref_slice %arg3[%mul3A_0] : memref<320000xi32, #tpu.memory_space<hbm>> -> memref<20000xi32, #tpu.memory_space<hbm>>
    %dma_start3A_1 = tpu.memref_slice %arg3[%mul3A_0] : memref<320000xi32, #tpu.memory_space<hbm>> -> memref<20000xi32, #tpu.memory_space<hbm>>
    tpu.enqueue_dma source(%dma_start3A_1 : memref<20000xi32, #tpu.memory_space<hbm>>) target(%arg16 : memref<20000xi32, #tpu.memory_space<vmem>>) target_semaphore(%arg22 : memref<!tpu.dma_semaphore, #tpu.memory_space<semaphore_mem>>)
    %scan3A = arith.constant 0 : i32
    %scan3A_2 = arith.constant 40 : i32
    %scan3A_3 = arith.addi %scan3A, %scan3A_2 : i32
    %scan3A_4 = arith.constant 1 : i32
    scf.for %scan3A_104 = %scan3A to %scan3A_3 step %scan3A_4  : i32 {
      %mul3A_105 = arith.constant 1 : i32
      %mul3A_106 = arith.muli %scan3A_104, %mul3A_105 : i32
      %add3A_107 = arith.constant 0 : i32
      %add3A_108 = arith.addi %add3A_107, %mul3A_106 : i32
      %scan3A_109 = arith.constant 0 : i32
      %scan3A_110 = arith.constant 8 : i32
      %scan3A_111 = arith.addi %scan3A_109, %scan3A_110 : i32
      %scan3A_112 = arith.constant 1 : i32
      scf.for %scan3A_114 = %scan3A_109 to %scan3A_111 step %scan3A_112  : i32 {
        %mul3A_115 = arith.constant 1 : i32
        %mul3A_116 = arith.muli %scan3A_114, %mul3A_115 : i32
        %add3A_117 = arith.constant 0 : i32
        %add3A_118 = arith.addi %add3A_117, %mul3A_116 : i32
        %broadcast_in_dim3A = arith.constant 0.000000e+00 : f32
        %broadcast_in_dim3A_119 = vector.broadcast %broadcast_in_dim3A : f32 to vector<16xf32>
        %mul3A_120 = arith.constant 16 : i32
        %mul3A_121 = arith.muli %add3A_118, %mul3A_120 : i32
        %swap3A = arith.index_cast %add3A_108 : i32 to index
        %swap3A_122 = arith.index_cast %mul3A_121 : i32 to index
        %swap3A_123 = tpu.vector_load %arg6[%swap3A, %swap3A_122] {strides = array<i32>} : memref<40x128xf32, #tpu.memory_space<vmem>>, vector<1x16xf32>,
        %swap3A_124 = vector.shape_cast %swap3A_123 : vector<1x16xf32> to vector<16xf32>
        %swap3A_125 = vector.shape_cast %broadcast_in_dim3A_119 : vector<16xf32> to vector<1x16xf32>
        tpu.vector_store %arg6[%swap3A, %swap3A_122], %swap3A_125 {strides = array<i32>} : memref<40x128xf32, #tpu.memory_space<vmem>>, vector<1x16xf32>,
      }
      %scan3A_113 = arith.constant 8 : i32
    }
    %scan3A_5 = arith.constant 40 : i32
    %mul3A_6 = arith.constant 640 : i32
    %mul3A_7 = arith.muli %arg1, %mul3A_6 : i32
    %scan3A_8 = arith.constant 0 : i32
    %scan3A_9 = arith.constant 16 : i32
    %scan3A_10 = arith.addi %scan3A_8, %scan3A_9 : i32
    %scan3A_11 = arith.constant 1 : i32
    scf.for %scan3A_104 = %scan3A_8 to %scan3A_10 step %scan3A_11  : i32 {
      %mul3A_105 = arith.constant 1 : i32
      %mul3A_106 = arith.muli %scan3A_104, %mul3A_105 : i32
      %add3A_107 = arith.constant 0 : i32
      %add3A_108 = arith.addi %add3A_107, %mul3A_106 : i32
      %mul3A_109 = arith.constant 40 : i32
      %mul3A_110 = arith.muli %add3A_108, %mul3A_109 : i32
      %add3A_111 = arith.addi %mul3A_7, %mul3A_110 : i32
      %dma_start3A_112 = arith.constant 0 : i32
      %dma_start3A_113 = tpu.memref_slice %arg32[%add3A_111, %dma_start3A_112] : memref<10240x128xf32, #tpu.memory_space<vmem_shared>> -> memref<40x128xf32, #tpu.memory_space<vmem_shared>>
      %dma_start3A_114 = arith.constant 0 : i32
      %dma_start3A_115 = tpu.memref_slice %arg32[%add3A_111, %dma_start3A_114] : memref<10240x128xf32, #tpu.memory_space<vmem_shared>> -> memref<40x128xf32, #tpu.memory_space<vmem_shared>>
      tpu.enqueue_dma source(%arg6 : memref<40x128xf32, #tpu.memory_space<vmem>>) target(%dma_start3A_115 : memref<40x128xf32, #tpu.memory_space<vmem_shared>>) target_semaphore(%arg27 : memref<!tpu.dma_semaphore, #tpu.memory_space<semaphore_mem>>)
    }
    %scan3A_12 = arith.constant 16 : i32
    %scan3A_13 = arith.constant 0 : i32
    %scan3A_14 = arith.constant 16 : i32
    %scan3A_15 = arith.addi %scan3A_13, %scan3A_14 : i32
    %scan3A_16 = arith.constant 1 : i32
    scf.for %scan3A_104 = %scan3A_13 to %scan3A_15 step %scan3A_16  : i32 {
      %mul3A_105 = arith.constant 1 : i32
      %mul3A_106 = arith.muli %scan3A_104, %mul3A_105 : i32
      %add3A_107 = arith.constant 0 : i32
      %add3A_108 = arith.addi %add3A_107, %mul3A_106 : i32
      %mul3A_109 = arith.constant 40 : i32
      %mul3A_110 = arith.muli %add3A_108, %mul3A_109 : i32
      %add3A_111 = arith.addi %mul3A_7, %mul3A_110 : i32
      %dma_wait3A_112 = arith.constant 0 : i32
      %dma_wait3A_113 = tpu.memref_slice %arg32[%add3A_111, %dma_wait3A_112] : memref<10240x128xf32, #tpu.memory_space<vmem_shared>> -> memref<40x128xf32, #tpu.memory_space<vmem_shared>>
      %dma_wait3A_114 = arith.constant 0 : i32
      %dma_wait3A_115 = tpu.memref_slice %arg32[%add3A_111, %dma_wait3A_114] : memref<10240x128xf32, #tpu.memory_space<vmem_shared>> -> memref<40x128xf32, #tpu.memory_space<vmem_shared>>
      tpu.wait_dma2 semaphore(%arg27 : memref<!tpu.dma_semaphore, #tpu.memory_space<semaphore_mem>>) src(%arg6 : memref<40x128xf32, #tpu.memory_space<vmem>>) dst(%dma_wait3A_115 : memref<40x128xf32, #tpu.memory_space<vmem_shared>>)
    }
    %scan3A_17 = arith.constant 16 : i32
    %dma_wait3A = tpu.memref_slice %arg3[%mul3A_0] : memref<320000xi32, #tpu.memory_space<hbm>> -> memref<20000xi32, #tpu.memory_space<hbm>>
    %dma_wait3A_18 = tpu.memref_slice %arg3[%mul3A_0] : memref<320000xi32, #tpu.memory_space<hbm>> -> memref<20000xi32, #tpu.memory_space<hbm>>
    tpu.wait_dma2 semaphore(%arg22 : memref<!tpu.dma_semaphore, #tpu.memory_space<semaphore_mem>>) src(%dma_wait3A_18 : memref<20000xi32, #tpu.memory_space<hbm>>) dst(%arg16 : memref<20000xi32, #tpu.memory_space<vmem>>)
    %barrier3A = arith.constant 0 : index
    tpu.barrier barrier_id(%barrier3A)
    %add3A = arith.constant 0 : i32
    %add3A_19 = arith.addi %mul3A_0, %add3A : i32
    %dma_start3A_20 = tpu.memref_slice %arg4[%add3A_19] : memref<320000xi32, #tpu.memory_space<hbm>> -> memref<40xi32, #tpu.memory_space<hbm>>
    %dma_start3A_21 = tpu.memref_slice %arg4[%add3A_19] : memref<320000xi32, #tpu.memory_space<hbm>> -> memref<40xi32, #tpu.memory_space<hbm>>
    tpu.enqueue_dma source(%dma_start3A_21 : memref<40xi32, #tpu.memory_space<hbm>>) target(%arg11 : memref<40xi32, #tpu.memory_space<vmem>>) target_semaphore(%arg17 : memref<!tpu.dma_semaphore, #tpu.memory_space<semaphore_mem>>)
    %dma_start3A_22 = arith.constant 0 : i32
    %dma_start3A_23 = tpu.memref_slice %arg16[%dma_start3A_22] : memref<20000xi32, #tpu.memory_space<vmem>> -> memref<40xi32, #tpu.memory_space<vmem>>
    %dma_start3A_24 = arith.constant 0 : i32
    %dma_start3A_25 = arith.constant 0 : i32
    %dma_start3A_26 = tpu.memref_slice %arg2[%arg0, %dma_start3A_24, %dma_start3A_25] : memref<2x10000x128xf32, #tpu.memory_space<hbm>> -> memref<1x10000x128xf32, #tpu.memory_space<hbm>>
    %dma_start3A_27 = tpu.memref_squeeze %dma_start3A_26 : memref<1x10000x128xf32, #tpu.memory_space<hbm>> -> memref<10000x128xf32, #tpu.memory_space<hbm>>
    %dma_start3A_28 = arith.constant 0 : i32
    %dma_start3A_29 = arith.constant 0 : i32
    %dma_start3A_30 = tpu.memref_slice %dma_start3A_27[%dma_start3A_28, %dma_start3A_29] : memref<10000x128xf32, #tpu.memory_space<hbm>> -> memref<10000x128xf32, #tpu.memory_space<hbm>>
    tpu.enqueue_indirect_dma source(%dma_start3A_30 : memref<10000x128xf32, #tpu.memory_space<hbm>>) target(%arg6 : memref<40x128xf32, #tpu.memory_space<vmem>>) offsets(%dma_start3A_23 : memref<40xi32, #tpu.memory_space<vmem>>) semaphore(%arg22 : memref<!tpu.dma_semaphore, #tpu.memory_space<semaphore_mem>>)
    %add3A_31 = arith.constant 40 : i32
    %add3A_32 = arith.addi %mul3A_0, %add3A_31 : i32
    %dma_start3A_33 = tpu.memref_slice %arg4[%add3A_32] : memref<320000xi32, #tpu.memory_space<hbm>> -> memref<40xi32, #tpu.memory_space<hbm>>
    %dma_start3A_34 = tpu.memref_slice %arg4[%add3A_32] : memref<320000xi32, #tpu.memory_space<hbm>> -> memref<40xi32, #tpu.memory_space<hbm>>
    tpu.enqueue_dma source(%dma_start3A_34 : memref<40xi32, #tpu.memory_space<hbm>>) target(%arg12 : memref<40xi32, #tpu.memory_space<vmem>>) target_semaphore(%arg18 : memref<!tpu.dma_semaphore, #tpu.memory_space<semaphore_mem>>)
    %dma_start3A_35 = arith.constant 40 : i32
    %dma_start3A_36 = tpu.memref_slice %arg16[%dma_start3A_35] : memref<20000xi32, #tpu.memory_space<vmem>> -> memref<40xi32, #tpu.memory_space<vmem>>
    %dma_start3A_37 = arith.constant 0 : i32
    %dma_start3A_38 = arith.constant 0 : i32
    %dma_start3A_39 = tpu.memref_slice %arg2[%arg0, %dma_start3A_37, %dma_start3A_38] : memref<2x10000x128xf32, #tpu.memory_space<hbm>> -> memref<1x10000x128xf32, #tpu.memory_space<hbm>>
    %dma_start3A_40 = tpu.memref_squeeze %dma_start3A_39 : memref<1x10000x128xf32, #tpu.memory_space<hbm>> -> memref<10000x128xf32, #tpu.memory_space<hbm>>
    %dma_start3A_41 = arith.constant 0 : i32
    %dma_start3A_42 = arith.constant 0 : i32
    %dma_start3A_43 = tpu.memref_slice %dma_start3A_40[%dma_start3A_41, %dma_start3A_42] : memref<10000x128xf32, #tpu.memory_space<hbm>> -> memref<10000x128xf32, #tpu.memory_space<hbm>>
    tpu.enqueue_indirect_dma source(%dma_start3A_43 : memref<10000x128xf32, #tpu.memory_space<hbm>>) target(%arg7 : memref<40x128xf32, #tpu.memory_space<vmem>>) offsets(%dma_start3A_36 : memref<40xi32, #tpu.memory_space<vmem>>) semaphore(%arg23 : memref<!tpu.dma_semaphore, #tpu.memory_space<semaphore_mem>>)
    %add3A_44 = arith.constant 80 : i32
    %add3A_45 = arith.addi %mul3A_0, %add3A_44 : i32
    %dma_start3A_46 = tpu.memref_slice %arg4[%add3A_45] : memref<320000xi32, #tpu.memory_space<hbm>> -> memref<40xi32, #tpu.memory_space<hbm>>
    %dma_start3A_47 = tpu.memref_slice %arg4[%add3A_45] : memref<320000xi32, #tpu.memory_space<hbm>> -> memref<40xi32, #tpu.memory_space<hbm>>
    tpu.enqueue_dma source(%dma_start3A_47 : memref<40xi32, #tpu.memory_space<hbm>>) target(%arg13 : memref<40xi32, #tpu.memory_space<vmem>>) target_semaphore(%arg19 : memref<!tpu.dma_semaphore, #tpu.memory_space<semaphore_mem>>)
    %dma_start3A_48 = arith.constant 80 : i32
    %dma_start3A_49 = tpu.memref_slice %arg16[%dma_start3A_48] : memref<20000xi32, #tpu.memory_space<vmem>> -> memref<40xi32, #tpu.memory_space<vmem>>
    %dma_start3A_50 = arith.constant 0 : i32
    %dma_start3A_51 = arith.constant 0 : i32
    %dma_start3A_52 = tpu.memref_slice %arg2[%arg0, %dma_start3A_50, %dma_start3A_51] : memref<2x10000x128xf32, #tpu.memory_space<hbm>> -> memref<1x10000x128xf32, #tpu.memory_space<hbm>>
    %dma_start3A_53 = tpu.memref_squeeze %dma_start3A_52 : memref<1x10000x128xf32, #tpu.memory_space<hbm>> -> memref<10000x128xf32, #tpu.memory_space<hbm>>
    %dma_start3A_54 = arith.constant 0 : i32
    %dma_start3A_55 = arith.constant 0 : i32
    %dma_start3A_56 = tpu.memref_slice %dma_start3A_53[%dma_start3A_54, %dma_start3A_55] : memref<10000x128xf32, #tpu.memory_space<hbm>> -> memref<10000x128xf32, #tpu.memory_space<hbm>>
    tpu.enqueue_indirect_dma source(%dma_start3A_56 : memref<10000x128xf32, #tpu.memory_space<hbm>>) target(%arg8 : memref<40x128xf32, #tpu.memory_space<vmem>>) offsets(%dma_start3A_49 : memref<40xi32, #tpu.memory_space<vmem>>) semaphore(%arg24 : memref<!tpu.dma_semaphore, #tpu.memory_space<semaphore_mem>>)
    %add3A_57 = arith.constant 120 : i32
    %add3A_58 = arith.addi %mul3A_0, %add3A_57 : i32
    %dma_start3A_59 = tpu.memref_slice %arg4[%add3A_58] : memref<320000xi32, #tpu.memory_space<hbm>> -> memref<40xi32, #tpu.memory_space<hbm>>
    %dma_start3A_60 = tpu.memref_slice %arg4[%add3A_58] : memref<320000xi32, #tpu.memory_space<hbm>> -> memref<40xi32, #tpu.memory_space<hbm>>
    tpu.enqueue_dma source(%dma_start3A_60 : memref<40xi32, #tpu.memory_space<hbm>>) target(%arg14 : memref<40xi32, #tpu.memory_space<vmem>>) target_semaphore(%arg20 : memref<!tpu.dma_semaphore, #tpu.memory_space<semaphore_mem>>)
    %dma_start3A_61 = arith.constant 120 : i32
    %dma_start3A_62 = tpu.memref_slice %arg16[%dma_start3A_61] : memref<20000xi32, #tpu.memory_space<vmem>> -> memref<40xi32, #tpu.memory_space<vmem>>
    %dma_start3A_63 = arith.constant 0 : i32
    %dma_start3A_64 = arith.constant 0 : i32
    %dma_start3A_65 = tpu.memref_slice %arg2[%arg0, %dma_start3A_63, %dma_start3A_64] : memref<2x10000x128xf32, #tpu.memory_space<hbm>> -> memref<1x10000x128xf32, #tpu.memory_space<hbm>>
    %dma_start3A_66 = tpu.memref_squeeze %dma_start3A_65 : memref<1x10000x128xf32, #tpu.memory_space<hbm>> -> memref<10000x128xf32, #tpu.memory_space<hbm>>
    %dma_start3A_67 = arith.constant 0 : i32
    %dma_start3A_68 = arith.constant 0 : i32
    %dma_start3A_69 = tpu.memref_slice %dma_start3A_66[%dma_start3A_67, %dma_start3A_68] : memref<10000x128xf32, #tpu.memory_space<hbm>> -> memref<10000x128xf32, #tpu.memory_space<hbm>>
    tpu.enqueue_indirect_dma source(%dma_start3A_69 : memref<10000x128xf32, #tpu.memory_space<hbm>>) target(%arg9 : memref<40x128xf32, #tpu.memory_space<vmem>>) offsets(%dma_start3A_62 : memref<40xi32, #tpu.memory_space<vmem>>) semaphore(%arg25 : memref<!tpu.dma_semaphore, #tpu.memory_space<semaphore_mem>>)
    %add3A_70 = arith.constant 160 : i32
    %add3A_71 = arith.addi %mul3A_0, %add3A_70 : i32
    %dma_start3A_72 = tpu.memref_slice %arg4[%add3A_71] : memref<320000xi32, #tpu.memory_space<hbm>> -> memref<40xi32, #tpu.memory_space<hbm>>
    %dma_start3A_73 = tpu.memref_slice %arg4[%add3A_71] : memref<320000xi32, #tpu.memory_space<hbm>> -> memref<40xi32, #tpu.memory_space<hbm>>
    tpu.enqueue_dma source(%dma_start3A_73 : memref<40xi32, #tpu.memory_space<hbm>>) target(%arg15 : memref<40xi32, #tpu.memory_space<vmem>>) target_semaphore(%arg21 : memref<!tpu.dma_semaphore, #tpu.memory_space<semaphore_mem>>)
    %dma_start3A_74 = arith.constant 160 : i32
    %dma_start3A_75 = tpu.memref_slice %arg16[%dma_start3A_74] : memref<20000xi32, #tpu.memory_space<vmem>> -> memref<40xi32, #tpu.memory_space<vmem>>
    %dma_start3A_76 = arith.constant 0 : i32
    %dma_start3A_77 = arith.constant 0 : i32
    %dma_start3A_78 = tpu.memref_slice %arg2[%arg0, %dma_start3A_76, %dma_start3A_77] : memref<2x10000x128xf32, #tpu.memory_space<hbm>> -> memref<1x10000x128xf32, #tpu.memory_space<hbm>>
    %dma_start3A_79 = tpu.memref_squeeze %dma_start3A_78 : memref<1x10000x128xf32, #tpu.memory_space<hbm>> -> memref<10000x128xf32, #tpu.memory_space<hbm>>
    %dma_start3A_80 = arith.constant 0 : i32
    %dma_start3A_81 = arith.constant 0 : i32
    %dma_start3A_82 = tpu.memref_slice %dma_start3A_79[%dma_start3A_80, %dma_start3A_81] : memref<10000x128xf32, #tpu.memory_space<hbm>> -> memref<10000x128xf32, #tpu.memory_space<hbm>>
    tpu.enqueue_indirect_dma source(%dma_start3A_82 : memref<10000x128xf32, #tpu.memory_space<hbm>>) target(%arg10 : memref<40x128xf32, #tpu.memory_space<vmem>>) offsets(%dma_start3A_75 : memref<40xi32, #tpu.memory_space<vmem>>) semaphore(%arg26 : memref<!tpu.dma_semaphore, #tpu.memory_space<semaphore_mem>>)
    %scan3A_83 = arith.constant 0 : i32
    %scan3A_84 = arith.constant 100 : i32
    %scan3A_85 = arith.addi %scan3A_83, %scan3A_84 : i32
    %scan3A_86 = arith.constant 1 : i32
    scf.for %scan3A_104 = %scan3A_83 to %scan3A_85 step %scan3A_86  : i32 {
      %mul3A_105 = arith.constant 1 : i32
      %mul3A_106 = arith.muli %scan3A_104, %mul3A_105 : i32
      %add3A_107 = arith.constant 0 : i32
      %add3A_108 = arith.addi %add3A_107, %mul3A_106 : i32
      %mul3A_109 = arith.constant 5 : i32
      %mul3A_110 = arith.muli %add3A_108, %mul3A_109 : i32
      %add3A_111 = arith.constant 0 : i32
      %add3A_112 = arith.addi %mul3A_110, %add3A_111 : i32
      %mul3A_113 = arith.constant 40 : i32
      %mul3A_114 = arith.muli %add3A_112, %mul3A_113 : i32
      %add3A_115 = arith.addi %mul3A_0, %mul3A_114 : i32
      %dma_wait3A_116 = tpu.memref_slice %arg4[%add3A_115] : memref<320000xi32, #tpu.memory_space<hbm>> -> memref<40xi32, #tpu.memory_space<hbm>>
      %dma_wait3A_117 = tpu.memref_slice %arg4[%add3A_115] : memref<320000xi32, #tpu.memory_space<hbm>> -> memref<40xi32, #tpu.memory_space<hbm>>
      tpu.wait_dma2 semaphore(%arg17 : memref<!tpu.dma_semaphore, #tpu.memory_space<semaphore_mem>>) src(%dma_wait3A_117 : memref<40xi32, #tpu.memory_space<hbm>>) dst(%arg11 : memref<40xi32, #tpu.memory_space<vmem>>)
      %mul3A_118 = arith.constant 40 : i32
      %mul3A_119 = arith.muli %add3A_112, %mul3A_118 : i32
      %dma_wait3A_120 = tpu.memref_slice %arg16[%mul3A_119] : memref<20000xi32, #tpu.memory_space<vmem>> -> memref<40xi32, #tpu.memory_space<vmem>>
      %dma_wait3A_121 = arith.constant 0 : i32
      %dma_wait3A_122 = arith.constant 0 : i32
      %dma_wait3A_123 = tpu.memref_slice %arg2[%arg0, %dma_wait3A_121, %dma_wait3A_122] : memref<2x10000x128xf32, #tpu.memory_space<hbm>> -> memref<1x10000x128xf32, #tpu.memory_space<hbm>>
      %dma_wait3A_124 = tpu.memref_squeeze %dma_wait3A_123 : memref<1x10000x128xf32, #tpu.memory_space<hbm>> -> memref<10000x128xf32, #tpu.memory_space<hbm>>
      %dma_wait3A_125 = arith.constant 0 : i32
      %dma_wait3A_126 = arith.constant 0 : i32
      %dma_wait3A_127 = tpu.memref_slice %dma_wait3A_124[%dma_wait3A_125, %dma_wait3A_126] : memref<10000x128xf32, #tpu.memory_space<hbm>> -> memref<10000x128xf32, #tpu.memory_space<hbm>>
      tpu.wait_indirect_dma semaphore(%arg22 : memref<!tpu.dma_semaphore, #tpu.memory_space<semaphore_mem>>) src(%dma_wait3A_127 : memref<10000x128xf32, #tpu.memory_space<hbm>>) dst(%arg6 : memref<40x128xf32, #tpu.memory_space<vmem>>)
      %dma_start3A_128 = arith.constant 0 : i32
      %dma_start3A_129 = arith.constant 0 : i32
      %dma_start3A_130 = tpu.memref_slice %arg32[%dma_start3A_128, %dma_start3A_129] : memref<10240x128xf32, #tpu.memory_space<vmem_shared>> -> memref<10240x128xf32, #tpu.memory_space<vmem_shared>>
      tpu.enqueue_indirect_dma source(%arg6 : memref<40x128xf32, #tpu.memory_space<vmem>>) target(%dma_start3A_130 : memref<10240x128xf32, #tpu.memory_space<vmem_shared>>) offsets(%arg11 : memref<40xi32, #tpu.memory_space<vmem>>) semaphore(%arg27 : memref<!tpu.dma_semaphore, #tpu.memory_space<semaphore_mem>>) {add = true}
      %ge3A = arith.constant 1 : i32
      %ge3A_131 = arith.cmpi sge, %add3A_112, %ge3A : i32
      %add3A_132 = arith.constant 4 : i32
      %add3A_133 = arith.addi %add3A_112, %add3A_132 : i32
      %le3A = arith.constant 499 : i32
      %le3A_134 = arith.cmpi sle, %add3A_133, %le3A : i32
      %and3A = arith.andi %ge3A_131, %le3A_134 : i1
      %convert_element_type3A = arith.extui %and3A : i1 to i32
      %cond3A = arith.constant 0 : i32
      %cond3A_135 = arith.cmpi ne, %convert_element_type3A, %cond3A : i32
      scf.if %cond3A_135 {
        %dma_wait3A_264 = arith.constant 0 : i32
        %dma_wait3A_265 = arith.constant 0 : i32
        %dma_wait3A_266 = tpu.memref_slice %arg32[%dma_wait3A_264, %dma_wait3A_265] : memref<10240x128xf32, #tpu.memory_space<vmem_shared>> -> memref<10240x128xf32, #tpu.memory_space<vmem_shared>>
        tpu.wait_indirect_dma semaphore(%arg31 : memref<!tpu.dma_semaphore, #tpu.memory_space<semaphore_mem>>) src(%arg10 : memref<40x128xf32, #tpu.memory_space<vmem>>) dst(%dma_wait3A_266 : memref<10240x128xf32, #tpu.memory_space<vmem_shared>>)
        %add3A_267 = arith.constant 5 : i32
        %add3A_268 = arith.addi %add3A_112, %add3A_267 : i32
        %sub3A = arith.constant 1 : i32
        %sub3A_269 = arith.subi %add3A_268, %sub3A : i32
        %mul3A_270 = arith.constant 40 : i32
        %mul3A_271 = arith.muli %sub3A_269, %mul3A_270 : i32
        %add3A_272 = arith.addi %mul3A_0, %mul3A_271 : i32
        %dma_start3A_273 = tpu.memref_slice %arg4[%add3A_272] : memref<320000xi32, #tpu.memory_space<hbm>> -> memref<40xi32, #tpu.memory_space<hbm>>
        %dma_start3A_274 = tpu.memref_slice %arg4[%add3A_272] : memref<320000xi32, #tpu.memory_space<hbm>> -> memref<40xi32, #tpu.memory_space<hbm>>
        tpu.enqueue_dma source(%dma_start3A_274 : memref<40xi32, #tpu.memory_space<hbm>>) target(%arg15 : memref<40xi32, #tpu.memory_space<vmem>>) target_semaphore(%arg21 : memref<!tpu.dma_semaphore, #tpu.memory_space<semaphore_mem>>)
        %mul3A_275 = arith.constant 40 : i32
        %mul3A_276 = arith.muli %sub3A_269, %mul3A_275 : i32
        %dma_start3A_277 = tpu.memref_slice %arg16[%mul3A_276] : memref<20000xi32, #tpu.memory_space<vmem>> -> memref<40xi32, #tpu.memory_space<vmem>>
        %dma_start3A_278 = arith.constant 0 : i32
        %dma_start3A_279 = arith.constant 0 : i32
        %dma_start3A_280 = tpu.memref_slice %arg2[%arg0, %dma_start3A_278, %dma_start3A_279] : memref<2x10000x128xf32, #tpu.memory_space<hbm>> -> memref<1x10000x128xf32, #tpu.memory_space<hbm>>
        %dma_start3A_281 = tpu.memref_squeeze %dma_start3A_280 : memref<1x10000x128xf32, #tpu.memory_space<hbm>> -> memref<10000x128xf32, #tpu.memory_space<hbm>>
        %dma_start3A_282 = arith.constant 0 : i32
        %dma_start3A_283 = arith.constant 0 : i32
        %dma_start3A_284 = tpu.memref_slice %dma_start3A_281[%dma_start3A_282, %dma_start3A_283] : memref<10000x128xf32, #tpu.memory_space<hbm>> -> memref<10000x128xf32, #tpu.memory_space<hbm>>
        tpu.enqueue_indirect_dma source(%dma_start3A_284 : memref<10000x128xf32, #tpu.memory_space<hbm>>) target(%arg10 : memref<40x128xf32, #tpu.memory_space<vmem>>) offsets(%dma_start3A_277 : memref<40xi32, #tpu.memory_space<vmem>>) semaphore(%arg26 : memref<!tpu.dma_semaphore, #tpu.memory_space<semaphore_mem>>)
      } else {
      }
      %mul3A_136 = arith.constant 5 : i32
      %mul3A_137 = arith.muli %add3A_108, %mul3A_136 : i32
      %add3A_138 = arith.constant 1 : i32
      %add3A_139 = arith.addi %mul3A_137, %add3A_138 : i32
      %mul3A_140 = arith.constant 40 : i32
      %mul3A_141 = arith.muli %add3A_139, %mul3A_140 : i32
      %add3A_142 = arith.addi %mul3A_0, %mul3A_141 : i32
      %dma_wait3A_143 = tpu.memref_slice %arg4[%add3A_142] : memref<320000xi32, #tpu.memory_space<hbm>> -> memref<40xi32, #tpu.memory_space<hbm>>
      %dma_wait3A_144 = tpu.memref_slice %arg4[%add3A_142] : memref<320000xi32, #tpu.memory_space<hbm>> -> memref<40xi32, #tpu.memory_space<hbm>>
      tpu.wait_dma2 semaphore(%arg18 : memref<!tpu.dma_semaphore, #tpu.memory_space<semaphore_mem>>) src(%dma_wait3A_144 : memref<40xi32, #tpu.memory_space<hbm>>) dst(%arg12 : memref<40xi32, #tpu.memory_space<vmem>>)
      %mul3A_145 = arith.constant 40 : i32
      %mul3A_146 = arith.muli %add3A_139, %mul3A_145 : i32
      %dma_wait3A_147 = tpu.memref_slice %arg16[%mul3A_146] : memref<20000xi32, #tpu.memory_space<vmem>> -> memref<40xi32, #tpu.memory_space<vmem>>
      %dma_wait3A_148 = arith.constant 0 : i32
      %dma_wait3A_149 = arith.constant 0 : i32
      %dma_wait3A_150 = tpu.memref_slice %arg2[%arg0, %dma_wait3A_148, %dma_wait3A_149] : memref<2x10000x128xf32, #tpu.memory_space<hbm>> -> memref<1x10000x128xf32, #tpu.memory_space<hbm>>
      %dma_wait3A_151 = tpu.memref_squeeze %dma_wait3A_150 : memref<1x10000x128xf32, #tpu.memory_space<hbm>> -> memref<10000x128xf32, #tpu.memory_space<hbm>>
      %dma_wait3A_152 = arith.constant 0 : i32
      %dma_wait3A_153 = arith.constant 0 : i32
      %dma_wait3A_154 = tpu.memref_slice %dma_wait3A_151[%dma_wait3A_152, %dma_wait3A_153] : memref<10000x128xf32, #tpu.memory_space<hbm>> -> memref<10000x128xf32, #tpu.memory_space<hbm>>
      tpu.wait_indirect_dma semaphore(%arg23 : memref<!tpu.dma_semaphore, #tpu.memory_space<semaphore_mem>>) src(%dma_wait3A_154 : memref<10000x128xf32, #tpu.memory_space<hbm>>) dst(%arg7 : memref<40x128xf32, #tpu.memory_space<vmem>>)
      %dma_start3A_155 = arith.constant 0 : i32
      %dma_start3A_156 = arith.constant 0 : i32
      %dma_start3A_157 = tpu.memref_slice %arg32[%dma_start3A_155, %dma_start3A_156] : memref<10240x128xf32, #tpu.memory_space<vmem_shared>> -> memref<10240x128xf32, #tpu.memory_space<vmem_shared>>
      tpu.enqueue_indirect_dma source(%arg7 : memref<40x128xf32, #tpu.memory_space<vmem>>) target(%dma_start3A_157 : memref<10240x128xf32, #tpu.memory_space<vmem_shared>>) offsets(%arg12 : memref<40xi32, #tpu.memory_space<vmem>>) semaphore(%arg28 : memref<!tpu.dma_semaphore, #tpu.memory_space<semaphore_mem>>) {add = true}
      %ge3A_158 = arith.constant 1 : i32
      %ge3A_159 = arith.cmpi sge, %add3A_139, %ge3A_158 : i32
      %add3A_160 = arith.constant 4 : i32
      %add3A_161 = arith.addi %add3A_139, %add3A_160 : i32
      %le3A_162 = arith.constant 499 : i32
      %le3A_163 = arith.cmpi sle, %add3A_161, %le3A_162 : i32
      %and3A_164 = arith.andi %ge3A_159, %le3A_163 : i1
      %convert_element_type3A_165 = arith.extui %and3A_164 : i1 to i32
      %cond3A_166 = arith.constant 0 : i32
      %cond3A_167 = arith.cmpi ne, %convert_element_type3A_165, %cond3A_166 : i32
      scf.if %cond3A_167 {
        %dma_wait3A_264 = arith.constant 0 : i32
        %dma_wait3A_265 = arith.constant 0 : i32
        %dma_wait3A_266 = tpu.memref_slice %arg32[%dma_wait3A_264, %dma_wait3A_265] : memref<10240x128xf32, #tpu.memory_space<vmem_shared>> -> memref<10240x128xf32, #tpu.memory_space<vmem_shared>>
        tpu.wait_indirect_dma semaphore(%arg27 : memref<!tpu.dma_semaphore, #tpu.memory_space<semaphore_mem>>) src(%arg6 : memref<40x128xf32, #tpu.memory_space<vmem>>) dst(%dma_wait3A_266 : memref<10240x128xf32, #tpu.memory_space<vmem_shared>>)
        %add3A_267 = arith.constant 5 : i32
        %add3A_268 = arith.addi %add3A_139, %add3A_267 : i32
        %sub3A = arith.constant 1 : i32
        %sub3A_269 = arith.subi %add3A_268, %sub3A : i32
        %mul3A_270 = arith.constant 40 : i32
        %mul3A_271 = arith.muli %sub3A_269, %mul3A_270 : i32
        %add3A_272 = arith.addi %mul3A_0, %mul3A_271 : i32
        %dma_start3A_273 = tpu.memref_slice %arg4[%add3A_272] : memref<320000xi32, #tpu.memory_space<hbm>> -> memref<40xi32, #tpu.memory_space<hbm>>
        %dma_start3A_274 = tpu.memref_slice %arg4[%add3A_272] : memref<320000xi32, #tpu.memory_space<hbm>> -> memref<40xi32, #tpu.memory_space<hbm>>
        tpu.enqueue_dma source(%dma_start3A_274 : memref<40xi32, #tpu.memory_space<hbm>>) target(%arg11 : memref<40xi32, #tpu.memory_space<vmem>>) target_semaphore(%arg17 : memref<!tpu.dma_semaphore, #tpu.memory_space<semaphore_mem>>)
        %mul3A_275 = arith.constant 40 : i32
        %mul3A_276 = arith.muli %sub3A_269, %mul3A_275 : i32
        %dma_start3A_277 = tpu.memref_slice %arg16[%mul3A_276] : memref<20000xi32, #tpu.memory_space<vmem>> -> memref<40xi32, #tpu.memory_space<vmem>>
        %dma_start3A_278 = arith.constant 0 : i32
        %dma_start3A_279 = arith.constant 0 : i32
        %dma_start3A_280 = tpu.memref_slice %arg2[%arg0, %dma_start3A_278, %dma_start3A_279] : memref<2x10000x128xf32, #tpu.memory_space<hbm>> -> memref<1x10000x128xf32, #tpu.memory_space<hbm>>
        %dma_start3A_281 = tpu.memref_squeeze %dma_start3A_280 : memref<1x10000x128xf32, #tpu.memory_space<hbm>> -> memref<10000x128xf32, #tpu.memory_space<hbm>>
        %dma_start3A_282 = arith.constant 0 : i32
        %dma_start3A_283 = arith.constant 0 : i32
        %dma_start3A_284 = tpu.memref_slice %dma_start3A_281[%dma_start3A_282, %dma_start3A_283] : memref<10000x128xf32, #tpu.memory_space<hbm>> -> memref<10000x128xf32, #tpu.memory_space<hbm>>
        tpu.enqueue_indirect_dma source(%dma_start3A_284 : memref<10000x128xf32, #tpu.memory_space<hbm>>) target(%arg6 : memref<40x128xf32, #tpu.memory_space<vmem>>) offsets(%dma_start3A_277 : memref<40xi32, #tpu.memory_space<vmem>>) semaphore(%arg22 : memref<!tpu.dma_semaphore, #tpu.memory_space<semaphore_mem>>)
      } else {
      }
      %mul3A_168 = arith.constant 5 : i32
      %mul3A_169 = arith.muli %add3A_108, %mul3A_168 : i32
      %add3A_170 = arith.constant 2 : i32
      %add3A_171 = arith.addi %mul3A_169, %add3A_170 : i32
      %mul3A_172 = arith.constant 40 : i32
      %mul3A_173 = arith.muli %add3A_171, %mul3A_172 : i32
      %add3A_174 = arith.addi %mul3A_0, %mul3A_173 : i32
      %dma_wait3A_175 = tpu.memref_slice %arg4[%add3A_174] : memref<320000xi32, #tpu.memory_space<hbm>> -> memref<40xi32, #tpu.memory_space<hbm>>
      %dma_wait3A_176 = tpu.memref_slice %arg4[%add3A_174] : memref<320000xi32, #tpu.memory_space<hbm>> -> memref<40xi32, #tpu.memory_space<hbm>>
      tpu.wait_dma2 semaphore(%arg19 : memref<!tpu.dma_semaphore, #tpu.memory_space<semaphore_mem>>) src(%dma_wait3A_176 : memref<40xi32, #tpu.memory_space<hbm>>) dst(%arg13 : memref<40xi32, #tpu.memory_space<vmem>>)
      %mul3A_177 = arith.constant 40 : i32
      %mul3A_178 = arith.muli %add3A_171, %mul3A_177 : i32
      %dma_wait3A_179 = tpu.memref_slice %arg16[%mul3A_178] : memref<20000xi32, #tpu.memory_space<vmem>> -> memref<40xi32, #tpu.memory_space<vmem>>
      %dma_wait3A_180 = arith.constant 0 : i32
      %dma_wait3A_181 = arith.constant 0 : i32
      %dma_wait3A_182 = tpu.memref_slice %arg2[%arg0, %dma_wait3A_180, %dma_wait3A_181] : memref<2x10000x128xf32, #tpu.memory_space<hbm>> -> memref<1x10000x128xf32, #tpu.memory_space<hbm>>
      %dma_wait3A_183 = tpu.memref_squeeze %dma_wait3A_182 : memref<1x10000x128xf32, #tpu.memory_space<hbm>> -> memref<10000x128xf32, #tpu.memory_space<hbm>>
      %dma_wait3A_184 = arith.constant 0 : i32
      %dma_wait3A_185 = arith.constant 0 : i32
      %dma_wait3A_186 = tpu.memref_slice %dma_wait3A_183[%dma_wait3A_184, %dma_wait3A_185] : memref<10000x128xf32, #tpu.memory_space<hbm>> -> memref<10000x128xf32, #tpu.memory_space<hbm>>
      tpu.wait_indirect_dma semaphore(%arg24 : memref<!tpu.dma_semaphore, #tpu.memory_space<semaphore_mem>>) src(%dma_wait3A_186 : memref<10000x128xf32, #tpu.memory_space<hbm>>) dst(%arg8 : memref<40x128xf32, #tpu.memory_space<vmem>>)
      %dma_start3A_187 = arith.constant 0 : i32
      %dma_start3A_188 = arith.constant 0 : i32
      %dma_start3A_189 = tpu.memref_slice %arg32[%dma_start3A_187, %dma_start3A_188] : memref<10240x128xf32, #tpu.memory_space<vmem_shared>> -> memref<10240x128xf32, #tpu.memory_space<vmem_shared>>
      tpu.enqueue_indirect_dma source(%arg8 : memref<40x128xf32, #tpu.memory_space<vmem>>) target(%dma_start3A_189 : memref<10240x128xf32, #tpu.memory_space<vmem_shared>>) offsets(%arg13 : memref<40xi32, #tpu.memory_space<vmem>>) semaphore(%arg29 : memref<!tpu.dma_semaphore, #tpu.memory_space<semaphore_mem>>) {add = true}
      %ge3A_190 = arith.constant 1 : i32
      %ge3A_191 = arith.cmpi sge, %add3A_171, %ge3A_190 : i32
      %add3A_192 = arith.constant 4 : i32
      %add3A_193 = arith.addi %add3A_171, %add3A_192 : i32
      %le3A_194 = arith.constant 499 : i32
      %le3A_195 = arith.cmpi sle, %add3A_193, %le3A_194 : i32
      %and3A_196 = arith.andi %ge3A_191, %le3A_195 : i1
      %convert_element_type3A_197 = arith.extui %and3A_196 : i1 to i32
      %cond3A_198 = arith.constant 0 : i32
      %cond3A_199 = arith.cmpi ne, %convert_element_type3A_197, %cond3A_198 : i32
      scf.if %cond3A_199 {
        %dma_wait3A_264 = arith.constant 0 : i32
        %dma_wait3A_265 = arith.constant 0 : i32
        %dma_wait3A_266 = tpu.memref_slice %arg32[%dma_wait3A_264, %dma_wait3A_265] : memref<10240x128xf32, #tpu.memory_space<vmem_shared>> -> memref<10240x128xf32, #tpu.memory_space<vmem_shared>>
        tpu.wait_indirect_dma semaphore(%arg28 : memref<!tpu.dma_semaphore, #tpu.memory_space<semaphore_mem>>) src(%arg7 : memref<40x128xf32, #tpu.memory_space<vmem>>) dst(%dma_wait3A_266 : memref<10240x128xf32, #tpu.memory_space<vmem_shared>>)
        %add3A_267 = arith.constant 5 : i32
        %add3A_268 = arith.addi %add3A_171, %add3A_267 : i32
        %sub3A = arith.constant 1 : i32
        %sub3A_269 = arith.subi %add3A_268, %sub3A : i32
        %mul3A_270 = arith.constant 40 : i32
        %mul3A_271 = arith.muli %sub3A_269, %mul3A_270 : i32
        %add3A_272 = arith.addi %mul3A_0, %mul3A_271 : i32
        %dma_start3A_273 = tpu.memref_slice %arg4[%add3A_272] : memref<320000xi32, #tpu.memory_space<hbm>> -> memref<40xi32, #tpu.memory_space<hbm>>
        %dma_start3A_274 = tpu.memref_slice %arg4[%add3A_272] : memref<320000xi32, #tpu.memory_space<hbm>> -> memref<40xi32, #tpu.memory_space<hbm>>
        tpu.enqueue_dma source(%dma_start3A_274 : memref<40xi32, #tpu.memory_space<hbm>>) target(%arg12 : memref<40xi32, #tpu.memory_space<vmem>>) target_semaphore(%arg18 : memref<!tpu.dma_semaphore, #tpu.memory_space<semaphore_mem>>)
        %mul3A_275 = arith.constant 40 : i32
        %mul3A_276 = arith.muli %sub3A_269, %mul3A_275 : i32
        %dma_start3A_277 = tpu.memref_slice %arg16[%mul3A_276] : memref<20000xi32, #tpu.memory_space<vmem>> -> memref<40xi32, #tpu.memory_space<vmem>>
        %dma_start3A_278 = arith.constant 0 : i32
        %dma_start3A_279 = arith.constant 0 : i32
        %dma_start3A_280 = tpu.memref_slice %arg2[%arg0, %dma_start3A_278, %dma_start3A_279] : memref<2x10000x128xf32, #tpu.memory_space<hbm>> -> memref<1x10000x128xf32, #tpu.memory_space<hbm>>
        %dma_start3A_281 = tpu.memref_squeeze %dma_start3A_280 : memref<1x10000x128xf32, #tpu.memory_space<hbm>> -> memref<10000x128xf32, #tpu.memory_space<hbm>>
        %dma_start3A_282 = arith.constant 0 : i32
        %dma_start3A_283 = arith.constant 0 : i32
        %dma_start3A_284 = tpu.memref_slice %dma_start3A_281[%dma_start3A_282, %dma_start3A_283] : memref<10000x128xf32, #tpu.memory_space<hbm>> -> memref<10000x128xf32, #tpu.memory_space<hbm>>
        tpu.enqueue_indirect_dma source(%dma_start3A_284 : memref<10000x128xf32, #tpu.memory_space<hbm>>) target(%arg7 : memref<40x128xf32, #tpu.memory_space<vmem>>) offsets(%dma_start3A_277 : memref<40xi32, #tpu.memory_space<vmem>>) semaphore(%arg23 : memref<!tpu.dma_semaphore, #tpu.memory_space<semaphore_mem>>)
      } else {
      }
      %mul3A_200 = arith.constant 5 : i32
      %mul3A_201 = arith.muli %add3A_108, %mul3A_200 : i32
      %add3A_202 = arith.constant 3 : i32
      %add3A_203 = arith.addi %mul3A_201, %add3A_202 : i32
      %mul3A_204 = arith.constant 40 : i32
      %mul3A_205 = arith.muli %add3A_203, %mul3A_204 : i32
      %add3A_206 = arith.addi %mul3A_0, %mul3A_205 : i32
      %dma_wait3A_207 = tpu.memref_slice %arg4[%add3A_206] : memref<320000xi32, #tpu.memory_space<hbm>> -> memref<40xi32, #tpu.memory_space<hbm>>
      %dma_wait3A_208 = tpu.memref_slice %arg4[%add3A_206] : memref<320000xi32, #tpu.memory_space<hbm>> -> memref<40xi32, #tpu.memory_space<hbm>>
      tpu.wait_dma2 semaphore(%arg20 : memref<!tpu.dma_semaphore, #tpu.memory_space<semaphore_mem>>) src(%dma_wait3A_208 : memref<40xi32, #tpu.memory_space<hbm>>) dst(%arg14 : memref<40xi32, #tpu.memory_space<vmem>>)
      %mul3A_209 = arith.constant 40 : i32
      %mul3A_210 = arith.muli %add3A_203, %mul3A_209 : i32
      %dma_wait3A_211 = tpu.memref_slice %arg16[%mul3A_210] : memref<20000xi32, #tpu.memory_space<vmem>> -> memref<40xi32, #tpu.memory_space<vmem>>
      %dma_wait3A_212 = arith.constant 0 : i32
      %dma_wait3A_213 = arith.constant 0 : i32
      %dma_wait3A_214 = tpu.memref_slice %arg2[%arg0, %dma_wait3A_212, %dma_wait3A_213] : memref<2x10000x128xf32, #tpu.memory_space<hbm>> -> memref<1x10000x128xf32, #tpu.memory_space<hbm>>
      %dma_wait3A_215 = tpu.memref_squeeze %dma_wait3A_214 : memref<1x10000x128xf32, #tpu.memory_space<hbm>> -> memref<10000x128xf32, #tpu.memory_space<hbm>>
      %dma_wait3A_216 = arith.constant 0 : i32
      %dma_wait3A_217 = arith.constant 0 : i32
      %dma_wait3A_218 = tpu.memref_slice %dma_wait3A_215[%dma_wait3A_216, %dma_wait3A_217] : memref<10000x128xf32, #tpu.memory_space<hbm>> -> memref<10000x128xf32, #tpu.memory_space<hbm>>
      tpu.wait_indirect_dma semaphore(%arg25 : memref<!tpu.dma_semaphore, #tpu.memory_space<semaphore_mem>>) src(%dma_wait3A_218 : memref<10000x128xf32, #tpu.memory_space<hbm>>) dst(%arg9 : memref<40x128xf32, #tpu.memory_space<vmem>>)
      %dma_start3A_219 = arith.constant 0 : i32
      %dma_start3A_220 = arith.constant 0 : i32
      %dma_start3A_221 = tpu.memref_slice %arg32[%dma_start3A_219, %dma_start3A_220] : memref<10240x128xf32, #tpu.memory_space<vmem_shared>> -> memref<10240x128xf32, #tpu.memory_space<vmem_shared>>
      tpu.enqueue_indirect_dma source(%arg9 : memref<40x128xf32, #tpu.memory_space<vmem>>) target(%dma_start3A_221 : memref<10240x128xf32, #tpu.memory_space<vmem_shared>>) offsets(%arg14 : memref<40xi32, #tpu.memory_space<vmem>>) semaphore(%arg30 : memref<!tpu.dma_semaphore, #tpu.memory_space<semaphore_mem>>) {add = true}
      %ge3A_222 = arith.constant 1 : i32
      %ge3A_223 = arith.cmpi sge, %add3A_203, %ge3A_222 : i32
      %add3A_224 = arith.constant 4 : i32
      %add3A_225 = arith.addi %add3A_203, %add3A_224 : i32
      %le3A_226 = arith.constant 499 : i32
      %le3A_227 = arith.cmpi sle, %add3A_225, %le3A_226 : i32
      %and3A_228 = arith.andi %ge3A_223, %le3A_227 : i1
      %convert_element_type3A_229 = arith.extui %and3A_228 : i1 to i32
      %cond3A_230 = arith.constant 0 : i32
      %cond3A_231 = arith.cmpi ne, %convert_element_type3A_229, %cond3A_230 : i32
      scf.if %cond3A_231 {
        %dma_wait3A_264 = arith.constant 0 : i32
        %dma_wait3A_265 = arith.constant 0 : i32
        %dma_wait3A_266 = tpu.memref_slice %arg32[%dma_wait3A_264, %dma_wait3A_265] : memref<10240x128xf32, #tpu.memory_space<vmem_shared>> -> memref<10240x128xf32, #tpu.memory_space<vmem_shared>>
        tpu.wait_indirect_dma semaphore(%arg29 : memref<!tpu.dma_semaphore, #tpu.memory_space<semaphore_mem>>) src(%arg8 : memref<40x128xf32, #tpu.memory_space<vmem>>) dst(%dma_wait3A_266 : memref<10240x128xf32, #tpu.memory_space<vmem_shared>>)
        %add3A_267 = arith.constant 5 : i32
        %add3A_268 = arith.addi %add3A_203, %add3A_267 : i32
        %sub3A = arith.constant 1 : i32
        %sub3A_269 = arith.subi %add3A_268, %sub3A : i32
        %mul3A_270 = arith.constant 40 : i32
        %mul3A_271 = arith.muli %sub3A_269, %mul3A_270 : i32
        %add3A_272 = arith.addi %mul3A_0, %mul3A_271 : i32
        %dma_start3A_273 = tpu.memref_slice %arg4[%add3A_272] : memref<320000xi32, #tpu.memory_space<hbm>> -> memref<40xi32, #tpu.memory_space<hbm>>
        %dma_start3A_274 = tpu.memref_slice %arg4[%add3A_272] : memref<320000xi32, #tpu.memory_space<hbm>> -> memref<40xi32, #tpu.memory_space<hbm>>
        tpu.enqueue_dma source(%dma_start3A_274 : memref<40xi32, #tpu.memory_space<hbm>>) target(%arg13 : memref<40xi32, #tpu.memory_space<vmem>>) target_semaphore(%arg19 : memref<!tpu.dma_semaphore, #tpu.memory_space<semaphore_mem>>)
        %mul3A_275 = arith.constant 40 : i32
        %mul3A_276 = arith.muli %sub3A_269, %mul3A_275 : i32
        %dma_start3A_277 = tpu.memref_slice %arg16[%mul3A_276] : memref<20000xi32, #tpu.memory_space<vmem>> -> memref<40xi32, #tpu.memory_space<vmem>>
        %dma_start3A_278 = arith.constant 0 : i32
        %dma_start3A_279 = arith.constant 0 : i32
        %dma_start3A_280 = tpu.memref_slice %arg2[%arg0, %dma_start3A_278, %dma_start3A_279] : memref<2x10000x128xf32, #tpu.memory_space<hbm>> -> memref<1x10000x128xf32, #tpu.memory_space<hbm>>
        %dma_start3A_281 = tpu.memref_squeeze %dma_start3A_280 : memref<1x10000x128xf32, #tpu.memory_space<hbm>> -> memref<10000x128xf32, #tpu.memory_space<hbm>>
        %dma_start3A_282 = arith.constant 0 : i32
        %dma_start3A_283 = arith.constant 0 : i32
        %dma_start3A_284 = tpu.memref_slice %dma_start3A_281[%dma_start3A_282, %dma_start3A_283] : memref<10000x128xf32, #tpu.memory_space<hbm>> -> memref<10000x128xf32, #tpu.memory_space<hbm>>
        tpu.enqueue_indirect_dma source(%dma_start3A_284 : memref<10000x128xf32, #tpu.memory_space<hbm>>) target(%arg8 : memref<40x128xf32, #tpu.memory_space<vmem>>) offsets(%dma_start3A_277 : memref<40xi32, #tpu.memory_space<vmem>>) semaphore(%arg24 : memref<!tpu.dma_semaphore, #tpu.memory_space<semaphore_mem>>)
      } else {
      }
      %mul3A_232 = arith.constant 5 : i32
      %mul3A_233 = arith.muli %add3A_108, %mul3A_232 : i32
      %add3A_234 = arith.constant 4 : i32
      %add3A_235 = arith.addi %mul3A_233, %add3A_234 : i32
      %mul3A_236 = arith.constant 40 : i32
      %mul3A_237 = arith.muli %add3A_235, %mul3A_236 : i32
      %add3A_238 = arith.addi %mul3A_0, %mul3A_237 : i32
      %dma_wait3A_239 = tpu.memref_slice %arg4[%add3A_238] : memref<320000xi32, #tpu.memory_space<hbm>> -> memref<40xi32, #tpu.memory_space<hbm>>
      %dma_wait3A_240 = tpu.memref_slice %arg4[%add3A_238] : memref<320000xi32, #tpu.memory_space<hbm>> -> memref<40xi32, #tpu.memory_space<hbm>>
      tpu.wait_dma2 semaphore(%arg21 : memref<!tpu.dma_semaphore, #tpu.memory_space<semaphore_mem>>) src(%dma_wait3A_240 : memref<40xi32, #tpu.memory_space<hbm>>) dst(%arg15 : memref<40xi32, #tpu.memory_space<vmem>>)
      %mul3A_241 = arith.constant 40 : i32
      %mul3A_242 = arith.muli %add3A_235, %mul3A_241 : i32
      %dma_wait3A_243 = tpu.memref_slice %arg16[%mul3A_242] : memref<20000xi32, #tpu.memory_space<vmem>> -> memref<40xi32, #tpu.memory_space<vmem>>
      %dma_wait3A_244 = arith.constant 0 : i32
      %dma_wait3A_245 = arith.constant 0 : i32
      %dma_wait3A_246 = tpu.memref_slice %arg2[%arg0, %dma_wait3A_244, %dma_wait3A_245] : memref<2x10000x128xf32, #tpu.memory_space<hbm>> -> memref<1x10000x128xf32, #tpu.memory_space<hbm>>
      %dma_wait3A_247 = tpu.memref_squeeze %dma_wait3A_246 : memref<1x10000x128xf32, #tpu.memory_space<hbm>> -> memref<10000x128xf32, #tpu.memory_space<hbm>>
      %dma_wait3A_248 = arith.constant 0 : i32
      %dma_wait3A_249 = arith.constant 0 : i32
      %dma_wait3A_250 = tpu.memref_slice %dma_wait3A_247[%dma_wait3A_248, %dma_wait3A_249] : memref<10000x128xf32, #tpu.memory_space<hbm>> -> memref<10000x128xf32, #tpu.memory_space<hbm>>
      tpu.wait_indirect_dma semaphore(%arg26 : memref<!tpu.dma_semaphore, #tpu.memory_space<semaphore_mem>>) src(%dma_wait3A_250 : memref<10000x128xf32, #tpu.memory_space<hbm>>) dst(%arg10 : memref<40x128xf32, #tpu.memory_space<vmem>>)
      %dma_start3A_251 = arith.constant 0 : i32
      %dma_start3A_252 = arith.constant 0 : i32
      %dma_start3A_253 = tpu.memref_slice %arg32[%dma_start3A_251, %dma_start3A_252] : memref<10240x128xf32, #tpu.memory_space<vmem_shared>> -> memref<10240x128xf32, #tpu.memory_space<vmem_shared>>
      tpu.enqueue_indirect_dma source(%arg10 : memref<40x128xf32, #tpu.memory_space<vmem>>) target(%dma_start3A_253 : memref<10240x128xf32, #tpu.memory_space<vmem_shared>>) offsets(%arg15 : memref<40xi32, #tpu.memory_space<vmem>>) semaphore(%arg31 : memref<!tpu.dma_semaphore, #tpu.memory_space<semaphore_mem>>) {add = true}
      %ge3A_254 = arith.constant 1 : i32
      %ge3A_255 = arith.cmpi sge, %add3A_235, %ge3A_254 : i32
      %add3A_256 = arith.constant 4 : i32
      %add3A_257 = arith.addi %add3A_235, %add3A_256 : i32
      %le3A_258 = arith.constant 499 : i32
      %le3A_259 = arith.cmpi sle, %add3A_257, %le3A_258 : i32
      %and3A_260 = arith.andi %ge3A_255, %le3A_259 : i1
      %convert_element_type3A_261 = arith.extui %and3A_260 : i1 to i32
      %cond3A_262 = arith.constant 0 : i32
      %cond3A_263 = arith.cmpi ne, %convert_element_type3A_261, %cond3A_262 : i32
      scf.if %cond3A_263 {
        %dma_wait3A_264 = arith.constant 0 : i32
        %dma_wait3A_265 = arith.constant 0 : i32
        %dma_wait3A_266 = tpu.memref_slice %arg32[%dma_wait3A_264, %dma_wait3A_265] : memref<10240x128xf32, #tpu.memory_space<vmem_shared>> -> memref<10240x128xf32, #tpu.memory_space<vmem_shared>>
        tpu.wait_indirect_dma semaphore(%arg30 : memref<!tpu.dma_semaphore, #tpu.memory_space<semaphore_mem>>) src(%arg9 : memref<40x128xf32, #tpu.memory_space<vmem>>) dst(%dma_wait3A_266 : memref<10240x128xf32, #tpu.memory_space<vmem_shared>>)
        %add3A_267 = arith.constant 5 : i32
        %add3A_268 = arith.addi %add3A_235, %add3A_267 : i32
        %sub3A = arith.constant 1 : i32
        %sub3A_269 = arith.subi %add3A_268, %sub3A : i32
        %mul3A_270 = arith.constant 40 : i32
        %mul3A_271 = arith.muli %sub3A_269, %mul3A_270 : i32
        %add3A_272 = arith.addi %mul3A_0, %mul3A_271 : i32
        %dma_start3A_273 = tpu.memref_slice %arg4[%add3A_272] : memref<320000xi32, #tpu.memory_space<hbm>> -> memref<40xi32, #tpu.memory_space<hbm>>
        %dma_start3A_274 = tpu.memref_slice %arg4[%add3A_272] : memref<320000xi32, #tpu.memory_space<hbm>> -> memref<40xi32, #tpu.memory_space<hbm>>
        tpu.enqueue_dma source(%dma_start3A_274 : memref<40xi32, #tpu.memory_space<hbm>>) target(%arg14 : memref<40xi32, #tpu.memory_space<vmem>>) target_semaphore(%arg20 : memref<!tpu.dma_semaphore, #tpu.memory_space<semaphore_mem>>)
        %mul3A_275 = arith.constant 40 : i32
        %mul3A_276 = arith.muli %sub3A_269, %mul3A_275 : i32
        %dma_start3A_277 = tpu.memref_slice %arg16[%mul3A_276] : memref<20000xi32, #tpu.memory_space<vmem>> -> memref<40xi32, #tpu.memory_space<vmem>>
        %dma_start3A_278 = arith.constant 0 : i32
        %dma_start3A_279 = arith.constant 0 : i32
        %dma_start3A_280 = tpu.memref_slice %arg2[%arg0, %dma_start3A_278, %dma_start3A_279] : memref<2x10000x128xf32, #tpu.memory_space<hbm>> -> memref<1x10000x128xf32, #tpu.memory_space<hbm>>
        %dma_start3A_281 = tpu.memref_squeeze %dma_start3A_280 : memref<1x10000x128xf32, #tpu.memory_space<hbm>> -> memref<10000x128xf32, #tpu.memory_space<hbm>>
        %dma_start3A_282 = arith.constant 0 : i32
        %dma_start3A_283 = arith.constant 0 : i32
        %dma_start3A_284 = tpu.memref_slice %dma_start3A_281[%dma_start3A_282, %dma_start3A_283] : memref<10000x128xf32, #tpu.memory_space<hbm>> -> memref<10000x128xf32, #tpu.memory_space<hbm>>
        tpu.enqueue_indirect_dma source(%dma_start3A_284 : memref<10000x128xf32, #tpu.memory_space<hbm>>) target(%arg9 : memref<40x128xf32, #tpu.memory_space<vmem>>) offsets(%dma_start3A_277 : memref<40xi32, #tpu.memory_space<vmem>>) semaphore(%arg25 : memref<!tpu.dma_semaphore, #tpu.memory_space<semaphore_mem>>)
      } else {
      }
    }
    %scan3A_87 = arith.constant 100 : i32
    %dma_wait3A_88 = arith.constant 0 : i32
    %dma_wait3A_89 = arith.constant 0 : i32
    %dma_wait3A_90 = tpu.memref_slice %arg32[%dma_wait3A_88, %dma_wait3A_89] : memref<10240x128xf32, #tpu.memory_space<vmem_shared>> -> memref<10240x128xf32, #tpu.memory_space<vmem_shared>>
    tpu.wait_indirect_dma semaphore(%arg27 : memref<!tpu.dma_semaphore, #tpu.memory_space<semaphore_mem>>) src(%arg6 : memref<40x128xf32, #tpu.memory_space<vmem>>) dst(%dma_wait3A_90 : memref<10240x128xf32, #tpu.memory_space<vmem_shared>>)
    %dma_wait3A_91 = arith.constant 0 : i32
    %dma_wait3A_92 = arith.constant 0 : i32
    %dma_wait3A_93 = tpu.memref_slice %arg32[%dma_wait3A_91, %dma_wait3A_92] : memref<10240x128xf32, #tpu.memory_space<vmem_shared>> -> memref<10240x128xf32, #tpu.memory_space<vmem_shared>>
    tpu.wait_indirect_dma semaphore(%arg28 : memref<!tpu.dma_semaphore, #tpu.memory_space<semaphore_mem>>) src(%arg7 : memref<40x128xf32, #tpu.memory_space<vmem>>) dst(%dma_wait3A_93 : memref<10240x128xf32, #tpu.memory_space<vmem_shared>>)
    %dma_wait3A_94 = arith.constant 0 : i32
    %dma_wait3A_95 = arith.constant 0 : i32
    %dma_wait3A_96 = tpu.memref_slice %arg32[%dma_wait3A_94, %dma_wait3A_95] : memref<10240x128xf32, #tpu.memory_space<vmem_shared>> -> memref<10240x128xf32, #tpu.memory_space<vmem_shared>>
    tpu.wait_indirect_dma semaphore(%arg29 : memref<!tpu.dma_semaphore, #tpu.memory_space<semaphore_mem>>) src(%arg8 : memref<40x128xf32, #tpu.memory_space<vmem>>) dst(%dma_wait3A_96 : memref<10240x128xf32, #tpu.memory_space<vmem_shared>>)
    %dma_wait3A_97 = arith.constant 0 : i32
    %dma_wait3A_98 = arith.constant 0 : i32
    %dma_wait3A_99 = tpu.memref_slice %arg32[%dma_wait3A_97, %dma_wait3A_98] : memref<10240x128xf32, #tpu.memory_space<vmem_shared>> -> memref<10240x128xf32, #tpu.memory_space<vmem_shared>>
    tpu.wait_indirect_dma semaphore(%arg30 : memref<!tpu.dma_semaphore, #tpu.memory_space<semaphore_mem>>) src(%arg9 : memref<40x128xf32, #tpu.memory_space<vmem>>) dst(%dma_wait3A_99 : memref<10240x128xf32, #tpu.memory_space<vmem_shared>>)
    %dma_wait3A_100 = arith.constant 0 : i32
    %dma_wait3A_101 = arith.constant 0 : i32
    %dma_wait3A_102 = tpu.memref_slice %arg32[%dma_wait3A_100, %dma_wait3A_101] : memref<10240x128xf32, #tpu.memory_space<vmem_shared>> -> memref<10240x128xf32, #tpu.memory_space<vmem_shared>>
    tpu.wait_indirect_dma semaphore(%arg31 : memref<!tpu.dma_semaphore, #tpu.memory_space<semaphore_mem>>) src(%arg10 : memref<40x128xf32, #tpu.memory_space<vmem>>) dst(%dma_wait3A_102 : memref<10240x128xf32, #tpu.memory_space<vmem_shared>>)
    %barrier3A_103 = arith.constant 0 : index
    tpu.barrier barrier_id(%barrier3A_103)
    "tpu.region"() ({
      %run_scoped3A = tpu.sem_alloc : memref<!tpu.dma_semaphore, #tpu.memory_space<semaphore_mem>>
      %dma_start3A_104 = arith.constant 0 : i32
      %dma_start3A_105 = arith.constant 0 : i32
      %dma_start3A_106 = tpu.memref_slice %arg5[%arg0, %dma_start3A_104, %dma_start3A_105] : memref<2x10240x128xf32, #tpu.memory_space<hbm>> -> memref<1x10240x128xf32, #tpu.memory_space<hbm>>
      %dma_start3A_107 = tpu.memref_squeeze %dma_start3A_106 : memref<1x10240x128xf32, #tpu.memory_space<hbm>> -> memref<10240x128xf32, #tpu.memory_space<hbm>>
      %dma_start3A_108 = arith.constant 0 : i32
      %dma_start3A_109 = tpu.memref_slice %dma_start3A_107[%mul3A_7, %dma_start3A_108] : memref<10240x128xf32, #tpu.memory_space<hbm>> -> memref<640x128xf32, #tpu.memory_space<hbm>>
      %dma_start3A_110 = arith.constant 0 : i32
      %dma_start3A_111 = tpu.memref_slice %arg32[%mul3A_7, %dma_start3A_110] : memref<10240x128xf32, #tpu.memory_space<vmem_shared>> -> memref<640x128xf32, #tpu.memory_space<vmem_shared>>
      tpu.enqueue_dma source(%dma_start3A_111 : memref<640x128xf32, #tpu.memory_space<vmem_shared>>) target(%dma_start3A_109 : memref<640x128xf32, #tpu.memory_space<hbm>>) target_semaphore(%run_scoped3A : memref<!tpu.dma_semaphore, #tpu.memory_space<semaphore_mem>>)
      %dma_wait3A_112 = arith.constant 0 : i32
      %dma_wait3A_113 = arith.constant 0 : i32
      %dma_wait3A_114 = tpu.memref_slice %arg5[%arg0, %dma_wait3A_112, %dma_wait3A_113] : memref<2x10240x128xf32, #tpu.memory_space<hbm>> -> memref<1x10240x128xf32, #tpu.memory_space<hbm>>
      %dma_wait3A_115 = tpu.memref_squeeze %dma_wait3A_114 : memref<1x10240x128xf32, #tpu.memory_space<hbm>> -> memref<10240x128xf32, #tpu.memory_space<hbm>>
      %dma_wait3A_116 = arith.constant 0 : i32
      %dma_wait3A_117 = tpu.memref_slice %dma_wait3A_115[%mul3A_7, %dma_wait3A_116] : memref<10240x128xf32, #tpu.memory_space<hbm>> -> memref<640x128xf32, #tpu.memory_space<hbm>>
      %dma_wait3A_118 = arith.constant 0 : i32
      %dma_wait3A_119 = tpu.memref_slice %arg32[%mul3A_7, %dma_wait3A_118] : memref<10240x128xf32, #tpu.memory_space<vmem_shared>> -> memref<640x128xf32, #tpu.memory_space<vmem_shared>>
      tpu.wait_dma2 semaphore(%run_scoped3A : memref<!tpu.dma_semaphore, #tpu.memory_space<semaphore_mem>>) src(%dma_wait3A_119 : memref<640x128xf32, #tpu.memory_space<vmem_shared>>) dst(%dma_wait3A_117 : memref<640x128xf32, #tpu.memory_space<hbm>>)
      tpu.yield
    }) : () -> ()
    return
  }
}

module attributes {stable_mosaic.version = 14 : i64} {
  func.func @_tc_mid_body(%arg0: i32, %arg1: memref<2x1000x128xf32, #tpu.memory_space<vmem>>, %arg2: memref<2x1000x128xf32, #tpu.memory_space<vmem>>, %arg3: memref<1000x1xf32, #tpu.memory_space<vmem>>, %arg4: memref<1x256xf32, #tpu.memory_space<vmem>>, %arg5: memref<256x256xf32, #tpu.memory_space<vmem>>, %arg6: memref<2x1000x128xf32, #tpu.memory_space<vmem>>) attributes {dimension_semantics = [#tpu.dimension_semantics<arbitrary>], iteration_bounds = array<i64: 10>, scalar_prefetch = 0 : i64, scratch_operands = 0 : i64, tpu.core_type = #tpu.core_type<tc>, window_params = [{transform_indices = @transform_0, window_bounds = array<i64: 2, 1000, 128>}, {transform_indices = @transform_1, window_bounds = array<i64: 2, 1000, 128>}, {transform_indices = @transform_2, window_bounds = array<i64: 1000, 1>}, {pipeline_mode = #tpu.pipeline_mode<synchronous>, transform_indices = @transform_3, window_bounds = array<i64: 1, 256>}, {pipeline_mode = #tpu.pipeline_mode<synchronous>, transform_indices = @transform_4, window_bounds = array<i64: 256, 256>}, {transform_indices = @transform_5, window_bounds = array<i64: 2, 1000, 128>}]} {
    %get3A = arith.constant 0 : index
    %get3A_0 = arith.constant 0 : index
    %get3A_1 = vector.load %arg3[%get3A, %get3A_0] : memref<1000x1xf32, #tpu.memory_space<vmem>>, vector<1000x1xf32>
    %get3A_2 = arith.constant 0 : index
    %get3A_3 = arith.constant 0 : index
    %get3A_4 = arith.constant 0 : index
    %get3A_5 = vector.load %arg1[%get3A_2, %get3A_3, %get3A_4] : memref<2x1000x128xf32, #tpu.memory_space<vmem>>, vector<1x1000x128xf32>
    %get3A_6 = vector.shape_cast %get3A_5 : vector<1x1000x128xf32> to vector<1000x128xf32>
    %get3A_7 = arith.constant 0 : index
    %get3A_8 = arith.constant 0 : index
    %get3A_9 = arith.constant 0 : index
    %get3A_10 = vector.load %arg2[%get3A_7, %get3A_8, %get3A_9] : memref<2x1000x128xf32, #tpu.memory_space<vmem>>, vector<1x1000x128xf32>
    %get3A_11 = vector.shape_cast %get3A_10 : vector<1x1000x128xf32> to vector<1000x128xf32>
    %add3A = arith.addf %get3A_6, %get3A_11 : vector<1000x128xf32>
    %get3A_12 = arith.constant 1 : index
    %get3A_13 = arith.constant 0 : index
    %get3A_14 = arith.constant 0 : index
    %get3A_15 = vector.load %arg1[%get3A_12, %get3A_13, %get3A_14] : memref<2x1000x128xf32, #tpu.memory_space<vmem>>, vector<1x1000x128xf32>
    %get3A_16 = vector.shape_cast %get3A_15 : vector<1x1000x128xf32> to vector<1000x128xf32>
    %get3A_17 = arith.constant 1 : index
    %get3A_18 = arith.constant 0 : index
    %get3A_19 = arith.constant 0 : index
    %get3A_20 = vector.load %arg2[%get3A_17, %get3A_18, %get3A_19] : memref<2x1000x128xf32, #tpu.memory_space<vmem>>, vector<1x1000x128xf32>
    %get3A_21 = vector.shape_cast %get3A_20 : vector<1x1000x128xf32> to vector<1000x128xf32>
    %add3A_22 = arith.addf %get3A_16, %get3A_21 : vector<1000x128xf32>
    %concatenate3A = tpu.concatenate %add3A, %add3A_22 in 1 : vector<1000x128xf32>, vector<1000x128xf32> -> vector<1000x256xf32>
    %mul3A = vector.broadcast %get3A_1 : vector<1000x1xf32> to vector<1000x256xf32>
    %mul3A_23 = arith.mulf %concatenate3A, %mul3A : vector<1000x256xf32>
    %get3A_24 = arith.constant 0 : index
    %get3A_25 = arith.constant 0 : index
    %get3A_26 = vector.load %arg4[%get3A_24, %get3A_25] : memref<1x256xf32, #tpu.memory_space<vmem>>, vector<1x256xf32>
    %add3A_27 = vector.broadcast %get3A_26 : vector<1x256xf32> to vector<1000x256xf32>
    %add3A_28 = arith.addf %mul3A_23, %add3A_27 : vector<1000x256xf32>
    %max3A = arith.constant 0.000000e+00 : f32
    %max3A_29 = vector.broadcast %max3A : f32 to vector<1000x256xf32>
    %max3A_30 = arith.maximumf %add3A_28, %max3A_29 : vector<1000x256xf32>
    %get3A_31 = arith.constant 0 : index
    %get3A_32 = arith.constant 0 : index
    %get3A_33 = vector.load %arg5[%get3A_31, %get3A_32] : memref<256x256xf32, #tpu.memory_space<vmem>>, vector<256x256xf32>
    %dot_general3A = arith.constant dense<0.000000e+00> : vector<1000x256xf32>
    %dot_general3A_34 = tpu.matmul %max3A_30, %get3A_33, %dot_general3A {dimension_numbers = #tpu.dot_dimension_numbers<[1], [0], [0], [1], [0, 0, 1, 1], [], []>, transpose_lhs_hint = false} : vector<1000x256xf32>, vector<256x256xf32>, vector<1000x256xf32> -> vector<1000x256xf32>
    %mul3A_35 = vector.broadcast %get3A_1 : vector<1000x1xf32> to vector<1000x256xf32>
    %mul3A_36 = arith.mulf %dot_general3A_34, %mul3A_35 : vector<1000x256xf32>
    %slice3A = vector.extract_strided_slice %mul3A_36 {offsets = [0, 0], sizes = [1000, 128], strides = [1, 1]} : vector<1000x256xf32> to vector<1000x128xf32>
    %swap3A = arith.constant 0 : index
    %swap3A_37 = arith.constant 0 : index
    %swap3A_38 = arith.constant 0 : index
    %swap3A_39 = vector.load %arg6[%swap3A, %swap3A_37, %swap3A_38] : memref<2x1000x128xf32, #tpu.memory_space<vmem>>, vector<1x1000x128xf32>
    %swap3A_40 = vector.shape_cast %swap3A_39 : vector<1x1000x128xf32> to vector<1000x128xf32>
    %swap3A_41 = vector.shape_cast %slice3A : vector<1000x128xf32> to vector<1x1000x128xf32>
    tpu.vector_store %arg6[%swap3A, %swap3A_37, %swap3A_38], %swap3A_41 {strides = array<i32>} : memref<2x1000x128xf32, #tpu.memory_space<vmem>>, vector<1x1000x128xf32>,
    %slice3A_42 = vector.extract_strided_slice %mul3A_36 {offsets = [0, 128], sizes = [1000, 128], strides = [1, 1]} : vector<1000x256xf32> to vector<1000x128xf32>
    %swap3A_43 = arith.constant 1 : index
    %swap3A_44 = arith.constant 0 : index
    %swap3A_45 = arith.constant 0 : index
    %swap3A_46 = vector.load %arg6[%swap3A_43, %swap3A_44, %swap3A_45] : memref<2x1000x128xf32, #tpu.memory_space<vmem>>, vector<1x1000x128xf32>
    %swap3A_47 = vector.shape_cast %swap3A_46 : vector<1x1000x128xf32> to vector<1000x128xf32>
    %swap3A_48 = vector.shape_cast %slice3A_42 : vector<1000x128xf32> to vector<1x1000x128xf32>
    tpu.vector_store %arg6[%swap3A_43, %swap3A_44, %swap3A_45], %swap3A_48 {strides = array<i32>} : memref<2x1000x128xf32, #tpu.memory_space<vmem>>, vector<1x1000x128xf32>,
    return
  }
  func.func @transform_0(%arg0: i32) -> (i32, i32, i32) {
    %c0_i32 = arith.constant 0 : i32
    %c0_i32_0 = arith.constant 0 : i32
    %c0_i32_1 = arith.constant 0 : i32
    return %c0_i32, %arg0, %c0_i32_0 : i32, i32, i32
  }
  func.func @transform_1(%arg0: i32) -> (i32, i32, i32) {
    %c0_i32 = arith.constant 0 : i32
    %c0_i32_0 = arith.constant 0 : i32
    %c0_i32_1 = arith.constant 0 : i32
    return %c0_i32, %arg0, %c0_i32_0 : i32, i32, i32
  }
  func.func @transform_2(%arg0: i32) -> (i32, i32) {
    %c0_i32 = arith.constant 0 : i32
    %c0_i32_0 = arith.constant 0 : i32
    return %arg0, %c0_i32 : i32, i32
  }
  func.func @transform_3(%arg0: i32) -> (i32, i32) {
    %c0_i32 = arith.constant 0 : i32
    %c0_i32_0 = arith.constant 0 : i32
    %c0_i32_1 = arith.constant 0 : i32
    return %c0_i32, %c0_i32_0 : i32, i32
  }
  func.func @transform_4(%arg0: i32) -> (i32, i32) {
    %c0_i32 = arith.constant 0 : i32
    %c0_i32_0 = arith.constant 0 : i32
    %c0_i32_1 = arith.constant 0 : i32
    return %c0_i32, %c0_i32_0 : i32, i32
  }
  func.func @transform_5(%arg0: i32) -> (i32, i32, i32) {
    %c0_i32 = arith.constant 0 : i32
    %c0_i32_0 = arith.constant 0 : i32
    %c0_i32_1 = arith.constant 0 : i32
    return %c0_i32, %arg0, %c0_i32_0 : i32, i32, i32
  }
}

module attributes {stable_mosaic.version = 14 : i64} {
  func.func @_tc1_body(%arg0: i32, %arg1: memref<1000x128xf32, #tpu.memory_space<vmem>>, %arg2: memref<128x256xf32, #tpu.memory_space<vmem>>, %arg3: memref<2x1000x1xf32, #tpu.memory_space<vmem>>, %arg4: memref<2x1000x128xf32, #tpu.memory_space<vmem>>, %arg5: memref<1000x1xf32, #tpu.memory_space<vmem>>) attributes {dimension_semantics = [#tpu.dimension_semantics<arbitrary>], iteration_bounds = array<i64: 10>, scalar_prefetch = 0 : i64, scratch_operands = 0 : i64, tpu.core_type = #tpu.core_type<tc>, window_params = [{transform_indices = @transform_0, window_bounds = array<i64: 1000, 128>}, {pipeline_mode = #tpu.pipeline_mode<synchronous>, transform_indices = @transform_1, window_bounds = array<i64: 128, 256>}, {transform_indices = @transform_2, window_bounds = array<i64: 2, 1000, 1>}, {transform_indices = @transform_3, window_bounds = array<i64: 2, 1000, 128>}, {transform_indices = @transform_4, window_bounds = array<i64: 1000, 1>}]} {
    %get3A = arith.constant 0 : index
    %get3A_0 = arith.constant 0 : index
    %get3A_1 = arith.constant 0 : index
    %get3A_2 = vector.load %arg3[%get3A, %get3A_0, %get3A_1] : memref<2x1000x1xf32, #tpu.memory_space<vmem>>, vector<1x1000x1xf32>
    %get3A_3 = vector.shape_cast %get3A_2 : vector<1x1000x1xf32> to vector<1000x1xf32>
    %get3A_4 = arith.constant 1 : index
    %get3A_5 = arith.constant 0 : index
    %get3A_6 = arith.constant 0 : index
    %get3A_7 = vector.load %arg3[%get3A_4, %get3A_5, %get3A_6] : memref<2x1000x1xf32, #tpu.memory_space<vmem>>, vector<1x1000x1xf32>
    %get3A_8 = vector.shape_cast %get3A_7 : vector<1x1000x1xf32> to vector<1000x1xf32>
    %add3A = arith.addf %get3A_3, %get3A_8 : vector<1000x1xf32>
    %add3A_9 = arith.constant 1.000000e+00 : f32
    %add3A_10 = vector.broadcast %add3A_9 : f32 to vector<1000x1xf32>
    %add3A_11 = arith.addf %add3A, %add3A_10 : vector<1000x1xf32>
    %rsqrt3A = math.rsqrt %add3A_11 : vector<1000x1xf32>
    %swap3A = arith.constant 0 : index
    %swap3A_12 = arith.constant 0 : index
    %swap3A_13 = vector.load %arg5[%swap3A, %swap3A_12] : memref<1000x1xf32, #tpu.memory_space<vmem>>, vector<1000x1xf32>
    tpu.vector_store %arg5[%swap3A, %swap3A_12], %rsqrt3A {strides = array<i32>} : memref<1000x1xf32, #tpu.memory_space<vmem>>, vector<1000x1xf32>,
    %get3A_14 = arith.constant 0 : index
    %get3A_15 = arith.constant 0 : index
    %get3A_16 = vector.load %arg1[%get3A_14, %get3A_15] : memref<1000x128xf32, #tpu.memory_space<vmem>>, vector<1000x128xf32>
    %get3A_17 = arith.constant 0 : index
    %get3A_18 = arith.constant 0 : index
    %get3A_19 = vector.load %arg2[%get3A_17, %get3A_18] : memref<128x256xf32, #tpu.memory_space<vmem>>, vector<128x256xf32>
    %dot_general3A = arith.constant dense<0.000000e+00> : vector<1000x256xf32>
    %dot_general3A_20 = tpu.matmul %get3A_16, %get3A_19, %dot_general3A {dimension_numbers = #tpu.dot_dimension_numbers<[1], [0], [0], [1], [0, 0, 1, 1], [], []>, transpose_lhs_hint = false} : vector<1000x128xf32>, vector<128x256xf32>, vector<1000x256xf32> -> vector<1000x256xf32>
    %mul3A = vector.broadcast %rsqrt3A : vector<1000x1xf32> to vector<1000x256xf32>
    %mul3A_21 = arith.mulf %dot_general3A_20, %mul3A : vector<1000x256xf32>
    %slice3A = vector.extract_strided_slice %mul3A_21 {offsets = [0, 0], sizes = [1000, 128], strides = [1, 1]} : vector<1000x256xf32> to vector<1000x128xf32>
    %swap3A_22 = arith.constant 0 : index
    %swap3A_23 = arith.constant 0 : index
    %swap3A_24 = arith.constant 0 : index
    %swap3A_25 = vector.load %arg4[%swap3A_22, %swap3A_23, %swap3A_24] : memref<2x1000x128xf32, #tpu.memory_space<vmem>>, vector<1x1000x128xf32>
    %swap3A_26 = vector.shape_cast %swap3A_25 : vector<1x1000x128xf32> to vector<1000x128xf32>
    %swap3A_27 = vector.shape_cast %slice3A : vector<1000x128xf32> to vector<1x1000x128xf32>
    tpu.vector_store %arg4[%swap3A_22, %swap3A_23, %swap3A_24], %swap3A_27 {strides = array<i32>} : memref<2x1000x128xf32, #tpu.memory_space<vmem>>, vector<1x1000x128xf32>,
    %slice3A_28 = vector.extract_strided_slice %mul3A_21 {offsets = [0, 128], sizes = [1000, 128], strides = [1, 1]} : vector<1000x256xf32> to vector<1000x128xf32>
    %swap3A_29 = arith.constant 1 : index
    %swap3A_30 = arith.constant 0 : index
    %swap3A_31 = arith.constant 0 : index
    %swap3A_32 = vector.load %arg4[%swap3A_29, %swap3A_30, %swap3A_31] : memref<2x1000x128xf32, #tpu.memory_space<vmem>>, vector<1x1000x128xf32>
    %swap3A_33 = vector.shape_cast %swap3A_32 : vector<1x1000x128xf32> to vector<1000x128xf32>
    %swap3A_34 = vector.shape_cast %slice3A_28 : vector<1000x128xf32> to vector<1x1000x128xf32>
    tpu.vector_store %arg4[%swap3A_29, %swap3A_30, %swap3A_31], %swap3A_34 {strides = array<i32>} : memref<2x1000x128xf32, #tpu.memory_space<vmem>>, vector<1x1000x128xf32>,
    return
  }
  func.func @transform_0(%arg0: i32) -> (i32, i32) {
    %c0_i32 = arith.constant 0 : i32
    %c0_i32_0 = arith.constant 0 : i32
    return %arg0, %c0_i32 : i32, i32
  }
  func.func @transform_1(%arg0: i32) -> (i32, i32) {
    %c0_i32 = arith.constant 0 : i32
    %c0_i32_0 = arith.constant 0 : i32
    %c0_i32_1 = arith.constant 0 : i32
    return %c0_i32, %c0_i32_0 : i32, i32
  }
  func.func @transform_2(%arg0: i32) -> (i32, i32, i32) {
    %c0_i32 = arith.constant 0 : i32
    %c0_i32_0 = arith.constant 0 : i32
    %c0_i32_1 = arith.constant 0 : i32
    return %c0_i32, %arg0, %c0_i32_0 : i32, i32, i32
  }
  func.func @transform_3(%arg0: i32) -> (i32, i32, i32) {
    %c0_i32 = arith.constant 0 : i32
    %c0_i32_0 = arith.constant 0 : i32
    %c0_i32_1 = arith.constant 0 : i32
    return %c0_i32, %arg0, %c0_i32_0 : i32, i32, i32
  }
  func.func @transform_4(%arg0: i32) -> (i32, i32) {
    %c0_i32 = arith.constant 0 : i32
    %c0_i32_0 = arith.constant 0 : i32
    return %arg0, %c0_i32 : i32, i32
  }
}

module attributes {stable_mosaic.version = 14 : i64} {
  func.func @_tc_final_body(%arg0: i32, %arg1: memref<2x1000x128xf32, #tpu.memory_space<vmem>>, %arg2: memref<2x1000x128xf32, #tpu.memory_space<vmem>>, %arg3: memref<1000x1xf32, #tpu.memory_space<vmem>>, %arg4: memref<1x256xf32, #tpu.memory_space<vmem>>, %arg5: memref<1000x256xf32, #tpu.memory_space<vmem>>) attributes {dimension_semantics = [#tpu.dimension_semantics<arbitrary>], iteration_bounds = array<i64: 10>, scalar_prefetch = 0 : i64, scratch_operands = 0 : i64, tpu.core_type = #tpu.core_type<tc>, window_params = [{transform_indices = @transform_0, window_bounds = array<i64: 2, 1000, 128>}, {transform_indices = @transform_1, window_bounds = array<i64: 2, 1000, 128>}, {transform_indices = @transform_2, window_bounds = array<i64: 1000, 1>}, {pipeline_mode = #tpu.pipeline_mode<synchronous>, transform_indices = @transform_3, window_bounds = array<i64: 1, 256>}, {transform_indices = @transform_4, window_bounds = array<i64: 1000, 256>}]} {
    %get3A = arith.constant 0 : index
    %get3A_0 = arith.constant 0 : index
    %get3A_1 = arith.constant 0 : index
    %get3A_2 = vector.load %arg1[%get3A, %get3A_0, %get3A_1] : memref<2x1000x128xf32, #tpu.memory_space<vmem>>, vector<1x1000x128xf32>
    %get3A_3 = vector.shape_cast %get3A_2 : vector<1x1000x128xf32> to vector<1000x128xf32>
    %get3A_4 = arith.constant 0 : index
    %get3A_5 = arith.constant 0 : index
    %get3A_6 = arith.constant 0 : index
    %get3A_7 = vector.load %arg2[%get3A_4, %get3A_5, %get3A_6] : memref<2x1000x128xf32, #tpu.memory_space<vmem>>, vector<1x1000x128xf32>
    %get3A_8 = vector.shape_cast %get3A_7 : vector<1x1000x128xf32> to vector<1000x128xf32>
    %add3A = arith.addf %get3A_3, %get3A_8 : vector<1000x128xf32>
    %get3A_9 = arith.constant 1 : index
    %get3A_10 = arith.constant 0 : index
    %get3A_11 = arith.constant 0 : index
    %get3A_12 = vector.load %arg1[%get3A_9, %get3A_10, %get3A_11] : memref<2x1000x128xf32, #tpu.memory_space<vmem>>, vector<1x1000x128xf32>
    %get3A_13 = vector.shape_cast %get3A_12 : vector<1x1000x128xf32> to vector<1000x128xf32>
    %get3A_14 = arith.constant 1 : index
    %get3A_15 = arith.constant 0 : index
    %get3A_16 = arith.constant 0 : index
    %get3A_17 = vector.load %arg2[%get3A_14, %get3A_15, %get3A_16] : memref<2x1000x128xf32, #tpu.memory_space<vmem>>, vector<1x1000x128xf32>
    %get3A_18 = vector.shape_cast %get3A_17 : vector<1x1000x128xf32> to vector<1000x128xf32>
    %add3A_19 = arith.addf %get3A_13, %get3A_18 : vector<1000x128xf32>
    %concatenate3A = tpu.concatenate %add3A, %add3A_19 in 1 : vector<1000x128xf32>, vector<1000x128xf32> -> vector<1000x256xf32>
    %get3A_20 = arith.constant 0 : index
    %get3A_21 = arith.constant 0 : index
    %get3A_22 = vector.load %arg3[%get3A_20, %get3A_21] : memref<1000x1xf32, #tpu.memory_space<vmem>>, vector<1000x1xf32>
    %mul3A = vector.broadcast %get3A_22 : vector<1000x1xf32> to vector<1000x256xf32>
    %mul3A_23 = arith.mulf %concatenate3A, %mul3A : vector<1000x256xf32>
    %get3A_24 = arith.constant 0 : index
    %get3A_25 = arith.constant 0 : index
    %get3A_26 = vector.load %arg4[%get3A_24, %get3A_25] : memref<1x256xf32, #tpu.memory_space<vmem>>, vector<1x256xf32>
    %add3A_27 = vector.broadcast %get3A_26 : vector<1x256xf32> to vector<1000x256xf32>
    %add3A_28 = arith.addf %mul3A_23, %add3A_27 : vector<1000x256xf32>
    %swap3A = arith.constant 0 : index
    %swap3A_29 = arith.constant 0 : index
    %swap3A_30 = vector.load %arg5[%swap3A, %swap3A_29] : memref<1000x256xf32, #tpu.memory_space<vmem>>, vector<1000x256xf32>
    tpu.vector_store %arg5[%swap3A, %swap3A_29], %add3A_28 {strides = array<i32>} : memref<1000x256xf32, #tpu.memory_space<vmem>>, vector<1000x256xf32>,
    return
  }
  func.func @transform_0(%arg0: i32) -> (i32, i32, i32) {
    %c0_i32 = arith.constant 0 : i32
    %c0_i32_0 = arith.constant 0 : i32
    %c0_i32_1 = arith.constant 0 : i32
    return %c0_i32, %arg0, %c0_i32_0 : i32, i32, i32
  }
  func.func @transform_1(%arg0: i32) -> (i32, i32, i32) {
    %c0_i32 = arith.constant 0 : i32
    %c0_i32_0 = arith.constant 0 : i32
    %c0_i32_1 = arith.constant 0 : i32
    return %c0_i32, %arg0, %c0_i32_0 : i32, i32, i32
  }
  func.func @transform_2(%arg0: i32) -> (i32, i32) {
    %c0_i32 = arith.constant 0 : i32
    %c0_i32_0 = arith.constant 0 : i32
    return %arg0, %c0_i32 : i32, i32
  }
  func.func @transform_3(%arg0: i32) -> (i32, i32) {
    %c0_i32 = arith.constant 0 : i32
    %c0_i32_0 = arith.constant 0 : i32
    %c0_i32_1 = arith.constant 0 : i32
    return %c0_i32, %c0_i32_0 : i32, i32
  }
  func.func @transform_4(%arg0: i32) -> (i32, i32) {
    %c0_i32 = arith.constant 0 : i32
    %c0_i32_0 = arith.constant 0 : i32
    return %arg0, %c0_i32 : i32, i32
  }
}

</mosaic_0001>

<sc_bundles>
// kernel: kernel.10.cloned.1.call-start
scs
__scs_entry_jumppad:
0x0: {  	(pc) =	sbr.rel $0x88, $3  }
0x1: {  	(tag) =	ssettag $0x0;
	lr =	simm.s32 $0x1  }
0x2: {  	[smem:$0x3F99] =	sst lr;
	_ =	strace $0xD0000000  }
0x3: {  	_ = 	snop  }
0x4: {  	_ = 	snop  }
0x5: {  	_ = 	snop  }
0x6: {  	_ = 	snop  }
0x7: {  	_ = 	snop  }
__scs_overlays_trampoline_lowered:
0x8: {  	[smem:$0x3FA8] =	sst s0  }
0x9: {  	[smem:$0x3FA9] =	sst s1  }
0xa: {  	[smem:$0x3FAA] =	sst s2  }
0xb: {  	[smem:$0x3FAB] =	sst s3  }
0xc: {  	[smem:$0x3FAC] =	sst s4  }
0xd: {  	[smem:$0x3FAD] =	sst s5  }
0xe: {  	[smem:$0x3FAE] =	sst s6  }
0xf: {  	[smem:$0x3FAF] =	sst s7  }
0x10: {  	[smem:$0x3FB0] =	sst s8  }
0x11: {  	[smem:$0x3FB1] =	sst s9;
	s0 =	simm.s32 @!p0 $0x0  }
0x12: {  	s1 =	sld [smem:$0x3F97];
	s0 =	simm.s32 @p0 $0x1  }
0x13: {  	[smem:$0x3FB2] =	sst s0;
	s0 =	simm.s32 @!p1 $0x0  }
0x14: {  	s2 =	sld [smem:$0x3F96];
	s0 =	simm.s32 @p1 $0x1  }
0x15: {  	[smem:$0x3FB3] =	sst s0;
	s0 =	simm.s32 @!p2 $0x0  }
0x16: {  	s3 =	sld [smem:$0x3FDB];
	s0 =	simm.s32 @p2 $0x1  }
0x17: {  	s4 =	simm.s32 $0x1BF5;
	[smem:$0x3FB5] =	sst s0  }
0x18: {  	s0 =	sld [smem:$0x3F98];
	_ =	swait.ge [sflag:s4], $0x0  }
0x19: {  	s7 =	sld [smem:$0x3F99]  }
0x1a: {  	s8 =	sadd.s32 $0xFFFFE003, lr  }
0x1b: {  	s9 =	sadd.s32 $0xFFFFFEF7, lr;
	s5 =	simm.s32 $0xFFFFFFFF;
	p2 =	slt.u32 s8, $0xFFFFF086  }
0x1c: {  	p1 =	slt.u32 s9, $0xF7A;
	s5 =	simm.s32 @!p2 $0x0  }
0x1d: {  	s5 =	simm.s32 @p1 $0x1;
	p0 =	seq.s32 s7, s2  }
0x1e: {  	s7 =	smul.u32 @!p0 $0xF7A, s2;
	p2 =	seq.s32 @!p0 s5, $0x0  }
0x1f: {  	s9 =	smul.u32 $0xF7A, s1;
	s8 =	simm.s32 @!p0 $0x1BF5;
	p2 =	por !p2, p0  }
0x20: {  	[sflag:s8] =	ssyncset.s32 @!p0 $0xFFFFF086;
	s6 =	sadd.s32 @!p0 s3, s7;
	s7 =	simm.s32 @!p0 $0x108  }
0x21: {  	s3 =	sadd.s32 s3, s9;
	s6 =	sadd.s32 @!p0 $0x88, s6;
	s7 =	simm.s32 @p2 $0x1082  }
0x22: {  	[simem:s7], [sflag:s8] =	dma.local @!p0 [hbm:s6], $0xF7A  }
0x23: {  	s9 =	sor.u32 $0xD0000000, s2;
	s6 =	simm.s32 $0x108;
	_ =	swait.ge @!p0 [sflag:s8], $0x0  }
0x24: {  	s3 =	sadd.s32 $0x88, s3;
	s6 =	simm.s32 @!p1 $0x1082;
	[sflag:s4] =	ssyncset.s32 $0xFFFFF086  }
0x25: {  	[simem:s6], [sflag:s4] =	dma.local [hbm:s3], $0xF7A  }
0x26: {  	[smem:$0x3F99] =	sst s1;
	(tag) =	ssettag s2;
	_ =	strace s9  }
0x27: {  	s1 =	sld [smem:$0x3FA9]  }
0x28: {  	s2 =	sld [smem:$0x3FAA]  }
0x29: {  	s4 =	sld [smem:$0x3FAC]  }
0x2a: {  	p0 =	seq.s32 s5, $0x0;
	s5 =	sld [smem:$0x3FAD]  }
0x2b: {  	s6 =	sld [smem:$0x3FAE]  }
0x2c: {  	s7 =	sld [smem:$0x3FAF]  }
0x2d: {  	s3 =	simm.s32 $0x108;
	s8 =	sld [smem:$0x3FB0]  }
0x2e: {  	s3 =	simm.s32 @!p0 $0x1082;
	s9 =	sld [smem:$0x3FB1]  }
0x2f: {  	lr =	sadd.s32 s0, s3;
	s0 =	sld [smem:$0x3FA8]  }
0x30: {  	s3 =	sld [smem:$0x3FAB]  }
0x31: {  	[smem:$0x3FB4] =	sst s10  }
0x32: {  	s10 =	sld [smem:$0x3FB2];
	_ =	sdelay $0x3  }
0x33: {  	p0 =	seq.s32 s10, $0x1;
	s10 =	sld [smem:$0x3FB4];
	_ =	sdelay $0x3  }
0x34: {  	[smem:$0x3FB4] =	sst s10  }
0x35: {  	s10 =	sld [smem:$0x3FB3];
	_ =	sdelay $0x3  }
0x36: {  	p1 =	seq.s32 s10, $0x1;
	s10 =	sld [smem:$0x3FB4];
	_ =	sdelay $0x3  }
0x37: {  	[smem:$0x3FB4] =	sst s10  }
0x38: {  	s10 =	sld [smem:$0x3FB5]  }
0x39: {  	_ = 	snop;
	(pc) =	sbr.ind lr, $3  }
0x3a: {  	_ = 	snop  }
0x3b: {  	_ = 	snop  }
0x3c: {  	p2 =	seq.s32 s10, $0x1;
	s10 =	sld [smem:$0x3FB4]  }
0x3d: {  	_ =	shalt  }
0x3e: {  	_ =	shalt  }
0x3f: {  	_ =	shalt  }
0x40: {  	_ =	shalt  }
0x41: {  	_ =	shalt  }
0x42: {  	_ =	shalt  }
0x43: {  	_ =	shalt  }
0x44: {  	_ =	shalt  }
0x45: {  	_ =	shalt  }
0x46: {  	_ =	shalt  }
0x47: {  	_ =	shalt  }
0x48: {  	_ =	shalt  }
0x49: {  	_ =	shalt  }
0x4a: {  	_ =	shalt  }
0x4b: {  	_ =	shalt  }
0x4c: {  	_ =	shalt  }
0x4d: {  	_ =	shalt  }
0x4e: {  	_ =	shalt  }
0x4f: {  	_ =	shalt  }
0x50: {  	_ =	shalt  }
0x51: {  	_ =	shalt  }
0x52: {  	_ =	shalt  }
0x53: {  	_ =	shalt  }
0x54: {  	_ =	shalt  }
0x55: {  	_ =	shalt  }
0x56: {  	_ =	shalt  }
0x57: {  	_ =	shalt  }
0x58: {  	_ =	shalt  }
0x59: {  	_ =	shalt  }
0x5a: {  	_ =	shalt  }
0x5b: {  	_ =	shalt  }
0x5c: {  	_ =	shalt  }
0x5d: {  	_ =	shalt  }
0x5e: {  	_ =	shalt  }
0x5f: {  	_ =	shalt  }
0x60: {  	_ =	shalt  }
0x61: {  	_ =	shalt  }
0x62: {  	_ =	shalt  }
0x63: {  	_ =	shalt  }
0x64: {  	_ =	shalt  }
0x65: {  	_ =	shalt  }
0x66: {  	_ =	shalt  }
0x67: {  	_ =	shalt  }
0x68: {  	_ =	shalt  }
0x69: {  	_ =	shalt  }
0x6a: {  	_ =	shalt  }
0x6b: {  	_ =	shalt  }
0x6c: {  	_ =	shalt  }
0x6d: {  	_ =	shalt  }
0x6e: {  	_ =	shalt  }
0x6f: {  	_ =	shalt  }
0x70: {  	_ =	shalt  }
0x71: {  	_ =	shalt  }
0x72: {  	_ =	shalt  }
0x73: {  	_ =	shalt  }
0x74: {  	_ =	shalt  }
0x75: {  	_ =	shalt  }
0x76: {  	_ =	shalt  }
0x77: {  	_ =	shalt  }
0x78: {  	_ =	shalt  }
0x79: {  	_ =	shalt  }
0x7a: {  	_ =	shalt  }
0x7b: {  	_ =	shalt  }
0x7c: {  	_ =	shalt  }
0x7d: {  	_ =	shalt  }
0x7e: {  	_ =	shalt  }
0x7f: {  	_ =	shalt  }
0x80: {  	_ =	shalt  }
0x81: {  	_ =	shalt  }
0x82: {  	_ =	shalt  }
0x83: {  	_ =	shalt  }
0x84: {  	_ =	shalt  }
0x85: {  	_ =	shalt  }
0x86: {  	_ =	shalt  }
0x87: {  	_ =	shalt  }
.Lfunc_end0:
.L_simem_size_0:
called_computation_lowered:
.L_overlay_start_0:
0x88: {  	s2 =	sld [smem:$0x3FD9]  }
0x89: {  	s3 =	sld [smem:$0x3FFE];
	_ =	sdelay $0x1  }
0x8a: {  	s1 =	srdreg.scid  }
0x8b: {  	s0 =	sand.u32 $0x1, s1  }
0x8c: {  	s17 =	sshll.u32 s0, $0xA;
	s2 =	sadd.s32 s3, s2  }
0x8d: {  	s2 =	sadd.s32 s2, s17  }
0x8e: {  	[smem:$0x3FC0] =	sst s2  }
0x8f: {  	_ = 	snop  }
0x90: {  	s2 =	sld [smem:$0x3FD0];
	(tm) =	ssettm $0x1  }
0x91: {  	s18 =	sld [smem:$0x3FFB];
	_ =	sdelay $0x3  }
0x92: {  	_ =	strace s18  }
0x93: {  	s3 =	sld [smem:$0x3FFC];
	_ =	sdelay $0x3  }
0x94: {  	_ =	strace s3  }
0x95: {  	s3 =	sld [smem:$0x3FFD];
	_ =	sdelay $0x3  }
0x96: {  	_ =	strace s3  }
0x97: {  	_ =	strace $0x8FFFFFFF  }
0x98: {  	s19 =	sld [smem:$0x3FDB];
	_ =	sdelay $0x1  }
0x99: {  	s4 =	simm.s32 $_scs_section_size  }
0x9a: {  	s5 =	simm.s32 $_size__tile_overlayer_lowered;
	s6 =	simm.s32 $_tile_overlayer_lowered  }
0x9b: {  	s22 =	simm.s32 $0x1BFF;
	s21 =	sshll.u32 s6, $0x1;
	s3 =	sadd.s32 s4, s19  }
0x9c: {  	s7 =	simm.s32 $0x0;
	s20 =	sshll.u32 s5, $0x1;
	s5 =	sadd.s32 s21, s3  }
0x9d: {  	[timem:s7], [sflag:s22] =	dma.local [hbm:s5], s20  }
0x9e: {  	_ =	swait.ge [sflag:s22], s20  }
0x9f: {  	s4 =	ssub.s32 $0x0, s20;
	[sflag:s22] =	ssyncset.done $0x0  }
0xa0: {  	[sflag:s22] =	ssyncadd.s32 s4;
	_ =	sdelay $0x1  }
0xa1: {  	s23 =	simm.s32 $0x1B8B  }
0xa2: {  	_ =	swait.ge [sflag:s23], $0x1  }
0xa3: {  	[sflag:s23] =	ssyncset.done $0x0  }
0xa4: {  	s25 =	simm.s32 $0x1B8E;
	s24 =	sld [smem:$0x3FFE];
	[sflag:s23] =	ssyncadd.s32 $0xFFFFFFFF  }
0xa5: {  	s26 =	simm.s32 $execute0_lowered;
	[smem:$0x3FD2] =	sst s25  }
0xa6: {  	s5 =	sshll.u32 s26, $0x1;
	_ =	strace $0x80000046;
	[dreg:$0x1] =	wrdreg $0xFFFFFFFF  }
0xa7: {  	s28 =	simm.s32 $_size_execute0_lowered;
	s3 =	sadd.s32 s3, s5;
	[dreg:$0x0] =	wrdreg $0x0  }
0xa8: {  	s5 =	sshll.u32 s28, $0x1;
	[dreg:$0x2] =	wrdreg s3  }
0xa9: {  	[dreg:$0x3] =	wrdreg s5  }
0xaa: {  	[dreg:$0x4] =	wrdreg $0xC0  }
0xab: {  	_ =	task [dreg:s7], $0x5FFFF  }
0xac: {  	[dreg:$0x1] =	wrdreg $0xFFFFFFFF  }
0xad: {  	[dreg:$0x0] =	wrdreg $0x60  }
0xae: {  	[dreg:$0x2] =	wrdreg s24  }
0xaf: {  	[dreg:$0x3] =	wrdreg s2  }
0xb0: {  	[dreg:$0x4] =	wrdreg $0x5800  }
0xb1: {  	[dreg:$0x5] =	wrdreg $0x9  }
0xb2: {  	_ =	task.clear_ibuf [dreg:s7], $0x6FFFF;
	_ =	strace $0x90000046  }
0xb3: {  	s29 =	simm.s32 $0x9;
	_ =	strace $0x80000048  }
0xb4: {  	_ =	swait.ge [sflag:s29], $0x1  }
0xb5: {  	[sflag:s29] =	ssyncadd.s32 $0xFFFFFFFF  }
0xb6: {  	_ =	strace $0x90000048  }
0xb7: {  	_ =	sfence  }
0xb8: {  	s30 =	sld [smem:$0x0];
	_ =	sdelay $0x2  }
0xb9: {  	s31 =	sshll.u32 s1, $0xD;
	s1 =	sshrl.u32 s1, $0x2  }
0xba: {  	s3 =	sand.u32 $0x4000, s31;
	s1 =	sadd.s32 s1, s30  }
0xbb: {  	s0 =	sor.u32 s3, s0;
	s1 =	sshll.u32 s1, $0x11  }
0xbc: {  	s0 =	sor.u32 s1, s0  }
0xbd: {  	s0 =	sadd.s32 $0x8F2B, s0  }
0xbe: {  	[sflag:s0] =	ssyncadd.remote.s32 $0x1  }
0xbf: {  	_ =	sfence.sel $0xFFFF  }
0xc0: {  	[dreg:$0x0] =	wrdreg $0xFFFFFFFF;
	(pc) =	sbr.abs _section_cstart, $3  }
0xc1: {  	[dreg:$0x1] =	wrdreg $0xFFFFFFFF  }
0xc2: {  	_ =	task.clear_ibuf [dreg:s7], $0x2FFFF;
	_ =	strace $0x9FFFFFFF  }
0xc3: {  	(tm) =	ssettm $0x7FFFFFFF  }
tec
execute0_lowered:
.L_overlay_start_1:
0x0: {  	(tag) =	ssettag $0x1  }
0x1: {  	s0 =	rddreg [dreg:$0x0]  }
0x2: {  	s1 =	srdreg.scid;
	s7 =	rddreg [dreg:$0x1]  }
0x3: {  	s2 =	rddreg [dreg:$0x2];
	s12 =	stileid.u32  }
0x4: {  	s3 =	simm.s32 $0x0;
	s18 =	simm.s32 $0xB;
	s19 =	simm.s32 $0x80  }
0x5: {  	s20 =	simm.s32 $0x100;
	s28 =	simm.s32 $0x2;
	s29 =	simm.s32 $0x4  }
0x6: {  	s30 =	simm.s32 $0x5;
	s31 =	simm.s32 $0x6;
	s9 =	smul.u32 $0xA00, s12  }
0x7: {  	s1 =	sand.u32 $0x1, s1;
	[smem:$0x7FF] =	sst s3;
	s11 =	smul.u32 $0x2710, s12  }
0x8: {  	s17 =	smul.u32 $0xA0, s12;
	s8 =	sshll.u32 s1, $0x4;
	_ =	strace $0x80000047  }
0x9: {  	s6 =	ssub.s32 $0x2, s1;
	s1 =	smul.u32 $0x27100, s1;
	s4 =	sor.u32 s12, s8  }
0xa: {  	s26 =	sshrl.u32 s6, $0x1;
	s9 =	sshrl.u32 s9, $0x2;
	s7 =	sadd.s32 s7, s8  }
0xb: {  	s8 =	simm.s32 $0x0;
	s5 =	smul.u32 $0x2710, s4;
	s4 =	sadd.s32 $0xC400, s0  }
0xc: {  	s0 =	ssub.s32 s6, s26;
	s1 =	sadd.s32 s11, s1;
	s26 =	sadd.s32 s17, s7  }
0xd: {  	s17 =	simm.s32 $0x9;
	s7 =	simm.s32 $0xA;
	s16 =	sadd.s32 $0x280, s1  }
0xe: {  	s0 =	smax.u32 s0, $0x1;
	s21 =	sadd.s32 $0x230, s1;
	s22 =	sadd.s32 $0x1E0, s1  }
0xf: {  	s23 =	sadd.s32 $0x140, s1;
	s25 =	sadd.s32 $0x190, s1;
	[dreg:$0xb] =	wrdreg s26  }
0x10: {  	s26 =	simm.s32 $0x280;
	s1 =	simm.s32 $0x8;
	s10 =	sshrl.u32 s5, $0x3  }
0x11: {  	s5 =	sadd.s32 s9, s2;
	s9 =	sshrl.u32 s16, $0x3;
	[dreg:$0x9] =	wrdreg s0  }
0x12: {  	s0 =	sshrl.u32 s21, $0x3;
	s24 =	sshrl.u32 s22, $0x3;
	[dreg:$0xa] =	wrdreg s25  }
0x13: {  	s21 =	simm.s32 $0x180;
	s22 =	simm.s32 $0x200;
	s10 =	sadd.s32 s4, s10  }
0x14: {  	s25 =	simm.s32 $0x50;
	s13 =	sadd.s32 $0xA, s10;
	[dreg:$0x4] =	wrdreg s10  }
.Ltmp0:
0x15: {  	s14 =	sadd.s32 $0x14, s10;
	[dreg:$0x5] =	wrdreg s13;
	(pc) =	sbr.rel .LBB2_1-.Ltmp0, $4  }
0x16: {  	s12 =	sadd.s32 s9, s4;
	s15 =	sadd.s32 $0x1E, s10;
	[dreg:$0x6] =	wrdreg s14  }
0x17: {  	s6 =	sadd.s32 $0x28, s10;
	s10 =	sshrl.u32 s23, $0x3;
	[dreg:$0x7] =	wrdreg s15  }
0x18: {  	s23 =	simm.s32 $0x1;
	[dreg:$0x8] =	wrdreg s6;
	s13 =	sadd.s32 s0, s4  }
0x19: {  	v0 =	vimm.f32 $0.0e+00;
	v1 =	vimm.f32 $1.000000000e+00;
	s14 =	sadd.s32 s24, s4;
	s16 =	sadd.s32 s10, s4;
	s0 =	simm.s32 $0x7  }
.LBB2_4:
0x1a: {  	_ =	swait.ge [sflag:s30], $0x50  }
0x1b: {  	[sflag:s30] =	ssyncset.done $0x0  }
0x1c: {  	[sflag:s30] =	ssyncadd.s32 $0xFFFFFFB0  }
0x1d: {  	[spmem:s2] =	stream.indirect.scatter.add.f32 [tilespmem:s26], [sflag:$0xA], $0x1, s22, s25, $0xb8;
	[tilespmem:$0x800] =	vst v63  }
0x1e: {  	_ =	swait.ge [sflag:s31], $0x50  }
0x1f: {  	[sflag:s31] =	ssyncset.done $0x0  }
0x20: {  	[sflag:s31] =	ssyncadd.s32 $0xFFFFFFB0  }
0x21: {  	_ =	swait.ge [sflag:s0], $0x50  }
0x22: {  	[sflag:s0] =	ssyncset.done $0x0  }
0x23: {  	[sflag:s0] =	ssyncadd.s32 $0xFFFFFFB0  }
0x24: {  	_ =	swait.ge [sflag:s1], $0x50  }
0x25: {  	[sflag:s1] =	ssyncset.done $0x0  }
0x26: {  	[sflag:s1] =	ssyncadd.s32 $0xFFFFFFB0  }
0x27: {  	_ =	swait.ge [sflag:s17], $0x50  }
0x28: {  	[sflag:s17] =	ssyncset.done $0x0  }
0x29: {  	[sflag:s17] =	ssyncadd.s32 $0xFFFFFFB0  }
0x2a: {  	_ =	swait.ge [sflag:s7], $0x50  }
0x2b: {  	[sflag:s7] =	ssyncset.done $0x0  }
0x2c: {  	s6 =	stileid.u32;
	s9 =	sshrl.u32 s5, $0x3;
	[sflag:s7] =	ssyncadd.s32 $0xFFFFFFB0  }
0x2d: {  	s11 =	simm.s32 $0x20;
	s6 =	sshll.u32 s6, $0x6;
	[bflag:$0x0] =	sbarrier.arrive $0xFFFF  }
0x2e: {  	s15 =	simm.s32 $0x10;
	s6 =	sor.u32 $0x1C0B, s6;
	s10 =	rddreg [dreg:$0xb]  }
0x2f: {  	[hbm:s10@s11], [sflag:s6] =	dma.strided [spmem:s9@s15], $0x50, s23, $0x10   }
0x30: {  	_ =	swait.ge [sflag:s18], $0x50  }
0x31: {  	s8 =	sadd.s32 $0x1, s8;
	s24 =	rddreg [dreg:$0x9]  }
0x32: {  	p0 =	sne.s32 s8, s24  }
.Ltmp1:
0x33: {  	_ = 	snop;
	(pc) =	sbr.rel @!p0 .LBB2_5-.Ltmp1, $3  }
0x34: {  	_ =	sdelay $0x1  }
0x35: {  	[sflag:s18] =	ssyncset.done $0x0  }
0x36: {  	[sflag:s18] =	ssyncadd.s32 $0xFFFFFFB0  }
.LBB2_1:
0x37: {  	[tilespmem:$0x300] =	vst v0  }
0x38: {  	[tilespmem:$0x310] =	vst v0  }
0x39: {  	[tilespmem:$0x320] =	vst v0  }
0x3a: {  	[tilespmem:$0x330] =	vst v0  }
0x3b: {  	[tilespmem:$0x340] =	vst v0  }
0x3c: {  	[tilespmem:$0x350] =	vst v0  }
0x3d: {  	[tilespmem:$0x360] =	vst v0  }
0x3e: {  	[tilespmem:$0x370] =	vst v0  }
0x3f: {  	[tilespmem:$0x380] =	vst v0  }
0x40: {  	[tilespmem:$0x390] =	vst v0  }
0x41: {  	[tilespmem:$0x3A0] =	vst v0  }
0x42: {  	[tilespmem:$0x3B0] =	vst v0  }
0x43: {  	[tilespmem:$0x3C0] =	vst v0  }
0x44: {  	[tilespmem:$0x3D0] =	vst v0  }
0x45: {  	[tilespmem:$0x3E0] =	vst v0  }
0x46: {  	[tilespmem:$0x3F0] =	vst v0  }
0x47: {  	[tilespmem:$0x400] =	vst v0  }
0x48: {  	[tilespmem:$0x410] =	vst v0  }
0x49: {  	[tilespmem:$0x420] =	vst v0  }
0x4a: {  	[tilespmem:$0x430] =	vst v0  }
0x4b: {  	[tilespmem:$0x440] =	vst v0  }
0x4c: {  	[tilespmem:$0x450] =	vst v0  }
0x4d: {  	[tilespmem:$0x460] =	vst v0  }
0x4e: {  	[tilespmem:$0x470] =	vst v0  }
0x4f: {  	[tilespmem:$0x480] =	vst v0  }
0x50: {  	[tilespmem:$0x490] =	vst v0  }
0x51: {  	[tilespmem:$0x4A0] =	vst v0  }
0x52: {  	[tilespmem:$0x4B0] =	vst v0  }
0x53: {  	[tilespmem:$0x4C0] =	vst v0  }
0x54: {  	[tilespmem:$0x4D0] =	vst v0  }
0x55: {  	[tilespmem:$0x4E0] =	vst v0  }
0x56: {  	[tilespmem:$0x4F0] =	vst v0  }
0x57: {  	[tilespmem:$0x500] =	vst v0  }
0x58: {  	[tilespmem:$0x510] =	vst v0  }
0x59: {  	[tilespmem:$0x520] =	vst v0  }
0x5a: {  	[tilespmem:$0x530] =	vst v0  }
0x5b: {  	[tilespmem:$0x540] =	vst v0  }
0x5c: {  	[tilespmem:$0x550] =	vst v0  }
0x5d: {  	[tilespmem:$0x560] =	vst v0  }
0x5e: {  	[tilespmem:$0x570] =	vst v0  }
0x5f: {  	[tilespmem:$0x280] =	vst v1  }
0x60: {  	[tilespmem:$0x290] =	vst v1  }
0x61: {  	[tilespmem:$0x2A0] =	vst v1  }
0x62: {  	[tilespmem:$0x2B0] =	vst v1  }
0x63: {  	[tilespmem:$0x2C0] =	vst v1;
	s6 =	simm.s32 $0x300  }
0x64: {  	[spmem:s5] =	stream.linear.scatter [tilespmem:s6], [sflag:$0xB], $0x280, $0x38;
	[tilespmem:$0x800] =	vst v63  }
0x65: {  	_ =	swait.ge [sflag:s18], $0x280  }
0x66: {  	[sflag:s18] =	ssyncset.done $0x0  }
0x67: {  	[sflag:s18] =	ssyncadd.s32 $0xFFFFFD80  }
0x68: {  	[bflag:$0x0] =	sbarrier.arrive $0xFFFF  }
0x69: {  	s9 =	rddreg [dreg:$0x4]  }
0x6a: {  	s10 =	rddreg [dreg:$0x5]  }
0x6b: {  	[tilespmem:s3], [sflag:$0x1] =	stream.linear.gather [hbm4b:s9+s3], $0x50, $0x38;
	[tilespmem:$0x800] =	vst v63  }
0x6c: {  	s11 =	rddreg [dreg:$0x6]  }
0x6d: {  	[tilespmem:s19], [sflag:$0x2] =	stream.linear.gather [hbm4b:s10+s3], $0x50, $0x38;
	[tilespmem:$0x800] =	vst v63  }
0x6e: {  	s15 =	rddreg [dreg:$0x7]  }
0x6f: {  	[tilespmem:s20], [sflag:$0x3] =	stream.linear.gather [hbm4b:s11+s3], $0x50, $0x38;
	[tilespmem:$0x800] =	vst v63  }
0x70: {  	s24 =	rddreg [dreg:$0x8]  }
0x71: {  	[tilespmem:s21], [sflag:$0x4] =	stream.linear.gather [hbm4b:s15+s3], $0x50, $0x38;
	[tilespmem:$0x800] =	vst v63  }
0x72: {  	s10 =	simm.s32 $0x0;
	s15 =	rddreg [dreg:$0xa]  }
0x73: {  	[tilespmem:s22], [sflag:$0x5] =	stream.linear.gather [hbm4b:s24+s3], $0x50, $0x38;
	[tilespmem:$0x800] =	vst v63  }
.LBB2_2:
0x74: {  	_ =	swait.ge [sflag:s23], $0x50  }
0x75: {  	p0 =	seq.s32 s10, $0x0;
	[sflag:s23] =	ssyncset.done $0x0  }
0x76: {  	s11 =	simm.s32 @!p0 $0xA;
	[sflag:s23] =	ssyncadd.s32 $0xFFFFFFB0  }
0x77: {  	[spmem:s2] =	stream.indirect.scatter.add.f32 [tilespmem:s26], [sflag:$0x6], $0x1, s3, s25, $0xb8;
	[tilespmem:$0x800] =	vst v63  }
0x78: {  	_ =	swait.ge @!p0 [sflag:s11], $0x50  }
0x79: {  	s9 =	simm.s32 @!p0 $0x0;
	[sflag:s11] =	ssyncset.done @!p0 $0x0  }
0x7a: {  	s6 =	simm.s32 @!p0 $0x200;
	[sflag:s11] =	ssyncadd.s32 @!p0 $0xFFFFFFB0;
	s11 =	sadd.s32 @!p0 s10, s16  }
0x7b: {  	[tilespmem:s6], [sflag:$0x5] =	stream.linear.gather @!p0 [hbm4b:s11+s9], $0x50, $0x38;
	[tilespmem:$0x800] =	vst v63  }
0x7c: {  	_ =	swait.ge [sflag:s28], $0x50  }
0x7d: {  	p0 =	seq.s32 s10, $0x4B0;
	[sflag:s28] =	ssyncset.done $0x0  }
0x7e: {  	s6 =	simm.s32 @p0 $0x3;
	[sflag:s28] =	ssyncadd.s32 $0xFFFFFFB0  }
0x7f: {  	[spmem:s2] =	stream.indirect.scatter.add.f32 [tilespmem:s26], [sflag:$0x7], $0x1, s19, s25, $0xb8;
	[tilespmem:$0x800] =	vst v63  }
0x80: {  	_ =	swait.ge @p0 [sflag:s6], $0x50  }
0x81: {  	s9 =	simm.s32 @p0 $0x100;
	[sflag:s6] =	ssyncset.done @p0 $0x0  }
0x82: {  	s11 =	simm.s32 @p0 $0x280;
	[sflag:s6] =	ssyncadd.s32 @p0 $0xFFFFFFB0;
	s6 =	simm.s32 @p0 $0x50  }
0x83: {  	[spmem:s2] =	stream.indirect.scatter.add.f32 @p0 [tilespmem:s11], [sflag:$0x8], $0x1, s9, s6, $0xb8;
	[tilespmem:$0x800] =	vst v63  }
0x84: {  	s6 =	simm.s32 @!p0 $0x6  }
0x85: {  	_ =	swait.ge @!p0 [sflag:s6], $0x50  }
0x86: {  	s9 =	sshrl.u32 @!p0 s15, $0x3;
	[sflag:s6] =	ssyncset.done @!p0 $0x0  }
0x87: {  	[sflag:s6] =	ssyncadd.s32 @!p0 $0xFFFFFFB0;
	s6 =	sadd.s32 @!p0 s4, s9;
	s9 =	simm.s32 @!p0 $0x0  }
0x88: {  	[tilespmem:s9], [sflag:$0x1] =	stream.linear.gather @!p0 [hbm4b:s6+s9], $0x50, $0x38;
	[tilespmem:$0x800] =	vst v63  }
0x89: {  	s6 =	simm.s32 @!p0 $0x3  }
0x8a: {  	_ =	swait.ge @!p0 [sflag:s6], $0x50  }
0x8b: {  	s24 =	simm.s32 @!p0 $0x280;
	[sflag:s6] =	ssyncset.done @!p0 $0x0  }
0x8c: {  	s11 =	simm.s32 @!p0 $0x100;
	[sflag:s6] =	ssyncadd.s32 @!p0 $0xFFFFFFB0;
	s6 =	simm.s32 @!p0 $0x50  }
0x8d: {  	[spmem:s2] =	stream.indirect.scatter.add.f32 @!p0 [tilespmem:s24], [sflag:$0x8], $0x1, s11, s6, $0xb8;
	[tilespmem:$0x800] =	vst v63  }
0x8e: {  	s6 =	simm.s32 @!p0 $0x7  }
0x8f: {  	_ =	swait.ge @!p0 [sflag:s6], $0x50  }
0x90: {  	[sflag:s6] =	ssyncset.done @!p0 $0x0  }
0x91: {  	s11 =	simm.s32 @!p0 $0x80;
	[sflag:s6] =	ssyncadd.s32 @!p0 $0xFFFFFFB0;
	s6 =	sadd.s32 @!p0 s10, s14  }
0x92: {  	[tilespmem:s11], [sflag:$0x2] =	stream.linear.gather @!p0 [hbm4b:s6+s9], $0x50, $0x38;
	[tilespmem:$0x800] =	vst v63  }
.Ltmp2:
0x93: {  	_ = 	snop;
	(pc) =	sbr.rel @p0 .LBB2_4-.Ltmp2, $4  }
0x94: {  	_ =	swait.ge [sflag:s29], $0x50  }
0x95: {  	[sflag:s29] =	ssyncset.done $0x0  }
0x96: {  	[sflag:s29] =	ssyncadd.s32 $0xFFFFFFB0  }
0x97: {  	[spmem:s2] =	stream.indirect.scatter.add.f32 [tilespmem:s26], [sflag:$0x9], $0x1, s21, s25, $0xb8;
	[tilespmem:$0x800] =	vst v63  }
0x98: {  	_ =	swait.ge [sflag:s1], $0x50  }
0x99: {  	[sflag:s1] =	ssyncset.done $0x0  }
0x9a: {  	s6 =	sadd.s32 s10, s13;
	[sflag:s1] =	ssyncadd.s32 $0xFFFFFFB0  }
0x9b: {  	[tilespmem:s20], [sflag:$0x3] =	stream.linear.gather [hbm4b:s6+s3], $0x50, $0x38;
	[tilespmem:$0x800] =	vst v63  }
0x9c: {  	_ =	swait.ge [sflag:s30], $0x50  }
0x9d: {  	[sflag:s30] =	ssyncset.done $0x0  }
0x9e: {  	[sflag:s30] =	ssyncadd.s32 $0xFFFFFFB0  }
0x9f: {  	[spmem:s2] =	stream.indirect.scatter.add.f32 [tilespmem:s26], [sflag:$0xA], $0x1, s22, s25, $0xb8;
	[tilespmem:$0x800] =	vst v63  }
.Ltmp3:
0xa0: {  	_ = 	snop;
	(pc) =	sbr.rel .LBB2_2-.Ltmp3, $4  }
0xa1: {  	_ =	swait.ge [sflag:s17], $0x50  }
0xa2: {  	s24 =	sadd.s32 s10, s12;
	[sflag:s17] =	ssyncset.done $0x0  }
0xa3: {  	s10 =	sadd.s32 $0x32, s10;
	s15 =	sadd.s32 $0x190, s15;
	[sflag:s17] =	ssyncadd.s32 $0xFFFFFFB0  }
0xa4: {  	[tilespmem:s21], [sflag:$0x4] =	stream.linear.gather [hbm4b:s24+s3], $0x50, $0x38;
	[tilespmem:$0x800] =	vst v63  }
.LBB2_5:
0xa5: {  	_ =	sfence.sel $0x180000  }
0xa6: {  	[bflag:$0x0] =	sbarrier.arrive $0xFFFF  }
0xa7: {  	_ =	strace $0x90000047  }
0xa8: {  	s0 =	stileid.u32;
	[bflag:$0x2] =	sbarrier.arrive $0xFFFF  }
0xa9: {  	p0 =	sne.s32 s0, $0x0;
	s0 =	rddreg [dreg:$0x3]  }
0xaa: {  	s0 =	sadd.s32 @!p0 $0x100000, s0  }
0xab: {  	[sflag:s0] =	ssyncadd.tile.s32 @!p0 $0x1;
	_ =	shalt  }
.Lfunc_end2:
_tile_overlayer_lowered:
.L_overlay_start_2:
0xac: {  	(tag) =	ssettag $0x2  }
0xad: {  	s0 =	rddreg [dreg:$0x0];
	s2 =	stileid.u32  }
0xae: {  	s1 =	rddreg [dreg:$0x1];
	p0 =	sne.s32 s2, $0x0  }
0xaf: {  	s3 =	rddreg [dreg:$0x2];
	[bflag:$0x3] =	sbarrier.arrive $0xFFFF;
	s2 =	simm.s32 @!p0 $0x1C0B  }
0xb0: {  	[timem:s3], [sflag:s2] =	dma.local @!p0 [hbm:s0], s1  }
0xb1: {  	s0 =	simm.s32 @!p0 $0xB  }
0xb2: {  	_ =	swait.ge @!p0 [sflag:s0], s1  }
0xb3: {  	s1 =	ssub.s32 @!p0 $0x0, s1;
	[sflag:s0] =	ssyncset.done @!p0 $0x0  }
0xb4: {  	[sflag:s0] =	ssyncadd.s32 @!p0 s1  }
0xb5: {  	[bflag:$0x3] =	sbarrier.arrive $0xFFFF  }
0xb6: {  	_ =	shalt  }

// kernel: kernel.13.cloned.1.call-start
scs
__scs_entry_jumppad:
0x0: {  	(pc) =	sbr.rel $0x88, $3  }
0x1: {  	(tag) =	ssettag $0x0;
	lr =	simm.s32 $0x1  }
0x2: {  	[smem:$0x3F99] =	sst lr;
	_ =	strace $0xD0000000  }
0x3: {  	_ = 	snop  }
0x4: {  	_ = 	snop  }
0x5: {  	_ = 	snop  }
0x6: {  	_ = 	snop  }
0x7: {  	_ = 	snop  }
__scs_overlays_trampoline_lowered:
0x8: {  	[smem:$0x3FA8] =	sst s0  }
0x9: {  	[smem:$0x3FA9] =	sst s1  }
0xa: {  	[smem:$0x3FAA] =	sst s2  }
0xb: {  	[smem:$0x3FAB] =	sst s3  }
0xc: {  	[smem:$0x3FAC] =	sst s4  }
0xd: {  	[smem:$0x3FAD] =	sst s5  }
0xe: {  	[smem:$0x3FAE] =	sst s6  }
0xf: {  	[smem:$0x3FAF] =	sst s7  }
0x10: {  	[smem:$0x3FB0] =	sst s8  }
0x11: {  	[smem:$0x3FB1] =	sst s9;
	s0 =	simm.s32 @!p0 $0x0  }
0x12: {  	s1 =	sld [smem:$0x3F97];
	s0 =	simm.s32 @p0 $0x1  }
0x13: {  	[smem:$0x3FB2] =	sst s0;
	s0 =	simm.s32 @!p1 $0x0  }
0x14: {  	s2 =	sld [smem:$0x3F96];
	s0 =	simm.s32 @p1 $0x1  }
0x15: {  	[smem:$0x3FB3] =	sst s0;
	s0 =	simm.s32 @!p2 $0x0  }
0x16: {  	s3 =	sld [smem:$0x3FDB];
	s0 =	simm.s32 @p2 $0x1  }
0x17: {  	s4 =	simm.s32 $0x1BF5;
	[smem:$0x3FB5] =	sst s0  }
0x18: {  	s0 =	sld [smem:$0x3F98];
	_ =	swait.ge [sflag:s4], $0x0  }
0x19: {  	s7 =	sld [smem:$0x3F99]  }
0x1a: {  	s8 =	sadd.s32 $0xFFFFE003, lr  }
0x1b: {  	s9 =	sadd.s32 $0xFFFFFEF7, lr;
	s5 =	simm.s32 $0xFFFFFFFF;
	p2 =	slt.u32 s8, $0xFFFFF086  }
0x1c: {  	p1 =	slt.u32 s9, $0xF7A;
	s5 =	simm.s32 @!p2 $0x0  }
0x1d: {  	s5 =	simm.s32 @p1 $0x1;
	p0 =	seq.s32 s7, s2  }
0x1e: {  	s7 =	smul.u32 @!p0 $0xF7A, s2;
	p2 =	seq.s32 @!p0 s5, $0x0  }
0x1f: {  	s9 =	smul.u32 $0xF7A, s1;
	s8 =	simm.s32 @!p0 $0x1BF5;
	p2 =	por !p2, p0  }
0x20: {  	[sflag:s8] =	ssyncset.s32 @!p0 $0xFFFFF086;
	s6 =	sadd.s32 @!p0 s3, s7;
	s7 =	simm.s32 @!p0 $0x108  }
0x21: {  	s3 =	sadd.s32 s3, s9;
	s6 =	sadd.s32 @!p0 $0x88, s6;
	s7 =	simm.s32 @p2 $0x1082  }
0x22: {  	[simem:s7], [sflag:s8] =	dma.local @!p0 [hbm:s6], $0xF7A  }
0x23: {  	s9 =	sor.u32 $0xD0000000, s2;
	s6 =	simm.s32 $0x108;
	_ =	swait.ge @!p0 [sflag:s8], $0x0  }
0x24: {  	s3 =	sadd.s32 $0x88, s3;
	s6 =	simm.s32 @!p1 $0x1082;
	[sflag:s4] =	ssyncset.s32 $0xFFFFF086  }
0x25: {  	[simem:s6], [sflag:s4] =	dma.local [hbm:s3], $0xF7A  }
0x26: {  	[smem:$0x3F99] =	sst s1;
	(tag) =	ssettag s2;
	_ =	strace s9  }
0x27: {  	s1 =	sld [smem:$0x3FA9]  }
0x28: {  	s2 =	sld [smem:$0x3FAA]  }
0x29: {  	s4 =	sld [smem:$0x3FAC]  }
0x2a: {  	p0 =	seq.s32 s5, $0x0;
	s5 =	sld [smem:$0x3FAD]  }
0x2b: {  	s6 =	sld [smem:$0x3FAE]  }
0x2c: {  	s7 =	sld [smem:$0x3FAF]  }
0x2d: {  	s3 =	simm.s32 $0x108;
	s8 =	sld [smem:$0x3FB0]  }
0x2e: {  	s3 =	simm.s32 @!p0 $0x1082;
	s9 =	sld [smem:$0x3FB1]  }
0x2f: {  	lr =	sadd.s32 s0, s3;
	s0 =	sld [smem:$0x3FA8]  }
0x30: {  	s3 =	sld [smem:$0x3FAB]  }
0x31: {  	[smem:$0x3FB4] =	sst s10  }
0x32: {  	s10 =	sld [smem:$0x3FB2];
	_ =	sdelay $0x3  }
0x33: {  	p0 =	seq.s32 s10, $0x1;
	s10 =	sld [smem:$0x3FB4];
	_ =	sdelay $0x3  }
0x34: {  	[smem:$0x3FB4] =	sst s10  }
0x35: {  	s10 =	sld [smem:$0x3FB3];
	_ =	sdelay $0x3  }
0x36: {  	p1 =	seq.s32 s10, $0x1;
	s10 =	sld [smem:$0x3FB4];
	_ =	sdelay $0x3  }
0x37: {  	[smem:$0x3FB4] =	sst s10  }
0x38: {  	s10 =	sld [smem:$0x3FB5]  }
0x39: {  	_ = 	snop;
	(pc) =	sbr.ind lr, $3  }
0x3a: {  	_ = 	snop  }
0x3b: {  	_ = 	snop  }
0x3c: {  	p2 =	seq.s32 s10, $0x1;
	s10 =	sld [smem:$0x3FB4]  }
0x3d: {  	_ =	shalt  }
0x3e: {  	_ =	shalt  }
0x3f: {  	_ =	shalt  }
0x40: {  	_ =	shalt  }
0x41: {  	_ =	shalt  }
0x42: {  	_ =	shalt  }
0x43: {  	_ =	shalt  }
0x44: {  	_ =	shalt  }
0x45: {  	_ =	shalt  }
0x46: {  	_ =	shalt  }
0x47: {  	_ =	shalt  }
0x48: {  	_ =	shalt  }
0x49: {  	_ =	shalt  }
0x4a: {  	_ =	shalt  }
0x4b: {  	_ =	shalt  }
0x4c: {  	_ =	shalt  }
0x4d: {  	_ =	shalt  }
0x4e: {  	_ =	shalt  }
0x4f: {  	_ =	shalt  }
0x50: {  	_ =	shalt  }
0x51: {  	_ =	shalt  }
0x52: {  	_ =	shalt  }
0x53: {  	_ =	shalt  }
0x54: {  	_ =	shalt  }
0x55: {  	_ =	shalt  }
0x56: {  	_ =	shalt  }
0x57: {  	_ =	shalt  }
0x58: {  	_ =	shalt  }
0x59: {  	_ =	shalt  }
0x5a: {  	_ =	shalt  }
0x5b: {  	_ =	shalt  }
0x5c: {  	_ =	shalt  }
0x5d: {  	_ =	shalt  }
0x5e: {  	_ =	shalt  }
0x5f: {  	_ =	shalt  }
0x60: {  	_ =	shalt  }
0x61: {  	_ =	shalt  }
0x62: {  	_ =	shalt  }
0x63: {  	_ =	shalt  }
0x64: {  	_ =	shalt  }
0x65: {  	_ =	shalt  }
0x66: {  	_ =	shalt  }
0x67: {  	_ =	shalt  }
0x68: {  	_ =	shalt  }
0x69: {  	_ =	shalt  }
0x6a: {  	_ =	shalt  }
0x6b: {  	_ =	shalt  }
0x6c: {  	_ =	shalt  }
0x6d: {  	_ =	shalt  }
0x6e: {  	_ =	shalt  }
0x6f: {  	_ =	shalt  }
0x70: {  	_ =	shalt  }
0x71: {  	_ =	shalt  }
0x72: {  	_ =	shalt  }
0x73: {  	_ =	shalt  }
0x74: {  	_ =	shalt  }
0x75: {  	_ =	shalt  }
0x76: {  	_ =	shalt  }
0x77: {  	_ =	shalt  }
0x78: {  	_ =	shalt  }
0x79: {  	_ =	shalt  }
0x7a: {  	_ =	shalt  }
0x7b: {  	_ =	shalt  }
0x7c: {  	_ =	shalt  }
0x7d: {  	_ =	shalt  }
0x7e: {  	_ =	shalt  }
0x7f: {  	_ =	shalt  }
0x80: {  	_ =	shalt  }
0x81: {  	_ =	shalt  }
0x82: {  	_ =	shalt  }
0x83: {  	_ =	shalt  }
0x84: {  	_ =	shalt  }
0x85: {  	_ =	shalt  }
0x86: {  	_ =	shalt  }
0x87: {  	_ =	shalt  }
.Lfunc_end0:
.L_simem_size_0:
called_computation.1_lowered:
.L_overlay_start_0:
0x88: {  	s2 =	sld [smem:$0x3FD9]  }
0x89: {  	s3 =	sld [smem:$0x3FFE];
	_ =	sdelay $0x1  }
0x8a: {  	s1 =	srdreg.scid  }
0x8b: {  	s0 =	sand.u32 $0x1, s1  }
0x8c: {  	s17 =	sshll.u32 s0, $0xA;
	s2 =	sadd.s32 s3, s2  }
0x8d: {  	s2 =	sadd.s32 s2, s17  }
0x8e: {  	[smem:$0x3FC0] =	sst s2  }
0x8f: {  	_ = 	snop  }
0x90: {  	s2 =	sld [smem:$0x3FD0];
	(tm) =	ssettm $0x1  }
0x91: {  	s18 =	sld [smem:$0x3FFB];
	_ =	sdelay $0x3  }
0x92: {  	_ =	strace s18  }
0x93: {  	s3 =	sld [smem:$0x3FFC];
	_ =	sdelay $0x3  }
0x94: {  	_ =	strace s3  }
0x95: {  	s3 =	sld [smem:$0x3FFD];
	_ =	sdelay $0x3  }
0x96: {  	_ =	strace s3  }
0x97: {  	_ =	strace $0x8FFFFFFF  }
0x98: {  	s19 =	sld [smem:$0x3FDB];
	_ =	sdelay $0x1  }
0x99: {  	s4 =	simm.s32 $_scs_section_size  }
0x9a: {  	s5 =	simm.s32 $_size__tile_overlayer_lowered;
	s6 =	simm.s32 $_tile_overlayer_lowered  }
0x9b: {  	s22 =	simm.s32 $0x1BFF;
	s21 =	sshll.u32 s6, $0x1;
	s3 =	sadd.s32 s4, s19  }
0x9c: {  	s7 =	simm.s32 $0x0;
	s20 =	sshll.u32 s5, $0x1;
	s5 =	sadd.s32 s21, s3  }
0x9d: {  	[timem:s7], [sflag:s22] =	dma.local [hbm:s5], s20  }
0x9e: {  	_ =	swait.ge [sflag:s22], s20  }
0x9f: {  	s4 =	ssub.s32 $0x0, s20;
	[sflag:s22] =	ssyncset.done $0x0  }
0xa0: {  	[sflag:s22] =	ssyncadd.s32 s4;
	_ =	sdelay $0x1  }
0xa1: {  	s23 =	simm.s32 $0x1B8B  }
0xa2: {  	_ =	swait.ge [sflag:s23], $0x1  }
0xa3: {  	[sflag:s23] =	ssyncset.done $0x0  }
0xa4: {  	s25 =	simm.s32 $0x1B8E;
	s24 =	sld [smem:$0x3FFE];
	[sflag:s23] =	ssyncadd.s32 $0xFFFFFFFF  }
0xa5: {  	s26 =	simm.s32 $execute0_lowered;
	[smem:$0x3FD2] =	sst s25  }
0xa6: {  	s5 =	sshll.u32 s26, $0x1;
	_ =	strace $0x80000049;
	[dreg:$0x1] =	wrdreg $0xFFFFFFFF  }
0xa7: {  	s28 =	simm.s32 $_size_execute0_lowered;
	s3 =	sadd.s32 s3, s5;
	[dreg:$0x0] =	wrdreg $0x0  }
0xa8: {  	s5 =	sshll.u32 s28, $0x1;
	[dreg:$0x2] =	wrdreg s3  }
0xa9: {  	[dreg:$0x3] =	wrdreg s5  }
0xaa: {  	[dreg:$0x4] =	wrdreg $0xC0  }
0xab: {  	_ =	task [dreg:s7], $0x5FFFF  }
0xac: {  	[dreg:$0x1] =	wrdreg $0xFFFFFFFF  }
0xad: {  	[dreg:$0x0] =	wrdreg $0x60  }
0xae: {  	[dreg:$0x2] =	wrdreg s2  }
0xaf: {  	[dreg:$0x3] =	wrdreg s24  }
0xb0: {  	[dreg:$0x4] =	wrdreg $0xB5000  }
0xb1: {  	[dreg:$0x5] =	wrdreg $0x9  }
0xb2: {  	_ =	task.clear_ibuf [dreg:s7], $0x6FFFF;
	_ =	strace $0x90000049  }
0xb3: {  	s29 =	simm.s32 $0x9;
	_ =	strace $0x8000004B  }
0xb4: {  	_ =	swait.ge [sflag:s29], $0x1  }
0xb5: {  	[sflag:s29] =	ssyncadd.s32 $0xFFFFFFFF  }
0xb6: {  	_ =	strace $0x9000004B  }
0xb7: {  	_ =	sfence  }
0xb8: {  	s30 =	sld [smem:$0x0];
	_ =	sdelay $0x2  }
0xb9: {  	s31 =	sshll.u32 s1, $0xD;
	s1 =	sshrl.u32 s1, $0x2  }
0xba: {  	s3 =	sand.u32 $0x4000, s31;
	s1 =	sadd.s32 s1, s30  }
0xbb: {  	s0 =	sor.u32 s3, s0;
	s1 =	sshll.u32 s1, $0x11  }
0xbc: {  	s0 =	sor.u32 s1, s0  }
0xbd: {  	s0 =	sadd.s32 $0x8F2B, s0  }
0xbe: {  	[sflag:s0] =	ssyncadd.remote.s32 $0x1  }
0xbf: {  	_ =	sfence.sel $0xFFFF  }
0xc0: {  	[dreg:$0x0] =	wrdreg $0xFFFFFFFF;
	(pc) =	sbr.abs _section_cstart, $3  }
0xc1: {  	[dreg:$0x1] =	wrdreg $0xFFFFFFFF  }
0xc2: {  	_ =	task.clear_ibuf [dreg:s7], $0x2FFFF;
	_ =	strace $0x9FFFFFFF  }
0xc3: {  	(tm) =	ssettm $0x7FFFFFFF  }
tec
execute0_lowered:
.L_overlay_start_1:
0x0: {  	(tag) =	ssettag $0x1  }
0x1: {  	s0 =	rddreg [dreg:$0x0]  }
0x2: {  	s1 =	rddreg [dreg:$0x1]  }
0x3: {  	s2 =	rddreg [dreg:$0x2];
	s11 =	stileid.u32  }
0x4: {  	s3 =	simm.s32 $0x0;
	s5 =	srdreg.scid;
	s4 =	smul.u32 $0x4E20, s11  }
0x5: {  	[smem:$0x7FF] =	sst s3;
	s5 =	sand.u32 $0x1, s5;
	s25 =	smul.u32 $0x50000, s11  }
0x6: {  	s9 =	sadd.s32 $0xC400, s1;
	_ =	strace $0x8000004A;
	s7 =	smul.u32 $0x28000, s5  }
0x7: {  	s10 =	ssub.s32 $0x2, s5;
	s5 =	smul.u32 $0x27100, s5;
	s6 =	sshrl.u32 s4, $0x3  }
0x8: {  	s22 =	sshrl.u32 s10, $0x1;
	s24 =	sadd.s32 $0x28, s4;
	s4 =	sadd.s32 $0x78, s4  }
0x9: {  	s8 =	sadd.s32 s6, s1;
	s23 =	sadd.s32 s9, s6;
	s6 =	sadd.s32 s0, s5  }
0xa: {  	s0 =	sshrl.u32 s24, $0x3;
	s8 =	sadd.s32 $0x2600, s8;
	[dreg:$0x5] =	wrdreg s23  }
0xb: {  	s1 =	sadd.s32 s7, s1;
	s0 =	sadd.s32 s9, s0;
	[dreg:$0x4] =	wrdreg s8  }
0xc: {  	s4 =	sshrl.u32 s4, $0x3;
	s26 =	sadd.s32 $0xA, s23;
	[dreg:$0x6] =	wrdreg s0  }
0xd: {  	s7 =	ssub.s32 s10, s22;
	s28 =	sadd.s32 s9, s4;
	[dreg:$0x7] =	wrdreg s26  }
0xe: {  	s10 =	smul.u32 $0x2800, s11;
	s29 =	sadd.s32 $0x14, s23;
	[dreg:$0x8] =	wrdreg s28  }
0xf: {  	s30 =	sadd.s32 $0x16200, s1;
	s12 =	smax.u32 s7, $0x1;
	[dreg:$0x9] =	wrdreg s29  }
0x10: {  	s8 =	sshrl.u32 s25, $0x2;
	[dreg:$0xb] =	wrdreg s12;
	s0 =	sadd.s32 s10, s30  }
0x11: {  	s26 =	sadd.s32 s8, s2;
	[dreg:$0x16] =	wrdreg s0  }
0x12: {  	s13 =	sadd.s32 $0x1400, s26;
	[dreg:$0xa] =	wrdreg s26  }
0x13: {  	s14 =	sadd.s32 $0x2800, s26;
	[dreg:$0xc] =	wrdreg s13  }
0x14: {  	s15 =	sadd.s32 $0x3C00, s26;
	[dreg:$0xd] =	wrdreg s14  }
0x15: {  	s16 =	sadd.s32 $0x5000, s26;
	[dreg:$0xe] =	wrdreg s15  }
0x16: {  	s31 =	simm.s32 $0xE;
	s17 =	sadd.s32 $0x6400, s26;
	[dreg:$0xf] =	wrdreg s16  }
0x17: {  	s18 =	smul.u32 $0x9C4, s11;
	s19 =	sadd.s32 $0x7800, s26;
	[dreg:$0x10] =	wrdreg s17  }
0x18: {  	s11 =	simm.s32 $0x6680;
	s20 =	sadd.s32 $0x8C00, s26;
	[dreg:$0x11] =	wrdreg s19  }
0x19: {  	s5 =	simm.s32 $0x1;
	s21 =	sadd.s32 $0xA000, s26;
	[dreg:$0x12] =	wrdreg s20  }
0x1a: {  	s1 =	simm.s32 $0x6;
	s22 =	sadd.s32 $0xB400, s26;
	[dreg:$0x13] =	wrdreg s21  }
0x1b: {  	s4 =	simm.s32 $0x6400;
	s23 =	sadd.s32 $0xC800, s26;
	[dreg:$0x14] =	wrdreg s22  }
0x1c: {  	s7 =	simm.s32 $0x28;
	s24 =	sadd.s32 $0xDC00, s26;
	[dreg:$0x15] =	wrdreg s23  }
0x1d: {  	s12 =	simm.s32 $0x2800;
	s25 =	sadd.s32 $0xF000, s26;
	[dreg:$0x17] =	wrdreg s24  }
0x1e: {  	s0 =	simm.s32 $0xB;
	s28 =	sadd.s32 $0x10400, s26;
	[dreg:$0x18] =	wrdreg s25  }
0x1f: {  	s8 =	simm.s32 $0x6480;
	s29 =	sadd.s32 $0x11800, s26;
	[dreg:$0x19] =	wrdreg s28  }
0x20: {  	s30 =	sadd.s32 $0x12C00, s26;
	s22 =	sadd.s32 s18, s9;
	[dreg:$0x1a] =	wrdreg s29  }
.Ltmp0:
0x21: {  	[dreg:$0x1b] =	wrdreg s30;
	s9 =	simm.s32 $0x1400;
	(pc) =	sbr.rel .LBB2_1-.Ltmp0, $4  }
0x22: {  	s13 =	simm.s32 $0x6580;
	s14 =	simm.s32 $0x3C00;
	s15 =	simm.s32 $0x6600  }
0x23: {  	s16 =	simm.s32 $0x5000;
	s17 =	simm.s32 $0x2;
	s18 =	simm.s32 $0x7  }
0x24: {  	s19 =	simm.s32 $0x4;
	s20 =	simm.s32 $0x9;
	s21 =	simm.s32 $0x5  }
0x25: {  	v0 =	vimm.f32 $0.0e+00;
	s23 =	simm.s32 $0xA;
	s25 =	simm.s32 $0xD;
	s24 =	simm.s32 $0x0  }
.LBB2_6:
0x26: {  	_ =	swait.ge [sflag:s21], $0x28  }
0x27: {  	[sflag:s21] =	ssyncset.done $0x0  }
0x28: {  	[sflag:s21] =	ssyncadd.s32 $0xFFFFFFD8  }
0x29: {  	_ =	swait.ge [sflag:s23], $0x1400  }
0x2a: {  	[sflag:s23] =	ssyncset.done $0x0  }
0x2b: {  	[sflag:s23] =	ssyncadd.s32 $0xFFFFEC00  }
0x2c: {  	[spmem:s2] =	stream.indirect.scatter.add.f32 [tilespmem:s16], [sflag:$0xF], $0x80, s15, s7, $0xb8;
	[tilespmem:$0x1F500] =	vst v63  }
0x2d: {  	_ =	swait.ge [sflag:s0], $0x1400  }
0x2e: {  	[sflag:s0] =	ssyncset.done $0x0  }
0x2f: {  	s10 =	simm.s32 $0xC;
	[sflag:s0] =	ssyncadd.s32 $0xFFFFEC00  }
0x30: {  	_ =	swait.ge [sflag:s10], $0x1400  }
0x31: {  	[sflag:s10] =	ssyncset.done $0x0  }
0x32: {  	[sflag:s10] =	ssyncadd.s32 $0xFFFFEC00  }
0x33: {  	_ =	swait.ge [sflag:s25], $0x1400  }
0x34: {  	[sflag:s25] =	ssyncset.done $0x0  }
0x35: {  	[sflag:s25] =	ssyncadd.s32 $0xFFFFEC00  }
0x36: {  	_ =	swait.ge [sflag:s31], $0x1400  }
0x37: {  	[sflag:s31] =	ssyncset.done $0x0  }
0x38: {  	s24 =	simm.s32 $0xF;
	[sflag:s31] =	ssyncadd.s32 $0xFFFFEC00  }
0x39: {  	_ =	swait.ge [sflag:s24], $0x1400  }
0x3a: {  	[sflag:s24] =	ssyncset.done $0x0  }
0x3b: {  	[sflag:s24] =	ssyncadd.s32 $0xFFFFEC00  }
0x3c: {  	s26 =	stileid.u32;
	[bflag:$0x0] =	sbarrier.arrive $0xFFFF  }
0x3d: {  	s28 =	simm.s32 $0x10;
	s10 =	sshll.u32 s26, $0x6;
	s26 =	rddreg [dreg:$0xa]  }
0x3e: {  	s10 =	sor.u32 $0x1C10, s10;
	s24 =	rddreg [dreg:$0x16];
	s11 =	sshrl.u32 s26, $0x3  }
0x3f: {  	[hbm:s24], [sflag:s10] =	dma.local [spmem:s11], $0x2800  }
0x40: {  	_ =	swait.ge [sflag:s28], $0x2800  }
0x41: {  	s29 =	rddreg [dreg:$0x1c]  }
0x42: {  	s30 =	rddreg [dreg:$0xb];
	s24 =	sadd.s32 $0x1, s29  }
0x43: {  	p0 =	sne.s32 s24, s30  }
.Ltmp1:
0x44: {  	_ = 	snop;
	(pc) =	sbr.rel @!p0 .LBB2_7-.Ltmp1, $3  }
0x45: {  	_ =	sdelay $0x1  }
0x46: {  	[sflag:s28] =	ssyncset.done $0x0  }
0x47: {  	s11 =	simm.s32 $0x6680;
	[sflag:s28] =	ssyncadd.s32 $0xFFFFD800  }
.LBB2_1:
0x48: {  	[dreg:$0x1c] =	wrdreg s24  }
0x49: {  	s10 =	rddreg [dreg:$0x4];
	s24 =	simm.s32 $0x70;
	s30 =	simm.s32 $0x3C0  }
0x4a: {  	[tilespmem:s11], [sflag:$0x6] =	stream.linear.gather [hbm4b:s10+s3], $0x4E20, $0x38;
	[tilespmem:$0x1F500] =	vst v63  }
.LBB2_2:
0x4b: {  	p0 =	sne.s32 s30, $0x4FC0;
	[tilespmem:s24+$0x0] =	vst v0  }
0x4c: {  	[tilespmem:s24+$0xFFFFFF90] =	vst v0  }
0x4d: {  	[tilespmem:s24+$0xFFFFFFA0] =	vst v0  }
.Ltmp2:
0x4e: {  	[tilespmem:s24+$0xFFFFFFB0] =	vst v0;
	(pc) =	sbr.rel @p0 .LBB2_2-.Ltmp2, $4  }
0x4f: {  	[tilespmem:s24+$0xFFFFFFC0] =	vst v0  }
0x50: {  	[tilespmem:s24+$0xFFFFFFD0] =	vst v0  }
0x51: {  	[tilespmem:s24+$0xFFFFFFE0] =	vst v0  }
0x52: {  	[tilespmem:s24+$0xFFFFFFF0] =	vst v0;
	s24 =	sshra.s32 s30, $0x2;
	s30 =	sadd.s32 $0x200, s30  }
0x53: {  	[tilespmem:s24+$0x0] =	vst v0  }
0x54: {  	[tilespmem:s24+$0xFFFFFF90] =	vst v0  }
0x55: {  	[tilespmem:s24+$0xFFFFFFA0] =	vst v0  }
0x56: {  	[tilespmem:s24+$0xFFFFFFB0] =	vst v0  }
0x57: {  	[tilespmem:s24+$0xFFFFFFC0] =	vst v0  }
0x58: {  	[tilespmem:s24+$0xFFFFFFD0] =	vst v0  }
0x59: {  	[tilespmem:s24+$0xFFFFFFE0] =	vst v0  }
0x5a: {  	[tilespmem:s24+$0xFFFFFFF0] =	vst v0;
	s30 =	simm.s32 $0x0  }
0x5b: {  	[spmem:s26] =	stream.linear.scatter [tilespmem:s30], [sflag:$0xB], $0x1400, $0x38;
	[tilespmem:$0x1F500] =	vst v63  }
0x5c: {  	s10 =	rddreg [dreg:$0xc]  }
0x5d: {  	[spmem:s10] =	stream.linear.scatter [tilespmem:s30], [sflag:$0xB], $0x1400, $0x38;
	[tilespmem:$0x1F500] =	vst v63  }
0x5e: {  	s26 =	rddreg [dreg:$0xd]  }
0x5f: {  	[spmem:s26] =	stream.linear.scatter [tilespmem:s30], [sflag:$0xB], $0x1400, $0x38;
	[tilespmem:$0x1F500] =	vst v63  }
0x60: {  	s28 =	rddreg [dreg:$0xe]  }
0x61: {  	[spmem:s28] =	stream.linear.scatter [tilespmem:s30], [sflag:$0xB], $0x1400, $0x38;
	[tilespmem:$0x1F500] =	vst v63  }
0x62: {  	s29 =	rddreg [dreg:$0xf]  }
0x63: {  	[spmem:s29] =	stream.linear.scatter [tilespmem:s30], [sflag:$0xB], $0x1400, $0x38;
	[tilespmem:$0x1F500] =	vst v63  }
0x64: {  	s24 =	rddreg [dreg:$0x10]  }
0x65: {  	[spmem:s24] =	stream.linear.scatter [tilespmem:s30], [sflag:$0xB], $0x1400, $0x38;
	[tilespmem:$0x1F500] =	vst v63  }
0x66: {  	s26 =	rddreg [dreg:$0x11]  }
0x67: {  	[spmem:s26] =	stream.linear.scatter [tilespmem:s30], [sflag:$0xB], $0x1400, $0x38;
	[tilespmem:$0x1F500] =	vst v63  }
0x68: {  	s28 =	rddreg [dreg:$0x12]  }
0x69: {  	[spmem:s28] =	stream.linear.scatter [tilespmem:s30], [sflag:$0xB], $0x1400, $0x38;
	[tilespmem:$0x1F500] =	vst v63  }
0x6a: {  	s29 =	rddreg [dreg:$0x13]  }
0x6b: {  	[spmem:s29] =	stream.linear.scatter [tilespmem:s30], [sflag:$0xB], $0x1400, $0x38;
	[tilespmem:$0x1F500] =	vst v63  }
0x6c: {  	s24 =	rddreg [dreg:$0x14]  }
0x6d: {  	[spmem:s24] =	stream.linear.scatter [tilespmem:s30], [sflag:$0xB], $0x1400, $0x38;
	[tilespmem:$0x1F500] =	vst v63  }
0x6e: {  	s26 =	rddreg [dreg:$0x15]  }
0x6f: {  	[spmem:s26] =	stream.linear.scatter [tilespmem:s30], [sflag:$0xB], $0x1400, $0x38;
	[tilespmem:$0x1F500] =	vst v63  }
0x70: {  	s28 =	rddreg [dreg:$0x17]  }
0x71: {  	[spmem:s28] =	stream.linear.scatter [tilespmem:s30], [sflag:$0xB], $0x1400, $0x38;
	[tilespmem:$0x1F500] =	vst v63  }
0x72: {  	s29 =	rddreg [dreg:$0x18]  }
0x73: {  	[spmem:s29] =	stream.linear.scatter [tilespmem:s30], [sflag:$0xB], $0x1400, $0x38;
	[tilespmem:$0x1F500] =	vst v63  }
0x74: {  	s24 =	rddreg [dreg:$0x19]  }
0x75: {  	[spmem:s24] =	stream.linear.scatter [tilespmem:s30], [sflag:$0xB], $0x1400, $0x38;
	[tilespmem:$0x1F500] =	vst v63  }
0x76: {  	s26 =	rddreg [dreg:$0x1a]  }
0x77: {  	[spmem:s26] =	stream.linear.scatter [tilespmem:s30], [sflag:$0xB], $0x1400, $0x38;
	[tilespmem:$0x1F500] =	vst v63  }
0x78: {  	s28 =	rddreg [dreg:$0x1b]  }
0x79: {  	[spmem:s28] =	stream.linear.scatter [tilespmem:s30], [sflag:$0xB], $0x1400, $0x38;
	[tilespmem:$0x1F500] =	vst v63  }
0x7a: {  	_ =	swait.ge [sflag:s0], $0x1400  }
0x7b: {  	[sflag:s0] =	ssyncset.done $0x0  }
0x7c: {  	[sflag:s0] =	ssyncadd.s32 $0xFFFFEC00  }
0x7d: {  	_ =	swait.ge [sflag:s0], $0x1400  }
0x7e: {  	[sflag:s0] =	ssyncset.done $0x0  }
0x7f: {  	[sflag:s0] =	ssyncadd.s32 $0xFFFFEC00  }
0x80: {  	_ =	swait.ge [sflag:s0], $0x1400  }
0x81: {  	[sflag:s0] =	ssyncset.done $0x0  }
0x82: {  	[sflag:s0] =	ssyncadd.s32 $0xFFFFEC00  }
0x83: {  	_ =	swait.ge [sflag:s0], $0x1400  }
0x84: {  	[sflag:s0] =	ssyncset.done $0x0  }
0x85: {  	[sflag:s0] =	ssyncadd.s32 $0xFFFFEC00  }
0x86: {  	_ =	swait.ge [sflag:s0], $0x1400  }
0x87: {  	[sflag:s0] =	ssyncset.done $0x0  }
0x88: {  	[sflag:s0] =	ssyncadd.s32 $0xFFFFEC00  }
0x89: {  	_ =	swait.ge [sflag:s0], $0x1400  }
0x8a: {  	[sflag:s0] =	ssyncset.done $0x0  }
0x8b: {  	[sflag:s0] =	ssyncadd.s32 $0xFFFFEC00  }
0x8c: {  	_ =	swait.ge [sflag:s0], $0x1400  }
0x8d: {  	[sflag:s0] =	ssyncset.done $0x0  }
0x8e: {  	[sflag:s0] =	ssyncadd.s32 $0xFFFFEC00  }
0x8f: {  	_ =	swait.ge [sflag:s0], $0x1400  }
0x90: {  	[sflag:s0] =	ssyncset.done $0x0  }
0x91: {  	[sflag:s0] =	ssyncadd.s32 $0xFFFFEC00  }
0x92: {  	_ =	swait.ge [sflag:s0], $0x1400  }
0x93: {  	[sflag:s0] =	ssyncset.done $0x0  }
0x94: {  	[sflag:s0] =	ssyncadd.s32 $0xFFFFEC00  }
0x95: {  	_ =	swait.ge [sflag:s0], $0x1400  }
0x96: {  	[sflag:s0] =	ssyncset.done $0x0  }
0x97: {  	[sflag:s0] =	ssyncadd.s32 $0xFFFFEC00  }
0x98: {  	_ =	swait.ge [sflag:s0], $0x1400  }
0x99: {  	[sflag:s0] =	ssyncset.done $0x0  }
0x9a: {  	[sflag:s0] =	ssyncadd.s32 $0xFFFFEC00  }
0x9b: {  	_ =	swait.ge [sflag:s0], $0x1400  }
0x9c: {  	[sflag:s0] =	ssyncset.done $0x0  }
0x9d: {  	[sflag:s0] =	ssyncadd.s32 $0xFFFFEC00  }
0x9e: {  	_ =	swait.ge [sflag:s0], $0x1400  }
0x9f: {  	[sflag:s0] =	ssyncset.done $0x0  }
0xa0: {  	[sflag:s0] =	ssyncadd.s32 $0xFFFFEC00  }
0xa1: {  	_ =	swait.ge [sflag:s0], $0x1400  }
0xa2: {  	[sflag:s0] =	ssyncset.done $0x0  }
0xa3: {  	[sflag:s0] =	ssyncadd.s32 $0xFFFFEC00  }
0xa4: {  	_ =	swait.ge [sflag:s0], $0x1400  }
0xa5: {  	[sflag:s0] =	ssyncset.done $0x0  }
0xa6: {  	[sflag:s0] =	ssyncadd.s32 $0xFFFFEC00  }
0xa7: {  	_ =	swait.ge [sflag:s0], $0x1400  }
0xa8: {  	[sflag:s0] =	ssyncset.done $0x0  }
0xa9: {  	[sflag:s0] =	ssyncadd.s32 $0xFFFFEC00  }
0xaa: {  	_ =	swait.ge [sflag:s1], $0x4E20  }
0xab: {  	[sflag:s1] =	ssyncset.done $0x0  }
0xac: {  	[sflag:s1] =	ssyncadd.s32 $0xFFFFB1E0  }
0xad: {  	[bflag:$0x0] =	sbarrier.arrive $0xFFFF  }
0xae: {  	s29 =	rddreg [dreg:$0x5]  }
0xaf: {  	[tilespmem:s4], [sflag:$0x1] =	stream.linear.gather [hbm4b:s29+s30], $0x28, $0x38;
	[tilespmem:$0x1F500] =	vst v63  }
0xb0: {  	_ = 	snop  }
0xb1: {  	[tilespmem:s30], [sflag:$0x6] =	stream.indirect.gather [hbm4b:s6+s7], $0x80, s11, s7, $0xb8;
	[tilespmem:$0x1F500] =	vst v63  }
0xb2: {  	s24 =	rddreg [dreg:$0x6]  }
0xb3: {  	[tilespmem:s8], [sflag:$0x2] =	stream.linear.gather [hbm4b:s24+s30], $0x28, $0x38;
	[tilespmem:$0x1F500] =	vst v63  }
0xb4: {  	s26 =	simm.s32 $0x66A8  }
0xb5: {  	[tilespmem:s9], [sflag:$0x7] =	stream.indirect.gather [hbm4b:s6+s7], $0x80, s26, s7, $0xb8;
	[tilespmem:$0x1F500] =	vst v63  }
0xb6: {  	s28 =	rddreg [dreg:$0x7];
	s29 =	simm.s32 $0x6500  }
0xb7: {  	[tilespmem:s29], [sflag:$0x3] =	stream.linear.gather [hbm4b:s28+s30], $0x28, $0x38;
	[tilespmem:$0x1F500] =	vst v63  }
0xb8: {  	s11 =	simm.s32 $0x66D0  }
0xb9: {  	[tilespmem:s12], [sflag:$0x8] =	stream.indirect.gather [hbm4b:s6+s7], $0x80, s11, s7, $0xb8;
	[tilespmem:$0x1F500] =	vst v63  }
0xba: {  	s24 =	rddreg [dreg:$0x8]  }
0xbb: {  	[tilespmem:s13], [sflag:$0x4] =	stream.linear.gather [hbm4b:s24+s30], $0x28, $0x38;
	[tilespmem:$0x1F500] =	vst v63  }
0xbc: {  	s26 =	simm.s32 $0x66F8  }
0xbd: {  	[tilespmem:s14], [sflag:$0x9] =	stream.indirect.gather [hbm4b:s6+s7], $0x80, s26, s7, $0xb8;
	[tilespmem:$0x1F500] =	vst v63  }
0xbe: {  	s28 =	rddreg [dreg:$0x9]  }
0xbf: {  	[tilespmem:s15], [sflag:$0x5] =	stream.linear.gather [hbm4b:s28+s30], $0x28, $0x38;
	[tilespmem:$0x1F500] =	vst v63  }
0xc0: {  	s29 =	simm.s32 $0x6720;
	s24 =	simm.s32 $0x67C0  }
0xc1: {  	[tilespmem:s16], [sflag:$0xA] =	stream.indirect.gather [hbm4b:s6+s7], $0x80, s29, s7, $0xb8;
	[tilespmem:$0x1F500] =	vst v63  }
.LBB2_4:
0xc2: {  	_ =	swait.ge [sflag:s5], $0x28  }
0xc3: {  	[sflag:s5] =	ssyncset.done $0x0  }
0xc4: {  	[sflag:s5] =	ssyncadd.s32 $0xFFFFFFD8  }
0xc5: {  	_ =	swait.ge [sflag:s1], $0x1400  }
0xc6: {  	p0 =	seq.s32 s30, $0x0;
	[sflag:s1] =	ssyncset.done $0x0  }
0xc7: {  	s26 =	simm.s32 @!p0 $0xF;
	[sflag:s1] =	ssyncadd.s32 $0xFFFFEC00  }
0xc8: {  	[spmem:s2] =	stream.indirect.scatter.add.f32 [tilespmem:s3], [sflag:$0xB], $0x80, s4, s7, $0xb8;
	[tilespmem:$0x1F500] =	vst v63  }
0xc9: {  	_ =	swait.ge @!p0 [sflag:s26], $0x1400  }
0xca: {  	[sflag:s26] =	ssyncset.done @!p0 $0x0  }
0xcb: {  	[sflag:s26] =	ssyncadd.s32 @!p0 $0xFFFFEC00;
	s26 =	sadd.s32 @!p0 s30, s22  }
0xcc: {  	s28 =	simm.s32 @!p0 $0x0;
	s11 =	simm.s32 @!p0 $0x6600;
	s26 =	sadd.s32 @!p0 $0x14, s26  }
0xcd: {  	[tilespmem:s11], [sflag:$0x5] =	stream.linear.gather @!p0 [hbm4b:s26+s28], $0x28, $0x38;
	[tilespmem:$0x1F500] =	vst v63  }
0xce: {  	s11 =	sadd.s32 @!p0 $0xFFFFFF60, s24;
	s26 =	simm.s32 @!p0 $0x28;
	s28 =	simm.s32 @!p0 $0x5000  }
0xcf: {  	[tilespmem:s28], [sflag:$0xA] =	stream.indirect.gather @!p0 [hbm4b:s6+s26], $0x80, s11, s26, $0xb8;
	[tilespmem:$0x1F500] =	vst v63  }
0xd0: {  	_ =	swait.ge [sflag:s17], $0x28  }
0xd1: {  	[sflag:s17] =	ssyncset.done $0x0  }
0xd2: {  	[sflag:s17] =	ssyncadd.s32 $0xFFFFFFD8  }
0xd3: {  	_ =	swait.ge [sflag:s18], $0x1400  }
0xd4: {  	p0 =	seq.s32 s30, $0x9AB;
	[sflag:s18] =	ssyncset.done $0x0  }
0xd5: {  	s11 =	simm.s32 @p0 $0x3;
	[sflag:s18] =	ssyncadd.s32 $0xFFFFEC00  }
0xd6: {  	[spmem:s2] =	stream.indirect.scatter.add.f32 [tilespmem:s9], [sflag:$0xC], $0x80, s8, s7, $0xb8;
	[tilespmem:$0x1F500] =	vst v63  }
0xd7: {  	_ =	swait.ge @p0 [sflag:s11], $0x28  }
0xd8: {  	[sflag:s11] =	ssyncset.done @p0 $0x0  }
0xd9: {  	[sflag:s11] =	ssyncadd.s32 @p0 $0xFFFFFFD8;
	s11 =	simm.s32 @p0 $0x8  }
0xda: {  	_ =	swait.ge @p0 [sflag:s11], $0x1400  }
0xdb: {  	s26 =	simm.s32 @p0 $0x6500;
	[sflag:s11] =	ssyncset.done @p0 $0x0  }
0xdc: {  	s28 =	simm.s32 @p0 $0x2800;
	[sflag:s11] =	ssyncadd.s32 @p0 $0xFFFFEC00;
	s11 =	simm.s32 @p0 $0x28  }
0xdd: {  	[spmem:s2] =	stream.indirect.scatter.add.f32 @p0 [tilespmem:s28], [sflag:$0xD], $0x80, s26, s11, $0xb8;
	[tilespmem:$0x1F500] =	vst v63  }
0xde: {  	s11 =	simm.s32 @!p0 $0xB  }
0xdf: {  	_ =	swait.ge @!p0 [sflag:s11], $0x1400  }
0xe0: {  	[sflag:s11] =	ssyncset.done @!p0 $0x0  }
0xe1: {  	[sflag:s11] =	ssyncadd.s32 @!p0 $0xFFFFEC00;
	s11 =	sadd.s32 @!p0 s30, s22  }
0xe2: {  	s29 =	simm.s32 @!p0 $0x6400;
	s28 =	simm.s32 @!p0 $0x0;
	s26 =	sadd.s32 @!p0 $0x19, s11  }
0xe3: {  	[tilespmem:s29], [sflag:$0x1] =	stream.linear.gather @!p0 [hbm4b:s26+s28], $0x28, $0x38;
	[tilespmem:$0x1F500] =	vst v63  }
0xe4: {  	s26 =	sadd.s32 @!p0 $0xFFFFFF88, s24;
	s29 =	simm.s32 @!p0 $0x28  }
0xe5: {  	[tilespmem:s28], [sflag:$0x6] =	stream.indirect.gather @!p0 [hbm4b:s6+s29], $0x80, s26, s29, $0xb8;
	[tilespmem:$0x1F500] =	vst v63  }
0xe6: {  	s26 =	simm.s32 @!p0 $0x3  }
0xe7: {  	_ =	swait.ge @!p0 [sflag:s26], $0x28  }
0xe8: {  	[sflag:s26] =	ssyncset.done @!p0 $0x0  }
0xe9: {  	[sflag:s26] =	ssyncadd.s32 @!p0 $0xFFFFFFD8;
	s26 =	simm.s32 @!p0 $0x8  }
0xea: {  	_ =	swait.ge @!p0 [sflag:s26], $0x1400  }
0xeb: {  	[sflag:s26] =	ssyncset.done @!p0 $0x0  }
0xec: {  	s10 =	simm.s32 @!p0 $0x2800;
	[sflag:s26] =	ssyncadd.s32 @!p0 $0xFFFFEC00;
	s26 =	simm.s32 @!p0 $0x6500  }
0xed: {  	[spmem:s2] =	stream.indirect.scatter.add.f32 @!p0 [tilespmem:s10], [sflag:$0xD], $0x80, s26, s29, $0xb8;
	[tilespmem:$0x1F500] =	vst v63  }
0xee: {  	s10 =	simm.s32 @!p0 $0xC  }
0xef: {  	_ =	swait.ge @!p0 [sflag:s10], $0x1400  }
0xf0: {  	[sflag:s10] =	ssyncset.done @!p0 $0x0  }
0xf1: {  	[sflag:s10] =	ssyncadd.s32 @!p0 $0xFFFFEC00;
	s10 =	sadd.s32 @!p0 $0x1E, s11;
	s11 =	simm.s32 @!p0 $0x6480  }
0xf2: {  	[tilespmem:s11], [sflag:$0x2] =	stream.linear.gather @!p0 [hbm4b:s10+s28], $0x28, $0x38;
	[tilespmem:$0x1F500] =	vst v63  }
0xf3: {  	s10 =	sadd.s32 @!p0 $0xFFFFFFB0, s24;
	s11 =	simm.s32 @!p0 $0x1400  }
0xf4: {  	[tilespmem:s11], [sflag:$0x7] =	stream.indirect.gather @!p0 [hbm4b:s6+s29], $0x80, s10, s29, $0xb8;
	[tilespmem:$0x1F500] =	vst v63  }
0xf5: {  	_ =	swait.ge [sflag:s19], $0x28  }
0xf6: {  	[sflag:s19] =	ssyncset.done $0x0  }
.Ltmp3:
0xf7: {  	[sflag:s19] =	ssyncadd.s32 $0xFFFFFFD8;
	(pc) =	sbr.rel @p0 .LBB2_6-.Ltmp3, $4  }
0xf8: {  	_ =	swait.ge [sflag:s20], $0x1400  }
0xf9: {  	[sflag:s20] =	ssyncset.done $0x0  }
0xfa: {  	[sflag:s20] =	ssyncadd.s32 $0xFFFFEC00  }
0xfb: {  	[spmem:s2] =	stream.indirect.scatter.add.f32 [tilespmem:s14], [sflag:$0xE], $0x80, s13, s7, $0xb8;
	[tilespmem:$0x1F500] =	vst v63  }
0xfc: {  	_ =	swait.ge [sflag:s25], $0x1400  }
0xfd: {  	s10 =	sadd.s32 s30, s22;
	[sflag:s25] =	ssyncset.done $0x0  }
0xfe: {  	s26 =	simm.s32 $0x6500;
	s11 =	sadd.s32 $0x23, s10;
	[sflag:s25] =	ssyncadd.s32 $0xFFFFEC00  }
0xff: {  	[tilespmem:s26], [sflag:$0x3] =	stream.linear.gather [hbm4b:s11+s3], $0x28, $0x38;
	[tilespmem:$0x1F500] =	vst v63  }
0x100: {  	s29 =	sadd.s32 $0xFFFFFFD8, s24  }
0x101: {  	[tilespmem:s12], [sflag:$0x8] =	stream.indirect.gather [hbm4b:s6+s7], $0x80, s29, s7, $0xb8;
	[tilespmem:$0x1F500] =	vst v63  }
0x102: {  	_ =	swait.ge [sflag:s21], $0x28  }
0x103: {  	[sflag:s21] =	ssyncset.done $0x0  }
0x104: {  	[sflag:s21] =	ssyncadd.s32 $0xFFFFFFD8  }
0x105: {  	_ =	swait.ge [sflag:s23], $0x1400  }
0x106: {  	[sflag:s23] =	ssyncset.done $0x0  }
0x107: {  	[sflag:s23] =	ssyncadd.s32 $0xFFFFEC00  }
0x108: {  	[spmem:s2] =	stream.indirect.scatter.add.f32 [tilespmem:s16], [sflag:$0xF], $0x80, s15, s7, $0xb8;
	[tilespmem:$0x1F500] =	vst v63  }
0x109: {  	_ =	swait.ge [sflag:s31], $0x1400  }
0x10a: {  	[sflag:s31] =	ssyncset.done $0x0  }
.Ltmp4:
0x10b: {  	s10 =	sadd.s32 $0x28, s10;
	[sflag:s31] =	ssyncadd.s32 $0xFFFFEC00;
	(pc) =	sbr.rel .LBB2_4-.Ltmp4, $4  }
0x10c: {  	[tilespmem:s13], [sflag:$0x4] =	stream.linear.gather [hbm4b:s10+s3], $0x28, $0x38;
	[tilespmem:$0x1F500] =	vst v63  }
0x10d: {  	_ = 	snop  }
0x10e: {  	[tilespmem:s14], [sflag:$0x9] =	stream.indirect.gather [hbm4b:s6+s7], $0x80, s24, s7, $0xb8;
	[tilespmem:$0x1F500] =	vst v63  }
0x10f: {  	s30 =	sadd.s32 $0x19, s30;
	s24 =	sadd.s32 $0xC8, s24  }
.LBB2_7:
0x110: {  	_ =	sfence.sel $0x180000  }
0x111: {  	[bflag:$0x0] =	sbarrier.arrive $0xFFFF  }
0x112: {  	_ =	strace $0x9000004A  }
0x113: {  	s0 =	stileid.u32;
	[bflag:$0x2] =	sbarrier.arrive $0xFFFF  }
0x114: {  	p0 =	sne.s32 s0, $0x0;
	s0 =	rddreg [dreg:$0x3]  }
0x115: {  	s0 =	sadd.s32 @!p0 $0x100000, s0  }
0x116: {  	[sflag:s0] =	ssyncadd.tile.s32 @!p0 $0x1;
	_ =	shalt  }
.Lfunc_end2:
_tile_overlayer_lowered:
.L_overlay_start_2:
0x117: {  	(tag) =	ssettag $0x2  }
0x118: {  	s0 =	rddreg [dreg:$0x0];
	s2 =	stileid.u32  }
0x119: {  	s1 =	rddreg [dreg:$0x1];
	p0 =	sne.s32 s2, $0x0  }
0x11a: {  	s3 =	rddreg [dreg:$0x2];
	[bflag:$0x3] =	sbarrier.arrive $0xFFFF;
	s2 =	simm.s32 @!p0 $0x1C10  }
0x11b: {  	[timem:s3], [sflag:s2] =	dma.local @!p0 [hbm:s0], s1  }
0x11c: {  	s0 =	simm.s32 @!p0 $0x10  }
0x11d: {  	_ =	swait.ge @!p0 [sflag:s0], s1  }
0x11e: {  	s1 =	ssub.s32 @!p0 $0x0, s1;
	[sflag:s0] =	ssyncset.done @!p0 $0x0  }
0x11f: {  	[sflag:s0] =	ssyncadd.s32 @!p0 s1  }
0x120: {  	[bflag:$0x3] =	sbarrier.arrive $0xFFFF  }
0x121: {  	_ =	shalt  }

// kernel: kernel.16.cloned.1.call-start
scs
__scs_entry_jumppad:
0x0: {  	(pc) =	sbr.rel $0x88, $3  }
0x1: {  	(tag) =	ssettag $0x0;
	lr =	simm.s32 $0x1  }
0x2: {  	[smem:$0x3F99] =	sst lr;
	_ =	strace $0xD0000000  }
0x3: {  	_ = 	snop  }
0x4: {  	_ = 	snop  }
0x5: {  	_ = 	snop  }
0x6: {  	_ = 	snop  }
0x7: {  	_ = 	snop  }
__scs_overlays_trampoline_lowered:
0x8: {  	[smem:$0x3FA8] =	sst s0  }
0x9: {  	[smem:$0x3FA9] =	sst s1  }
0xa: {  	[smem:$0x3FAA] =	sst s2  }
0xb: {  	[smem:$0x3FAB] =	sst s3  }
0xc: {  	[smem:$0x3FAC] =	sst s4  }
0xd: {  	[smem:$0x3FAD] =	sst s5  }
0xe: {  	[smem:$0x3FAE] =	sst s6  }
0xf: {  	[smem:$0x3FAF] =	sst s7  }
0x10: {  	[smem:$0x3FB0] =	sst s8  }
0x11: {  	[smem:$0x3FB1] =	sst s9;
	s0 =	simm.s32 @!p0 $0x0  }
0x12: {  	s1 =	sld [smem:$0x3F97];
	s0 =	simm.s32 @p0 $0x1  }
0x13: {  	[smem:$0x3FB2] =	sst s0;
	s0 =	simm.s32 @!p1 $0x0  }
0x14: {  	s2 =	sld [smem:$0x3F96];
	s0 =	simm.s32 @p1 $0x1  }
0x15: {  	[smem:$0x3FB3] =	sst s0;
	s0 =	simm.s32 @!p2 $0x0  }
0x16: {  	s3 =	sld [smem:$0x3FDB];
	s0 =	simm.s32 @p2 $0x1  }
0x17: {  	s4 =	simm.s32 $0x1BF5;
	[smem:$0x3FB5] =	sst s0  }
0x18: {  	s0 =	sld [smem:$0x3F98];
	_ =	swait.ge [sflag:s4], $0x0  }
0x19: {  	s7 =	sld [smem:$0x3F99]  }
0x1a: {  	s8 =	sadd.s32 $0xFFFFE003, lr  }
0x1b: {  	s9 =	sadd.s32 $0xFFFFFEF7, lr;
	s5 =	simm.s32 $0xFFFFFFFF;
	p2 =	slt.u32 s8, $0xFFFFF086  }
0x1c: {  	p1 =	slt.u32 s9, $0xF7A;
	s5 =	simm.s32 @!p2 $0x0  }
0x1d: {  	s5 =	simm.s32 @p1 $0x1;
	p0 =	seq.s32 s7, s2  }
0x1e: {  	s7 =	smul.u32 @!p0 $0xF7A, s2;
	p2 =	seq.s32 @!p0 s5, $0x0  }
0x1f: {  	s9 =	smul.u32 $0xF7A, s1;
	s8 =	simm.s32 @!p0 $0x1BF5;
	p2 =	por !p2, p0  }
0x20: {  	[sflag:s8] =	ssyncset.s32 @!p0 $0xFFFFF086;
	s6 =	sadd.s32 @!p0 s3, s7;
	s7 =	simm.s32 @!p0 $0x108  }
0x21: {  	s3 =	sadd.s32 s3, s9;
	s6 =	sadd.s32 @!p0 $0x88, s6;
	s7 =	simm.s32 @p2 $0x1082  }
0x22: {  	[simem:s7], [sflag:s8] =	dma.local @!p0 [hbm:s6], $0xF7A  }
0x23: {  	s9 =	sor.u32 $0xD0000000, s2;
	s6 =	simm.s32 $0x108;
	_ =	swait.ge @!p0 [sflag:s8], $0x0  }
0x24: {  	s3 =	sadd.s32 $0x88, s3;
	s6 =	simm.s32 @!p1 $0x1082;
	[sflag:s4] =	ssyncset.s32 $0xFFFFF086  }
0x25: {  	[simem:s6], [sflag:s4] =	dma.local [hbm:s3], $0xF7A  }
0x26: {  	[smem:$0x3F99] =	sst s1;
	(tag) =	ssettag s2;
	_ =	strace s9  }
0x27: {  	s1 =	sld [smem:$0x3FA9]  }
0x28: {  	s2 =	sld [smem:$0x3FAA]  }
0x29: {  	s4 =	sld [smem:$0x3FAC]  }
0x2a: {  	p0 =	seq.s32 s5, $0x0;
	s5 =	sld [smem:$0x3FAD]  }
0x2b: {  	s6 =	sld [smem:$0x3FAE]  }
0x2c: {  	s7 =	sld [smem:$0x3FAF]  }
0x2d: {  	s3 =	simm.s32 $0x108;
	s8 =	sld [smem:$0x3FB0]  }
0x2e: {  	s3 =	simm.s32 @!p0 $0x1082;
	s9 =	sld [smem:$0x3FB1]  }
0x2f: {  	lr =	sadd.s32 s0, s3;
	s0 =	sld [smem:$0x3FA8]  }
0x30: {  	s3 =	sld [smem:$0x3FAB]  }
0x31: {  	[smem:$0x3FB4] =	sst s10  }
0x32: {  	s10 =	sld [smem:$0x3FB2];
	_ =	sdelay $0x3  }
0x33: {  	p0 =	seq.s32 s10, $0x1;
	s10 =	sld [smem:$0x3FB4];
	_ =	sdelay $0x3  }
0x34: {  	[smem:$0x3FB4] =	sst s10  }
0x35: {  	s10 =	sld [smem:$0x3FB3];
	_ =	sdelay $0x3  }
0x36: {  	p1 =	seq.s32 s10, $0x1;
	s10 =	sld [smem:$0x3FB4];
	_ =	sdelay $0x3  }
0x37: {  	[smem:$0x3FB4] =	sst s10  }
0x38: {  	s10 =	sld [smem:$0x3FB5]  }
0x39: {  	_ = 	snop;
	(pc) =	sbr.ind lr, $3  }
0x3a: {  	_ = 	snop  }
0x3b: {  	_ = 	snop  }
0x3c: {  	p2 =	seq.s32 s10, $0x1;
	s10 =	sld [smem:$0x3FB4]  }
0x3d: {  	_ =	shalt  }
0x3e: {  	_ =	shalt  }
0x3f: {  	_ =	shalt  }
0x40: {  	_ =	shalt  }
0x41: {  	_ =	shalt  }
0x42: {  	_ =	shalt  }
0x43: {  	_ =	shalt  }
0x44: {  	_ =	shalt  }
0x45: {  	_ =	shalt  }
0x46: {  	_ =	shalt  }
0x47: {  	_ =	shalt  }
0x48: {  	_ =	shalt  }
0x49: {  	_ =	shalt  }
0x4a: {  	_ =	shalt  }
0x4b: {  	_ =	shalt  }
0x4c: {  	_ =	shalt  }
0x4d: {  	_ =	shalt  }
0x4e: {  	_ =	shalt  }
0x4f: {  	_ =	shalt  }
0x50: {  	_ =	shalt  }
0x51: {  	_ =	shalt  }
0x52: {  	_ =	shalt  }
0x53: {  	_ =	shalt  }
0x54: {  	_ =	shalt  }
0x55: {  	_ =	shalt  }
0x56: {  	_ =	shalt  }
0x57: {  	_ =	shalt  }
0x58: {  	_ =	shalt  }
0x59: {  	_ =	shalt  }
0x5a: {  	_ =	shalt  }
0x5b: {  	_ =	shalt  }
0x5c: {  	_ =	shalt  }
0x5d: {  	_ =	shalt  }
0x5e: {  	_ =	shalt  }
0x5f: {  	_ =	shalt  }
0x60: {  	_ =	shalt  }
0x61: {  	_ =	shalt  }
0x62: {  	_ =	shalt  }
0x63: {  	_ =	shalt  }
0x64: {  	_ =	shalt  }
0x65: {  	_ =	shalt  }
0x66: {  	_ =	shalt  }
0x67: {  	_ =	shalt  }
0x68: {  	_ =	shalt  }
0x69: {  	_ =	shalt  }
0x6a: {  	_ =	shalt  }
0x6b: {  	_ =	shalt  }
0x6c: {  	_ =	shalt  }
0x6d: {  	_ =	shalt  }
0x6e: {  	_ =	shalt  }
0x6f: {  	_ =	shalt  }
0x70: {  	_ =	shalt  }
0x71: {  	_ =	shalt  }
0x72: {  	_ =	shalt  }
0x73: {  	_ =	shalt  }
0x74: {  	_ =	shalt  }
0x75: {  	_ =	shalt  }
0x76: {  	_ =	shalt  }
0x77: {  	_ =	shalt  }
0x78: {  	_ =	shalt  }
0x79: {  	_ =	shalt  }
0x7a: {  	_ =	shalt  }
0x7b: {  	_ =	shalt  }
0x7c: {  	_ =	shalt  }
0x7d: {  	_ =	shalt  }
0x7e: {  	_ =	shalt  }
0x7f: {  	_ =	shalt  }
0x80: {  	_ =	shalt  }
0x81: {  	_ =	shalt  }
0x82: {  	_ =	shalt  }
0x83: {  	_ =	shalt  }
0x84: {  	_ =	shalt  }
0x85: {  	_ =	shalt  }
0x86: {  	_ =	shalt  }
0x87: {  	_ =	shalt  }
.Lfunc_end0:
.L_simem_size_0:
called_computation.2_lowered:
.L_overlay_start_0:
0x88: {  	s2 =	sld [smem:$0x3FD9]  }
0x89: {  	s3 =	sld [smem:$0x3FFE];
	_ =	sdelay $0x1  }
0x8a: {  	s1 =	srdreg.scid  }
0x8b: {  	s0 =	sand.u32 $0x1, s1  }
0x8c: {  	s17 =	sshll.u32 s0, $0xA;
	s2 =	sadd.s32 s3, s2  }
0x8d: {  	s2 =	sadd.s32 s2, s17  }
0x8e: {  	[smem:$0x3FC0] =	sst s2  }
0x8f: {  	_ = 	snop  }
0x90: {  	s2 =	sld [smem:$0x3FD0];
	(tm) =	ssettm $0x1  }
0x91: {  	s18 =	sld [smem:$0x3FFB];
	_ =	sdelay $0x3  }
0x92: {  	_ =	strace s18  }
0x93: {  	s3 =	sld [smem:$0x3FFC];
	_ =	sdelay $0x3  }
0x94: {  	_ =	strace s3  }
0x95: {  	s3 =	sld [smem:$0x3FFD];
	_ =	sdelay $0x3  }
0x96: {  	_ =	strace s3  }
0x97: {  	_ =	strace $0x8FFFFFFF  }
0x98: {  	s19 =	sld [smem:$0x3FDB];
	_ =	sdelay $0x1  }
0x99: {  	s4 =	simm.s32 $_scs_section_size  }
0x9a: {  	s5 =	simm.s32 $_size__tile_overlayer_lowered;
	s6 =	simm.s32 $_tile_overlayer_lowered  }
0x9b: {  	s22 =	simm.s32 $0x1BFF;
	s21 =	sshll.u32 s6, $0x1;
	s3 =	sadd.s32 s4, s19  }
0x9c: {  	s7 =	simm.s32 $0x0;
	s20 =	sshll.u32 s5, $0x1;
	s5 =	sadd.s32 s21, s3  }
0x9d: {  	[timem:s7], [sflag:s22] =	dma.local [hbm:s5], s20  }
0x9e: {  	_ =	swait.ge [sflag:s22], s20  }
0x9f: {  	s4 =	ssub.s32 $0x0, s20;
	[sflag:s22] =	ssyncset.done $0x0  }
0xa0: {  	[sflag:s22] =	ssyncadd.s32 s4;
	_ =	sdelay $0x1  }
0xa1: {  	s23 =	simm.s32 $0x1B8B  }
0xa2: {  	_ =	swait.ge [sflag:s23], $0x1  }
0xa3: {  	[sflag:s23] =	ssyncset.done $0x0  }
0xa4: {  	s25 =	simm.s32 $0x1B8E;
	s24 =	sld [smem:$0x3FFE];
	[sflag:s23] =	ssyncadd.s32 $0xFFFFFFFF  }
0xa5: {  	s26 =	simm.s32 $execute0_lowered;
	[smem:$0x3FD2] =	sst s25  }
0xa6: {  	s5 =	sshll.u32 s26, $0x1;
	_ =	strace $0x8000004C;
	[dreg:$0x1] =	wrdreg $0xFFFFFFFF  }
0xa7: {  	s28 =	simm.s32 $_size_execute0_lowered;
	s3 =	sadd.s32 s3, s5;
	[dreg:$0x0] =	wrdreg $0x0  }
0xa8: {  	s5 =	sshll.u32 s28, $0x1;
	[dreg:$0x2] =	wrdreg s3  }
0xa9: {  	[dreg:$0x3] =	wrdreg s5  }
0xaa: {  	[dreg:$0x4] =	wrdreg $0xC0  }
0xab: {  	_ =	task [dreg:s7], $0x5FFFF  }
0xac: {  	[dreg:$0x1] =	wrdreg $0xFFFFFFFF  }
0xad: {  	[dreg:$0x0] =	wrdreg $0x60  }
0xae: {  	[dreg:$0x2] =	wrdreg s2  }
0xaf: {  	[dreg:$0x3] =	wrdreg s24  }
0xb0: {  	[dreg:$0x4] =	wrdreg $0xB5000  }
0xb1: {  	[dreg:$0x5] =	wrdreg $0x9  }
0xb2: {  	_ =	task.clear_ibuf [dreg:s7], $0x6FFFF;
	_ =	strace $0x9000004C  }
0xb3: {  	s29 =	simm.s32 $0x9;
	_ =	strace $0x8000004E  }
0xb4: {  	_ =	swait.ge [sflag:s29], $0x1  }
0xb5: {  	[sflag:s29] =	ssyncadd.s32 $0xFFFFFFFF  }
0xb6: {  	_ =	strace $0x9000004E  }
0xb7: {  	_ =	sfence  }
0xb8: {  	s30 =	sld [smem:$0x0];
	_ =	sdelay $0x2  }
0xb9: {  	s31 =	sshll.u32 s1, $0xD;
	s1 =	sshrl.u32 s1, $0x2  }
0xba: {  	s3 =	sand.u32 $0x4000, s31;
	s1 =	sadd.s32 s1, s30  }
0xbb: {  	s0 =	sor.u32 s3, s0;
	s1 =	sshll.u32 s1, $0x11  }
0xbc: {  	s0 =	sor.u32 s1, s0  }
0xbd: {  	s0 =	sadd.s32 $0x8F2B, s0  }
0xbe: {  	[sflag:s0] =	ssyncadd.remote.s32 $0x1  }
0xbf: {  	_ =	sfence.sel $0xFFFF  }
0xc0: {  	[dreg:$0x0] =	wrdreg $0xFFFFFFFF;
	(pc) =	sbr.abs _section_cstart, $3  }
0xc1: {  	[dreg:$0x1] =	wrdreg $0xFFFFFFFF  }
0xc2: {  	_ =	task.clear_ibuf [dreg:s7], $0x2FFFF;
	_ =	strace $0x9FFFFFFF  }
0xc3: {  	(tm) =	ssettm $0x7FFFFFFF  }
tec
execute0_lowered:
.L_overlay_start_1:
0x0: {  	(tag) =	ssettag $0x1  }
0x1: {  	s0 =	rddreg [dreg:$0x0]  }
0x2: {  	s1 =	rddreg [dreg:$0x1]  }
0x3: {  	s2 =	rddreg [dreg:$0x2];
	s11 =	stileid.u32  }
0x4: {  	s3 =	simm.s32 $0x0;
	s5 =	srdreg.scid;
	s4 =	smul.u32 $0x4E20, s11  }
0x5: {  	[smem:$0x7FF] =	sst s3;
	s5 =	sand.u32 $0x1, s5;
	s25 =	smul.u32 $0x50000, s11  }
0x6: {  	s9 =	sadd.s32 $0xC400, s1;
	_ =	strace $0x8000004D;
	s7 =	smul.u32 $0x28000, s5  }
0x7: {  	s10 =	ssub.s32 $0x2, s5;
	s5 =	smul.u32 $0x27100, s5;
	s6 =	sshrl.u32 s4, $0x3  }
0x8: {  	s22 =	sshrl.u32 s10, $0x1;
	s24 =	sadd.s32 $0x28, s4;
	s4 =	sadd.s32 $0x78, s4  }
0x9: {  	s8 =	sadd.s32 s6, s1;
	s23 =	sadd.s32 s9, s6;
	s6 =	sadd.s32 s0, s5  }
0xa: {  	s0 =	sshrl.u32 s24, $0x3;
	s8 =	sadd.s32 $0x2600, s8;
	[dreg:$0x5] =	wrdreg s23  }
0xb: {  	s1 =	sadd.s32 s7, s1;
	s0 =	sadd.s32 s9, s0;
	[dreg:$0x4] =	wrdreg s8  }
0xc: {  	s4 =	sshrl.u32 s4, $0x3;
	s26 =	sadd.s32 $0xA, s23;
	[dreg:$0x6] =	wrdreg s0  }
0xd: {  	s7 =	ssub.s32 s10, s22;
	s28 =	sadd.s32 s9, s4;
	[dreg:$0x7] =	wrdreg s26  }
0xe: {  	s10 =	smul.u32 $0x2800, s11;
	s29 =	sadd.s32 $0x14, s23;
	[dreg:$0x8] =	wrdreg s28  }
0xf: {  	s30 =	sadd.s32 $0x16200, s1;
	s12 =	smax.u32 s7, $0x1;
	[dreg:$0x9] =	wrdreg s29  }
0x10: {  	s8 =	sshrl.u32 s25, $0x2;
	[dreg:$0xb] =	wrdreg s12;
	s0 =	sadd.s32 s10, s30  }
0x11: {  	s26 =	sadd.s32 s8, s2;
	[dreg:$0x16] =	wrdreg s0  }
0x12: {  	s13 =	sadd.s32 $0x1400, s26;
	[dreg:$0xa] =	wrdreg s26  }
0x13: {  	s14 =	sadd.s32 $0x2800, s26;
	[dreg:$0xc] =	wrdreg s13  }
0x14: {  	s15 =	sadd.s32 $0x3C00, s26;
	[dreg:$0xd] =	wrdreg s14  }
0x15: {  	s16 =	sadd.s32 $0x5000, s26;
	[dreg:$0xe] =	wrdreg s15  }
0x16: {  	s31 =	simm.s32 $0xE;
	s17 =	sadd.s32 $0x6400, s26;
	[dreg:$0xf] =	wrdreg s16  }
0x17: {  	s18 =	smul.u32 $0x9C4, s11;
	s19 =	sadd.s32 $0x7800, s26;
	[dreg:$0x10] =	wrdreg s17  }
0x18: {  	s11 =	simm.s32 $0x6680;
	s20 =	sadd.s32 $0x8C00, s26;
	[dreg:$0x11] =	wrdreg s19  }
0x19: {  	s5 =	simm.s32 $0x1;
	s21 =	sadd.s32 $0xA000, s26;
	[dreg:$0x12] =	wrdreg s20  }
0x1a: {  	s1 =	simm.s32 $0x6;
	s22 =	sadd.s32 $0xB400, s26;
	[dreg:$0x13] =	wrdreg s21  }
0x1b: {  	s4 =	simm.s32 $0x6400;
	s23 =	sadd.s32 $0xC800, s26;
	[dreg:$0x14] =	wrdreg s22  }
0x1c: {  	s7 =	simm.s32 $0x28;
	s24 =	sadd.s32 $0xDC00, s26;
	[dreg:$0x15] =	wrdreg s23  }
0x1d: {  	s12 =	simm.s32 $0x2800;
	s25 =	sadd.s32 $0xF000, s26;
	[dreg:$0x17] =	wrdreg s24  }
0x1e: {  	s0 =	simm.s32 $0xB;
	s28 =	sadd.s32 $0x10400, s26;
	[dreg:$0x18] =	wrdreg s25  }
0x1f: {  	s8 =	simm.s32 $0x6480;
	s29 =	sadd.s32 $0x11800, s26;
	[dreg:$0x19] =	wrdreg s28  }
0x20: {  	s30 =	sadd.s32 $0x12C00, s26;
	s22 =	sadd.s32 s18, s9;
	[dreg:$0x1a] =	wrdreg s29  }
.Ltmp0:
0x21: {  	[dreg:$0x1b] =	wrdreg s30;
	s9 =	simm.s32 $0x1400;
	(pc) =	sbr.rel .LBB2_1-.Ltmp0, $4  }
0x22: {  	s13 =	simm.s32 $0x6580;
	s14 =	simm.s32 $0x3C00;
	s15 =	simm.s32 $0x6600  }
0x23: {  	s16 =	simm.s32 $0x5000;
	s17 =	simm.s32 $0x2;
	s18 =	simm.s32 $0x7  }
0x24: {  	s19 =	simm.s32 $0x4;
	s20 =	simm.s32 $0x9;
	s21 =	simm.s32 $0x5  }
0x25: {  	v0 =	vimm.f32 $0.0e+00;
	s23 =	simm.s32 $0xA;
	s25 =	simm.s32 $0xD;
	s24 =	simm.s32 $0x0  }
.LBB2_6:
0x26: {  	_ =	swait.ge [sflag:s21], $0x28  }
0x27: {  	[sflag:s21] =	ssyncset.done $0x0  }
0x28: {  	[sflag:s21] =	ssyncadd.s32 $0xFFFFFFD8  }
0x29: {  	_ =	swait.ge [sflag:s23], $0x1400  }
0x2a: {  	[sflag:s23] =	ssyncset.done $0x0  }
0x2b: {  	[sflag:s23] =	ssyncadd.s32 $0xFFFFEC00  }
0x2c: {  	[spmem:s2] =	stream.indirect.scatter.add.f32 [tilespmem:s16], [sflag:$0xF], $0x80, s15, s7, $0xb8;
	[tilespmem:$0x1F500] =	vst v63  }
0x2d: {  	_ =	swait.ge [sflag:s0], $0x1400  }
0x2e: {  	[sflag:s0] =	ssyncset.done $0x0  }
0x2f: {  	s10 =	simm.s32 $0xC;
	[sflag:s0] =	ssyncadd.s32 $0xFFFFEC00  }
0x30: {  	_ =	swait.ge [sflag:s10], $0x1400  }
0x31: {  	[sflag:s10] =	ssyncset.done $0x0  }
0x32: {  	[sflag:s10] =	ssyncadd.s32 $0xFFFFEC00  }
0x33: {  	_ =	swait.ge [sflag:s25], $0x1400  }
0x34: {  	[sflag:s25] =	ssyncset.done $0x0  }
0x35: {  	[sflag:s25] =	ssyncadd.s32 $0xFFFFEC00  }
0x36: {  	_ =	swait.ge [sflag:s31], $0x1400  }
0x37: {  	[sflag:s31] =	ssyncset.done $0x0  }
0x38: {  	s24 =	simm.s32 $0xF;
	[sflag:s31] =	ssyncadd.s32 $0xFFFFEC00  }
0x39: {  	_ =	swait.ge [sflag:s24], $0x1400  }
0x3a: {  	[sflag:s24] =	ssyncset.done $0x0  }
0x3b: {  	[sflag:s24] =	ssyncadd.s32 $0xFFFFEC00  }
0x3c: {  	s26 =	stileid.u32;
	[bflag:$0x0] =	sbarrier.arrive $0xFFFF  }
0x3d: {  	s28 =	simm.s32 $0x10;
	s10 =	sshll.u32 s26, $0x6;
	s26 =	rddreg [dreg:$0xa]  }
0x3e: {  	s10 =	sor.u32 $0x1C10, s10;
	s24 =	rddreg [dreg:$0x16];
	s11 =	sshrl.u32 s26, $0x3  }
0x3f: {  	[hbm:s24], [sflag:s10] =	dma.local [spmem:s11], $0x2800  }
0x40: {  	_ =	swait.ge [sflag:s28], $0x2800  }
0x41: {  	s29 =	rddreg [dreg:$0x1c]  }
0x42: {  	s30 =	rddreg [dreg:$0xb];
	s24 =	sadd.s32 $0x1, s29  }
0x43: {  	p0 =	sne.s32 s24, s30  }
.Ltmp1:
0x44: {  	_ = 	snop;
	(pc) =	sbr.rel @!p0 .LBB2_7-.Ltmp1, $3  }
0x45: {  	_ =	sdelay $0x1  }
0x46: {  	[sflag:s28] =	ssyncset.done $0x0  }
0x47: {  	s11 =	simm.s32 $0x6680;
	[sflag:s28] =	ssyncadd.s32 $0xFFFFD800  }
.LBB2_1:
0x48: {  	[dreg:$0x1c] =	wrdreg s24  }
0x49: {  	s10 =	rddreg [dreg:$0x4];
	s24 =	simm.s32 $0x70;
	s30 =	simm.s32 $0x3C0  }
0x4a: {  	[tilespmem:s11], [sflag:$0x6] =	stream.linear.gather [hbm4b:s10+s3], $0x4E20, $0x38;
	[tilespmem:$0x1F500] =	vst v63  }
.LBB2_2:
0x4b: {  	p0 =	sne.s32 s30, $0x4FC0;
	[tilespmem:s24+$0x0] =	vst v0  }
0x4c: {  	[tilespmem:s24+$0xFFFFFF90] =	vst v0  }
0x4d: {  	[tilespmem:s24+$0xFFFFFFA0] =	vst v0  }
.Ltmp2:
0x4e: {  	[tilespmem:s24+$0xFFFFFFB0] =	vst v0;
	(pc) =	sbr.rel @p0 .LBB2_2-.Ltmp2, $4  }
0x4f: {  	[tilespmem:s24+$0xFFFFFFC0] =	vst v0  }
0x50: {  	[tilespmem:s24+$0xFFFFFFD0] =	vst v0  }
0x51: {  	[tilespmem:s24+$0xFFFFFFE0] =	vst v0  }
0x52: {  	[tilespmem:s24+$0xFFFFFFF0] =	vst v0;
	s24 =	sshra.s32 s30, $0x2;
	s30 =	sadd.s32 $0x200, s30  }
0x53: {  	[tilespmem:s24+$0x0] =	vst v0  }
0x54: {  	[tilespmem:s24+$0xFFFFFF90] =	vst v0  }
0x55: {  	[tilespmem:s24+$0xFFFFFFA0] =	vst v0  }
0x56: {  	[tilespmem:s24+$0xFFFFFFB0] =	vst v0  }
0x57: {  	[tilespmem:s24+$0xFFFFFFC0] =	vst v0  }
0x58: {  	[tilespmem:s24+$0xFFFFFFD0] =	vst v0  }
0x59: {  	[tilespmem:s24+$0xFFFFFFE0] =	vst v0  }
0x5a: {  	[tilespmem:s24+$0xFFFFFFF0] =	vst v0;
	s30 =	simm.s32 $0x0  }
0x5b: {  	[spmem:s26] =	stream.linear.scatter [tilespmem:s30], [sflag:$0xB], $0x1400, $0x38;
	[tilespmem:$0x1F500] =	vst v63  }
0x5c: {  	s10 =	rddreg [dreg:$0xc]  }
0x5d: {  	[spmem:s10] =	stream.linear.scatter [tilespmem:s30], [sflag:$0xB], $0x1400, $0x38;
	[tilespmem:$0x1F500] =	vst v63  }
0x5e: {  	s26 =	rddreg [dreg:$0xd]  }
0x5f: {  	[spmem:s26] =	stream.linear.scatter [tilespmem:s30], [sflag:$0xB], $0x1400, $0x38;
	[tilespmem:$0x1F500] =	vst v63  }
0x60: {  	s28 =	rddreg [dreg:$0xe]  }
0x61: {  	[spmem:s28] =	stream.linear.scatter [tilespmem:s30], [sflag:$0xB], $0x1400, $0x38;
	[tilespmem:$0x1F500] =	vst v63  }
0x62: {  	s29 =	rddreg [dreg:$0xf]  }
0x63: {  	[spmem:s29] =	stream.linear.scatter [tilespmem:s30], [sflag:$0xB], $0x1400, $0x38;
	[tilespmem:$0x1F500] =	vst v63  }
0x64: {  	s24 =	rddreg [dreg:$0x10]  }
0x65: {  	[spmem:s24] =	stream.linear.scatter [tilespmem:s30], [sflag:$0xB], $0x1400, $0x38;
	[tilespmem:$0x1F500] =	vst v63  }
0x66: {  	s26 =	rddreg [dreg:$0x11]  }
0x67: {  	[spmem:s26] =	stream.linear.scatter [tilespmem:s30], [sflag:$0xB], $0x1400, $0x38;
	[tilespmem:$0x1F500] =	vst v63  }
0x68: {  	s28 =	rddreg [dreg:$0x12]  }
0x69: {  	[spmem:s28] =	stream.linear.scatter [tilespmem:s30], [sflag:$0xB], $0x1400, $0x38;
	[tilespmem:$0x1F500] =	vst v63  }
0x6a: {  	s29 =	rddreg [dreg:$0x13]  }
0x6b: {  	[spmem:s29] =	stream.linear.scatter [tilespmem:s30], [sflag:$0xB], $0x1400, $0x38;
	[tilespmem:$0x1F500] =	vst v63  }
0x6c: {  	s24 =	rddreg [dreg:$0x14]  }
0x6d: {  	[spmem:s24] =	stream.linear.scatter [tilespmem:s30], [sflag:$0xB], $0x1400, $0x38;
	[tilespmem:$0x1F500] =	vst v63  }
0x6e: {  	s26 =	rddreg [dreg:$0x15]  }
0x6f: {  	[spmem:s26] =	stream.linear.scatter [tilespmem:s30], [sflag:$0xB], $0x1400, $0x38;
	[tilespmem:$0x1F500] =	vst v63  }
0x70: {  	s28 =	rddreg [dreg:$0x17]  }
0x71: {  	[spmem:s28] =	stream.linear.scatter [tilespmem:s30], [sflag:$0xB], $0x1400, $0x38;
	[tilespmem:$0x1F500] =	vst v63  }
0x72: {  	s29 =	rddreg [dreg:$0x18]  }
0x73: {  	[spmem:s29] =	stream.linear.scatter [tilespmem:s30], [sflag:$0xB], $0x1400, $0x38;
	[tilespmem:$0x1F500] =	vst v63  }
0x74: {  	s24 =	rddreg [dreg:$0x19]  }
0x75: {  	[spmem:s24] =	stream.linear.scatter [tilespmem:s30], [sflag:$0xB], $0x1400, $0x38;
	[tilespmem:$0x1F500] =	vst v63  }
0x76: {  	s26 =	rddreg [dreg:$0x1a]  }
0x77: {  	[spmem:s26] =	stream.linear.scatter [tilespmem:s30], [sflag:$0xB], $0x1400, $0x38;
	[tilespmem:$0x1F500] =	vst v63  }
0x78: {  	s28 =	rddreg [dreg:$0x1b]  }
0x79: {  	[spmem:s28] =	stream.linear.scatter [tilespmem:s30], [sflag:$0xB], $0x1400, $0x38;
	[tilespmem:$0x1F500] =	vst v63  }
0x7a: {  	_ =	swait.ge [sflag:s0], $0x1400  }
0x7b: {  	[sflag:s0] =	ssyncset.done $0x0  }
0x7c: {  	[sflag:s0] =	ssyncadd.s32 $0xFFFFEC00  }
0x7d: {  	_ =	swait.ge [sflag:s0], $0x1400  }
0x7e: {  	[sflag:s0] =	ssyncset.done $0x0  }
0x7f: {  	[sflag:s0] =	ssyncadd.s32 $0xFFFFEC00  }
0x80: {  	_ =	swait.ge [sflag:s0], $0x1400  }
0x81: {  	[sflag:s0] =	ssyncset.done $0x0  }
0x82: {  	[sflag:s0] =	ssyncadd.s32 $0xFFFFEC00  }
0x83: {  	_ =	swait.ge [sflag:s0], $0x1400  }
0x84: {  	[sflag:s0] =	ssyncset.done $0x0  }
0x85: {  	[sflag:s0] =	ssyncadd.s32 $0xFFFFEC00  }
0x86: {  	_ =	swait.ge [sflag:s0], $0x1400  }
0x87: {  	[sflag:s0] =	ssyncset.done $0x0  }
0x88: {  	[sflag:s0] =	ssyncadd.s32 $0xFFFFEC00  }
0x89: {  	_ =	swait.ge [sflag:s0], $0x1400  }
0x8a: {  	[sflag:s0] =	ssyncset.done $0x0  }
0x8b: {  	[sflag:s0] =	ssyncadd.s32 $0xFFFFEC00  }
0x8c: {  	_ =	swait.ge [sflag:s0], $0x1400  }
0x8d: {  	[sflag:s0] =	ssyncset.done $0x0  }
0x8e: {  	[sflag:s0] =	ssyncadd.s32 $0xFFFFEC00  }
0x8f: {  	_ =	swait.ge [sflag:s0], $0x1400  }
0x90: {  	[sflag:s0] =	ssyncset.done $0x0  }
0x91: {  	[sflag:s0] =	ssyncadd.s32 $0xFFFFEC00  }
0x92: {  	_ =	swait.ge [sflag:s0], $0x1400  }
0x93: {  	[sflag:s0] =	ssyncset.done $0x0  }
0x94: {  	[sflag:s0] =	ssyncadd.s32 $0xFFFFEC00  }
0x95: {  	_ =	swait.ge [sflag:s0], $0x1400  }
0x96: {  	[sflag:s0] =	ssyncset.done $0x0  }
0x97: {  	[sflag:s0] =	ssyncadd.s32 $0xFFFFEC00  }
0x98: {  	_ =	swait.ge [sflag:s0], $0x1400  }
0x99: {  	[sflag:s0] =	ssyncset.done $0x0  }
0x9a: {  	[sflag:s0] =	ssyncadd.s32 $0xFFFFEC00  }
0x9b: {  	_ =	swait.ge [sflag:s0], $0x1400  }
0x9c: {  	[sflag:s0] =	ssyncset.done $0x0  }
0x9d: {  	[sflag:s0] =	ssyncadd.s32 $0xFFFFEC00  }
0x9e: {  	_ =	swait.ge [sflag:s0], $0x1400  }
0x9f: {  	[sflag:s0] =	ssyncset.done $0x0  }
0xa0: {  	[sflag:s0] =	ssyncadd.s32 $0xFFFFEC00  }
0xa1: {  	_ =	swait.ge [sflag:s0], $0x1400  }
0xa2: {  	[sflag:s0] =	ssyncset.done $0x0  }
0xa3: {  	[sflag:s0] =	ssyncadd.s32 $0xFFFFEC00  }
0xa4: {  	_ =	swait.ge [sflag:s0], $0x1400  }
0xa5: {  	[sflag:s0] =	ssyncset.done $0x0  }
0xa6: {  	[sflag:s0] =	ssyncadd.s32 $0xFFFFEC00  }
0xa7: {  	_ =	swait.ge [sflag:s0], $0x1400  }
0xa8: {  	[sflag:s0] =	ssyncset.done $0x0  }
0xa9: {  	[sflag:s0] =	ssyncadd.s32 $0xFFFFEC00  }
0xaa: {  	_ =	swait.ge [sflag:s1], $0x4E20  }
0xab: {  	[sflag:s1] =	ssyncset.done $0x0  }
0xac: {  	[sflag:s1] =	ssyncadd.s32 $0xFFFFB1E0  }
0xad: {  	[bflag:$0x0] =	sbarrier.arrive $0xFFFF  }
0xae: {  	s29 =	rddreg [dreg:$0x5]  }
0xaf: {  	[tilespmem:s4], [sflag:$0x1] =	stream.linear.gather [hbm4b:s29+s30], $0x28, $0x38;
	[tilespmem:$0x1F500] =	vst v63  }
0xb0: {  	_ = 	snop  }
0xb1: {  	[tilespmem:s30], [sflag:$0x6] =	stream.indirect.gather [hbm4b:s6+s7], $0x80, s11, s7, $0xb8;
	[tilespmem:$0x1F500] =	vst v63  }
0xb2: {  	s24 =	rddreg [dreg:$0x6]  }
0xb3: {  	[tilespmem:s8], [sflag:$0x2] =	stream.linear.gather [hbm4b:s24+s30], $0x28, $0x38;
	[tilespmem:$0x1F500] =	vst v63  }
0xb4: {  	s26 =	simm.s32 $0x66A8  }
0xb5: {  	[tilespmem:s9], [sflag:$0x7] =	stream.indirect.gather [hbm4b:s6+s7], $0x80, s26, s7, $0xb8;
	[tilespmem:$0x1F500] =	vst v63  }
0xb6: {  	s28 =	rddreg [dreg:$0x7];
	s29 =	simm.s32 $0x6500  }
0xb7: {  	[tilespmem:s29], [sflag:$0x3] =	stream.linear.gather [hbm4b:s28+s30], $0x28, $0x38;
	[tilespmem:$0x1F500] =	vst v63  }
0xb8: {  	s11 =	simm.s32 $0x66D0  }
0xb9: {  	[tilespmem:s12], [sflag:$0x8] =	stream.indirect.gather [hbm4b:s6+s7], $0x80, s11, s7, $0xb8;
	[tilespmem:$0x1F500] =	vst v63  }
0xba: {  	s24 =	rddreg [dreg:$0x8]  }
0xbb: {  	[tilespmem:s13], [sflag:$0x4] =	stream.linear.gather [hbm4b:s24+s30], $0x28, $0x38;
	[tilespmem:$0x1F500] =	vst v63  }
0xbc: {  	s26 =	simm.s32 $0x66F8  }
0xbd: {  	[tilespmem:s14], [sflag:$0x9] =	stream.indirect.gather [hbm4b:s6+s7], $0x80, s26, s7, $0xb8;
	[tilespmem:$0x1F500] =	vst v63  }
0xbe: {  	s28 =	rddreg [dreg:$0x9]  }
0xbf: {  	[tilespmem:s15], [sflag:$0x5] =	stream.linear.gather [hbm4b:s28+s30], $0x28, $0x38;
	[tilespmem:$0x1F500] =	vst v63  }
0xc0: {  	s29 =	simm.s32 $0x6720;
	s24 =	simm.s32 $0x67C0  }
0xc1: {  	[tilespmem:s16], [sflag:$0xA] =	stream.indirect.gather [hbm4b:s6+s7], $0x80, s29, s7, $0xb8;
	[tilespmem:$0x1F500] =	vst v63  }
.LBB2_4:
0xc2: {  	_ =	swait.ge [sflag:s5], $0x28  }
0xc3: {  	[sflag:s5] =	ssyncset.done $0x0  }
0xc4: {  	[sflag:s5] =	ssyncadd.s32 $0xFFFFFFD8  }
0xc5: {  	_ =	swait.ge [sflag:s1], $0x1400  }
0xc6: {  	p0 =	seq.s32 s30, $0x0;
	[sflag:s1] =	ssyncset.done $0x0  }
0xc7: {  	s26 =	simm.s32 @!p0 $0xF;
	[sflag:s1] =	ssyncadd.s32 $0xFFFFEC00  }
0xc8: {  	[spmem:s2] =	stream.indirect.scatter.add.f32 [tilespmem:s3], [sflag:$0xB], $0x80, s4, s7, $0xb8;
	[tilespmem:$0x1F500] =	vst v63  }
0xc9: {  	_ =	swait.ge @!p0 [sflag:s26], $0x1400  }
0xca: {  	[sflag:s26] =	ssyncset.done @!p0 $0x0  }
0xcb: {  	[sflag:s26] =	ssyncadd.s32 @!p0 $0xFFFFEC00;
	s26 =	sadd.s32 @!p0 s30, s22  }
0xcc: {  	s28 =	simm.s32 @!p0 $0x0;
	s11 =	simm.s32 @!p0 $0x6600;
	s26 =	sadd.s32 @!p0 $0x14, s26  }
0xcd: {  	[tilespmem:s11], [sflag:$0x5] =	stream.linear.gather @!p0 [hbm4b:s26+s28], $0x28, $0x38;
	[tilespmem:$0x1F500] =	vst v63  }
0xce: {  	s11 =	sadd.s32 @!p0 $0xFFFFFF60, s24;
	s26 =	simm.s32 @!p0 $0x28;
	s28 =	simm.s32 @!p0 $0x5000  }
0xcf: {  	[tilespmem:s28], [sflag:$0xA] =	stream.indirect.gather @!p0 [hbm4b:s6+s26], $0x80, s11, s26, $0xb8;
	[tilespmem:$0x1F500] =	vst v63  }
0xd0: {  	_ =	swait.ge [sflag:s17], $0x28  }
0xd1: {  	[sflag:s17] =	ssyncset.done $0x0  }
0xd2: {  	[sflag:s17] =	ssyncadd.s32 $0xFFFFFFD8  }
0xd3: {  	_ =	swait.ge [sflag:s18], $0x1400  }
0xd4: {  	p0 =	seq.s32 s30, $0x9AB;
	[sflag:s18] =	ssyncset.done $0x0  }
0xd5: {  	s11 =	simm.s32 @p0 $0x3;
	[sflag:s18] =	ssyncadd.s32 $0xFFFFEC00  }
0xd6: {  	[spmem:s2] =	stream.indirect.scatter.add.f32 [tilespmem:s9], [sflag:$0xC], $0x80, s8, s7, $0xb8;
	[tilespmem:$0x1F500] =	vst v63  }
0xd7: {  	_ =	swait.ge @p0 [sflag:s11], $0x28  }
0xd8: {  	[sflag:s11] =	ssyncset.done @p0 $0x0  }
0xd9: {  	[sflag:s11] =	ssyncadd.s32 @p0 $0xFFFFFFD8;
	s11 =	simm.s32 @p0 $0x8  }
0xda: {  	_ =	swait.ge @p0 [sflag:s11], $0x1400  }
0xdb: {  	s26 =	simm.s32 @p0 $0x6500;
	[sflag:s11] =	ssyncset.done @p0 $0x0  }
0xdc: {  	s28 =	simm.s32 @p0 $0x2800;
	[sflag:s11] =	ssyncadd.s32 @p0 $0xFFFFEC00;
	s11 =	simm.s32 @p0 $0x28  }
0xdd: {  	[spmem:s2] =	stream.indirect.scatter.add.f32 @p0 [tilespmem:s28], [sflag:$0xD], $0x80, s26, s11, $0xb8;
	[tilespmem:$0x1F500] =	vst v63  }
0xde: {  	s11 =	simm.s32 @!p0 $0xB  }
0xdf: {  	_ =	swait.ge @!p0 [sflag:s11], $0x1400  }
0xe0: {  	[sflag:s11] =	ssyncset.done @!p0 $0x0  }
0xe1: {  	[sflag:s11] =	ssyncadd.s32 @!p0 $0xFFFFEC00;
	s11 =	sadd.s32 @!p0 s30, s22  }
0xe2: {  	s29 =	simm.s32 @!p0 $0x6400;
	s28 =	simm.s32 @!p0 $0x0;
	s26 =	sadd.s32 @!p0 $0x19, s11  }
0xe3: {  	[tilespmem:s29], [sflag:$0x1] =	stream.linear.gather @!p0 [hbm4b:s26+s28], $0x28, $0x38;
	[tilespmem:$0x1F500] =	vst v63  }
0xe4: {  	s26 =	sadd.s32 @!p0 $0xFFFFFF88, s24;
	s29 =	simm.s32 @!p0 $0x28  }
0xe5: {  	[tilespmem:s28], [sflag:$0x6] =	stream.indirect.gather @!p0 [hbm4b:s6+s29], $0x80, s26, s29, $0xb8;
	[tilespmem:$0x1F500] =	vst v63  }
0xe6: {  	s26 =	simm.s32 @!p0 $0x3  }
0xe7: {  	_ =	swait.ge @!p0 [sflag:s26], $0x28  }
0xe8: {  	[sflag:s26] =	ssyncset.done @!p0 $0x0  }
0xe9: {  	[sflag:s26] =	ssyncadd.s32 @!p0 $0xFFFFFFD8;
	s26 =	simm.s32 @!p0 $0x8  }
0xea: {  	_ =	swait.ge @!p0 [sflag:s26], $0x1400  }
0xeb: {  	[sflag:s26] =	ssyncset.done @!p0 $0x0  }
0xec: {  	s10 =	simm.s32 @!p0 $0x2800;
	[sflag:s26] =	ssyncadd.s32 @!p0 $0xFFFFEC00;
	s26 =	simm.s32 @!p0 $0x6500  }
0xed: {  	[spmem:s2] =	stream.indirect.scatter.add.f32 @!p0 [tilespmem:s10], [sflag:$0xD], $0x80, s26, s29, $0xb8;
	[tilespmem:$0x1F500] =	vst v63  }
0xee: {  	s10 =	simm.s32 @!p0 $0xC  }
0xef: {  	_ =	swait.ge @!p0 [sflag:s10], $0x1400  }
0xf0: {  	[sflag:s10] =	ssyncset.done @!p0 $0x0  }
0xf1: {  	[sflag:s10] =	ssyncadd.s32 @!p0 $0xFFFFEC00;
	s10 =	sadd.s32 @!p0 $0x1E, s11;
	s11 =	simm.s32 @!p0 $0x6480  }
0xf2: {  	[tilespmem:s11], [sflag:$0x2] =	stream.linear.gather @!p0 [hbm4b:s10+s28], $0x28, $0x38;
	[tilespmem:$0x1F500] =	vst v63  }
0xf3: {  	s10 =	sadd.s32 @!p0 $0xFFFFFFB0, s24;
	s11 =	simm.s32 @!p0 $0x1400  }
0xf4: {  	[tilespmem:s11], [sflag:$0x7] =	stream.indirect.gather @!p0 [hbm4b:s6+s29], $0x80, s10, s29, $0xb8;
	[tilespmem:$0x1F500] =	vst v63  }
0xf5: {  	_ =	swait.ge [sflag:s19], $0x28  }
0xf6: {  	[sflag:s19] =	ssyncset.done $0x0  }
.Ltmp3:
0xf7: {  	[sflag:s19] =	ssyncadd.s32 $0xFFFFFFD8;
	(pc) =	sbr.rel @p0 .LBB2_6-.Ltmp3, $4  }
0xf8: {  	_ =	swait.ge [sflag:s20], $0x1400  }
0xf9: {  	[sflag:s20] =	ssyncset.done $0x0  }
0xfa: {  	[sflag:s20] =	ssyncadd.s32 $0xFFFFEC00  }
0xfb: {  	[spmem:s2] =	stream.indirect.scatter.add.f32 [tilespmem:s14], [sflag:$0xE], $0x80, s13, s7, $0xb8;
	[tilespmem:$0x1F500] =	vst v63  }
0xfc: {  	_ =	swait.ge [sflag:s25], $0x1400  }
0xfd: {  	s10 =	sadd.s32 s30, s22;
	[sflag:s25] =	ssyncset.done $0x0  }
0xfe: {  	s26 =	simm.s32 $0x6500;
	s11 =	sadd.s32 $0x23, s10;
	[sflag:s25] =	ssyncadd.s32 $0xFFFFEC00  }
0xff: {  	[tilespmem:s26], [sflag:$0x3] =	stream.linear.gather [hbm4b:s11+s3], $0x28, $0x38;
	[tilespmem:$0x1F500] =	vst v63  }
0x100: {  	s29 =	sadd.s32 $0xFFFFFFD8, s24  }
0x101: {  	[tilespmem:s12], [sflag:$0x8] =	stream.indirect.gather [hbm4b:s6+s7], $0x80, s29, s7, $0xb8;
	[tilespmem:$0x1F500] =	vst v63  }
0x102: {  	_ =	swait.ge [sflag:s21], $0x28  }
0x103: {  	[sflag:s21] =	ssyncset.done $0x0  }
0x104: {  	[sflag:s21] =	ssyncadd.s32 $0xFFFFFFD8  }
0x105: {  	_ =	swait.ge [sflag:s23], $0x1400  }
0x106: {  	[sflag:s23] =	ssyncset.done $0x0  }
0x107: {  	[sflag:s23] =	ssyncadd.s32 $0xFFFFEC00  }
0x108: {  	[spmem:s2] =	stream.indirect.scatter.add.f32 [tilespmem:s16], [sflag:$0xF], $0x80, s15, s7, $0xb8;
	[tilespmem:$0x1F500] =	vst v63  }
0x109: {  	_ =	swait.ge [sflag:s31], $0x1400  }
0x10a: {  	[sflag:s31] =	ssyncset.done $0x0  }
.Ltmp4:
0x10b: {  	s10 =	sadd.s32 $0x28, s10;
	[sflag:s31] =	ssyncadd.s32 $0xFFFFEC00;
	(pc) =	sbr.rel .LBB2_4-.Ltmp4, $4  }
0x10c: {  	[tilespmem:s13], [sflag:$0x4] =	stream.linear.gather [hbm4b:s10+s3], $0x28, $0x38;
	[tilespmem:$0x1F500] =	vst v63  }
0x10d: {  	_ = 	snop  }
0x10e: {  	[tilespmem:s14], [sflag:$0x9] =	stream.indirect.gather [hbm4b:s6+s7], $0x80, s24, s7, $0xb8;
	[tilespmem:$0x1F500] =	vst v63  }
0x10f: {  	s30 =	sadd.s32 $0x19, s30;
	s24 =	sadd.s32 $0xC8, s24  }
.LBB2_7:
0x110: {  	_ =	sfence.sel $0x180000  }
0x111: {  	[bflag:$0x0] =	sbarrier.arrive $0xFFFF  }
0x112: {  	_ =	strace $0x9000004D  }
0x113: {  	s0 =	stileid.u32;
	[bflag:$0x2] =	sbarrier.arrive $0xFFFF  }
0x114: {  	p0 =	sne.s32 s0, $0x0;
	s0 =	rddreg [dreg:$0x3]  }
0x115: {  	s0 =	sadd.s32 @!p0 $0x100000, s0  }
0x116: {  	[sflag:s0] =	ssyncadd.tile.s32 @!p0 $0x1;
	_ =	shalt  }
.Lfunc_end2:
_tile_overlayer_lowered:
.L_overlay_start_2:
0x117: {  	(tag) =	ssettag $0x2  }
0x118: {  	s0 =	rddreg [dreg:$0x0];
	s2 =	stileid.u32  }
0x119: {  	s1 =	rddreg [dreg:$0x1];
	p0 =	sne.s32 s2, $0x0  }
0x11a: {  	s3 =	rddreg [dreg:$0x2];
	[bflag:$0x3] =	sbarrier.arrive $0xFFFF;
	s2 =	simm.s32 @!p0 $0x1C10  }
0x11b: {  	[timem:s3], [sflag:s2] =	dma.local @!p0 [hbm:s0], s1  }
0x11c: {  	s0 =	simm.s32 @!p0 $0x10  }
0x11d: {  	_ =	swait.ge @!p0 [sflag:s0], s1  }
0x11e: {  	s1 =	ssub.s32 @!p0 $0x0, s1;
	[sflag:s0] =	ssyncset.done @!p0 $0x0  }
0x11f: {  	[sflag:s0] =	ssyncadd.s32 @!p0 s1  }
0x120: {  	[bflag:$0x3] =	sbarrier.arrive $0xFFFF  }
0x121: {  	_ =	shalt  }

// kernel: kernel.19.cloned.1.call-start
scs
__scs_entry_jumppad:
0x0: {  	(pc) =	sbr.rel $0x88, $3  }
0x1: {  	(tag) =	ssettag $0x0;
	lr =	simm.s32 $0x1  }
0x2: {  	[smem:$0x3F99] =	sst lr;
	_ =	strace $0xD0000000  }
0x3: {  	_ = 	snop  }
0x4: {  	_ = 	snop  }
0x5: {  	_ = 	snop  }
0x6: {  	_ = 	snop  }
0x7: {  	_ = 	snop  }
__scs_overlays_trampoline_lowered:
0x8: {  	[smem:$0x3FA8] =	sst s0  }
0x9: {  	[smem:$0x3FA9] =	sst s1  }
0xa: {  	[smem:$0x3FAA] =	sst s2  }
0xb: {  	[smem:$0x3FAB] =	sst s3  }
0xc: {  	[smem:$0x3FAC] =	sst s4  }
0xd: {  	[smem:$0x3FAD] =	sst s5  }
0xe: {  	[smem:$0x3FAE] =	sst s6  }
0xf: {  	[smem:$0x3FAF] =	sst s7  }
0x10: {  	[smem:$0x3FB0] =	sst s8  }
0x11: {  	[smem:$0x3FB1] =	sst s9;
	s0 =	simm.s32 @!p0 $0x0  }
0x12: {  	s1 =	sld [smem:$0x3F97];
	s0 =	simm.s32 @p0 $0x1  }
0x13: {  	[smem:$0x3FB2] =	sst s0;
	s0 =	simm.s32 @!p1 $0x0  }
0x14: {  	s2 =	sld [smem:$0x3F96];
	s0 =	simm.s32 @p1 $0x1  }
0x15: {  	[smem:$0x3FB3] =	sst s0;
	s0 =	simm.s32 @!p2 $0x0  }
0x16: {  	s3 =	sld [smem:$0x3FDB];
	s0 =	simm.s32 @p2 $0x1  }
0x17: {  	s4 =	simm.s32 $0x1BF5;
	[smem:$0x3FB5] =	sst s0  }
0x18: {  	s0 =	sld [smem:$0x3F98];
	_ =	swait.ge [sflag:s4], $0x0  }
0x19: {  	s7 =	sld [smem:$0x3F99]  }
0x1a: {  	s8 =	sadd.s32 $0xFFFFE003, lr  }
0x1b: {  	s9 =	sadd.s32 $0xFFFFFEF7, lr;
	s5 =	simm.s32 $0xFFFFFFFF;
	p2 =	slt.u32 s8, $0xFFFFF086  }
0x1c: {  	p1 =	slt.u32 s9, $0xF7A;
	s5 =	simm.s32 @!p2 $0x0  }
0x1d: {  	s5 =	simm.s32 @p1 $0x1;
	p0 =	seq.s32 s7, s2  }
0x1e: {  	s7 =	smul.u32 @!p0 $0xF7A, s2;
	p2 =	seq.s32 @!p0 s5, $0x0  }
0x1f: {  	s9 =	smul.u32 $0xF7A, s1;
	s8 =	simm.s32 @!p0 $0x1BF5;
	p2 =	por !p2, p0  }
0x20: {  	[sflag:s8] =	ssyncset.s32 @!p0 $0xFFFFF086;
	s6 =	sadd.s32 @!p0 s3, s7;
	s7 =	simm.s32 @!p0 $0x108  }
0x21: {  	s3 =	sadd.s32 s3, s9;
	s6 =	sadd.s32 @!p0 $0x88, s6;
	s7 =	simm.s32 @p2 $0x1082  }
0x22: {  	[simem:s7], [sflag:s8] =	dma.local @!p0 [hbm:s6], $0xF7A  }
0x23: {  	s9 =	sor.u32 $0xD0000000, s2;
	s6 =	simm.s32 $0x108;
	_ =	swait.ge @!p0 [sflag:s8], $0x0  }
0x24: {  	s3 =	sadd.s32 $0x88, s3;
	s6 =	simm.s32 @!p1 $0x1082;
	[sflag:s4] =	ssyncset.s32 $0xFFFFF086  }
0x25: {  	[simem:s6], [sflag:s4] =	dma.local [hbm:s3], $0xF7A  }
0x26: {  	[smem:$0x3F99] =	sst s1;
	(tag) =	ssettag s2;
	_ =	strace s9  }
0x27: {  	s1 =	sld [smem:$0x3FA9]  }
0x28: {  	s2 =	sld [smem:$0x3FAA]  }
0x29: {  	s4 =	sld [smem:$0x3FAC]  }
0x2a: {  	p0 =	seq.s32 s5, $0x0;
	s5 =	sld [smem:$0x3FAD]  }
0x2b: {  	s6 =	sld [smem:$0x3FAE]  }
0x2c: {  	s7 =	sld [smem:$0x3FAF]  }
0x2d: {  	s3 =	simm.s32 $0x108;
	s8 =	sld [smem:$0x3FB0]  }
0x2e: {  	s3 =	simm.s32 @!p0 $0x1082;
	s9 =	sld [smem:$0x3FB1]  }
0x2f: {  	lr =	sadd.s32 s0, s3;
	s0 =	sld [smem:$0x3FA8]  }
0x30: {  	s3 =	sld [smem:$0x3FAB]  }
0x31: {  	[smem:$0x3FB4] =	sst s10  }
0x32: {  	s10 =	sld [smem:$0x3FB2];
	_ =	sdelay $0x3  }
0x33: {  	p0 =	seq.s32 s10, $0x1;
	s10 =	sld [smem:$0x3FB4];
	_ =	sdelay $0x3  }
0x34: {  	[smem:$0x3FB4] =	sst s10  }
0x35: {  	s10 =	sld [smem:$0x3FB3];
	_ =	sdelay $0x3  }
0x36: {  	p1 =	seq.s32 s10, $0x1;
	s10 =	sld [smem:$0x3FB4];
	_ =	sdelay $0x3  }
0x37: {  	[smem:$0x3FB4] =	sst s10  }
0x38: {  	s10 =	sld [smem:$0x3FB5]  }
0x39: {  	_ = 	snop;
	(pc) =	sbr.ind lr, $3  }
0x3a: {  	_ = 	snop  }
0x3b: {  	_ = 	snop  }
0x3c: {  	p2 =	seq.s32 s10, $0x1;
	s10 =	sld [smem:$0x3FB4]  }
0x3d: {  	_ =	shalt  }
0x3e: {  	_ =	shalt  }
0x3f: {  	_ =	shalt  }
0x40: {  	_ =	shalt  }
0x41: {  	_ =	shalt  }
0x42: {  	_ =	shalt  }
0x43: {  	_ =	shalt  }
0x44: {  	_ =	shalt  }
0x45: {  	_ =	shalt  }
0x46: {  	_ =	shalt  }
0x47: {  	_ =	shalt  }
0x48: {  	_ =	shalt  }
0x49: {  	_ =	shalt  }
0x4a: {  	_ =	shalt  }
0x4b: {  	_ =	shalt  }
0x4c: {  	_ =	shalt  }
0x4d: {  	_ =	shalt  }
0x4e: {  	_ =	shalt  }
0x4f: {  	_ =	shalt  }
0x50: {  	_ =	shalt  }
0x51: {  	_ =	shalt  }
0x52: {  	_ =	shalt  }
0x53: {  	_ =	shalt  }
0x54: {  	_ =	shalt  }
0x55: {  	_ =	shalt  }
0x56: {  	_ =	shalt  }
0x57: {  	_ =	shalt  }
0x58: {  	_ =	shalt  }
0x59: {  	_ =	shalt  }
0x5a: {  	_ =	shalt  }
0x5b: {  	_ =	shalt  }
0x5c: {  	_ =	shalt  }
0x5d: {  	_ =	shalt  }
0x5e: {  	_ =	shalt  }
0x5f: {  	_ =	shalt  }
0x60: {  	_ =	shalt  }
0x61: {  	_ =	shalt  }
0x62: {  	_ =	shalt  }
0x63: {  	_ =	shalt  }
0x64: {  	_ =	shalt  }
0x65: {  	_ =	shalt  }
0x66: {  	_ =	shalt  }
0x67: {  	_ =	shalt  }
0x68: {  	_ =	shalt  }
0x69: {  	_ =	shalt  }
0x6a: {  	_ =	shalt  }
0x6b: {  	_ =	shalt  }
0x6c: {  	_ =	shalt  }
0x6d: {  	_ =	shalt  }
0x6e: {  	_ =	shalt  }
0x6f: {  	_ =	shalt  }
0x70: {  	_ =	shalt  }
0x71: {  	_ =	shalt  }
0x72: {  	_ =	shalt  }
0x73: {  	_ =	shalt  }
0x74: {  	_ =	shalt  }
0x75: {  	_ =	shalt  }
0x76: {  	_ =	shalt  }
0x77: {  	_ =	shalt  }
0x78: {  	_ =	shalt  }
0x79: {  	_ =	shalt  }
0x7a: {  	_ =	shalt  }
0x7b: {  	_ =	shalt  }
0x7c: {  	_ =	shalt  }
0x7d: {  	_ =	shalt  }
0x7e: {  	_ =	shalt  }
0x7f: {  	_ =	shalt  }
0x80: {  	_ =	shalt  }
0x81: {  	_ =	shalt  }
0x82: {  	_ =	shalt  }
0x83: {  	_ =	shalt  }
0x84: {  	_ =	shalt  }
0x85: {  	_ =	shalt  }
0x86: {  	_ =	shalt  }
0x87: {  	_ =	shalt  }
.Lfunc_end0:
.L_simem_size_0:
called_computation.3_lowered:
.L_overlay_start_0:
0x88: {  	s2 =	sld [smem:$0x3FD9]  }
0x89: {  	s3 =	sld [smem:$0x3FFE];
	_ =	sdelay $0x1  }
0x8a: {  	s1 =	srdreg.scid  }
0x8b: {  	s0 =	sand.u32 $0x1, s1  }
0x8c: {  	s17 =	sshll.u32 s0, $0xA;
	s2 =	sadd.s32 s3, s2  }
0x8d: {  	s2 =	sadd.s32 s2, s17  }
0x8e: {  	[smem:$0x3FC0] =	sst s2  }
0x8f: {  	_ = 	snop  }
0x90: {  	s2 =	sld [smem:$0x3FD0];
	(tm) =	ssettm $0x1  }
0x91: {  	s18 =	sld [smem:$0x3FFB];
	_ =	sdelay $0x3  }
0x92: {  	_ =	strace s18  }
0x93: {  	s3 =	sld [smem:$0x3FFC];
	_ =	sdelay $0x3  }
0x94: {  	_ =	strace s3  }
0x95: {  	s3 =	sld [smem:$0x3FFD];
	_ =	sdelay $0x3  }
0x96: {  	_ =	strace s3  }
0x97: {  	_ =	strace $0x8FFFFFFF  }
0x98: {  	s19 =	sld [smem:$0x3FDB];
	_ =	sdelay $0x1  }
0x99: {  	s4 =	simm.s32 $_scs_section_size  }
0x9a: {  	s5 =	simm.s32 $_size__tile_overlayer_lowered;
	s6 =	simm.s32 $_tile_overlayer_lowered  }
0x9b: {  	s22 =	simm.s32 $0x1BFF;
	s21 =	sshll.u32 s6, $0x1;
	s3 =	sadd.s32 s4, s19  }
0x9c: {  	s7 =	simm.s32 $0x0;
	s20 =	sshll.u32 s5, $0x1;
	s5 =	sadd.s32 s21, s3  }
0x9d: {  	[timem:s7], [sflag:s22] =	dma.local [hbm:s5], s20  }
0x9e: {  	_ =	swait.ge [sflag:s22], s20  }
0x9f: {  	s4 =	ssub.s32 $0x0, s20;
	[sflag:s22] =	ssyncset.done $0x0  }
0xa0: {  	[sflag:s22] =	ssyncadd.s32 s4;
	_ =	sdelay $0x1  }
0xa1: {  	s23 =	simm.s32 $0x1B8B  }
0xa2: {  	_ =	swait.ge [sflag:s23], $0x1  }
0xa3: {  	[sflag:s23] =	ssyncset.done $0x0  }
0xa4: {  	s25 =	simm.s32 $0x1B8E;
	s24 =	sld [smem:$0x3FFE];
	[sflag:s23] =	ssyncadd.s32 $0xFFFFFFFF  }
0xa5: {  	s26 =	simm.s32 $execute0_lowered;
	[smem:$0x3FD2] =	sst s25  }
0xa6: {  	s5 =	sshll.u32 s26, $0x1;
	_ =	strace $0x8000004F;
	[dreg:$0x1] =	wrdreg $0xFFFFFFFF  }
0xa7: {  	s28 =	simm.s32 $_size_execute0_lowered;
	s3 =	sadd.s32 s3, s5;
	[dreg:$0x0] =	wrdreg $0x0  }
0xa8: {  	s5 =	sshll.u32 s28, $0x1;
	[dreg:$0x2] =	wrdreg s3  }
0xa9: {  	[dreg:$0x3] =	wrdreg s5  }
0xaa: {  	[dreg:$0x4] =	wrdreg $0xC0  }
0xab: {  	_ =	task [dreg:s7], $0x5FFFF  }
0xac: {  	[dreg:$0x1] =	wrdreg $0xFFFFFFFF  }
0xad: {  	[dreg:$0x0] =	wrdreg $0x60  }
0xae: {  	[dreg:$0x2] =	wrdreg s2  }
0xaf: {  	[dreg:$0x3] =	wrdreg s24  }
0xb0: {  	[dreg:$0x4] =	wrdreg $0xB5000  }
0xb1: {  	[dreg:$0x5] =	wrdreg $0x9  }
0xb2: {  	_ =	task.clear_ibuf [dreg:s7], $0x6FFFF;
	_ =	strace $0x9000004F  }
0xb3: {  	s29 =	simm.s32 $0x9;
	_ =	strace $0x80000051  }
0xb4: {  	_ =	swait.ge [sflag:s29], $0x1  }
0xb5: {  	[sflag:s29] =	ssyncadd.s32 $0xFFFFFFFF  }
0xb6: {  	_ =	strace $0x90000051  }
0xb7: {  	_ =	sfence  }
0xb8: {  	s30 =	sld [smem:$0x0];
	_ =	sdelay $0x2  }
0xb9: {  	s31 =	sshll.u32 s1, $0xD;
	s1 =	sshrl.u32 s1, $0x2  }
0xba: {  	s3 =	sand.u32 $0x4000, s31;
	s1 =	sadd.s32 s1, s30  }
0xbb: {  	s0 =	sor.u32 s3, s0;
	s1 =	sshll.u32 s1, $0x11  }
0xbc: {  	s0 =	sor.u32 s1, s0  }
0xbd: {  	s0 =	sadd.s32 $0x8F2B, s0  }
0xbe: {  	[sflag:s0] =	ssyncadd.remote.s32 $0x1  }
0xbf: {  	_ =	sfence.sel $0xFFFF  }
0xc0: {  	[dreg:$0x0] =	wrdreg $0xFFFFFFFF;
	(pc) =	sbr.abs _section_cstart, $3  }
0xc1: {  	[dreg:$0x1] =	wrdreg $0xFFFFFFFF  }
0xc2: {  	_ =	task.clear_ibuf [dreg:s7], $0x2FFFF;
	_ =	strace $0x9FFFFFFF  }
0xc3: {  	(tm) =	ssettm $0x7FFFFFFF  }
tec
execute0_lowered:
.L_overlay_start_1:
0x0: {  	(tag) =	ssettag $0x1  }
0x1: {  	s0 =	rddreg [dreg:$0x0]  }
0x2: {  	s1 =	rddreg [dreg:$0x1]  }
0x3: {  	s2 =	rddreg [dreg:$0x2];
	s11 =	stileid.u32  }
0x4: {  	s3 =	simm.s32 $0x0;
	s5 =	srdreg.scid;
	s4 =	smul.u32 $0x4E20, s11  }
0x5: {  	[smem:$0x7FF] =	sst s3;
	s5 =	sand.u32 $0x1, s5;
	s25 =	smul.u32 $0x50000, s11  }
0x6: {  	s9 =	sadd.s32 $0xC400, s1;
	_ =	strace $0x80000050;
	s7 =	smul.u32 $0x28000, s5  }
0x7: {  	s10 =	ssub.s32 $0x2, s5;
	s5 =	smul.u32 $0x27100, s5;
	s6 =	sshrl.u32 s4, $0x3  }
0x8: {  	s22 =	sshrl.u32 s10, $0x1;
	s24 =	sadd.s32 $0x28, s4;
	s4 =	sadd.s32 $0x78, s4  }
0x9: {  	s8 =	sadd.s32 s6, s1;
	s23 =	sadd.s32 s9, s6;
	s6 =	sadd.s32 s0, s5  }
0xa: {  	s0 =	sshrl.u32 s24, $0x3;
	s8 =	sadd.s32 $0x2600, s8;
	[dreg:$0x5] =	wrdreg s23  }
0xb: {  	s1 =	sadd.s32 s7, s1;
	s0 =	sadd.s32 s9, s0;
	[dreg:$0x4] =	wrdreg s8  }
0xc: {  	s4 =	sshrl.u32 s4, $0x3;
	s26 =	sadd.s32 $0xA, s23;
	[dreg:$0x6] =	wrdreg s0  }
0xd: {  	s7 =	ssub.s32 s10, s22;
	s28 =	sadd.s32 s9, s4;
	[dreg:$0x7] =	wrdreg s26  }
0xe: {  	s10 =	smul.u32 $0x2800, s11;
	s29 =	sadd.s32 $0x14, s23;
	[dreg:$0x8] =	wrdreg s28  }
0xf: {  	s30 =	sadd.s32 $0x16200, s1;
	s12 =	smax.u32 s7, $0x1;
	[dreg:$0x9] =	wrdreg s29  }
0x10: {  	s8 =	sshrl.u32 s25, $0x2;
	[dreg:$0xb] =	wrdreg s12;
	s0 =	sadd.s32 s10, s30  }
0x11: {  	s26 =	sadd.s32 s8, s2;
	[dreg:$0x16] =	wrdreg s0  }
0x12: {  	s13 =	sadd.s32 $0x1400, s26;
	[dreg:$0xa] =	wrdreg s26  }
0x13: {  	s14 =	sadd.s32 $0x2800, s26;
	[dreg:$0xc] =	wrdreg s13  }
0x14: {  	s15 =	sadd.s32 $0x3C00, s26;
	[dreg:$0xd] =	wrdreg s14  }
0x15: {  	s16 =	sadd.s32 $0x5000, s26;
	[dreg:$0xe] =	wrdreg s15  }
0x16: {  	s31 =	simm.s32 $0xE;
	s17 =	sadd.s32 $0x6400, s26;
	[dreg:$0xf] =	wrdreg s16  }
0x17: {  	s18 =	smul.u32 $0x9C4, s11;
	s19 =	sadd.s32 $0x7800, s26;
	[dreg:$0x10] =	wrdreg s17  }
0x18: {  	s11 =	simm.s32 $0x6680;
	s20 =	sadd.s32 $0x8C00, s26;
	[dreg:$0x11] =	wrdreg s19  }
0x19: {  	s5 =	simm.s32 $0x1;
	s21 =	sadd.s32 $0xA000, s26;
	[dreg:$0x12] =	wrdreg s20  }
0x1a: {  	s1 =	simm.s32 $0x6;
	s22 =	sadd.s32 $0xB400, s26;
	[dreg:$0x13] =	wrdreg s21  }
0x1b: {  	s4 =	simm.s32 $0x6400;
	s23 =	sadd.s32 $0xC800, s26;
	[dreg:$0x14] =	wrdreg s22  }
0x1c: {  	s7 =	simm.s32 $0x28;
	s24 =	sadd.s32 $0xDC00, s26;
	[dreg:$0x15] =	wrdreg s23  }
0x1d: {  	s12 =	simm.s32 $0x2800;
	s25 =	sadd.s32 $0xF000, s26;
	[dreg:$0x17] =	wrdreg s24  }
0x1e: {  	s0 =	simm.s32 $0xB;
	s28 =	sadd.s32 $0x10400, s26;
	[dreg:$0x18] =	wrdreg s25  }
0x1f: {  	s8 =	simm.s32 $0x6480;
	s29 =	sadd.s32 $0x11800, s26;
	[dreg:$0x19] =	wrdreg s28  }
0x20: {  	s30 =	sadd.s32 $0x12C00, s26;
	s22 =	sadd.s32 s18, s9;
	[dreg:$0x1a] =	wrdreg s29  }
.Ltmp0:
0x21: {  	[dreg:$0x1b] =	wrdreg s30;
	s9 =	simm.s32 $0x1400;
	(pc) =	sbr.rel .LBB2_1-.Ltmp0, $4  }
0x22: {  	s13 =	simm.s32 $0x6580;
	s14 =	simm.s32 $0x3C00;
	s15 =	simm.s32 $0x6600  }
0x23: {  	s16 =	simm.s32 $0x5000;
	s17 =	simm.s32 $0x2;
	s18 =	simm.s32 $0x7  }
0x24: {  	s19 =	simm.s32 $0x4;
	s20 =	simm.s32 $0x9;
	s21 =	simm.s32 $0x5  }
0x25: {  	v0 =	vimm.f32 $0.0e+00;
	s23 =	simm.s32 $0xA;
	s25 =	simm.s32 $0xD;
	s24 =	simm.s32 $0x0  }
.LBB2_6:
0x26: {  	_ =	swait.ge [sflag:s21], $0x28  }
0x27: {  	[sflag:s21] =	ssyncset.done $0x0  }
0x28: {  	[sflag:s21] =	ssyncadd.s32 $0xFFFFFFD8  }
0x29: {  	_ =	swait.ge [sflag:s23], $0x1400  }
0x2a: {  	[sflag:s23] =	ssyncset.done $0x0  }
0x2b: {  	[sflag:s23] =	ssyncadd.s32 $0xFFFFEC00  }
0x2c: {  	[spmem:s2] =	stream.indirect.scatter.add.f32 [tilespmem:s16], [sflag:$0xF], $0x80, s15, s7, $0xb8;
	[tilespmem:$0x1F500] =	vst v63  }
0x2d: {  	_ =	swait.ge [sflag:s0], $0x1400  }
0x2e: {  	[sflag:s0] =	ssyncset.done $0x0  }
0x2f: {  	s10 =	simm.s32 $0xC;
	[sflag:s0] =	ssyncadd.s32 $0xFFFFEC00  }
0x30: {  	_ =	swait.ge [sflag:s10], $0x1400  }
0x31: {  	[sflag:s10] =	ssyncset.done $0x0  }
0x32: {  	[sflag:s10] =	ssyncadd.s32 $0xFFFFEC00  }
0x33: {  	_ =	swait.ge [sflag:s25], $0x1400  }
0x34: {  	[sflag:s25] =	ssyncset.done $0x0  }
0x35: {  	[sflag:s25] =	ssyncadd.s32 $0xFFFFEC00  }
0x36: {  	_ =	swait.ge [sflag:s31], $0x1400  }
0x37: {  	[sflag:s31] =	ssyncset.done $0x0  }
0x38: {  	s24 =	simm.s32 $0xF;
	[sflag:s31] =	ssyncadd.s32 $0xFFFFEC00  }
0x39: {  	_ =	swait.ge [sflag:s24], $0x1400  }
0x3a: {  	[sflag:s24] =	ssyncset.done $0x0  }
0x3b: {  	[sflag:s24] =	ssyncadd.s32 $0xFFFFEC00  }
0x3c: {  	s26 =	stileid.u32;
	[bflag:$0x0] =	sbarrier.arrive $0xFFFF  }
0x3d: {  	s28 =	simm.s32 $0x10;
	s10 =	sshll.u32 s26, $0x6;
	s26 =	rddreg [dreg:$0xa]  }
0x3e: {  	s10 =	sor.u32 $0x1C10, s10;
	s24 =	rddreg [dreg:$0x16];
	s11 =	sshrl.u32 s26, $0x3  }
0x3f: {  	[hbm:s24], [sflag:s10] =	dma.local [spmem:s11], $0x2800  }
0x40: {  	_ =	swait.ge [sflag:s28], $0x2800  }
0x41: {  	s29 =	rddreg [dreg:$0x1c]  }
0x42: {  	s30 =	rddreg [dreg:$0xb];
	s24 =	sadd.s32 $0x1, s29  }
0x43: {  	p0 =	sne.s32 s24, s30  }
.Ltmp1:
0x44: {  	_ = 	snop;
	(pc) =	sbr.rel @!p0 .LBB2_7-.Ltmp1, $3  }
0x45: {  	_ =	sdelay $0x1  }
0x46: {  	[sflag:s28] =	ssyncset.done $0x0  }
0x47: {  	s11 =	simm.s32 $0x6680;
	[sflag:s28] =	ssyncadd.s32 $0xFFFFD800  }
.LBB2_1:
0x48: {  	[dreg:$0x1c] =	wrdreg s24  }
0x49: {  	s10 =	rddreg [dreg:$0x4];
	s24 =	simm.s32 $0x70;
	s30 =	simm.s32 $0x3C0  }
0x4a: {  	[tilespmem:s11], [sflag:$0x6] =	stream.linear.gather [hbm4b:s10+s3], $0x4E20, $0x38;
	[tilespmem:$0x1F500] =	vst v63  }
.LBB2_2:
0x4b: {  	p0 =	sne.s32 s30, $0x4FC0;
	[tilespmem:s24+$0x0] =	vst v0  }
0x4c: {  	[tilespmem:s24+$0xFFFFFF90] =	vst v0  }
0x4d: {  	[tilespmem:s24+$0xFFFFFFA0] =	vst v0  }
.Ltmp2:
0x4e: {  	[tilespmem:s24+$0xFFFFFFB0] =	vst v0;
	(pc) =	sbr.rel @p0 .LBB2_2-.Ltmp2, $4  }
0x4f: {  	[tilespmem:s24+$0xFFFFFFC0] =	vst v0  }
0x50: {  	[tilespmem:s24+$0xFFFFFFD0] =	vst v0  }
0x51: {  	[tilespmem:s24+$0xFFFFFFE0] =	vst v0  }
0x52: {  	[tilespmem:s24+$0xFFFFFFF0] =	vst v0;
	s24 =	sshra.s32 s30, $0x2;
	s30 =	sadd.s32 $0x200, s30  }
0x53: {  	[tilespmem:s24+$0x0] =	vst v0  }
0x54: {  	[tilespmem:s24+$0xFFFFFF90] =	vst v0  }
0x55: {  	[tilespmem:s24+$0xFFFFFFA0] =	vst v0  }
0x56: {  	[tilespmem:s24+$0xFFFFFFB0] =	vst v0  }
0x57: {  	[tilespmem:s24+$0xFFFFFFC0] =	vst v0  }
0x58: {  	[tilespmem:s24+$0xFFFFFFD0] =	vst v0  }
0x59: {  	[tilespmem:s24+$0xFFFFFFE0] =	vst v0  }
0x5a: {  	[tilespmem:s24+$0xFFFFFFF0] =	vst v0;
	s30 =	simm.s32 $0x0  }
0x5b: {  	[spmem:s26] =	stream.linear.scatter [tilespmem:s30], [sflag:$0xB], $0x1400, $0x38;
	[tilespmem:$0x1F500] =	vst v63  }
0x5c: {  	s10 =	rddreg [dreg:$0xc]  }
0x5d: {  	[spmem:s10] =	stream.linear.scatter [tilespmem:s30], [sflag:$0xB], $0x1400, $0x38;
	[tilespmem:$0x1F500] =	vst v63  }
0x5e: {  	s26 =	rddreg [dreg:$0xd]  }
0x5f: {  	[spmem:s26] =	stream.linear.scatter [tilespmem:s30], [sflag:$0xB], $0x1400, $0x38;
	[tilespmem:$0x1F500] =	vst v63  }
0x60: {  	s28 =	rddreg [dreg:$0xe]  }
0x61: {  	[spmem:s28] =	stream.linear.scatter [tilespmem:s30], [sflag:$0xB], $0x1400, $0x38;
	[tilespmem:$0x1F500] =	vst v63  }
0x62: {  	s29 =	rddreg [dreg:$0xf]  }
0x63: {  	[spmem:s29] =	stream.linear.scatter [tilespmem:s30], [sflag:$0xB], $0x1400, $0x38;
	[tilespmem:$0x1F500] =	vst v63  }
0x64: {  	s24 =	rddreg [dreg:$0x10]  }
0x65: {  	[spmem:s24] =	stream.linear.scatter [tilespmem:s30], [sflag:$0xB], $0x1400, $0x38;
	[tilespmem:$0x1F500] =	vst v63  }
0x66: {  	s26 =	rddreg [dreg:$0x11]  }
0x67: {  	[spmem:s26] =	stream.linear.scatter [tilespmem:s30], [sflag:$0xB], $0x1400, $0x38;
	[tilespmem:$0x1F500] =	vst v63  }
0x68: {  	s28 =	rddreg [dreg:$0x12]  }
0x69: {  	[spmem:s28] =	stream.linear.scatter [tilespmem:s30], [sflag:$0xB], $0x1400, $0x38;
	[tilespmem:$0x1F500] =	vst v63  }
0x6a: {  	s29 =	rddreg [dreg:$0x13]  }
0x6b: {  	[spmem:s29] =	stream.linear.scatter [tilespmem:s30], [sflag:$0xB], $0x1400, $0x38;
	[tilespmem:$0x1F500] =	vst v63  }
0x6c: {  	s24 =	rddreg [dreg:$0x14]  }
0x6d: {  	[spmem:s24] =	stream.linear.scatter [tilespmem:s30], [sflag:$0xB], $0x1400, $0x38;
	[tilespmem:$0x1F500] =	vst v63  }
0x6e: {  	s26 =	rddreg [dreg:$0x15]  }
0x6f: {  	[spmem:s26] =	stream.linear.scatter [tilespmem:s30], [sflag:$0xB], $0x1400, $0x38;
	[tilespmem:$0x1F500] =	vst v63  }
0x70: {  	s28 =	rddreg [dreg:$0x17]  }
0x71: {  	[spmem:s28] =	stream.linear.scatter [tilespmem:s30], [sflag:$0xB], $0x1400, $0x38;
	[tilespmem:$0x1F500] =	vst v63  }
0x72: {  	s29 =	rddreg [dreg:$0x18]  }
0x73: {  	[spmem:s29] =	stream.linear.scatter [tilespmem:s30], [sflag:$0xB], $0x1400, $0x38;
	[tilespmem:$0x1F500] =	vst v63  }
0x74: {  	s24 =	rddreg [dreg:$0x19]  }
0x75: {  	[spmem:s24] =	stream.linear.scatter [tilespmem:s30], [sflag:$0xB], $0x1400, $0x38;
	[tilespmem:$0x1F500] =	vst v63  }
0x76: {  	s26 =	rddreg [dreg:$0x1a]  }
0x77: {  	[spmem:s26] =	stream.linear.scatter [tilespmem:s30], [sflag:$0xB], $0x1400, $0x38;
	[tilespmem:$0x1F500] =	vst v63  }
0x78: {  	s28 =	rddreg [dreg:$0x1b]  }
0x79: {  	[spmem:s28] =	stream.linear.scatter [tilespmem:s30], [sflag:$0xB], $0x1400, $0x38;
	[tilespmem:$0x1F500] =	vst v63  }
0x7a: {  	_ =	swait.ge [sflag:s0], $0x1400  }
0x7b: {  	[sflag:s0] =	ssyncset.done $0x0  }
0x7c: {  	[sflag:s0] =	ssyncadd.s32 $0xFFFFEC00  }
0x7d: {  	_ =	swait.ge [sflag:s0], $0x1400  }
0x7e: {  	[sflag:s0] =	ssyncset.done $0x0  }
0x7f: {  	[sflag:s0] =	ssyncadd.s32 $0xFFFFEC00  }
0x80: {  	_ =	swait.ge [sflag:s0], $0x1400  }
0x81: {  	[sflag:s0] =	ssyncset.done $0x0  }
0x82: {  	[sflag:s0] =	ssyncadd.s32 $0xFFFFEC00  }
0x83: {  	_ =	swait.ge [sflag:s0], $0x1400  }
0x84: {  	[sflag:s0] =	ssyncset.done $0x0  }
0x85: {  	[sflag:s0] =	ssyncadd.s32 $0xFFFFEC00  }
0x86: {  	_ =	swait.ge [sflag:s0], $0x1400  }
0x87: {  	[sflag:s0] =	ssyncset.done $0x0  }
0x88: {  	[sflag:s0] =	ssyncadd.s32 $0xFFFFEC00  }
0x89: {  	_ =	swait.ge [sflag:s0], $0x1400  }
0x8a: {  	[sflag:s0] =	ssyncset.done $0x0  }
0x8b: {  	[sflag:s0] =	ssyncadd.s32 $0xFFFFEC00  }
0x8c: {  	_ =	swait.ge [sflag:s0], $0x1400  }
0x8d: {  	[sflag:s0] =	ssyncset.done $0x0  }
0x8e: {  	[sflag:s0] =	ssyncadd.s32 $0xFFFFEC00  }
0x8f: {  	_ =	swait.ge [sflag:s0], $0x1400  }
0x90: {  	[sflag:s0] =	ssyncset.done $0x0  }
0x91: {  	[sflag:s0] =	ssyncadd.s32 $0xFFFFEC00  }
0x92: {  	_ =	swait.ge [sflag:s0], $0x1400  }
0x93: {  	[sflag:s0] =	ssyncset.done $0x0  }
0x94: {  	[sflag:s0] =	ssyncadd.s32 $0xFFFFEC00  }
0x95: {  	_ =	swait.ge [sflag:s0], $0x1400  }
0x96: {  	[sflag:s0] =	ssyncset.done $0x0  }
0x97: {  	[sflag:s0] =	ssyncadd.s32 $0xFFFFEC00  }
0x98: {  	_ =	swait.ge [sflag:s0], $0x1400  }
0x99: {  	[sflag:s0] =	ssyncset.done $0x0  }
0x9a: {  	[sflag:s0] =	ssyncadd.s32 $0xFFFFEC00  }
0x9b: {  	_ =	swait.ge [sflag:s0], $0x1400  }
0x9c: {  	[sflag:s0] =	ssyncset.done $0x0  }
0x9d: {  	[sflag:s0] =	ssyncadd.s32 $0xFFFFEC00  }
0x9e: {  	_ =	swait.ge [sflag:s0], $0x1400  }
0x9f: {  	[sflag:s0] =	ssyncset.done $0x0  }
0xa0: {  	[sflag:s0] =	ssyncadd.s32 $0xFFFFEC00  }
0xa1: {  	_ =	swait.ge [sflag:s0], $0x1400  }
0xa2: {  	[sflag:s0] =	ssyncset.done $0x0  }
0xa3: {  	[sflag:s0] =	ssyncadd.s32 $0xFFFFEC00  }
0xa4: {  	_ =	swait.ge [sflag:s0], $0x1400  }
0xa5: {  	[sflag:s0] =	ssyncset.done $0x0  }
0xa6: {  	[sflag:s0] =	ssyncadd.s32 $0xFFFFEC00  }
0xa7: {  	_ =	swait.ge [sflag:s0], $0x1400  }
0xa8: {  	[sflag:s0] =	ssyncset.done $0x0  }
0xa9: {  	[sflag:s0] =	ssyncadd.s32 $0xFFFFEC00  }
0xaa: {  	_ =	swait.ge [sflag:s1], $0x4E20  }
0xab: {  	[sflag:s1] =	ssyncset.done $0x0  }
0xac: {  	[sflag:s1] =	ssyncadd.s32 $0xFFFFB1E0  }
0xad: {  	[bflag:$0x0] =	sbarrier.arrive $0xFFFF  }
0xae: {  	s29 =	rddreg [dreg:$0x5]  }
0xaf: {  	[tilespmem:s4], [sflag:$0x1] =	stream.linear.gather [hbm4b:s29+s30], $0x28, $0x38;
	[tilespmem:$0x1F500] =	vst v63  }
0xb0: {  	_ = 	snop  }
0xb1: {  	[tilespmem:s30], [sflag:$0x6] =	stream.indirect.gather [hbm4b:s6+s7], $0x80, s11, s7, $0xb8;
	[tilespmem:$0x1F500] =	vst v63  }
0xb2: {  	s24 =	rddreg [dreg:$0x6]  }
0xb3: {  	[tilespmem:s8], [sflag:$0x2] =	stream.linear.gather [hbm4b:s24+s30], $0x28, $0x38;
	[tilespmem:$0x1F500] =	vst v63  }
0xb4: {  	s26 =	simm.s32 $0x66A8  }
0xb5: {  	[tilespmem:s9], [sflag:$0x7] =	stream.indirect.gather [hbm4b:s6+s7], $0x80, s26, s7, $0xb8;
	[tilespmem:$0x1F500] =	vst v63  }
0xb6: {  	s28 =	rddreg [dreg:$0x7];
	s29 =	simm.s32 $0x6500  }
0xb7: {  	[tilespmem:s29], [sflag:$0x3] =	stream.linear.gather [hbm4b:s28+s30], $0x28, $0x38;
	[tilespmem:$0x1F500] =	vst v63  }
0xb8: {  	s11 =	simm.s32 $0x66D0  }
0xb9: {  	[tilespmem:s12], [sflag:$0x8] =	stream.indirect.gather [hbm4b:s6+s7], $0x80, s11, s7, $0xb8;
	[tilespmem:$0x1F500] =	vst v63  }
0xba: {  	s24 =	rddreg [dreg:$0x8]  }
0xbb: {  	[tilespmem:s13], [sflag:$0x4] =	stream.linear.gather [hbm4b:s24+s30], $0x28, $0x38;
	[tilespmem:$0x1F500] =	vst v63  }
0xbc: {  	s26 =	simm.s32 $0x66F8  }
0xbd: {  	[tilespmem:s14], [sflag:$0x9] =	stream.indirect.gather [hbm4b:s6+s7], $0x80, s26, s7, $0xb8;
	[tilespmem:$0x1F500] =	vst v63  }
0xbe: {  	s28 =	rddreg [dreg:$0x9]  }
0xbf: {  	[tilespmem:s15], [sflag:$0x5] =	stream.linear.gather [hbm4b:s28+s30], $0x28, $0x38;
	[tilespmem:$0x1F500] =	vst v63  }
0xc0: {  	s29 =	simm.s32 $0x6720;
	s24 =	simm.s32 $0x67C0  }
0xc1: {  	[tilespmem:s16], [sflag:$0xA] =	stream.indirect.gather [hbm4b:s6+s7], $0x80, s29, s7, $0xb8;
	[tilespmem:$0x1F500] =	vst v63  }
.LBB2_4:
0xc2: {  	_ =	swait.ge [sflag:s5], $0x28  }
0xc3: {  	[sflag:s5] =	ssyncset.done $0x0  }
0xc4: {  	[sflag:s5] =	ssyncadd.s32 $0xFFFFFFD8  }
0xc5: {  	_ =	swait.ge [sflag:s1], $0x1400  }
0xc6: {  	p0 =	seq.s32 s30, $0x0;
	[sflag:s1] =	ssyncset.done $0x0  }
0xc7: {  	s26 =	simm.s32 @!p0 $0xF;
	[sflag:s1] =	ssyncadd.s32 $0xFFFFEC00  }
0xc8: {  	[spmem:s2] =	stream.indirect.scatter.add.f32 [tilespmem:s3], [sflag:$0xB], $0x80, s4, s7, $0xb8;
	[tilespmem:$0x1F500] =	vst v63  }
0xc9: {  	_ =	swait.ge @!p0 [sflag:s26], $0x1400  }
0xca: {  	[sflag:s26] =	ssyncset.done @!p0 $0x0  }
0xcb: {  	[sflag:s26] =	ssyncadd.s32 @!p0 $0xFFFFEC00;
	s26 =	sadd.s32 @!p0 s30, s22  }
0xcc: {  	s28 =	simm.s32 @!p0 $0x0;
	s11 =	simm.s32 @!p0 $0x6600;
	s26 =	sadd.s32 @!p0 $0x14, s26  }
0xcd: {  	[tilespmem:s11], [sflag:$0x5] =	stream.linear.gather @!p0 [hbm4b:s26+s28], $0x28, $0x38;
	[tilespmem:$0x1F500] =	vst v63  }
0xce: {  	s11 =	sadd.s32 @!p0 $0xFFFFFF60, s24;
	s26 =	simm.s32 @!p0 $0x28;
	s28 =	simm.s32 @!p0 $0x5000  }
0xcf: {  	[tilespmem:s28], [sflag:$0xA] =	stream.indirect.gather @!p0 [hbm4b:s6+s26], $0x80, s11, s26, $0xb8;
	[tilespmem:$0x1F500] =	vst v63  }
0xd0: {  	_ =	swait.ge [sflag:s17], $0x28  }
0xd1: {  	[sflag:s17] =	ssyncset.done $0x0  }
0xd2: {  	[sflag:s17] =	ssyncadd.s32 $0xFFFFFFD8  }
0xd3: {  	_ =	swait.ge [sflag:s18], $0x1400  }
0xd4: {  	p0 =	seq.s32 s30, $0x9AB;
	[sflag:s18] =	ssyncset.done $0x0  }
0xd5: {  	s11 =	simm.s32 @p0 $0x3;
	[sflag:s18] =	ssyncadd.s32 $0xFFFFEC00  }
0xd6: {  	[spmem:s2] =	stream.indirect.scatter.add.f32 [tilespmem:s9], [sflag:$0xC], $0x80, s8, s7, $0xb8;
	[tilespmem:$0x1F500] =	vst v63  }
0xd7: {  	_ =	swait.ge @p0 [sflag:s11], $0x28  }
0xd8: {  	[sflag:s11] =	ssyncset.done @p0 $0x0  }
0xd9: {  	[sflag:s11] =	ssyncadd.s32 @p0 $0xFFFFFFD8;
	s11 =	simm.s32 @p0 $0x8  }
0xda: {  	_ =	swait.ge @p0 [sflag:s11], $0x1400  }
0xdb: {  	s26 =	simm.s32 @p0 $0x6500;
	[sflag:s11] =	ssyncset.done @p0 $0x0  }
0xdc: {  	s28 =	simm.s32 @p0 $0x2800;
	[sflag:s11] =	ssyncadd.s32 @p0 $0xFFFFEC00;
	s11 =	simm.s32 @p0 $0x28  }
0xdd: {  	[spmem:s2] =	stream.indirect.scatter.add.f32 @p0 [tilespmem:s28], [sflag:$0xD], $0x80, s26, s11, $0xb8;
	[tilespmem:$0x1F500] =	vst v63  }
0xde: {  	s11 =	simm.s32 @!p0 $0xB  }
0xdf: {  	_ =	swait.ge @!p0 [sflag:s11], $0x1400  }
0xe0: {  	[sflag:s11] =	ssyncset.done @!p0 $0x0  }
0xe1: {  	[sflag:s11] =	ssyncadd.s32 @!p0 $0xFFFFEC00;
	s11 =	sadd.s32 @!p0 s30, s22  }
0xe2: {  	s29 =	simm.s32 @!p0 $0x6400;
	s28 =	simm.s32 @!p0 $0x0;
	s26 =	sadd.s32 @!p0 $0x19, s11  }
0xe3: {  	[tilespmem:s29], [sflag:$0x1] =	stream.linear.gather @!p0 [hbm4b:s26+s28], $0x28, $0x38;
	[tilespmem:$0x1F500] =	vst v63  }
0xe4: {  	s26 =	sadd.s32 @!p0 $0xFFFFFF88, s24;
	s29 =	simm.s32 @!p0 $0x28  }
0xe5: {  	[tilespmem:s28], [sflag:$0x6] =	stream.indirect.gather @!p0 [hbm4b:s6+s29], $0x80, s26, s29, $0xb8;
	[tilespmem:$0x1F500] =	vst v63  }
0xe6: {  	s26 =	simm.s32 @!p0 $0x3  }
0xe7: {  	_ =	swait.ge @!p0 [sflag:s26], $0x28  }
0xe8: {  	[sflag:s26] =	ssyncset.done @!p0 $0x0  }
0xe9: {  	[sflag:s26] =	ssyncadd.s32 @!p0 $0xFFFFFFD8;
	s26 =	simm.s32 @!p0 $0x8  }
0xea: {  	_ =	swait.ge @!p0 [sflag:s26], $0x1400  }
0xeb: {  	[sflag:s26] =	ssyncset.done @!p0 $0x0  }
0xec: {  	s10 =	simm.s32 @!p0 $0x2800;
	[sflag:s26] =	ssyncadd.s32 @!p0 $0xFFFFEC00;
	s26 =	simm.s32 @!p0 $0x6500  }
0xed: {  	[spmem:s2] =	stream.indirect.scatter.add.f32 @!p0 [tilespmem:s10], [sflag:$0xD], $0x80, s26, s29, $0xb8;
	[tilespmem:$0x1F500] =	vst v63  }
0xee: {  	s10 =	simm.s32 @!p0 $0xC  }
0xef: {  	_ =	swait.ge @!p0 [sflag:s10], $0x1400  }
0xf0: {  	[sflag:s10] =	ssyncset.done @!p0 $0x0  }
0xf1: {  	[sflag:s10] =	ssyncadd.s32 @!p0 $0xFFFFEC00;
	s10 =	sadd.s32 @!p0 $0x1E, s11;
	s11 =	simm.s32 @!p0 $0x6480  }
0xf2: {  	[tilespmem:s11], [sflag:$0x2] =	stream.linear.gather @!p0 [hbm4b:s10+s28], $0x28, $0x38;
	[tilespmem:$0x1F500] =	vst v63  }
0xf3: {  	s10 =	sadd.s32 @!p0 $0xFFFFFFB0, s24;
	s11 =	simm.s32 @!p0 $0x1400  }
0xf4: {  	[tilespmem:s11], [sflag:$0x7] =	stream.indirect.gather @!p0 [hbm4b:s6+s29], $0x80, s10, s29, $0xb8;
	[tilespmem:$0x1F500] =	vst v63  }
0xf5: {  	_ =	swait.ge [sflag:s19], $0x28  }
0xf6: {  	[sflag:s19] =	ssyncset.done $0x0  }
.Ltmp3:
0xf7: {  	[sflag:s19] =	ssyncadd.s32 $0xFFFFFFD8;
	(pc) =	sbr.rel @p0 .LBB2_6-.Ltmp3, $4  }
0xf8: {  	_ =	swait.ge [sflag:s20], $0x1400  }
0xf9: {  	[sflag:s20] =	ssyncset.done $0x0  }
0xfa: {  	[sflag:s20] =	ssyncadd.s32 $0xFFFFEC00  }
0xfb: {  	[spmem:s2] =	stream.indirect.scatter.add.f32 [tilespmem:s14], [sflag:$0xE], $0x80, s13, s7, $0xb8;
	[tilespmem:$0x1F500] =	vst v63  }
0xfc: {  	_ =	swait.ge [sflag:s25], $0x1400  }
0xfd: {  	s10 =	sadd.s32 s30, s22;
	[sflag:s25] =	ssyncset.done $0x0  }
0xfe: {  	s26 =	simm.s32 $0x6500;
	s11 =	sadd.s32 $0x23, s10;
	[sflag:s25] =	ssyncadd.s32 $0xFFFFEC00  }
0xff: {  	[tilespmem:s26], [sflag:$0x3] =	stream.linear.gather [hbm4b:s11+s3], $0x28, $0x38;
	[tilespmem:$0x1F500] =	vst v63  }
0x100: {  	s29 =	sadd.s32 $0xFFFFFFD8, s24  }
0x101: {  	[tilespmem:s12], [sflag:$0x8] =	stream.indirect.gather [hbm4b:s6+s7], $0x80, s29, s7, $0xb8;
	[tilespmem:$0x1F500] =	vst v63  }
0x102: {  	_ =	swait.ge [sflag:s21], $0x28  }
0x103: {  	[sflag:s21] =	ssyncset.done $0x0  }
0x104: {  	[sflag:s21] =	ssyncadd.s32 $0xFFFFFFD8  }
0x105: {  	_ =	swait.ge [sflag:s23], $0x1400  }
0x106: {  	[sflag:s23] =	ssyncset.done $0x0  }
0x107: {  	[sflag:s23] =	ssyncadd.s32 $0xFFFFEC00  }
0x108: {  	[spmem:s2] =	stream.indirect.scatter.add.f32 [tilespmem:s16], [sflag:$0xF], $0x80, s15, s7, $0xb8;
	[tilespmem:$0x1F500] =	vst v63  }
0x109: {  	_ =	swait.ge [sflag:s31], $0x1400  }
0x10a: {  	[sflag:s31] =	ssyncset.done $0x0  }
.Ltmp4:
0x10b: {  	s10 =	sadd.s32 $0x28, s10;
	[sflag:s31] =	ssyncadd.s32 $0xFFFFEC00;
	(pc) =	sbr.rel .LBB2_4-.Ltmp4, $4  }
0x10c: {  	[tilespmem:s13], [sflag:$0x4] =	stream.linear.gather [hbm4b:s10+s3], $0x28, $0x38;
	[tilespmem:$0x1F500] =	vst v63  }
0x10d: {  	_ = 	snop  }
0x10e: {  	[tilespmem:s14], [sflag:$0x9] =	stream.indirect.gather [hbm4b:s6+s7], $0x80, s24, s7, $0xb8;
	[tilespmem:$0x1F500] =	vst v63  }
0x10f: {  	s30 =	sadd.s32 $0x19, s30;
	s24 =	sadd.s32 $0xC8, s24  }
.LBB2_7:
0x110: {  	_ =	sfence.sel $0x180000  }
0x111: {  	[bflag:$0x0] =	sbarrier.arrive $0xFFFF  }
0x112: {  	_ =	strace $0x90000050  }
0x113: {  	s0 =	stileid.u32;
	[bflag:$0x2] =	sbarrier.arrive $0xFFFF  }
0x114: {  	p0 =	sne.s32 s0, $0x0;
	s0 =	rddreg [dreg:$0x3]  }
0x115: {  	s0 =	sadd.s32 @!p0 $0x100000, s0  }
0x116: {  	[sflag:s0] =	ssyncadd.tile.s32 @!p0 $0x1;
	_ =	shalt  }
.Lfunc_end2:
_tile_overlayer_lowered:
.L_overlay_start_2:
0x117: {  	(tag) =	ssettag $0x2  }
0x118: {  	s0 =	rddreg [dreg:$0x0];
	s2 =	stileid.u32  }
0x119: {  	s1 =	rddreg [dreg:$0x1];
	p0 =	sne.s32 s2, $0x0  }
0x11a: {  	s3 =	rddreg [dreg:$0x2];
	[bflag:$0x3] =	sbarrier.arrive $0xFFFF;
	s2 =	simm.s32 @!p0 $0x1C10  }
0x11b: {  	[timem:s3], [sflag:s2] =	dma.local @!p0 [hbm:s0], s1  }
0x11c: {  	s0 =	simm.s32 @!p0 $0x10  }
0x11d: {  	_ =	swait.ge @!p0 [sflag:s0], s1  }
0x11e: {  	s1 =	ssub.s32 @!p0 $0x0, s1;
	[sflag:s0] =	ssyncset.done @!p0 $0x0  }
0x11f: {  	[sflag:s0] =	ssyncadd.s32 @!p0 s1  }
0x120: {  	[bflag:$0x3] =	sbarrier.arrive $0xFFFF  }
0x121: {  	_ =	shalt  }

</sc_bundles>
